<compile_context>
chip_gen: v7x
topology: tpu7x:2x2x1
jax: 0.10.2.dev20260603
libtpu: 0.0.44.dev20260713+nightly
codegen_flags: <defaults>
</compile_context>

<pallas_src>
import functools

import jax
import jax.numpy as jnp
from jax import lax
from jax.experimental import pallas as pl
from jax.experimental.pallas import tpu as pltpu
from jax.experimental.pallas import tpu_sc as plsc

TC_FRAC_NUM, TC_FRAC_DEN = 1, 2


@functools.cache
def _build_sc(B, P, F, D, S):
    info = plsc.get_sparse_core_info()
    NC, NS, L = info.num_cores, info.num_subcores, info.num_lanes
    NW = NC * NS
    R = B * F - S
    mrows = (B * F) // NW
    grows = R // NW
    CHUNK = 64
    NBUF = 3
    nchunk = grows // CHUNK
    mesh = plsc.VectorSubcoreMesh(core_axis_name="c", subcore_axis_name="s")

    @functools.partial(
        pl.kernel,
        mesh=mesh,
        out_type=[
            jax.ShapeDtypeStruct((R, D), jnp.float32),
            jax.ShapeDtypeStruct((B * F,), jnp.int32),
        ],
        scratch_types=[
            pltpu.VMEM((mrows,), jnp.int32),
            pltpu.VMEM((mrows,), jnp.int32),
            pltpu.VMEM((max(grows, L),), jnp.int32),
            pltpu.VMEM((NBUF, CHUNK, D), jnp.float32),
            pltpu.SemaphoreType.DMA,
            pltpu.SemaphoreType.DMA,
        ],
    )
    def lr(x_hbm, vi_hbm, out_hbm, msk_hbm, mvi_v, msk_v, idx_v, rows_v,
           gsem, ssem):
        wid = lax.axis_index("s") * NC + lax.axis_index("c")
        gbase = S + wid * grows
        obase = wid * grows
        if grows:
            pltpu.sync_copy(vi_hbm.at[pl.ds(gbase, grows)], idx_v)

        def build(g):
            for j in range(CHUNK // L):
                i = g * (CHUNK // L) + j
                v = idx_v[pl.ds(i * L, L)]
                boff = ((gbase + i * L) // F) * P
                idx_v[pl.ds(i * L, L)] = v + boff

        gathers, scatters = [], []

        def start_gather(g):
            gathers.append(pltpu.async_copy(
                x_hbm.at[idx_v.at[pl.ds(g * CHUNK, CHUNK)]],
                rows_v.at[g % NBUF], gsem))

        def start_scatter(g):
            gathers[g].wait()
            scatters.append(pltpu.async_copy(
                rows_v.at[g % NBUF],
                out_hbm.at[pl.ds(obase + g * CHUNK, CHUNK)], ssem))

        for g in range(nchunk):
            build(g)
            if g >= NBUF:
                scatters[g - NBUF].wait()
            start_gather(g)
            if g >= 1:
                start_scatter(g - 1)

        mbase = wid * mrows
        pltpu.sync_copy(vi_hbm.at[pl.ds(mbase, mrows)], mvi_v)
        for i in range(mrows // L):
            v = mvi_v[pl.ds(i * L, L)]
            msk_v[pl.ds(i * L, L)] = jnp.where(
                v != P - 1,
                jnp.full((L,), 1, jnp.int32),
                jnp.full((L,), 0, jnp.int32),
            )
        msk_copy = pltpu.async_copy(msk_v, msk_hbm.at[pl.ds(mbase, mrows)],
                                    gsem)
        if nchunk:
            start_scatter(nchunk - 1)
        for g in range(max(0, nchunk - NBUF), nchunk):
            scatters[g].wait()
        msk_copy.wait()

    return lr


@functools.cache
def _build_tc(B, P, F, D, S):
    CF = 128
    bpf = F // CF
    nblk = S // CF

    def tc(vi_ref, x_any, out_ref, sem):
        i = pl.program_id(0)
        boff = (i // bpf) * P
        copies = []
        for r in range(CF):
            row = vi_ref[i * CF + r] + boff
            cp = pltpu.make_async_copy(
                x_any.at[pl.ds(row, 1), :],
                out_ref.at[pl.ds(r, 1), :], sem)
            cp.start()
            copies.append(cp)
        for cp in copies:
            cp.wait()

    grid_spec = pltpu.PrefetchScalarGridSpec(
        num_scalar_prefetch=1,
        grid=(nblk,),
        in_specs=[pl.BlockSpec(memory_space=pl.ANY)],
        out_specs=pl.BlockSpec((CF, D), lambda i, vi: (i, 0)),
        scratch_shapes=[pltpu.SemaphoreType.DMA],
    )
    return pl.pallas_call(
        tc,
        grid_spec=grid_spec,
        out_shape=jax.ShapeDtypeStruct((S, D), jnp.float32),
    )


def kernel(x, durations, val_ind):
    del durations
    B, P, D = x.shape
    F = val_ind.shape[1]
    S = (B * F * TC_FRAC_NUM // TC_FRAC_DEN) // 128 * 128
    x_flat = x.reshape(B * P, D)
    vi_flat = val_ind.reshape(B * F)
    sc_out, msk = _build_sc(B, P, F, D, S)(x_flat, vi_flat)
    tc_out = _build_tc(B, P, F, D, S)(vi_flat[:S], x_flat)
    out_flat = jnp.concatenate([tc_out, sc_out], axis=0)
    return out_flat.reshape(B, F, D), msk.astype(bool).reshape(B, F, 1)

# --- scband reference (transcript-rebuilt; emitter-appended) ---
"""Pipeline reference for scband-length-regulator-12086037971108 (READ-ONLY COPY).

The authoritative reference and input builder live on the scoring server;
editing this copy changes nothing except your own understanding.
"""

import jax, jax.numpy as jnp
import numpy as np


def setup_inputs(seed: int = 0) -> dict:
    key = jax.random.key(seed)
    k1, k2, k3 = jax.random.split(key, 3)
    B, P, F, D = 16, 512, 2048, 512
    x = jax.random.normal(k1, (B, P, D), dtype=jnp.float32)
    durations = jax.random.randint(k2, (B, P), 0, 5, dtype=jnp.int32)
    val_ind = jnp.sort(jax.random.randint(k3, (B, F), 0, P, dtype=jnp.int32), axis=-1)
    return {"x": x, "durations": durations, "val_ind": val_ind}


def reference(x, durations, val_ind):
    # LengthRegulator.forward with val_ind provided (skips the data-dependent
    # duration-clipping python loop, as in the original when val_ind is not None).
    B, P, D = x.shape
    # ind = val_ind + MAX_PHONES * arange(BATCH_SIZE).unsqueeze(1)
    ind = val_ind + (P * jnp.arange(B, dtype=val_ind.dtype))[:, None]
    val = x.reshape((-1, D))
    # torch.nn.functional.embedding(ind, val) == gather rows of val by ind
    out = jnp.take(val, ind, axis=0)
    tgt_mask = (val_ind != P - 1)[..., None]
    return out, tgt_mask

if __name__ == "__main__":
    import jax
    _d = setup_inputs()
    print(jax.jit(kernel)(*tuple(_d.values())))

</pallas_src>

<mosaic_0001>
#map = affine_map<(d0, d1) -> (0, 0)>
#map1 = affine_map<(d0, d1) -> (0)>
module attributes {stable_mosaic.version = 14 : i64} {
  func.func @lr(%arg0: i32, %arg1: i32, %arg2: memref<8192x512xf32, #tpu.memory_space<hbm>>, %arg3: memref<32768xi32, #tpu.memory_space<hbm>>, %arg4: memref<16384x512xf32, #tpu.memory_space<hbm>>, %arg5: memref<32768xi32, #tpu.memory_space<hbm>>, %arg6: memref<1024xi32, #tpu.memory_space<vmem>>, %arg7: memref<1024xi32, #tpu.memory_space<vmem>>, %arg8: memref<512xi32, #tpu.memory_space<vmem>>, %arg9: memref<3x64x512xf32, #tpu.memory_space<vmem>>, %arg10: memref<!tpu.dma_semaphore, #tpu.memory_space<semaphore_mem>>, %arg11: memref<!tpu.dma_semaphore, #tpu.memory_space<semaphore_mem>>) attributes {dimension_semantics = [#tpu.dimension_semantics<core_parallel>, #tpu.dimension_semantics<subcore_parallel>], iteration_bounds = array<i64: 2, 16>, scalar_prefetch = 0 : i64, scratch_operands = 6 : i64, tpu.core_type = #tpu.core_type<sc_vector_subcore>, window_params = [{transform_indices = #map}, {transform_indices = #map1}, {transform_indices = #map}, {transform_indices = #map1}]} {
    %mul3A = arith.constant 2 : i32
    %mul3A_0 = arith.muli %arg1, %mul3A : i32
    %add3A = arith.addi %mul3A_0, %arg0 : i32
    %mul3A_1 = arith.constant 512 : i32
    %mul3A_2 = arith.muli %add3A, %mul3A_1 : i32
    %add3A_3 = arith.constant 16384 : i32
    %add3A_4 = arith.addi %add3A_3, %mul3A_2 : i32
    %mul3A_5 = arith.constant 512 : i32
    %mul3A_6 = arith.muli %add3A, %mul3A_5 : i32
    "tpu.region"() ({
      %run_scoped3A = tpu.sem_alloc : memref<!tpu.dma_semaphore, #tpu.memory_space<semaphore_mem>>
      %dma_start3A_2528 = tpu.memref_slice %arg3[%add3A_4] : memref<32768xi32, #tpu.memory_space<hbm>> -> memref<512xi32, #tpu.memory_space<hbm>>
      %dma_start3A_2529 = tpu.memref_slice %arg3[%add3A_4] : memref<32768xi32, #tpu.memory_space<hbm>> -> memref<512xi32, #tpu.memory_space<hbm>>
      tpu.enqueue_dma source(%dma_start3A_2529 : memref<512xi32, #tpu.memory_space<hbm>>) target(%arg8 : memref<512xi32, #tpu.memory_space<vmem>>) target_semaphore(%run_scoped3A : memref<!tpu.dma_semaphore, #tpu.memory_space<semaphore_mem>>)
      %dma_wait3A_2530 = tpu.memref_slice %arg3[%add3A_4] : memref<32768xi32, #tpu.memory_space<hbm>> -> memref<512xi32, #tpu.memory_space<hbm>>
      %dma_wait3A_2531 = tpu.memref_slice %arg3[%add3A_4] : memref<32768xi32, #tpu.memory_space<hbm>> -> memref<512xi32, #tpu.memory_space<hbm>>
      tpu.wait_dma2 semaphore(%run_scoped3A : memref<!tpu.dma_semaphore, #tpu.memory_space<semaphore_mem>>) src(%dma_wait3A_2531 : memref<512xi32, #tpu.memory_space<hbm>>) dst(%arg8 : memref<512xi32, #tpu.memory_space<vmem>>)
      tpu.yield
    }) : () -> ()
    %get3A = arith.constant 0 : index
    %get3A_7 = tpu.vector_load %arg8[%get3A] {strides = array<i32>} : memref<512xi32, #tpu.memory_space<vmem>>, vector<16xi32>,
    %get3A_8 = vector.shape_cast %get3A_7 : vector<16xi32> to vector<16xi32>
    %add3A_9 = arith.constant 0 : i32
    %add3A_10 = arith.addi %add3A_4, %add3A_9 : i32
    %jit3A = arith.constant 2048 : i32
    %div3A = arith.divsi %add3A_10, %jit3A : i32
    %sign3A = arith.constant 0 : i32
    %sign3A_11 = arith.cmpi sgt, %add3A_10, %sign3A : i32
    %sign3A_12 = arith.extui %sign3A_11 : i1 to i32
    %sign3A_13 = arith.constant 0 : i32
    %sign3A_14 = arith.cmpi slt, %add3A_10, %sign3A_13 : i32
    %sign3A_15 = arith.extui %sign3A_14 : i1 to i32
    %sign3A_16 = arith.subi %sign3A_12, %sign3A_15 : i32
    %sign3A_17 = arith.constant 0 : i32
    %sign3A_18 = arith.cmpi sgt, %jit3A, %sign3A_17 : i32
    %sign3A_19 = arith.extui %sign3A_18 : i1 to i32
    %sign3A_20 = arith.constant 0 : i32
    %sign3A_21 = arith.cmpi slt, %jit3A, %sign3A_20 : i32
    %sign3A_22 = arith.extui %sign3A_21 : i1 to i32
    %sign3A_23 = arith.subi %sign3A_19, %sign3A_22 : i32
    %ne3A = arith.cmpi ne, %sign3A_16, %sign3A_23 : i32
    %rem3A = arith.remsi %add3A_10, %jit3A : i32
    %ne3A_24 = arith.constant 0 : i32
    %ne3A_25 = arith.cmpi ne, %rem3A, %ne3A_24 : i32
    %and3A = arith.andi %ne3A, %ne3A_25 : i1
    %sub3A = arith.constant 1 : i32
    %sub3A_26 = arith.subi %div3A, %sub3A : i32
    %select_n3A = arith.select %and3A, %sub3A_26, %div3A : i32
    %mul3A_27 = arith.constant 512 : i32
    %mul3A_28 = arith.muli %select_n3A, %mul3A_27 : i32
    %add3A_29 = vector.broadcast %mul3A_28 : i32 to vector<16xi32>
    %add3A_30 = arith.addi %get3A_8, %add3A_29 : vector<16xi32>
    %swap3A = arith.constant 0 : index
    %swap3A_31 = tpu.vector_load %arg8[%swap3A] {strides = array<i32>} : memref<512xi32, #tpu.memory_space<vmem>>, vector<16xi32>,
    %swap3A_32 = vector.shape_cast %swap3A_31 : vector<16xi32> to vector<16xi32>
    %swap3A_33 = vector.shape_cast %add3A_30 : vector<16xi32> to vector<16xi32>
    tpu.vector_store %arg8[%swap3A], %swap3A_33 {strides = array<i32>} : memref<512xi32, #tpu.memory_space<vmem>>, vector<16xi32>,
    %get3A_34 = arith.constant 16 : index
    %get3A_35 = tpu.vector_load %arg8[%get3A_34] {strides = array<i32>} : memref<512xi32, #tpu.memory_space<vmem>>, vector<16xi32>,
    %get3A_36 = vector.shape_cast %get3A_35 : vector<16xi32> to vector<16xi32>
    %add3A_37 = arith.constant 16 : i32
    %add3A_38 = arith.addi %add3A_4, %add3A_37 : i32
    %jit3A_39 = arith.constant 2048 : i32
    %div3A_40 = arith.divsi %add3A_38, %jit3A_39 : i32
    %sign3A_41 = arith.constant 0 : i32
    %sign3A_42 = arith.cmpi sgt, %add3A_38, %sign3A_41 : i32
    %sign3A_43 = arith.extui %sign3A_42 : i1 to i32
    %sign3A_44 = arith.constant 0 : i32
    %sign3A_45 = arith.cmpi slt, %add3A_38, %sign3A_44 : i32
    %sign3A_46 = arith.extui %sign3A_45 : i1 to i32
    %sign3A_47 = arith.subi %sign3A_43, %sign3A_46 : i32
    %sign3A_48 = arith.constant 0 : i32
    %sign3A_49 = arith.cmpi sgt, %jit3A_39, %sign3A_48 : i32
    %sign3A_50 = arith.extui %sign3A_49 : i1 to i32
    %sign3A_51 = arith.constant 0 : i32
    %sign3A_52 = arith.cmpi slt, %jit3A_39, %sign3A_51 : i32
    %sign3A_53 = arith.extui %sign3A_52 : i1 to i32
    %sign3A_54 = arith.subi %sign3A_50, %sign3A_53 : i32
    %ne3A_55 = arith.cmpi ne, %sign3A_47, %sign3A_54 : i32
    %rem3A_56 = arith.remsi %add3A_38, %jit3A_39 : i32
    %ne3A_57 = arith.constant 0 : i32
    %ne3A_58 = arith.cmpi ne, %rem3A_56, %ne3A_57 : i32
    %and3A_59 = arith.andi %ne3A_55, %ne3A_58 : i1
    %sub3A_60 = arith.constant 1 : i32
    %sub3A_61 = arith.subi %div3A_40, %sub3A_60 : i32
    %select_n3A_62 = arith.select %and3A_59, %sub3A_61, %div3A_40 : i32
    %mul3A_63 = arith.constant 512 : i32
    %mul3A_64 = arith.muli %select_n3A_62, %mul3A_63 : i32
    %add3A_65 = vector.broadcast %mul3A_64 : i32 to vector<16xi32>
    %add3A_66 = arith.addi %get3A_36, %add3A_65 : vector<16xi32>
    %swap3A_67 = arith.constant 16 : index
    %swap3A_68 = tpu.vector_load %arg8[%swap3A_67] {strides = array<i32>} : memref<512xi32, #tpu.memory_space<vmem>>, vector<16xi32>,
    %swap3A_69 = vector.shape_cast %swap3A_68 : vector<16xi32> to vector<16xi32>
    %swap3A_70 = vector.shape_cast %add3A_66 : vector<16xi32> to vector<16xi32>
    tpu.vector_store %arg8[%swap3A_67], %swap3A_70 {strides = array<i32>} : memref<512xi32, #tpu.memory_space<vmem>>, vector<16xi32>,
    %get3A_71 = arith.constant 32 : index
    %get3A_72 = tpu.vector_load %arg8[%get3A_71] {strides = array<i32>} : memref<512xi32, #tpu.memory_space<vmem>>, vector<16xi32>,
    %get3A_73 = vector.shape_cast %get3A_72 : vector<16xi32> to vector<16xi32>
    %add3A_74 = arith.constant 32 : i32
    %add3A_75 = arith.addi %add3A_4, %add3A_74 : i32
    %jit3A_76 = arith.constant 2048 : i32
    %div3A_77 = arith.divsi %add3A_75, %jit3A_76 : i32
    %sign3A_78 = arith.constant 0 : i32
    %sign3A_79 = arith.cmpi sgt, %add3A_75, %sign3A_78 : i32
    %sign3A_80 = arith.extui %sign3A_79 : i1 to i32
    %sign3A_81 = arith.constant 0 : i32
    %sign3A_82 = arith.cmpi slt, %add3A_75, %sign3A_81 : i32
    %sign3A_83 = arith.extui %sign3A_82 : i1 to i32
    %sign3A_84 = arith.subi %sign3A_80, %sign3A_83 : i32
    %sign3A_85 = arith.constant 0 : i32
    %sign3A_86 = arith.cmpi sgt, %jit3A_76, %sign3A_85 : i32
    %sign3A_87 = arith.extui %sign3A_86 : i1 to i32
    %sign3A_88 = arith.constant 0 : i32
    %sign3A_89 = arith.cmpi slt, %jit3A_76, %sign3A_88 : i32
    %sign3A_90 = arith.extui %sign3A_89 : i1 to i32
    %sign3A_91 = arith.subi %sign3A_87, %sign3A_90 : i32
    %ne3A_92 = arith.cmpi ne, %sign3A_84, %sign3A_91 : i32
    %rem3A_93 = arith.remsi %add3A_75, %jit3A_76 : i32
    %ne3A_94 = arith.constant 0 : i32
    %ne3A_95 = arith.cmpi ne, %rem3A_93, %ne3A_94 : i32
    %and3A_96 = arith.andi %ne3A_92, %ne3A_95 : i1
    %sub3A_97 = arith.constant 1 : i32
    %sub3A_98 = arith.subi %div3A_77, %sub3A_97 : i32
    %select_n3A_99 = arith.select %and3A_96, %sub3A_98, %div3A_77 : i32
    %mul3A_100 = arith.constant 512 : i32
    %mul3A_101 = arith.muli %select_n3A_99, %mul3A_100 : i32
    %add3A_102 = vector.broadcast %mul3A_101 : i32 to vector<16xi32>
    %add3A_103 = arith.addi %get3A_73, %add3A_102 : vector<16xi32>
    %swap3A_104 = arith.constant 32 : index
    %swap3A_105 = tpu.vector_load %arg8[%swap3A_104] {strides = array<i32>} : memref<512xi32, #tpu.memory_space<vmem>>, vector<16xi32>,
    %swap3A_106 = vector.shape_cast %swap3A_105 : vector<16xi32> to vector<16xi32>
    %swap3A_107 = vector.shape_cast %add3A_103 : vector<16xi32> to vector<16xi32>
    tpu.vector_store %arg8[%swap3A_104], %swap3A_107 {strides = array<i32>} : memref<512xi32, #tpu.memory_space<vmem>>, vector<16xi32>,
    %get3A_108 = arith.constant 48 : index
    %get3A_109 = tpu.vector_load %arg8[%get3A_108] {strides = array<i32>} : memref<512xi32, #tpu.memory_space<vmem>>, vector<16xi32>,
    %get3A_110 = vector.shape_cast %get3A_109 : vector<16xi32> to vector<16xi32>
    %add3A_111 = arith.constant 48 : i32
    %add3A_112 = arith.addi %add3A_4, %add3A_111 : i32
    %jit3A_113 = arith.constant 2048 : i32
    %div3A_114 = arith.divsi %add3A_112, %jit3A_113 : i32
    %sign3A_115 = arith.constant 0 : i32
    %sign3A_116 = arith.cmpi sgt, %add3A_112, %sign3A_115 : i32
    %sign3A_117 = arith.extui %sign3A_116 : i1 to i32
    %sign3A_118 = arith.constant 0 : i32
    %sign3A_119 = arith.cmpi slt, %add3A_112, %sign3A_118 : i32
    %sign3A_120 = arith.extui %sign3A_119 : i1 to i32
    %sign3A_121 = arith.subi %sign3A_117, %sign3A_120 : i32
    %sign3A_122 = arith.constant 0 : i32
    %sign3A_123 = arith.cmpi sgt, %jit3A_113, %sign3A_122 : i32
    %sign3A_124 = arith.extui %sign3A_123 : i1 to i32
    %sign3A_125 = arith.constant 0 : i32
    %sign3A_126 = arith.cmpi slt, %jit3A_113, %sign3A_125 : i32
    %sign3A_127 = arith.extui %sign3A_126 : i1 to i32
    %sign3A_128 = arith.subi %sign3A_124, %sign3A_127 : i32
    %ne3A_129 = arith.cmpi ne, %sign3A_121, %sign3A_128 : i32
    %rem3A_130 = arith.remsi %add3A_112, %jit3A_113 : i32
    %ne3A_131 = arith.constant 0 : i32
    %ne3A_132 = arith.cmpi ne, %rem3A_130, %ne3A_131 : i32
    %and3A_133 = arith.andi %ne3A_129, %ne3A_132 : i1
    %sub3A_134 = arith.constant 1 : i32
    %sub3A_135 = arith.subi %div3A_114, %sub3A_134 : i32
    %select_n3A_136 = arith.select %and3A_133, %sub3A_135, %div3A_114 : i32
    %mul3A_137 = arith.constant 512 : i32
    %mul3A_138 = arith.muli %select_n3A_136, %mul3A_137 : i32
    %add3A_139 = vector.broadcast %mul3A_138 : i32 to vector<16xi32>
    %add3A_140 = arith.addi %get3A_110, %add3A_139 : vector<16xi32>
    %swap3A_141 = arith.constant 48 : index
    %swap3A_142 = tpu.vector_load %arg8[%swap3A_141] {strides = array<i32>} : memref<512xi32, #tpu.memory_space<vmem>>, vector<16xi32>,
    %swap3A_143 = vector.shape_cast %swap3A_142 : vector<16xi32> to vector<16xi32>
    %swap3A_144 = vector.shape_cast %add3A_140 : vector<16xi32> to vector<16xi32>
    tpu.vector_store %arg8[%swap3A_141], %swap3A_144 {strides = array<i32>} : memref<512xi32, #tpu.memory_space<vmem>>, vector<16xi32>,
    %dma_start3A = arith.constant 0 : i32
    %dma_start3A_145 = arith.constant 0 : i32
    %dma_start3A_146 = arith.constant 0 : i32
    %dma_start3A_147 = tpu.memref_slice %arg9[%dma_start3A, %dma_start3A_145, %dma_start3A_146] : memref<3x64x512xf32, #tpu.memory_space<vmem>> -> memref<1x64x512xf32, #tpu.memory_space<vmem>>
    %dma_start3A_148 = tpu.memref_squeeze %dma_start3A_147 : memref<1x64x512xf32, #tpu.memory_space<vmem>> -> memref<64x512xf32, #tpu.memory_space<vmem>>
    %dma_start3A_149 = arith.constant 0 : i32
    %dma_start3A_150 = tpu.memref_slice %arg8[%dma_start3A_149] : memref<512xi32, #tpu.memory_space<vmem>> -> memref<64xi32, #tpu.memory_space<vmem>>
    %dma_start3A_151 = arith.constant 0 : i32
    %dma_start3A_152 = arith.constant 0 : i32
    %dma_start3A_153 = tpu.memref_slice %arg2[%dma_start3A_151, %dma_start3A_152] : memref<8192x512xf32, #tpu.memory_space<hbm>> -> memref<8192x512xf32, #tpu.memory_space<hbm>>
    tpu.enqueue_indirect_dma source(%dma_start3A_153 : memref<8192x512xf32, #tpu.memory_space<hbm>>) target(%dma_start3A_148 : memref<64x512xf32, #tpu.memory_space<vmem>>) offsets(%dma_start3A_150 : memref<64xi32, #tpu.memory_space<vmem>>) semaphore(%arg10 : memref<!tpu.dma_semaphore, #tpu.memory_space<semaphore_mem>>)
    %get3A_154 = arith.constant 64 : index
    %get3A_155 = tpu.vector_load %arg8[%get3A_154] {strides = array<i32>} : memref<512xi32, #tpu.memory_space<vmem>>, vector<16xi32>,
    %get3A_156 = vector.shape_cast %get3A_155 : vector<16xi32> to vector<16xi32>
    %add3A_157 = arith.constant 64 : i32
    %add3A_158 = arith.addi %add3A_4, %add3A_157 : i32
    %jit3A_159 = arith.constant 2048 : i32
    %div3A_160 = arith.divsi %add3A_158, %jit3A_159 : i32
    %sign3A_161 = arith.constant 0 : i32
    %sign3A_162 = arith.cmpi sgt, %add3A_158, %sign3A_161 : i32
    %sign3A_163 = arith.extui %sign3A_162 : i1 to i32
    %sign3A_164 = arith.constant 0 : i32
    %sign3A_165 = arith.cmpi slt, %add3A_158, %sign3A_164 : i32
    %sign3A_166 = arith.extui %sign3A_165 : i1 to i32
    %sign3A_167 = arith.subi %sign3A_163, %sign3A_166 : i32
    %sign3A_168 = arith.constant 0 : i32
    %sign3A_169 = arith.cmpi sgt, %jit3A_159, %sign3A_168 : i32
    %sign3A_170 = arith.extui %sign3A_169 : i1 to i32
    %sign3A_171 = arith.constant 0 : i32
    %sign3A_172 = arith.cmpi slt, %jit3A_159, %sign3A_171 : i32
    %sign3A_173 = arith.extui %sign3A_172 : i1 to i32
    %sign3A_174 = arith.subi %sign3A_170, %sign3A_173 : i32
    %ne3A_175 = arith.cmpi ne, %sign3A_167, %sign3A_174 : i32
    %rem3A_176 = arith.remsi %add3A_158, %jit3A_159 : i32
    %ne3A_177 = arith.constant 0 : i32
    %ne3A_178 = arith.cmpi ne, %rem3A_176, %ne3A_177 : i32
    %and3A_179 = arith.andi %ne3A_175, %ne3A_178 : i1
    %sub3A_180 = arith.constant 1 : i32
    %sub3A_181 = arith.subi %div3A_160, %sub3A_180 : i32
    %select_n3A_182 = arith.select %and3A_179, %sub3A_181, %div3A_160 : i32
    %mul3A_183 = arith.constant 512 : i32
    %mul3A_184 = arith.muli %select_n3A_182, %mul3A_183 : i32
    %add3A_185 = vector.broadcast %mul3A_184 : i32 to vector<16xi32>
    %add3A_186 = arith.addi %get3A_156, %add3A_185 : vector<16xi32>
    %swap3A_187 = arith.constant 64 : index
    %swap3A_188 = tpu.vector_load %arg8[%swap3A_187] {strides = array<i32>} : memref<512xi32, #tpu.memory_space<vmem>>, vector<16xi32>,
    %swap3A_189 = vector.shape_cast %swap3A_188 : vector<16xi32> to vector<16xi32>
    %swap3A_190 = vector.shape_cast %add3A_186 : vector<16xi32> to vector<16xi32>
    tpu.vector_store %arg8[%swap3A_187], %swap3A_190 {strides = array<i32>} : memref<512xi32, #tpu.memory_space<vmem>>, vector<16xi32>,
    %get3A_191 = arith.constant 80 : index
    %get3A_192 = tpu.vector_load %arg8[%get3A_191] {strides = array<i32>} : memref<512xi32, #tpu.memory_space<vmem>>, vector<16xi32>,
    %get3A_193 = vector.shape_cast %get3A_192 : vector<16xi32> to vector<16xi32>
    %add3A_194 = arith.constant 80 : i32
    %add3A_195 = arith.addi %add3A_4, %add3A_194 : i32
    %jit3A_196 = arith.constant 2048 : i32
    %div3A_197 = arith.divsi %add3A_195, %jit3A_196 : i32
    %sign3A_198 = arith.constant 0 : i32
    %sign3A_199 = arith.cmpi sgt, %add3A_195, %sign3A_198 : i32
    %sign3A_200 = arith.extui %sign3A_199 : i1 to i32
    %sign3A_201 = arith.constant 0 : i32
    %sign3A_202 = arith.cmpi slt, %add3A_195, %sign3A_201 : i32
    %sign3A_203 = arith.extui %sign3A_202 : i1 to i32
    %sign3A_204 = arith.subi %sign3A_200, %sign3A_203 : i32
    %sign3A_205 = arith.constant 0 : i32
    %sign3A_206 = arith.cmpi sgt, %jit3A_196, %sign3A_205 : i32
    %sign3A_207 = arith.extui %sign3A_206 : i1 to i32
    %sign3A_208 = arith.constant 0 : i32
    %sign3A_209 = arith.cmpi slt, %jit3A_196, %sign3A_208 : i32
    %sign3A_210 = arith.extui %sign3A_209 : i1 to i32
    %sign3A_211 = arith.subi %sign3A_207, %sign3A_210 : i32
    %ne3A_212 = arith.cmpi ne, %sign3A_204, %sign3A_211 : i32
    %rem3A_213 = arith.remsi %add3A_195, %jit3A_196 : i32
    %ne3A_214 = arith.constant 0 : i32
    %ne3A_215 = arith.cmpi ne, %rem3A_213, %ne3A_214 : i32
    %and3A_216 = arith.andi %ne3A_212, %ne3A_215 : i1
    %sub3A_217 = arith.constant 1 : i32
    %sub3A_218 = arith.subi %div3A_197, %sub3A_217 : i32
    %select_n3A_219 = arith.select %and3A_216, %sub3A_218, %div3A_197 : i32
    %mul3A_220 = arith.constant 512 : i32
    %mul3A_221 = arith.muli %select_n3A_219, %mul3A_220 : i32
    %add3A_222 = vector.broadcast %mul3A_221 : i32 to vector<16xi32>
    %add3A_223 = arith.addi %get3A_193, %add3A_222 : vector<16xi32>
    %swap3A_224 = arith.constant 80 : index
    %swap3A_225 = tpu.vector_load %arg8[%swap3A_224] {strides = array<i32>} : memref<512xi32, #tpu.memory_space<vmem>>, vector<16xi32>,
    %swap3A_226 = vector.shape_cast %swap3A_225 : vector<16xi32> to vector<16xi32>
    %swap3A_227 = vector.shape_cast %add3A_223 : vector<16xi32> to vector<16xi32>
    tpu.vector_store %arg8[%swap3A_224], %swap3A_227 {strides = array<i32>} : memref<512xi32, #tpu.memory_space<vmem>>, vector<16xi32>,
    %get3A_228 = arith.constant 96 : index
    %get3A_229 = tpu.vector_load %arg8[%get3A_228] {strides = array<i32>} : memref<512xi32, #tpu.memory_space<vmem>>, vector<16xi32>,
    %get3A_230 = vector.shape_cast %get3A_229 : vector<16xi32> to vector<16xi32>
    %add3A_231 = arith.constant 96 : i32
    %add3A_232 = arith.addi %add3A_4, %add3A_231 : i32
    %jit3A_233 = arith.constant 2048 : i32
    %div3A_234 = arith.divsi %add3A_232, %jit3A_233 : i32
    %sign3A_235 = arith.constant 0 : i32
    %sign3A_236 = arith.cmpi sgt, %add3A_232, %sign3A_235 : i32
    %sign3A_237 = arith.extui %sign3A_236 : i1 to i32
    %sign3A_238 = arith.constant 0 : i32
    %sign3A_239 = arith.cmpi slt, %add3A_232, %sign3A_238 : i32
    %sign3A_240 = arith.extui %sign3A_239 : i1 to i32
    %sign3A_241 = arith.subi %sign3A_237, %sign3A_240 : i32
    %sign3A_242 = arith.constant 0 : i32
    %sign3A_243 = arith.cmpi sgt, %jit3A_233, %sign3A_242 : i32
    %sign3A_244 = arith.extui %sign3A_243 : i1 to i32
    %sign3A_245 = arith.constant 0 : i32
    %sign3A_246 = arith.cmpi slt, %jit3A_233, %sign3A_245 : i32
    %sign3A_247 = arith.extui %sign3A_246 : i1 to i32
    %sign3A_248 = arith.subi %sign3A_244, %sign3A_247 : i32
    %ne3A_249 = arith.cmpi ne, %sign3A_241, %sign3A_248 : i32
    %rem3A_250 = arith.remsi %add3A_232, %jit3A_233 : i32
    %ne3A_251 = arith.constant 0 : i32
    %ne3A_252 = arith.cmpi ne, %rem3A_250, %ne3A_251 : i32
    %and3A_253 = arith.andi %ne3A_249, %ne3A_252 : i1
    %sub3A_254 = arith.constant 1 : i32
    %sub3A_255 = arith.subi %div3A_234, %sub3A_254 : i32
    %select_n3A_256 = arith.select %and3A_253, %sub3A_255, %div3A_234 : i32
    %mul3A_257 = arith.constant 512 : i32
    %mul3A_258 = arith.muli %select_n3A_256, %mul3A_257 : i32
    %add3A_259 = vector.broadcast %mul3A_258 : i32 to vector<16xi32>
    %add3A_260 = arith.addi %get3A_230, %add3A_259 : vector<16xi32>
    %swap3A_261 = arith.constant 96 : index
    %swap3A_262 = tpu.vector_load %arg8[%swap3A_261] {strides = array<i32>} : memref<512xi32, #tpu.memory_space<vmem>>, vector<16xi32>,
    %swap3A_263 = vector.shape_cast %swap3A_262 : vector<16xi32> to vector<16xi32>
    %swap3A_264 = vector.shape_cast %add3A_260 : vector<16xi32> to vector<16xi32>
    tpu.vector_store %arg8[%swap3A_261], %swap3A_264 {strides = array<i32>} : memref<512xi32, #tpu.memory_space<vmem>>, vector<16xi32>,
    %get3A_265 = arith.constant 112 : index
    %get3A_266 = tpu.vector_load %arg8[%get3A_265] {strides = array<i32>} : memref<512xi32, #tpu.memory_space<vmem>>, vector<16xi32>,
    %get3A_267 = vector.shape_cast %get3A_266 : vector<16xi32> to vector<16xi32>
    %add3A_268 = arith.constant 112 : i32
    %add3A_269 = arith.addi %add3A_4, %add3A_268 : i32
    %jit3A_270 = arith.constant 2048 : i32
    %div3A_271 = arith.divsi %add3A_269, %jit3A_270 : i32
    %sign3A_272 = arith.constant 0 : i32
    %sign3A_273 = arith.cmpi sgt, %add3A_269, %sign3A_272 : i32
    %sign3A_274 = arith.extui %sign3A_273 : i1 to i32
    %sign3A_275 = arith.constant 0 : i32
    %sign3A_276 = arith.cmpi slt, %add3A_269, %sign3A_275 : i32
    %sign3A_277 = arith.extui %sign3A_276 : i1 to i32
    %sign3A_278 = arith.subi %sign3A_274, %sign3A_277 : i32
    %sign3A_279 = arith.constant 0 : i32
    %sign3A_280 = arith.cmpi sgt, %jit3A_270, %sign3A_279 : i32
    %sign3A_281 = arith.extui %sign3A_280 : i1 to i32
    %sign3A_282 = arith.constant 0 : i32
    %sign3A_283 = arith.cmpi slt, %jit3A_270, %sign3A_282 : i32
    %sign3A_284 = arith.extui %sign3A_283 : i1 to i32
    %sign3A_285 = arith.subi %sign3A_281, %sign3A_284 : i32
    %ne3A_286 = arith.cmpi ne, %sign3A_278, %sign3A_285 : i32
    %rem3A_287 = arith.remsi %add3A_269, %jit3A_270 : i32
    %ne3A_288 = arith.constant 0 : i32
    %ne3A_289 = arith.cmpi ne, %rem3A_287, %ne3A_288 : i32
    %and3A_290 = arith.andi %ne3A_286, %ne3A_289 : i1
    %sub3A_291 = arith.constant 1 : i32
    %sub3A_292 = arith.subi %div3A_271, %sub3A_291 : i32
    %select_n3A_293 = arith.select %and3A_290, %sub3A_292, %div3A_271 : i32
    %mul3A_294 = arith.constant 512 : i32
    %mul3A_295 = arith.muli %select_n3A_293, %mul3A_294 : i32
    %add3A_296 = vector.broadcast %mul3A_295 : i32 to vector<16xi32>
    %add3A_297 = arith.addi %get3A_267, %add3A_296 : vector<16xi32>
    %swap3A_298 = arith.constant 112 : index
    %swap3A_299 = tpu.vector_load %arg8[%swap3A_298] {strides = array<i32>} : memref<512xi32, #tpu.memory_space<vmem>>, vector<16xi32>,
    %swap3A_300 = vector.shape_cast %swap3A_299 : vector<16xi32> to vector<16xi32>
    %swap3A_301 = vector.shape_cast %add3A_297 : vector<16xi32> to vector<16xi32>
    tpu.vector_store %arg8[%swap3A_298], %swap3A_301 {strides = array<i32>} : memref<512xi32, #tpu.memory_space<vmem>>, vector<16xi32>,
    %dma_start3A_302 = arith.constant 1 : i32
    %dma_start3A_303 = arith.constant 0 : i32
    %dma_start3A_304 = arith.constant 0 : i32
    %dma_start3A_305 = tpu.memref_slice %arg9[%dma_start3A_302, %dma_start3A_303, %dma_start3A_304] : memref<3x64x512xf32, #tpu.memory_space<vmem>> -> memref<1x64x512xf32, #tpu.memory_space<vmem>>
    %dma_start3A_306 = tpu.memref_squeeze %dma_start3A_305 : memref<1x64x512xf32, #tpu.memory_space<vmem>> -> memref<64x512xf32, #tpu.memory_space<vmem>>
    %dma_start3A_307 = arith.constant 64 : i32
    %dma_start3A_308 = tpu.memref_slice %arg8[%dma_start3A_307] : memref<512xi32, #tpu.memory_space<vmem>> -> memref<64xi32, #tpu.memory_space<vmem>>
    %dma_start3A_309 = arith.constant 0 : i32
    %dma_start3A_310 = arith.constant 0 : i32
    %dma_start3A_311 = tpu.memref_slice %arg2[%dma_start3A_309, %dma_start3A_310] : memref<8192x512xf32, #tpu.memory_space<hbm>> -> memref<8192x512xf32, #tpu.memory_space<hbm>>
    tpu.enqueue_indirect_dma source(%dma_start3A_311 : memref<8192x512xf32, #tpu.memory_space<hbm>>) target(%dma_start3A_306 : memref<64x512xf32, #tpu.memory_space<vmem>>) offsets(%dma_start3A_308 : memref<64xi32, #tpu.memory_space<vmem>>) semaphore(%arg10 : memref<!tpu.dma_semaphore, #tpu.memory_space<semaphore_mem>>)
    %dma_wait3A = arith.constant 0 : i32
    %dma_wait3A_312 = arith.constant 0 : i32
    %dma_wait3A_313 = arith.constant 0 : i32
    %dma_wait3A_314 = tpu.memref_slice %arg9[%dma_wait3A, %dma_wait3A_312, %dma_wait3A_313] : memref<3x64x512xf32, #tpu.memory_space<vmem>> -> memref<1x64x512xf32, #tpu.memory_space<vmem>>
    %dma_wait3A_315 = tpu.memref_squeeze %dma_wait3A_314 : memref<1x64x512xf32, #tpu.memory_space<vmem>> -> memref<64x512xf32, #tpu.memory_space<vmem>>
    %dma_wait3A_316 = arith.constant 0 : i32
    %dma_wait3A_317 = tpu.memref_slice %arg8[%dma_wait3A_316] : memref<512xi32, #tpu.memory_space<vmem>> -> memref<64xi32, #tpu.memory_space<vmem>>
    %dma_wait3A_318 = arith.constant 0 : i32
    %dma_wait3A_319 = arith.constant 0 : i32
    %dma_wait3A_320 = tpu.memref_slice %arg2[%dma_wait3A_318, %dma_wait3A_319] : memref<8192x512xf32, #tpu.memory_space<hbm>> -> memref<8192x512xf32, #tpu.memory_space<hbm>>
    tpu.wait_indirect_dma semaphore(%arg10 : memref<!tpu.dma_semaphore, #tpu.memory_space<semaphore_mem>>) src(%dma_wait3A_320 : memref<8192x512xf32, #tpu.memory_space<hbm>>) dst(%dma_wait3A_315 : memref<64x512xf32, #tpu.memory_space<vmem>>)
    %add3A_321 = arith.constant 0 : i32
    %add3A_322 = arith.addi %mul3A_6, %add3A_321 : i32
    %dma_start3A_323 = arith.constant 0 : i32
    %dma_start3A_324 = arith.constant 0 : i32
    %dma_start3A_325 = arith.constant 0 : i32
    %dma_start3A_326 = tpu.memref_slice %arg9[%dma_start3A_323, %dma_start3A_324, %dma_start3A_325] : memref<3x64x512xf32, #tpu.memory_space<vmem>> -> memref<1x64x512xf32, #tpu.memory_space<vmem>>
    %dma_start3A_327 = tpu.memref_squeeze %dma_start3A_326 : memref<1x64x512xf32, #tpu.memory_space<vmem>> -> memref<64x512xf32, #tpu.memory_space<vmem>>
    %dma_start3A_328 = arith.constant 0 : i32
    %dma_start3A_329 = tpu.memref_slice %arg4[%add3A_322, %dma_start3A_328] : memref<16384x512xf32, #tpu.memory_space<hbm>> -> memref<64x512xf32, #tpu.memory_space<hbm>>
    %dma_start3A_330 = arith.constant 0 : i32
    %dma_start3A_331 = tpu.memref_slice %arg4[%add3A_322, %dma_start3A_330] : memref<16384x512xf32, #tpu.memory_space<hbm>> -> memref<64x512xf32, #tpu.memory_space<hbm>>
    %dma_start3A_332 = arith.constant 0 : i32
    %dma_start3A_333 = arith.constant 0 : i32
    %dma_start3A_334 = tpu.memref_slice %arg9[%dma_start3A_323, %dma_start3A_332, %dma_start3A_333] : memref<3x64x512xf32, #tpu.memory_space<vmem>> -> memref<1x64x512xf32, #tpu.memory_space<vmem>>
    %dma_start3A_335 = tpu.memref_squeeze %dma_start3A_334 : memref<1x64x512xf32, #tpu.memory_space<vmem>> -> memref<64x512xf32, #tpu.memory_space<vmem>>
    tpu.enqueue_dma source(%dma_start3A_335 : memref<64x512xf32, #tpu.memory_space<vmem>>) target(%dma_start3A_331 : memref<64x512xf32, #tpu.memory_space<hbm>>) target_semaphore(%arg11 : memref<!tpu.dma_semaphore, #tpu.memory_space<semaphore_mem>>)
    %get3A_336 = arith.constant 128 : index
    %get3A_337 = tpu.vector_load %arg8[%get3A_336] {strides = array<i32>} : memref<512xi32, #tpu.memory_space<vmem>>, vector<16xi32>,
    %get3A_338 = vector.shape_cast %get3A_337 : vector<16xi32> to vector<16xi32>
    %add3A_339 = arith.constant 128 : i32
    %add3A_340 = arith.addi %add3A_4, %add3A_339 : i32
    %jit3A_341 = arith.constant 2048 : i32
    %div3A_342 = arith.divsi %add3A_340, %jit3A_341 : i32
    %sign3A_343 = arith.constant 0 : i32
    %sign3A_344 = arith.cmpi sgt, %add3A_340, %sign3A_343 : i32
    %sign3A_345 = arith.extui %sign3A_344 : i1 to i32
    %sign3A_346 = arith.constant 0 : i32
    %sign3A_347 = arith.cmpi slt, %add3A_340, %sign3A_346 : i32
    %sign3A_348 = arith.extui %sign3A_347 : i1 to i32
    %sign3A_349 = arith.subi %sign3A_345, %sign3A_348 : i32
    %sign3A_350 = arith.constant 0 : i32
    %sign3A_351 = arith.cmpi sgt, %jit3A_341, %sign3A_350 : i32
    %sign3A_352 = arith.extui %sign3A_351 : i1 to i32
    %sign3A_353 = arith.constant 0 : i32
    %sign3A_354 = arith.cmpi slt, %jit3A_341, %sign3A_353 : i32
    %sign3A_355 = arith.extui %sign3A_354 : i1 to i32
    %sign3A_356 = arith.subi %sign3A_352, %sign3A_355 : i32
    %ne3A_357 = arith.cmpi ne, %sign3A_349, %sign3A_356 : i32
    %rem3A_358 = arith.remsi %add3A_340, %jit3A_341 : i32
    %ne3A_359 = arith.constant 0 : i32
    %ne3A_360 = arith.cmpi ne, %rem3A_358, %ne3A_359 : i32
    %and3A_361 = arith.andi %ne3A_357, %ne3A_360 : i1
    %sub3A_362 = arith.constant 1 : i32
    %sub3A_363 = arith.subi %div3A_342, %sub3A_362 : i32
    %select_n3A_364 = arith.select %and3A_361, %sub3A_363, %div3A_342 : i32
    %mul3A_365 = arith.constant 512 : i32
    %mul3A_366 = arith.muli %select_n3A_364, %mul3A_365 : i32
    %add3A_367 = vector.broadcast %mul3A_366 : i32 to vector<16xi32>
    %add3A_368 = arith.addi %get3A_338, %add3A_367 : vector<16xi32>
    %swap3A_369 = arith.constant 128 : index
    %swap3A_370 = tpu.vector_load %arg8[%swap3A_369] {strides = array<i32>} : memref<512xi32, #tpu.memory_space<vmem>>, vector<16xi32>,
    %swap3A_371 = vector.shape_cast %swap3A_370 : vector<16xi32> to vector<16xi32>
    %swap3A_372 = vector.shape_cast %add3A_368 : vector<16xi32> to vector<16xi32>
    tpu.vector_store %arg8[%swap3A_369], %swap3A_372 {strides = array<i32>} : memref<512xi32, #tpu.memory_space<vmem>>, vector<16xi32>,
    %get3A_373 = arith.constant 144 : index
    %get3A_374 = tpu.vector_load %arg8[%get3A_373] {strides = array<i32>} : memref<512xi32, #tpu.memory_space<vmem>>, vector<16xi32>,
    %get3A_375 = vector.shape_cast %get3A_374 : vector<16xi32> to vector<16xi32>
    %add3A_376 = arith.constant 144 : i32
    %add3A_377 = arith.addi %add3A_4, %add3A_376 : i32
    %jit3A_378 = arith.constant 2048 : i32
    %div3A_379 = arith.divsi %add3A_377, %jit3A_378 : i32
    %sign3A_380 = arith.constant 0 : i32
    %sign3A_381 = arith.cmpi sgt, %add3A_377, %sign3A_380 : i32
    %sign3A_382 = arith.extui %sign3A_381 : i1 to i32
    %sign3A_383 = arith.constant 0 : i32
    %sign3A_384 = arith.cmpi slt, %add3A_377, %sign3A_383 : i32
    %sign3A_385 = arith.extui %sign3A_384 : i1 to i32
    %sign3A_386 = arith.subi %sign3A_382, %sign3A_385 : i32
    %sign3A_387 = arith.constant 0 : i32
    %sign3A_388 = arith.cmpi sgt, %jit3A_378, %sign3A_387 : i32
    %sign3A_389 = arith.extui %sign3A_388 : i1 to i32
    %sign3A_390 = arith.constant 0 : i32
    %sign3A_391 = arith.cmpi slt, %jit3A_378, %sign3A_390 : i32
    %sign3A_392 = arith.extui %sign3A_391 : i1 to i32
    %sign3A_393 = arith.subi %sign3A_389, %sign3A_392 : i32
    %ne3A_394 = arith.cmpi ne, %sign3A_386, %sign3A_393 : i32
    %rem3A_395 = arith.remsi %add3A_377, %jit3A_378 : i32
    %ne3A_396 = arith.constant 0 : i32
    %ne3A_397 = arith.cmpi ne, %rem3A_395, %ne3A_396 : i32
    %and3A_398 = arith.andi %ne3A_394, %ne3A_397 : i1
    %sub3A_399 = arith.constant 1 : i32
    %sub3A_400 = arith.subi %div3A_379, %sub3A_399 : i32
    %select_n3A_401 = arith.select %and3A_398, %sub3A_400, %div3A_379 : i32
    %mul3A_402 = arith.constant 512 : i32
    %mul3A_403 = arith.muli %select_n3A_401, %mul3A_402 : i32
    %add3A_404 = vector.broadcast %mul3A_403 : i32 to vector<16xi32>
    %add3A_405 = arith.addi %get3A_375, %add3A_404 : vector<16xi32>
    %swap3A_406 = arith.constant 144 : index
    %swap3A_407 = tpu.vector_load %arg8[%swap3A_406] {strides = array<i32>} : memref<512xi32, #tpu.memory_space<vmem>>, vector<16xi32>,
    %swap3A_408 = vector.shape_cast %swap3A_407 : vector<16xi32> to vector<16xi32>
    %swap3A_409 = vector.shape_cast %add3A_405 : vector<16xi32> to vector<16xi32>
    tpu.vector_store %arg8[%swap3A_406], %swap3A_409 {strides = array<i32>} : memref<512xi32, #tpu.memory_space<vmem>>, vector<16xi32>,
    %get3A_410 = arith.constant 160 : index
    %get3A_411 = tpu.vector_load %arg8[%get3A_410] {strides = array<i32>} : memref<512xi32, #tpu.memory_space<vmem>>, vector<16xi32>,
    %get3A_412 = vector.shape_cast %get3A_411 : vector<16xi32> to vector<16xi32>
    %add3A_413 = arith.constant 160 : i32
    %add3A_414 = arith.addi %add3A_4, %add3A_413 : i32
    %jit3A_415 = arith.constant 2048 : i32
    %div3A_416 = arith.divsi %add3A_414, %jit3A_415 : i32
    %sign3A_417 = arith.constant 0 : i32
    %sign3A_418 = arith.cmpi sgt, %add3A_414, %sign3A_417 : i32
    %sign3A_419 = arith.extui %sign3A_418 : i1 to i32
    %sign3A_420 = arith.constant 0 : i32
    %sign3A_421 = arith.cmpi slt, %add3A_414, %sign3A_420 : i32
    %sign3A_422 = arith.extui %sign3A_421 : i1 to i32
    %sign3A_423 = arith.subi %sign3A_419, %sign3A_422 : i32
    %sign3A_424 = arith.constant 0 : i32
    %sign3A_425 = arith.cmpi sgt, %jit3A_415, %sign3A_424 : i32
    %sign3A_426 = arith.extui %sign3A_425 : i1 to i32
    %sign3A_427 = arith.constant 0 : i32
    %sign3A_428 = arith.cmpi slt, %jit3A_415, %sign3A_427 : i32
    %sign3A_429 = arith.extui %sign3A_428 : i1 to i32
    %sign3A_430 = arith.subi %sign3A_426, %sign3A_429 : i32
    %ne3A_431 = arith.cmpi ne, %sign3A_423, %sign3A_430 : i32
    %rem3A_432 = arith.remsi %add3A_414, %jit3A_415 : i32
    %ne3A_433 = arith.constant 0 : i32
    %ne3A_434 = arith.cmpi ne, %rem3A_432, %ne3A_433 : i32
    %and3A_435 = arith.andi %ne3A_431, %ne3A_434 : i1
    %sub3A_436 = arith.constant 1 : i32
    %sub3A_437 = arith.subi %div3A_416, %sub3A_436 : i32
    %select_n3A_438 = arith.select %and3A_435, %sub3A_437, %div3A_416 : i32
    %mul3A_439 = arith.constant 512 : i32
    %mul3A_440 = arith.muli %select_n3A_438, %mul3A_439 : i32
    %add3A_441 = vector.broadcast %mul3A_440 : i32 to vector<16xi32>
    %add3A_442 = arith.addi %get3A_412, %add3A_441 : vector<16xi32>
    %swap3A_443 = arith.constant 160 : index
    %swap3A_444 = tpu.vector_load %arg8[%swap3A_443] {strides = array<i32>} : memref<512xi32, #tpu.memory_space<vmem>>, vector<16xi32>,
    %swap3A_445 = vector.shape_cast %swap3A_444 : vector<16xi32> to vector<16xi32>
    %swap3A_446 = vector.shape_cast %add3A_442 : vector<16xi32> to vector<16xi32>
    tpu.vector_store %arg8[%swap3A_443], %swap3A_446 {strides = array<i32>} : memref<512xi32, #tpu.memory_space<vmem>>, vector<16xi32>,
    %get3A_447 = arith.constant 176 : index
    %get3A_448 = tpu.vector_load %arg8[%get3A_447] {strides = array<i32>} : memref<512xi32, #tpu.memory_space<vmem>>, vector<16xi32>,
    %get3A_449 = vector.shape_cast %get3A_448 : vector<16xi32> to vector<16xi32>
    %add3A_450 = arith.constant 176 : i32
    %add3A_451 = arith.addi %add3A_4, %add3A_450 : i32
    %jit3A_452 = arith.constant 2048 : i32
    %div3A_453 = arith.divsi %add3A_451, %jit3A_452 : i32
    %sign3A_454 = arith.constant 0 : i32
    %sign3A_455 = arith.cmpi sgt, %add3A_451, %sign3A_454 : i32
    %sign3A_456 = arith.extui %sign3A_455 : i1 to i32
    %sign3A_457 = arith.constant 0 : i32
    %sign3A_458 = arith.cmpi slt, %add3A_451, %sign3A_457 : i32
    %sign3A_459 = arith.extui %sign3A_458 : i1 to i32
    %sign3A_460 = arith.subi %sign3A_456, %sign3A_459 : i32
    %sign3A_461 = arith.constant 0 : i32
    %sign3A_462 = arith.cmpi sgt, %jit3A_452, %sign3A_461 : i32
    %sign3A_463 = arith.extui %sign3A_462 : i1 to i32
    %sign3A_464 = arith.constant 0 : i32
    %sign3A_465 = arith.cmpi slt, %jit3A_452, %sign3A_464 : i32
    %sign3A_466 = arith.extui %sign3A_465 : i1 to i32
    %sign3A_467 = arith.subi %sign3A_463, %sign3A_466 : i32
    %ne3A_468 = arith.cmpi ne, %sign3A_460, %sign3A_467 : i32
    %rem3A_469 = arith.remsi %add3A_451, %jit3A_452 : i32
    %ne3A_470 = arith.constant 0 : i32
    %ne3A_471 = arith.cmpi ne, %rem3A_469, %ne3A_470 : i32
    %and3A_472 = arith.andi %ne3A_468, %ne3A_471 : i1
    %sub3A_473 = arith.constant 1 : i32
    %sub3A_474 = arith.subi %div3A_453, %sub3A_473 : i32
    %select_n3A_475 = arith.select %and3A_472, %sub3A_474, %div3A_453 : i32
    %mul3A_476 = arith.constant 512 : i32
    %mul3A_477 = arith.muli %select_n3A_475, %mul3A_476 : i32
    %add3A_478 = vector.broadcast %mul3A_477 : i32 to vector<16xi32>
    %add3A_479 = arith.addi %get3A_449, %add3A_478 : vector<16xi32>
    %swap3A_480 = arith.constant 176 : index
    %swap3A_481 = tpu.vector_load %arg8[%swap3A_480] {strides = array<i32>} : memref<512xi32, #tpu.memory_space<vmem>>, vector<16xi32>,
    %swap3A_482 = vector.shape_cast %swap3A_481 : vector<16xi32> to vector<16xi32>
    %swap3A_483 = vector.shape_cast %add3A_479 : vector<16xi32> to vector<16xi32>
    tpu.vector_store %arg8[%swap3A_480], %swap3A_483 {strides = array<i32>} : memref<512xi32, #tpu.memory_space<vmem>>, vector<16xi32>,
    %dma_start3A_484 = arith.constant 2 : i32
    %dma_start3A_485 = arith.constant 0 : i32
    %dma_start3A_486 = arith.constant 0 : i32
    %dma_start3A_487 = tpu.memref_slice %arg9[%dma_start3A_484, %dma_start3A_485, %dma_start3A_486] : memref<3x64x512xf32, #tpu.memory_space<vmem>> -> memref<1x64x512xf32, #tpu.memory_space<vmem>>
    %dma_start3A_488 = tpu.memref_squeeze %dma_start3A_487 : memref<1x64x512xf32, #tpu.memory_space<vmem>> -> memref<64x512xf32, #tpu.memory_space<vmem>>
    %dma_start3A_489 = arith.constant 128 : i32
    %dma_start3A_490 = tpu.memref_slice %arg8[%dma_start3A_489] : memref<512xi32, #tpu.memory_space<vmem>> -> memref<64xi32, #tpu.memory_space<vmem>>
    %dma_start3A_491 = arith.constant 0 : i32
    %dma_start3A_492 = arith.constant 0 : i32
    %dma_start3A_493 = tpu.memref_slice %arg2[%dma_start3A_491, %dma_start3A_492] : memref<8192x512xf32, #tpu.memory_space<hbm>> -> memref<8192x512xf32, #tpu.memory_space<hbm>>
    tpu.enqueue_indirect_dma source(%dma_start3A_493 : memref<8192x512xf32, #tpu.memory_space<hbm>>) target(%dma_start3A_488 : memref<64x512xf32, #tpu.memory_space<vmem>>) offsets(%dma_start3A_490 : memref<64xi32, #tpu.memory_space<vmem>>) semaphore(%arg10 : memref<!tpu.dma_semaphore, #tpu.memory_space<semaphore_mem>>)
    %dma_wait3A_494 = arith.constant 1 : i32
    %dma_wait3A_495 = arith.constant 0 : i32
    %dma_wait3A_496 = arith.constant 0 : i32
    %dma_wait3A_497 = tpu.memref_slice %arg9[%dma_wait3A_494, %dma_wait3A_495, %dma_wait3A_496] : memref<3x64x512xf32, #tpu.memory_space<vmem>> -> memref<1x64x512xf32, #tpu.memory_space<vmem>>
    %dma_wait3A_498 = tpu.memref_squeeze %dma_wait3A_497 : memref<1x64x512xf32, #tpu.memory_space<vmem>> -> memref<64x512xf32, #tpu.memory_space<vmem>>
    %dma_wait3A_499 = arith.constant 64 : i32
    %dma_wait3A_500 = tpu.memref_slice %arg8[%dma_wait3A_499] : memref<512xi32, #tpu.memory_space<vmem>> -> memref<64xi32, #tpu.memory_space<vmem>>
    %dma_wait3A_501 = arith.constant 0 : i32
    %dma_wait3A_502 = arith.constant 0 : i32
    %dma_wait3A_503 = tpu.memref_slice %arg2[%dma_wait3A_501, %dma_wait3A_502] : memref<8192x512xf32, #tpu.memory_space<hbm>> -> memref<8192x512xf32, #tpu.memory_space<hbm>>
    tpu.wait_indirect_dma semaphore(%arg10 : memref<!tpu.dma_semaphore, #tpu.memory_space<semaphore_mem>>) src(%dma_wait3A_503 : memref<8192x512xf32, #tpu.memory_space<hbm>>) dst(%dma_wait3A_498 : memref<64x512xf32, #tpu.memory_space<vmem>>)
    %add3A_504 = arith.constant 64 : i32
    %add3A_505 = arith.addi %mul3A_6, %add3A_504 : i32
    %dma_start3A_506 = arith.constant 1 : i32
    %dma_start3A_507 = arith.constant 0 : i32
    %dma_start3A_508 = arith.constant 0 : i32
    %dma_start3A_509 = tpu.memref_slice %arg9[%dma_start3A_506, %dma_start3A_507, %dma_start3A_508] : memref<3x64x512xf32, #tpu.memory_space<vmem>> -> memref<1x64x512xf32, #tpu.memory_space<vmem>>
    %dma_start3A_510 = tpu.memref_squeeze %dma_start3A_509 : memref<1x64x512xf32, #tpu.memory_space<vmem>> -> memref<64x512xf32, #tpu.memory_space<vmem>>
    %dma_start3A_511 = arith.constant 0 : i32
    %dma_start3A_512 = tpu.memref_slice %arg4[%add3A_505, %dma_start3A_511] : memref<16384x512xf32, #tpu.memory_space<hbm>> -> memref<64x512xf32, #tpu.memory_space<hbm>>
    %dma_start3A_513 = arith.constant 0 : i32
    %dma_start3A_514 = tpu.memref_slice %arg4[%add3A_505, %dma_start3A_513] : memref<16384x512xf32, #tpu.memory_space<hbm>> -> memref<64x512xf32, #tpu.memory_space<hbm>>
    %dma_start3A_515 = arith.constant 0 : i32
    %dma_start3A_516 = arith.constant 0 : i32
    %dma_start3A_517 = tpu.memref_slice %arg9[%dma_start3A_506, %dma_start3A_515, %dma_start3A_516] : memref<3x64x512xf32, #tpu.memory_space<vmem>> -> memref<1x64x512xf32, #tpu.memory_space<vmem>>
    %dma_start3A_518 = tpu.memref_squeeze %dma_start3A_517 : memref<1x64x512xf32, #tpu.memory_space<vmem>> -> memref<64x512xf32, #tpu.memory_space<vmem>>
    tpu.enqueue_dma source(%dma_start3A_518 : memref<64x512xf32, #tpu.memory_space<vmem>>) target(%dma_start3A_514 : memref<64x512xf32, #tpu.memory_space<hbm>>) target_semaphore(%arg11 : memref<!tpu.dma_semaphore, #tpu.memory_space<semaphore_mem>>)
    %get3A_519 = arith.constant 192 : index
    %get3A_520 = tpu.vector_load %arg8[%get3A_519] {strides = array<i32>} : memref<512xi32, #tpu.memory_space<vmem>>, vector<16xi32>,
    %get3A_521 = vector.shape_cast %get3A_520 : vector<16xi32> to vector<16xi32>
    %add3A_522 = arith.constant 192 : i32
    %add3A_523 = arith.addi %add3A_4, %add3A_522 : i32
    %jit3A_524 = arith.constant 2048 : i32
    %div3A_525 = arith.divsi %add3A_523, %jit3A_524 : i32
    %sign3A_526 = arith.constant 0 : i32
    %sign3A_527 = arith.cmpi sgt, %add3A_523, %sign3A_526 : i32
    %sign3A_528 = arith.extui %sign3A_527 : i1 to i32
    %sign3A_529 = arith.constant 0 : i32
    %sign3A_530 = arith.cmpi slt, %add3A_523, %sign3A_529 : i32
    %sign3A_531 = arith.extui %sign3A_530 : i1 to i32
    %sign3A_532 = arith.subi %sign3A_528, %sign3A_531 : i32
    %sign3A_533 = arith.constant 0 : i32
    %sign3A_534 = arith.cmpi sgt, %jit3A_524, %sign3A_533 : i32
    %sign3A_535 = arith.extui %sign3A_534 : i1 to i32
    %sign3A_536 = arith.constant 0 : i32
    %sign3A_537 = arith.cmpi slt, %jit3A_524, %sign3A_536 : i32
    %sign3A_538 = arith.extui %sign3A_537 : i1 to i32
    %sign3A_539 = arith.subi %sign3A_535, %sign3A_538 : i32
    %ne3A_540 = arith.cmpi ne, %sign3A_532, %sign3A_539 : i32
    %rem3A_541 = arith.remsi %add3A_523, %jit3A_524 : i32
    %ne3A_542 = arith.constant 0 : i32
    %ne3A_543 = arith.cmpi ne, %rem3A_541, %ne3A_542 : i32
    %and3A_544 = arith.andi %ne3A_540, %ne3A_543 : i1
    %sub3A_545 = arith.constant 1 : i32
    %sub3A_546 = arith.subi %div3A_525, %sub3A_545 : i32
    %select_n3A_547 = arith.select %and3A_544, %sub3A_546, %div3A_525 : i32
    %mul3A_548 = arith.constant 512 : i32
    %mul3A_549 = arith.muli %select_n3A_547, %mul3A_548 : i32
    %add3A_550 = vector.broadcast %mul3A_549 : i32 to vector<16xi32>
    %add3A_551 = arith.addi %get3A_521, %add3A_550 : vector<16xi32>
    %swap3A_552 = arith.constant 192 : index
    %swap3A_553 = tpu.vector_load %arg8[%swap3A_552] {strides = array<i32>} : memref<512xi32, #tpu.memory_space<vmem>>, vector<16xi32>,
    %swap3A_554 = vector.shape_cast %swap3A_553 : vector<16xi32> to vector<16xi32>
    %swap3A_555 = vector.shape_cast %add3A_551 : vector<16xi32> to vector<16xi32>
    tpu.vector_store %arg8[%swap3A_552], %swap3A_555 {strides = array<i32>} : memref<512xi32, #tpu.memory_space<vmem>>, vector<16xi32>,
    %get3A_556 = arith.constant 208 : index
    %get3A_557 = tpu.vector_load %arg8[%get3A_556] {strides = array<i32>} : memref<512xi32, #tpu.memory_space<vmem>>, vector<16xi32>,
    %get3A_558 = vector.shape_cast %get3A_557 : vector<16xi32> to vector<16xi32>
    %add3A_559 = arith.constant 208 : i32
    %add3A_560 = arith.addi %add3A_4, %add3A_559 : i32
    %jit3A_561 = arith.constant 2048 : i32
    %div3A_562 = arith.divsi %add3A_560, %jit3A_561 : i32
    %sign3A_563 = arith.constant 0 : i32
    %sign3A_564 = arith.cmpi sgt, %add3A_560, %sign3A_563 : i32
    %sign3A_565 = arith.extui %sign3A_564 : i1 to i32
    %sign3A_566 = arith.constant 0 : i32
    %sign3A_567 = arith.cmpi slt, %add3A_560, %sign3A_566 : i32
    %sign3A_568 = arith.extui %sign3A_567 : i1 to i32
    %sign3A_569 = arith.subi %sign3A_565, %sign3A_568 : i32
    %sign3A_570 = arith.constant 0 : i32
    %sign3A_571 = arith.cmpi sgt, %jit3A_561, %sign3A_570 : i32
    %sign3A_572 = arith.extui %sign3A_571 : i1 to i32
    %sign3A_573 = arith.constant 0 : i32
    %sign3A_574 = arith.cmpi slt, %jit3A_561, %sign3A_573 : i32
    %sign3A_575 = arith.extui %sign3A_574 : i1 to i32
    %sign3A_576 = arith.subi %sign3A_572, %sign3A_575 : i32
    %ne3A_577 = arith.cmpi ne, %sign3A_569, %sign3A_576 : i32
    %rem3A_578 = arith.remsi %add3A_560, %jit3A_561 : i32
    %ne3A_579 = arith.constant 0 : i32
    %ne3A_580 = arith.cmpi ne, %rem3A_578, %ne3A_579 : i32
    %and3A_581 = arith.andi %ne3A_577, %ne3A_580 : i1
    %sub3A_582 = arith.constant 1 : i32
    %sub3A_583 = arith.subi %div3A_562, %sub3A_582 : i32
    %select_n3A_584 = arith.select %and3A_581, %sub3A_583, %div3A_562 : i32
    %mul3A_585 = arith.constant 512 : i32
    %mul3A_586 = arith.muli %select_n3A_584, %mul3A_585 : i32
    %add3A_587 = vector.broadcast %mul3A_586 : i32 to vector<16xi32>
    %add3A_588 = arith.addi %get3A_558, %add3A_587 : vector<16xi32>
    %swap3A_589 = arith.constant 208 : index
    %swap3A_590 = tpu.vector_load %arg8[%swap3A_589] {strides = array<i32>} : memref<512xi32, #tpu.memory_space<vmem>>, vector<16xi32>,
    %swap3A_591 = vector.shape_cast %swap3A_590 : vector<16xi32> to vector<16xi32>
    %swap3A_592 = vector.shape_cast %add3A_588 : vector<16xi32> to vector<16xi32>
    tpu.vector_store %arg8[%swap3A_589], %swap3A_592 {strides = array<i32>} : memref<512xi32, #tpu.memory_space<vmem>>, vector<16xi32>,
    %get3A_593 = arith.constant 224 : index
    %get3A_594 = tpu.vector_load %arg8[%get3A_593] {strides = array<i32>} : memref<512xi32, #tpu.memory_space<vmem>>, vector<16xi32>,
    %get3A_595 = vector.shape_cast %get3A_594 : vector<16xi32> to vector<16xi32>
    %add3A_596 = arith.constant 224 : i32
    %add3A_597 = arith.addi %add3A_4, %add3A_596 : i32
    %jit3A_598 = arith.constant 2048 : i32
    %div3A_599 = arith.divsi %add3A_597, %jit3A_598 : i32
    %sign3A_600 = arith.constant 0 : i32
    %sign3A_601 = arith.cmpi sgt, %add3A_597, %sign3A_600 : i32
    %sign3A_602 = arith.extui %sign3A_601 : i1 to i32
    %sign3A_603 = arith.constant 0 : i32
    %sign3A_604 = arith.cmpi slt, %add3A_597, %sign3A_603 : i32
    %sign3A_605 = arith.extui %sign3A_604 : i1 to i32
    %sign3A_606 = arith.subi %sign3A_602, %sign3A_605 : i32
    %sign3A_607 = arith.constant 0 : i32
    %sign3A_608 = arith.cmpi sgt, %jit3A_598, %sign3A_607 : i32
    %sign3A_609 = arith.extui %sign3A_608 : i1 to i32
    %sign3A_610 = arith.constant 0 : i32
    %sign3A_611 = arith.cmpi slt, %jit3A_598, %sign3A_610 : i32
    %sign3A_612 = arith.extui %sign3A_611 : i1 to i32
    %sign3A_613 = arith.subi %sign3A_609, %sign3A_612 : i32
    %ne3A_614 = arith.cmpi ne, %sign3A_606, %sign3A_613 : i32
    %rem3A_615 = arith.remsi %add3A_597, %jit3A_598 : i32
    %ne3A_616 = arith.constant 0 : i32
    %ne3A_617 = arith.cmpi ne, %rem3A_615, %ne3A_616 : i32
    %and3A_618 = arith.andi %ne3A_614, %ne3A_617 : i1
    %sub3A_619 = arith.constant 1 : i32
    %sub3A_620 = arith.subi %div3A_599, %sub3A_619 : i32
    %select_n3A_621 = arith.select %and3A_618, %sub3A_620, %div3A_599 : i32
    %mul3A_622 = arith.constant 512 : i32
    %mul3A_623 = arith.muli %select_n3A_621, %mul3A_622 : i32
    %add3A_624 = vector.broadcast %mul3A_623 : i32 to vector<16xi32>
    %add3A_625 = arith.addi %get3A_595, %add3A_624 : vector<16xi32>
    %swap3A_626 = arith.constant 224 : index
    %swap3A_627 = tpu.vector_load %arg8[%swap3A_626] {strides = array<i32>} : memref<512xi32, #tpu.memory_space<vmem>>, vector<16xi32>,
    %swap3A_628 = vector.shape_cast %swap3A_627 : vector<16xi32> to vector<16xi32>
    %swap3A_629 = vector.shape_cast %add3A_625 : vector<16xi32> to vector<16xi32>
    tpu.vector_store %arg8[%swap3A_626], %swap3A_629 {strides = array<i32>} : memref<512xi32, #tpu.memory_space<vmem>>, vector<16xi32>,
    %get3A_630 = arith.constant 240 : index
    %get3A_631 = tpu.vector_load %arg8[%get3A_630] {strides = array<i32>} : memref<512xi32, #tpu.memory_space<vmem>>, vector<16xi32>,
    %get3A_632 = vector.shape_cast %get3A_631 : vector<16xi32> to vector<16xi32>
    %add3A_633 = arith.constant 240 : i32
    %add3A_634 = arith.addi %add3A_4, %add3A_633 : i32
    %jit3A_635 = arith.constant 2048 : i32
    %div3A_636 = arith.divsi %add3A_634, %jit3A_635 : i32
    %sign3A_637 = arith.constant 0 : i32
    %sign3A_638 = arith.cmpi sgt, %add3A_634, %sign3A_637 : i32
    %sign3A_639 = arith.extui %sign3A_638 : i1 to i32
    %sign3A_640 = arith.constant 0 : i32
    %sign3A_641 = arith.cmpi slt, %add3A_634, %sign3A_640 : i32
    %sign3A_642 = arith.extui %sign3A_641 : i1 to i32
    %sign3A_643 = arith.subi %sign3A_639, %sign3A_642 : i32
    %sign3A_644 = arith.constant 0 : i32
    %sign3A_645 = arith.cmpi sgt, %jit3A_635, %sign3A_644 : i32
    %sign3A_646 = arith.extui %sign3A_645 : i1 to i32
    %sign3A_647 = arith.constant 0 : i32
    %sign3A_648 = arith.cmpi slt, %jit3A_635, %sign3A_647 : i32
    %sign3A_649 = arith.extui %sign3A_648 : i1 to i32
    %sign3A_650 = arith.subi %sign3A_646, %sign3A_649 : i32
    %ne3A_651 = arith.cmpi ne, %sign3A_643, %sign3A_650 : i32
    %rem3A_652 = arith.remsi %add3A_634, %jit3A_635 : i32
    %ne3A_653 = arith.constant 0 : i32
    %ne3A_654 = arith.cmpi ne, %rem3A_652, %ne3A_653 : i32
    %and3A_655 = arith.andi %ne3A_651, %ne3A_654 : i1
    %sub3A_656 = arith.constant 1 : i32
    %sub3A_657 = arith.subi %div3A_636, %sub3A_656 : i32
    %select_n3A_658 = arith.select %and3A_655, %sub3A_657, %div3A_636 : i32
    %mul3A_659 = arith.constant 512 : i32
    %mul3A_660 = arith.muli %select_n3A_658, %mul3A_659 : i32
    %add3A_661 = vector.broadcast %mul3A_660 : i32 to vector<16xi32>
    %add3A_662 = arith.addi %get3A_632, %add3A_661 : vector<16xi32>
    %swap3A_663 = arith.constant 240 : index
    %swap3A_664 = tpu.vector_load %arg8[%swap3A_663] {strides = array<i32>} : memref<512xi32, #tpu.memory_space<vmem>>, vector<16xi32>,
    %swap3A_665 = vector.shape_cast %swap3A_664 : vector<16xi32> to vector<16xi32>
    %swap3A_666 = vector.shape_cast %add3A_662 : vector<16xi32> to vector<16xi32>
    tpu.vector_store %arg8[%swap3A_663], %swap3A_666 {strides = array<i32>} : memref<512xi32, #tpu.memory_space<vmem>>, vector<16xi32>,
    %dma_wait3A_667 = arith.constant 0 : i32
    %dma_wait3A_668 = arith.constant 0 : i32
    %dma_wait3A_669 = arith.constant 0 : i32
    %dma_wait3A_670 = tpu.memref_slice %arg9[%dma_wait3A_667, %dma_wait3A_668, %dma_wait3A_669] : memref<3x64x512xf32, #tpu.memory_space<vmem>> -> memref<1x64x512xf32, #tpu.memory_space<vmem>>
    %dma_wait3A_671 = tpu.memref_squeeze %dma_wait3A_670 : memref<1x64x512xf32, #tpu.memory_space<vmem>> -> memref<64x512xf32, #tpu.memory_space<vmem>>
    %dma_wait3A_672 = arith.constant 0 : i32
    %dma_wait3A_673 = tpu.memref_slice %arg4[%add3A_322, %dma_wait3A_672] : memref<16384x512xf32, #tpu.memory_space<hbm>> -> memref<64x512xf32, #tpu.memory_space<hbm>>
    %dma_wait3A_674 = arith.constant 0 : i32
    %dma_wait3A_675 = tpu.memref_slice %arg4[%add3A_322, %dma_wait3A_674] : memref<16384x512xf32, #tpu.memory_space<hbm>> -> memref<64x512xf32, #tpu.memory_space<hbm>>
    %dma_wait3A_676 = arith.constant 0 : i32
    %dma_wait3A_677 = arith.constant 0 : i32
    %dma_wait3A_678 = tpu.memref_slice %arg9[%dma_wait3A_667, %dma_wait3A_676, %dma_wait3A_677] : memref<3x64x512xf32, #tpu.memory_space<vmem>> -> memref<1x64x512xf32, #tpu.memory_space<vmem>>
    %dma_wait3A_679 = tpu.memref_squeeze %dma_wait3A_678 : memref<1x64x512xf32, #tpu.memory_space<vmem>> -> memref<64x512xf32, #tpu.memory_space<vmem>>
    tpu.wait_dma2 semaphore(%arg11 : memref<!tpu.dma_semaphore, #tpu.memory_space<semaphore_mem>>) src(%dma_wait3A_679 : memref<64x512xf32, #tpu.memory_space<vmem>>) dst(%dma_wait3A_675 : memref<64x512xf32, #tpu.memory_space<hbm>>)
    %dma_start3A_680 = arith.constant 0 : i32
    %dma_start3A_681 = arith.constant 0 : i32
    %dma_start3A_682 = arith.constant 0 : i32
    %dma_start3A_683 = tpu.memref_slice %arg9[%dma_start3A_680, %dma_start3A_681, %dma_start3A_682] : memref<3x64x512xf32, #tpu.memory_space<vmem>> -> memref<1x64x512xf32, #tpu.memory_space<vmem>>
    %dma_start3A_684 = tpu.memref_squeeze %dma_start3A_683 : memref<1x64x512xf32, #tpu.memory_space<vmem>> -> memref<64x512xf32, #tpu.memory_space<vmem>>
    %dma_start3A_685 = arith.constant 192 : i32
    %dma_start3A_686 = tpu.memref_slice %arg8[%dma_start3A_685] : memref<512xi32, #tpu.memory_space<vmem>> -> memref<64xi32, #tpu.memory_space<vmem>>
    %dma_start3A_687 = arith.constant 0 : i32
    %dma_start3A_688 = arith.constant 0 : i32
    %dma_start3A_689 = tpu.memref_slice %arg2[%dma_start3A_687, %dma_start3A_688] : memref<8192x512xf32, #tpu.memory_space<hbm>> -> memref<8192x512xf32, #tpu.memory_space<hbm>>
    tpu.enqueue_indirect_dma source(%dma_start3A_689 : memref<8192x512xf32, #tpu.memory_space<hbm>>) target(%dma_start3A_684 : memref<64x512xf32, #tpu.memory_space<vmem>>) offsets(%dma_start3A_686 : memref<64xi32, #tpu.memory_space<vmem>>) semaphore(%arg10 : memref<!tpu.dma_semaphore, #tpu.memory_space<semaphore_mem>>)
    %dma_wait3A_690 = arith.constant 2 : i32
    %dma_wait3A_691 = arith.constant 0 : i32
    %dma_wait3A_692 = arith.constant 0 : i32
    %dma_wait3A_693 = tpu.memref_slice %arg9[%dma_wait3A_690, %dma_wait3A_691, %dma_wait3A_692] : memref<3x64x512xf32, #tpu.memory_space<vmem>> -> memref<1x64x512xf32, #tpu.memory_space<vmem>>
    %dma_wait3A_694 = tpu.memref_squeeze %dma_wait3A_693 : memref<1x64x512xf32, #tpu.memory_space<vmem>> -> memref<64x512xf32, #tpu.memory_space<vmem>>
    %dma_wait3A_695 = arith.constant 128 : i32
    %dma_wait3A_696 = tpu.memref_slice %arg8[%dma_wait3A_695] : memref<512xi32, #tpu.memory_space<vmem>> -> memref<64xi32, #tpu.memory_space<vmem>>
    %dma_wait3A_697 = arith.constant 0 : i32
    %dma_wait3A_698 = arith.constant 0 : i32
    %dma_wait3A_699 = tpu.memref_slice %arg2[%dma_wait3A_697, %dma_wait3A_698] : memref<8192x512xf32, #tpu.memory_space<hbm>> -> memref<8192x512xf32, #tpu.memory_space<hbm>>
    tpu.wait_indirect_dma semaphore(%arg10 : memref<!tpu.dma_semaphore, #tpu.memory_space<semaphore_mem>>) src(%dma_wait3A_699 : memref<8192x512xf32, #tpu.memory_space<hbm>>) dst(%dma_wait3A_694 : memref<64x512xf32, #tpu.memory_space<vmem>>)
    %add3A_700 = arith.constant 128 : i32
    %add3A_701 = arith.addi %mul3A_6, %add3A_700 : i32
    %dma_start3A_702 = arith.constant 2 : i32
    %dma_start3A_703 = arith.constant 0 : i32
    %dma_start3A_704 = arith.constant 0 : i32
    %dma_start3A_705 = tpu.memref_slice %arg9[%dma_start3A_702, %dma_start3A_703, %dma_start3A_704] : memref<3x64x512xf32, #tpu.memory_space<vmem>> -> memref<1x64x512xf32, #tpu.memory_space<vmem>>
    %dma_start3A_706 = tpu.memref_squeeze %dma_start3A_705 : memref<1x64x512xf32, #tpu.memory_space<vmem>> -> memref<64x512xf32, #tpu.memory_space<vmem>>
    %dma_start3A_707 = arith.constant 0 : i32
    %dma_start3A_708 = tpu.memref_slice %arg4[%add3A_701, %dma_start3A_707] : memref<16384x512xf32, #tpu.memory_space<hbm>> -> memref<64x512xf32, #tpu.memory_space<hbm>>
    %dma_start3A_709 = arith.constant 0 : i32
    %dma_start3A_710 = tpu.memref_slice %arg4[%add3A_701, %dma_start3A_709] : memref<16384x512xf32, #tpu.memory_space<hbm>> -> memref<64x512xf32, #tpu.memory_space<hbm>>
    %dma_start3A_711 = arith.constant 0 : i32
    %dma_start3A_712 = arith.constant 0 : i32
    %dma_start3A_713 = tpu.memref_slice %arg9[%dma_start3A_702, %dma_start3A_711, %dma_start3A_712] : memref<3x64x512xf32, #tpu.memory_space<vmem>> -> memref<1x64x512xf32, #tpu.memory_space<vmem>>
    %dma_start3A_714 = tpu.memref_squeeze %dma_start3A_713 : memref<1x64x512xf32, #tpu.memory_space<vmem>> -> memref<64x512xf32, #tpu.memory_space<vmem>>
    tpu.enqueue_dma source(%dma_start3A_714 : memref<64x512xf32, #tpu.memory_space<vmem>>) target(%dma_start3A_710 : memref<64x512xf32, #tpu.memory_space<hbm>>) target_semaphore(%arg11 : memref<!tpu.dma_semaphore, #tpu.memory_space<semaphore_mem>>)
    %get3A_715 = arith.constant 256 : index
    %get3A_716 = tpu.vector_load %arg8[%get3A_715] {strides = array<i32>} : memref<512xi32, #tpu.memory_space<vmem>>, vector<16xi32>,
    %get3A_717 = vector.shape_cast %get3A_716 : vector<16xi32> to vector<16xi32>
    %add3A_718 = arith.constant 256 : i32
    %add3A_719 = arith.addi %add3A_4, %add3A_718 : i32
    %jit3A_720 = arith.constant 2048 : i32
    %div3A_721 = arith.divsi %add3A_719, %jit3A_720 : i32
    %sign3A_722 = arith.constant 0 : i32
    %sign3A_723 = arith.cmpi sgt, %add3A_719, %sign3A_722 : i32
    %sign3A_724 = arith.extui %sign3A_723 : i1 to i32
    %sign3A_725 = arith.constant 0 : i32
    %sign3A_726 = arith.cmpi slt, %add3A_719, %sign3A_725 : i32
    %sign3A_727 = arith.extui %sign3A_726 : i1 to i32
    %sign3A_728 = arith.subi %sign3A_724, %sign3A_727 : i32
    %sign3A_729 = arith.constant 0 : i32
    %sign3A_730 = arith.cmpi sgt, %jit3A_720, %sign3A_729 : i32
    %sign3A_731 = arith.extui %sign3A_730 : i1 to i32
    %sign3A_732 = arith.constant 0 : i32
    %sign3A_733 = arith.cmpi slt, %jit3A_720, %sign3A_732 : i32
    %sign3A_734 = arith.extui %sign3A_733 : i1 to i32
    %sign3A_735 = arith.subi %sign3A_731, %sign3A_734 : i32
    %ne3A_736 = arith.cmpi ne, %sign3A_728, %sign3A_735 : i32
    %rem3A_737 = arith.remsi %add3A_719, %jit3A_720 : i32
    %ne3A_738 = arith.constant 0 : i32
    %ne3A_739 = arith.cmpi ne, %rem3A_737, %ne3A_738 : i32
    %and3A_740 = arith.andi %ne3A_736, %ne3A_739 : i1
    %sub3A_741 = arith.constant 1 : i32
    %sub3A_742 = arith.subi %div3A_721, %sub3A_741 : i32
    %select_n3A_743 = arith.select %and3A_740, %sub3A_742, %div3A_721 : i32
    %mul3A_744 = arith.constant 512 : i32
    %mul3A_745 = arith.muli %select_n3A_743, %mul3A_744 : i32
    %add3A_746 = vector.broadcast %mul3A_745 : i32 to vector<16xi32>
    %add3A_747 = arith.addi %get3A_717, %add3A_746 : vector<16xi32>
    %swap3A_748 = arith.constant 256 : index
    %swap3A_749 = tpu.vector_load %arg8[%swap3A_748] {strides = array<i32>} : memref<512xi32, #tpu.memory_space<vmem>>, vector<16xi32>,
    %swap3A_750 = vector.shape_cast %swap3A_749 : vector<16xi32> to vector<16xi32>
    %swap3A_751 = vector.shape_cast %add3A_747 : vector<16xi32> to vector<16xi32>
    tpu.vector_store %arg8[%swap3A_748], %swap3A_751 {strides = array<i32>} : memref<512xi32, #tpu.memory_space<vmem>>, vector<16xi32>,
    %get3A_752 = arith.constant 272 : index
    %get3A_753 = tpu.vector_load %arg8[%get3A_752] {strides = array<i32>} : memref<512xi32, #tpu.memory_space<vmem>>, vector<16xi32>,
    %get3A_754 = vector.shape_cast %get3A_753 : vector<16xi32> to vector<16xi32>
    %add3A_755 = arith.constant 272 : i32
    %add3A_756 = arith.addi %add3A_4, %add3A_755 : i32
    %jit3A_757 = arith.constant 2048 : i32
    %div3A_758 = arith.divsi %add3A_756, %jit3A_757 : i32
    %sign3A_759 = arith.constant 0 : i32
    %sign3A_760 = arith.cmpi sgt, %add3A_756, %sign3A_759 : i32
    %sign3A_761 = arith.extui %sign3A_760 : i1 to i32
    %sign3A_762 = arith.constant 0 : i32
    %sign3A_763 = arith.cmpi slt, %add3A_756, %sign3A_762 : i32
    %sign3A_764 = arith.extui %sign3A_763 : i1 to i32
    %sign3A_765 = arith.subi %sign3A_761, %sign3A_764 : i32
    %sign3A_766 = arith.constant 0 : i32
    %sign3A_767 = arith.cmpi sgt, %jit3A_757, %sign3A_766 : i32
    %sign3A_768 = arith.extui %sign3A_767 : i1 to i32
    %sign3A_769 = arith.constant 0 : i32
    %sign3A_770 = arith.cmpi slt, %jit3A_757, %sign3A_769 : i32
    %sign3A_771 = arith.extui %sign3A_770 : i1 to i32
    %sign3A_772 = arith.subi %sign3A_768, %sign3A_771 : i32
    %ne3A_773 = arith.cmpi ne, %sign3A_765, %sign3A_772 : i32
    %rem3A_774 = arith.remsi %add3A_756, %jit3A_757 : i32
    %ne3A_775 = arith.constant 0 : i32
    %ne3A_776 = arith.cmpi ne, %rem3A_774, %ne3A_775 : i32
    %and3A_777 = arith.andi %ne3A_773, %ne3A_776 : i1
    %sub3A_778 = arith.constant 1 : i32
    %sub3A_779 = arith.subi %div3A_758, %sub3A_778 : i32
    %select_n3A_780 = arith.select %and3A_777, %sub3A_779, %div3A_758 : i32
    %mul3A_781 = arith.constant 512 : i32
    %mul3A_782 = arith.muli %select_n3A_780, %mul3A_781 : i32
    %add3A_783 = vector.broadcast %mul3A_782 : i32 to vector<16xi32>
    %add3A_784 = arith.addi %get3A_754, %add3A_783 : vector<16xi32>
    %swap3A_785 = arith.constant 272 : index
    %swap3A_786 = tpu.vector_load %arg8[%swap3A_785] {strides = array<i32>} : memref<512xi32, #tpu.memory_space<vmem>>, vector<16xi32>,
    %swap3A_787 = vector.shape_cast %swap3A_786 : vector<16xi32> to vector<16xi32>
    %swap3A_788 = vector.shape_cast %add3A_784 : vector<16xi32> to vector<16xi32>
    tpu.vector_store %arg8[%swap3A_785], %swap3A_788 {strides = array<i32>} : memref<512xi32, #tpu.memory_space<vmem>>, vector<16xi32>,
    %get3A_789 = arith.constant 288 : index
    %get3A_790 = tpu.vector_load %arg8[%get3A_789] {strides = array<i32>} : memref<512xi32, #tpu.memory_space<vmem>>, vector<16xi32>,
    %get3A_791 = vector.shape_cast %get3A_790 : vector<16xi32> to vector<16xi32>
    %add3A_792 = arith.constant 288 : i32
    %add3A_793 = arith.addi %add3A_4, %add3A_792 : i32
    %jit3A_794 = arith.constant 2048 : i32
    %div3A_795 = arith.divsi %add3A_793, %jit3A_794 : i32
    %sign3A_796 = arith.constant 0 : i32
    %sign3A_797 = arith.cmpi sgt, %add3A_793, %sign3A_796 : i32
    %sign3A_798 = arith.extui %sign3A_797 : i1 to i32
    %sign3A_799 = arith.constant 0 : i32
    %sign3A_800 = arith.cmpi slt, %add3A_793, %sign3A_799 : i32
    %sign3A_801 = arith.extui %sign3A_800 : i1 to i32
    %sign3A_802 = arith.subi %sign3A_798, %sign3A_801 : i32
    %sign3A_803 = arith.constant 0 : i32
    %sign3A_804 = arith.cmpi sgt, %jit3A_794, %sign3A_803 : i32
    %sign3A_805 = arith.extui %sign3A_804 : i1 to i32
    %sign3A_806 = arith.constant 0 : i32
    %sign3A_807 = arith.cmpi slt, %jit3A_794, %sign3A_806 : i32
    %sign3A_808 = arith.extui %sign3A_807 : i1 to i32
    %sign3A_809 = arith.subi %sign3A_805, %sign3A_808 : i32
    %ne3A_810 = arith.cmpi ne, %sign3A_802, %sign3A_809 : i32
    %rem3A_811 = arith.remsi %add3A_793, %jit3A_794 : i32
    %ne3A_812 = arith.constant 0 : i32
    %ne3A_813 = arith.cmpi ne, %rem3A_811, %ne3A_812 : i32
    %and3A_814 = arith.andi %ne3A_810, %ne3A_813 : i1
    %sub3A_815 = arith.constant 1 : i32
    %sub3A_816 = arith.subi %div3A_795, %sub3A_815 : i32
    %select_n3A_817 = arith.select %and3A_814, %sub3A_816, %div3A_795 : i32
    %mul3A_818 = arith.constant 512 : i32
    %mul3A_819 = arith.muli %select_n3A_817, %mul3A_818 : i32
    %add3A_820 = vector.broadcast %mul3A_819 : i32 to vector<16xi32>
    %add3A_821 = arith.addi %get3A_791, %add3A_820 : vector<16xi32>
    %swap3A_822 = arith.constant 288 : index
    %swap3A_823 = tpu.vector_load %arg8[%swap3A_822] {strides = array<i32>} : memref<512xi32, #tpu.memory_space<vmem>>, vector<16xi32>,
    %swap3A_824 = vector.shape_cast %swap3A_823 : vector<16xi32> to vector<16xi32>
    %swap3A_825 = vector.shape_cast %add3A_821 : vector<16xi32> to vector<16xi32>
    tpu.vector_store %arg8[%swap3A_822], %swap3A_825 {strides = array<i32>} : memref<512xi32, #tpu.memory_space<vmem>>, vector<16xi32>,
    %get3A_826 = arith.constant 304 : index
    %get3A_827 = tpu.vector_load %arg8[%get3A_826] {strides = array<i32>} : memref<512xi32, #tpu.memory_space<vmem>>, vector<16xi32>,
    %get3A_828 = vector.shape_cast %get3A_827 : vector<16xi32> to vector<16xi32>
    %add3A_829 = arith.constant 304 : i32
    %add3A_830 = arith.addi %add3A_4, %add3A_829 : i32
    %jit3A_831 = arith.constant 2048 : i32
    %div3A_832 = arith.divsi %add3A_830, %jit3A_831 : i32
    %sign3A_833 = arith.constant 0 : i32
    %sign3A_834 = arith.cmpi sgt, %add3A_830, %sign3A_833 : i32
    %sign3A_835 = arith.extui %sign3A_834 : i1 to i32
    %sign3A_836 = arith.constant 0 : i32
    %sign3A_837 = arith.cmpi slt, %add3A_830, %sign3A_836 : i32
    %sign3A_838 = arith.extui %sign3A_837 : i1 to i32
    %sign3A_839 = arith.subi %sign3A_835, %sign3A_838 : i32
    %sign3A_840 = arith.constant 0 : i32
    %sign3A_841 = arith.cmpi sgt, %jit3A_831, %sign3A_840 : i32
    %sign3A_842 = arith.extui %sign3A_841 : i1 to i32
    %sign3A_843 = arith.constant 0 : i32
    %sign3A_844 = arith.cmpi slt, %jit3A_831, %sign3A_843 : i32
    %sign3A_845 = arith.extui %sign3A_844 : i1 to i32
    %sign3A_846 = arith.subi %sign3A_842, %sign3A_845 : i32
    %ne3A_847 = arith.cmpi ne, %sign3A_839, %sign3A_846 : i32
    %rem3A_848 = arith.remsi %add3A_830, %jit3A_831 : i32
    %ne3A_849 = arith.constant 0 : i32
    %ne3A_850 = arith.cmpi ne, %rem3A_848, %ne3A_849 : i32
    %and3A_851 = arith.andi %ne3A_847, %ne3A_850 : i1
    %sub3A_852 = arith.constant 1 : i32
    %sub3A_853 = arith.subi %div3A_832, %sub3A_852 : i32
    %select_n3A_854 = arith.select %and3A_851, %sub3A_853, %div3A_832 : i32
    %mul3A_855 = arith.constant 512 : i32
    %mul3A_856 = arith.muli %select_n3A_854, %mul3A_855 : i32
    %add3A_857 = vector.broadcast %mul3A_856 : i32 to vector<16xi32>
    %add3A_858 = arith.addi %get3A_828, %add3A_857 : vector<16xi32>
    %swap3A_859 = arith.constant 304 : index
    %swap3A_860 = tpu.vector_load %arg8[%swap3A_859] {strides = array<i32>} : memref<512xi32, #tpu.memory_space<vmem>>, vector<16xi32>,
    %swap3A_861 = vector.shape_cast %swap3A_860 : vector<16xi32> to vector<16xi32>
    %swap3A_862 = vector.shape_cast %add3A_858 : vector<16xi32> to vector<16xi32>
    tpu.vector_store %arg8[%swap3A_859], %swap3A_862 {strides = array<i32>} : memref<512xi32, #tpu.memory_space<vmem>>, vector<16xi32>,
    %dma_wait3A_863 = arith.constant 1 : i32
    %dma_wait3A_864 = arith.constant 0 : i32
    %dma_wait3A_865 = arith.constant 0 : i32
    %dma_wait3A_866 = tpu.memref_slice %arg9[%dma_wait3A_863, %dma_wait3A_864, %dma_wait3A_865] : memref<3x64x512xf32, #tpu.memory_space<vmem>> -> memref<1x64x512xf32, #tpu.memory_space<vmem>>
    %dma_wait3A_867 = tpu.memref_squeeze %dma_wait3A_866 : memref<1x64x512xf32, #tpu.memory_space<vmem>> -> memref<64x512xf32, #tpu.memory_space<vmem>>
    %dma_wait3A_868 = arith.constant 0 : i32
    %dma_wait3A_869 = tpu.memref_slice %arg4[%add3A_505, %dma_wait3A_868] : memref<16384x512xf32, #tpu.memory_space<hbm>> -> memref<64x512xf32, #tpu.memory_space<hbm>>
    %dma_wait3A_870 = arith.constant 0 : i32
    %dma_wait3A_871 = tpu.memref_slice %arg4[%add3A_505, %dma_wait3A_870] : memref<16384x512xf32, #tpu.memory_space<hbm>> -> memref<64x512xf32, #tpu.memory_space<hbm>>
    %dma_wait3A_872 = arith.constant 0 : i32
    %dma_wait3A_873 = arith.constant 0 : i32
    %dma_wait3A_874 = tpu.memref_slice %arg9[%dma_wait3A_863, %dma_wait3A_872, %dma_wait3A_873] : memref<3x64x512xf32, #tpu.memory_space<vmem>> -> memref<1x64x512xf32, #tpu.memory_space<vmem>>
    %dma_wait3A_875 = tpu.memref_squeeze %dma_wait3A_874 : memref<1x64x512xf32, #tpu.memory_space<vmem>> -> memref<64x512xf32, #tpu.memory_space<vmem>>
    tpu.wait_dma2 semaphore(%arg11 : memref<!tpu.dma_semaphore, #tpu.memory_space<semaphore_mem>>) src(%dma_wait3A_875 : memref<64x512xf32, #tpu.memory_space<vmem>>) dst(%dma_wait3A_871 : memref<64x512xf32, #tpu.memory_space<hbm>>)
    %dma_start3A_876 = arith.constant 1 : i32
    %dma_start3A_877 = arith.constant 0 : i32
    %dma_start3A_878 = arith.constant 0 : i32
    %dma_start3A_879 = tpu.memref_slice %arg9[%dma_start3A_876, %dma_start3A_877, %dma_start3A_878] : memref<3x64x512xf32, #tpu.memory_space<vmem>> -> memref<1x64x512xf32, #tpu.memory_space<vmem>>
    %dma_start3A_880 = tpu.memref_squeeze %dma_start3A_879 : memref<1x64x512xf32, #tpu.memory_space<vmem>> -> memref<64x512xf32, #tpu.memory_space<vmem>>
    %dma_start3A_881 = arith.constant 256 : i32
    %dma_start3A_882 = tpu.memref_slice %arg8[%dma_start3A_881] : memref<512xi32, #tpu.memory_space<vmem>> -> memref<64xi32, #tpu.memory_space<vmem>>
    %dma_start3A_883 = arith.constant 0 : i32
    %dma_start3A_884 = arith.constant 0 : i32
    %dma_start3A_885 = tpu.memref_slice %arg2[%dma_start3A_883, %dma_start3A_884] : memref<8192x512xf32, #tpu.memory_space<hbm>> -> memref<8192x512xf32, #tpu.memory_space<hbm>>
    tpu.enqueue_indirect_dma source(%dma_start3A_885 : memref<8192x512xf32, #tpu.memory_space<hbm>>) target(%dma_start3A_880 : memref<64x512xf32, #tpu.memory_space<vmem>>) offsets(%dma_start3A_882 : memref<64xi32, #tpu.memory_space<vmem>>) semaphore(%arg10 : memref<!tpu.dma_semaphore, #tpu.memory_space<semaphore_mem>>)
    %dma_wait3A_886 = arith.constant 0 : i32
    %dma_wait3A_887 = arith.constant 0 : i32
    %dma_wait3A_888 = arith.constant 0 : i32
    %dma_wait3A_889 = tpu.memref_slice %arg9[%dma_wait3A_886, %dma_wait3A_887, %dma_wait3A_888] : memref<3x64x512xf32, #tpu.memory_space<vmem>> -> memref<1x64x512xf32, #tpu.memory_space<vmem>>
    %dma_wait3A_890 = tpu.memref_squeeze %dma_wait3A_889 : memref<1x64x512xf32, #tpu.memory_space<vmem>> -> memref<64x512xf32, #tpu.memory_space<vmem>>
    %dma_wait3A_891 = arith.constant 192 : i32
    %dma_wait3A_892 = tpu.memref_slice %arg8[%dma_wait3A_891] : memref<512xi32, #tpu.memory_space<vmem>> -> memref<64xi32, #tpu.memory_space<vmem>>
    %dma_wait3A_893 = arith.constant 0 : i32
    %dma_wait3A_894 = arith.constant 0 : i32
    %dma_wait3A_895 = tpu.memref_slice %arg2[%dma_wait3A_893, %dma_wait3A_894] : memref<8192x512xf32, #tpu.memory_space<hbm>> -> memref<8192x512xf32, #tpu.memory_space<hbm>>
    tpu.wait_indirect_dma semaphore(%arg10 : memref<!tpu.dma_semaphore, #tpu.memory_space<semaphore_mem>>) src(%dma_wait3A_895 : memref<8192x512xf32, #tpu.memory_space<hbm>>) dst(%dma_wait3A_890 : memref<64x512xf32, #tpu.memory_space<vmem>>)
    %add3A_896 = arith.constant 192 : i32
    %add3A_897 = arith.addi %mul3A_6, %add3A_896 : i32
    %dma_start3A_898 = arith.constant 0 : i32
    %dma_start3A_899 = arith.constant 0 : i32
    %dma_start3A_900 = arith.constant 0 : i32
    %dma_start3A_901 = tpu.memref_slice %arg9[%dma_start3A_898, %dma_start3A_899, %dma_start3A_900] : memref<3x64x512xf32, #tpu.memory_space<vmem>> -> memref<1x64x512xf32, #tpu.memory_space<vmem>>
    %dma_start3A_902 = tpu.memref_squeeze %dma_start3A_901 : memref<1x64x512xf32, #tpu.memory_space<vmem>> -> memref<64x512xf32, #tpu.memory_space<vmem>>
    %dma_start3A_903 = arith.constant 0 : i32
    %dma_start3A_904 = tpu.memref_slice %arg4[%add3A_897, %dma_start3A_903] : memref<16384x512xf32, #tpu.memory_space<hbm>> -> memref<64x512xf32, #tpu.memory_space<hbm>>
    %dma_start3A_905 = arith.constant 0 : i32
    %dma_start3A_906 = tpu.memref_slice %arg4[%add3A_897, %dma_start3A_905] : memref<16384x512xf32, #tpu.memory_space<hbm>> -> memref<64x512xf32, #tpu.memory_space<hbm>>
    %dma_start3A_907 = arith.constant 0 : i32
    %dma_start3A_908 = arith.constant 0 : i32
    %dma_start3A_909 = tpu.memref_slice %arg9[%dma_start3A_898, %dma_start3A_907, %dma_start3A_908] : memref<3x64x512xf32, #tpu.memory_space<vmem>> -> memref<1x64x512xf32, #tpu.memory_space<vmem>>
    %dma_start3A_910 = tpu.memref_squeeze %dma_start3A_909 : memref<1x64x512xf32, #tpu.memory_space<vmem>> -> memref<64x512xf32, #tpu.memory_space<vmem>>
    tpu.enqueue_dma source(%dma_start3A_910 : memref<64x512xf32, #tpu.memory_space<vmem>>) target(%dma_start3A_906 : memref<64x512xf32, #tpu.memory_space<hbm>>) target_semaphore(%arg11 : memref<!tpu.dma_semaphore, #tpu.memory_space<semaphore_mem>>)
    %get3A_911 = arith.constant 320 : index
    %get3A_912 = tpu.vector_load %arg8[%get3A_911] {strides = array<i32>} : memref<512xi32, #tpu.memory_space<vmem>>, vector<16xi32>,
    %get3A_913 = vector.shape_cast %get3A_912 : vector<16xi32> to vector<16xi32>
    %add3A_914 = arith.constant 320 : i32
    %add3A_915 = arith.addi %add3A_4, %add3A_914 : i32
    %jit3A_916 = arith.constant 2048 : i32
    %div3A_917 = arith.divsi %add3A_915, %jit3A_916 : i32
    %sign3A_918 = arith.constant 0 : i32
    %sign3A_919 = arith.cmpi sgt, %add3A_915, %sign3A_918 : i32
    %sign3A_920 = arith.extui %sign3A_919 : i1 to i32
    %sign3A_921 = arith.constant 0 : i32
    %sign3A_922 = arith.cmpi slt, %add3A_915, %sign3A_921 : i32
    %sign3A_923 = arith.extui %sign3A_922 : i1 to i32
    %sign3A_924 = arith.subi %sign3A_920, %sign3A_923 : i32
    %sign3A_925 = arith.constant 0 : i32
    %sign3A_926 = arith.cmpi sgt, %jit3A_916, %sign3A_925 : i32
    %sign3A_927 = arith.extui %sign3A_926 : i1 to i32
    %sign3A_928 = arith.constant 0 : i32
    %sign3A_929 = arith.cmpi slt, %jit3A_916, %sign3A_928 : i32
    %sign3A_930 = arith.extui %sign3A_929 : i1 to i32
    %sign3A_931 = arith.subi %sign3A_927, %sign3A_930 : i32
    %ne3A_932 = arith.cmpi ne, %sign3A_924, %sign3A_931 : i32
    %rem3A_933 = arith.remsi %add3A_915, %jit3A_916 : i32
    %ne3A_934 = arith.constant 0 : i32
    %ne3A_935 = arith.cmpi ne, %rem3A_933, %ne3A_934 : i32
    %and3A_936 = arith.andi %ne3A_932, %ne3A_935 : i1
    %sub3A_937 = arith.constant 1 : i32
    %sub3A_938 = arith.subi %div3A_917, %sub3A_937 : i32
    %select_n3A_939 = arith.select %and3A_936, %sub3A_938, %div3A_917 : i32
    %mul3A_940 = arith.constant 512 : i32
    %mul3A_941 = arith.muli %select_n3A_939, %mul3A_940 : i32
    %add3A_942 = vector.broadcast %mul3A_941 : i32 to vector<16xi32>
    %add3A_943 = arith.addi %get3A_913, %add3A_942 : vector<16xi32>
    %swap3A_944 = arith.constant 320 : index
    %swap3A_945 = tpu.vector_load %arg8[%swap3A_944] {strides = array<i32>} : memref<512xi32, #tpu.memory_space<vmem>>, vector<16xi32>,
    %swap3A_946 = vector.shape_cast %swap3A_945 : vector<16xi32> to vector<16xi32>
    %swap3A_947 = vector.shape_cast %add3A_943 : vector<16xi32> to vector<16xi32>
    tpu.vector_store %arg8[%swap3A_944], %swap3A_947 {strides = array<i32>} : memref<512xi32, #tpu.memory_space<vmem>>, vector<16xi32>,
    %get3A_948 = arith.constant 336 : index
    %get3A_949 = tpu.vector_load %arg8[%get3A_948] {strides = array<i32>} : memref<512xi32, #tpu.memory_space<vmem>>, vector<16xi32>,
    %get3A_950 = vector.shape_cast %get3A_949 : vector<16xi32> to vector<16xi32>
    %add3A_951 = arith.constant 336 : i32
    %add3A_952 = arith.addi %add3A_4, %add3A_951 : i32
    %jit3A_953 = arith.constant 2048 : i32
    %div3A_954 = arith.divsi %add3A_952, %jit3A_953 : i32
    %sign3A_955 = arith.constant 0 : i32
    %sign3A_956 = arith.cmpi sgt, %add3A_952, %sign3A_955 : i32
    %sign3A_957 = arith.extui %sign3A_956 : i1 to i32
    %sign3A_958 = arith.constant 0 : i32
    %sign3A_959 = arith.cmpi slt, %add3A_952, %sign3A_958 : i32
    %sign3A_960 = arith.extui %sign3A_959 : i1 to i32
    %sign3A_961 = arith.subi %sign3A_957, %sign3A_960 : i32
    %sign3A_962 = arith.constant 0 : i32
    %sign3A_963 = arith.cmpi sgt, %jit3A_953, %sign3A_962 : i32
    %sign3A_964 = arith.extui %sign3A_963 : i1 to i32
    %sign3A_965 = arith.constant 0 : i32
    %sign3A_966 = arith.cmpi slt, %jit3A_953, %sign3A_965 : i32
    %sign3A_967 = arith.extui %sign3A_966 : i1 to i32
    %sign3A_968 = arith.subi %sign3A_964, %sign3A_967 : i32
    %ne3A_969 = arith.cmpi ne, %sign3A_961, %sign3A_968 : i32
    %rem3A_970 = arith.remsi %add3A_952, %jit3A_953 : i32
    %ne3A_971 = arith.constant 0 : i32
    %ne3A_972 = arith.cmpi ne, %rem3A_970, %ne3A_971 : i32
    %and3A_973 = arith.andi %ne3A_969, %ne3A_972 : i1
    %sub3A_974 = arith.constant 1 : i32
    %sub3A_975 = arith.subi %div3A_954, %sub3A_974 : i32
    %select_n3A_976 = arith.select %and3A_973, %sub3A_975, %div3A_954 : i32
    %mul3A_977 = arith.constant 512 : i32
    %mul3A_978 = arith.muli %select_n3A_976, %mul3A_977 : i32
    %add3A_979 = vector.broadcast %mul3A_978 : i32 to vector<16xi32>
    %add3A_980 = arith.addi %get3A_950, %add3A_979 : vector<16xi32>
    %swap3A_981 = arith.constant 336 : index
    %swap3A_982 = tpu.vector_load %arg8[%swap3A_981] {strides = array<i32>} : memref<512xi32, #tpu.memory_space<vmem>>, vector<16xi32>,
    %swap3A_983 = vector.shape_cast %swap3A_982 : vector<16xi32> to vector<16xi32>
    %swap3A_984 = vector.shape_cast %add3A_980 : vector<16xi32> to vector<16xi32>
    tpu.vector_store %arg8[%swap3A_981], %swap3A_984 {strides = array<i32>} : memref<512xi32, #tpu.memory_space<vmem>>, vector<16xi32>,
    %get3A_985 = arith.constant 352 : index
    %get3A_986 = tpu.vector_load %arg8[%get3A_985] {strides = array<i32>} : memref<512xi32, #tpu.memory_space<vmem>>, vector<16xi32>,
    %get3A_987 = vector.shape_cast %get3A_986 : vector<16xi32> to vector<16xi32>
    %add3A_988 = arith.constant 352 : i32
    %add3A_989 = arith.addi %add3A_4, %add3A_988 : i32
    %jit3A_990 = arith.constant 2048 : i32
    %div3A_991 = arith.divsi %add3A_989, %jit3A_990 : i32
    %sign3A_992 = arith.constant 0 : i32
    %sign3A_993 = arith.cmpi sgt, %add3A_989, %sign3A_992 : i32
    %sign3A_994 = arith.extui %sign3A_993 : i1 to i32
    %sign3A_995 = arith.constant 0 : i32
    %sign3A_996 = arith.cmpi slt, %add3A_989, %sign3A_995 : i32
    %sign3A_997 = arith.extui %sign3A_996 : i1 to i32
    %sign3A_998 = arith.subi %sign3A_994, %sign3A_997 : i32
    %sign3A_999 = arith.constant 0 : i32
    %sign3A_1000 = arith.cmpi sgt, %jit3A_990, %sign3A_999 : i32
    %sign3A_1001 = arith.extui %sign3A_1000 : i1 to i32
    %sign3A_1002 = arith.constant 0 : i32
    %sign3A_1003 = arith.cmpi slt, %jit3A_990, %sign3A_1002 : i32
    %sign3A_1004 = arith.extui %sign3A_1003 : i1 to i32
    %sign3A_1005 = arith.subi %sign3A_1001, %sign3A_1004 : i32
    %ne3A_1006 = arith.cmpi ne, %sign3A_998, %sign3A_1005 : i32
    %rem3A_1007 = arith.remsi %add3A_989, %jit3A_990 : i32
    %ne3A_1008 = arith.constant 0 : i32
    %ne3A_1009 = arith.cmpi ne, %rem3A_1007, %ne3A_1008 : i32
    %and3A_1010 = arith.andi %ne3A_1006, %ne3A_1009 : i1
    %sub3A_1011 = arith.constant 1 : i32
    %sub3A_1012 = arith.subi %div3A_991, %sub3A_1011 : i32
    %select_n3A_1013 = arith.select %and3A_1010, %sub3A_1012, %div3A_991 : i32
    %mul3A_1014 = arith.constant 512 : i32
    %mul3A_1015 = arith.muli %select_n3A_1013, %mul3A_1014 : i32
    %add3A_1016 = vector.broadcast %mul3A_1015 : i32 to vector<16xi32>
    %add3A_1017 = arith.addi %get3A_987, %add3A_1016 : vector<16xi32>
    %swap3A_1018 = arith.constant 352 : index
    %swap3A_1019 = tpu.vector_load %arg8[%swap3A_1018] {strides = array<i32>} : memref<512xi32, #tpu.memory_space<vmem>>, vector<16xi32>,
    %swap3A_1020 = vector.shape_cast %swap3A_1019 : vector<16xi32> to vector<16xi32>
    %swap3A_1021 = vector.shape_cast %add3A_1017 : vector<16xi32> to vector<16xi32>
    tpu.vector_store %arg8[%swap3A_1018], %swap3A_1021 {strides = array<i32>} : memref<512xi32, #tpu.memory_space<vmem>>, vector<16xi32>,
    %get3A_1022 = arith.constant 368 : index
    %get3A_1023 = tpu.vector_load %arg8[%get3A_1022] {strides = array<i32>} : memref<512xi32, #tpu.memory_space<vmem>>, vector<16xi32>,
    %get3A_1024 = vector.shape_cast %get3A_1023 : vector<16xi32> to vector<16xi32>
    %add3A_1025 = arith.constant 368 : i32
    %add3A_1026 = arith.addi %add3A_4, %add3A_1025 : i32
    %jit3A_1027 = arith.constant 2048 : i32
    %div3A_1028 = arith.divsi %add3A_1026, %jit3A_1027 : i32
    %sign3A_1029 = arith.constant 0 : i32
    %sign3A_1030 = arith.cmpi sgt, %add3A_1026, %sign3A_1029 : i32
    %sign3A_1031 = arith.extui %sign3A_1030 : i1 to i32
    %sign3A_1032 = arith.constant 0 : i32
    %sign3A_1033 = arith.cmpi slt, %add3A_1026, %sign3A_1032 : i32
    %sign3A_1034 = arith.extui %sign3A_1033 : i1 to i32
    %sign3A_1035 = arith.subi %sign3A_1031, %sign3A_1034 : i32
    %sign3A_1036 = arith.constant 0 : i32
    %sign3A_1037 = arith.cmpi sgt, %jit3A_1027, %sign3A_1036 : i32
    %sign3A_1038 = arith.extui %sign3A_1037 : i1 to i32
    %sign3A_1039 = arith.constant 0 : i32
    %sign3A_1040 = arith.cmpi slt, %jit3A_1027, %sign3A_1039 : i32
    %sign3A_1041 = arith.extui %sign3A_1040 : i1 to i32
    %sign3A_1042 = arith.subi %sign3A_1038, %sign3A_1041 : i32
    %ne3A_1043 = arith.cmpi ne, %sign3A_1035, %sign3A_1042 : i32
    %rem3A_1044 = arith.remsi %add3A_1026, %jit3A_1027 : i32
    %ne3A_1045 = arith.constant 0 : i32
    %ne3A_1046 = arith.cmpi ne, %rem3A_1044, %ne3A_1045 : i32
    %and3A_1047 = arith.andi %ne3A_1043, %ne3A_1046 : i1
    %sub3A_1048 = arith.constant 1 : i32
    %sub3A_1049 = arith.subi %div3A_1028, %sub3A_1048 : i32
    %select_n3A_1050 = arith.select %and3A_1047, %sub3A_1049, %div3A_1028 : i32
    %mul3A_1051 = arith.constant 512 : i32
    %mul3A_1052 = arith.muli %select_n3A_1050, %mul3A_1051 : i32
    %add3A_1053 = vector.broadcast %mul3A_1052 : i32 to vector<16xi32>
    %add3A_1054 = arith.addi %get3A_1024, %add3A_1053 : vector<16xi32>
    %swap3A_1055 = arith.constant 368 : index
    %swap3A_1056 = tpu.vector_load %arg8[%swap3A_1055] {strides = array<i32>} : memref<512xi32, #tpu.memory_space<vmem>>, vector<16xi32>,
    %swap3A_1057 = vector.shape_cast %swap3A_1056 : vector<16xi32> to vector<16xi32>
    %swap3A_1058 = vector.shape_cast %add3A_1054 : vector<16xi32> to vector<16xi32>
    tpu.vector_store %arg8[%swap3A_1055], %swap3A_1058 {strides = array<i32>} : memref<512xi32, #tpu.memory_space<vmem>>, vector<16xi32>,
    %dma_wait3A_1059 = arith.constant 2 : i32
    %dma_wait3A_1060 = arith.constant 0 : i32
    %dma_wait3A_1061 = arith.constant 0 : i32
    %dma_wait3A_1062 = tpu.memref_slice %arg9[%dma_wait3A_1059, %dma_wait3A_1060, %dma_wait3A_1061] : memref<3x64x512xf32, #tpu.memory_space<vmem>> -> memref<1x64x512xf32, #tpu.memory_space<vmem>>
    %dma_wait3A_1063 = tpu.memref_squeeze %dma_wait3A_1062 : memref<1x64x512xf32, #tpu.memory_space<vmem>> -> memref<64x512xf32, #tpu.memory_space<vmem>>
    %dma_wait3A_1064 = arith.constant 0 : i32
    %dma_wait3A_1065 = tpu.memref_slice %arg4[%add3A_701, %dma_wait3A_1064] : memref<16384x512xf32, #tpu.memory_space<hbm>> -> memref<64x512xf32, #tpu.memory_space<hbm>>
    %dma_wait3A_1066 = arith.constant 0 : i32
    %dma_wait3A_1067 = tpu.memref_slice %arg4[%add3A_701, %dma_wait3A_1066] : memref<16384x512xf32, #tpu.memory_space<hbm>> -> memref<64x512xf32, #tpu.memory_space<hbm>>
    %dma_wait3A_1068 = arith.constant 0 : i32
    %dma_wait3A_1069 = arith.constant 0 : i32
    %dma_wait3A_1070 = tpu.memref_slice %arg9[%dma_wait3A_1059, %dma_wait3A_1068, %dma_wait3A_1069] : memref<3x64x512xf32, #tpu.memory_space<vmem>> -> memref<1x64x512xf32, #tpu.memory_space<vmem>>
    %dma_wait3A_1071 = tpu.memref_squeeze %dma_wait3A_1070 : memref<1x64x512xf32, #tpu.memory_space<vmem>> -> memref<64x512xf32, #tpu.memory_space<vmem>>
    tpu.wait_dma2 semaphore(%arg11 : memref<!tpu.dma_semaphore, #tpu.memory_space<semaphore_mem>>) src(%dma_wait3A_1071 : memref<64x512xf32, #tpu.memory_space<vmem>>) dst(%dma_wait3A_1067 : memref<64x512xf32, #tpu.memory_space<hbm>>)
    %dma_start3A_1072 = arith.constant 2 : i32
    %dma_start3A_1073 = arith.constant 0 : i32
    %dma_start3A_1074 = arith.constant 0 : i32
    %dma_start3A_1075 = tpu.memref_slice %arg9[%dma_start3A_1072, %dma_start3A_1073, %dma_start3A_1074] : memref<3x64x512xf32, #tpu.memory_space<vmem>> -> memref<1x64x512xf32, #tpu.memory_space<vmem>>
    %dma_start3A_1076 = tpu.memref_squeeze %dma_start3A_1075 : memref<1x64x512xf32, #tpu.memory_space<vmem>> -> memref<64x512xf32, #tpu.memory_space<vmem>>
    %dma_start3A_1077 = arith.constant 320 : i32
    %dma_start3A_1078 = tpu.memref_slice %arg8[%dma_start3A_1077] : memref<512xi32, #tpu.memory_space<vmem>> -> memref<64xi32, #tpu.memory_space<vmem>>
    %dma_start3A_1079 = arith.constant 0 : i32
    %dma_start3A_1080 = arith.constant 0 : i32
    %dma_start3A_1081 = tpu.memref_slice %arg2[%dma_start3A_1079, %dma_start3A_1080] : memref<8192x512xf32, #tpu.memory_space<hbm>> -> memref<8192x512xf32, #tpu.memory_space<hbm>>
    tpu.enqueue_indirect_dma source(%dma_start3A_1081 : memref<8192x512xf32, #tpu.memory_space<hbm>>) target(%dma_start3A_1076 : memref<64x512xf32, #tpu.memory_space<vmem>>) offsets(%dma_start3A_1078 : memref<64xi32, #tpu.memory_space<vmem>>) semaphore(%arg10 : memref<!tpu.dma_semaphore, #tpu.memory_space<semaphore_mem>>)
    %dma_wait3A_1082 = arith.constant 1 : i32
    %dma_wait3A_1083 = arith.constant 0 : i32
    %dma_wait3A_1084 = arith.constant 0 : i32
    %dma_wait3A_1085 = tpu.memref_slice %arg9[%dma_wait3A_1082, %dma_wait3A_1083, %dma_wait3A_1084] : memref<3x64x512xf32, #tpu.memory_space<vmem>> -> memref<1x64x512xf32, #tpu.memory_space<vmem>>
    %dma_wait3A_1086 = tpu.memref_squeeze %dma_wait3A_1085 : memref<1x64x512xf32, #tpu.memory_space<vmem>> -> memref<64x512xf32, #tpu.memory_space<vmem>>
    %dma_wait3A_1087 = arith.constant 256 : i32
    %dma_wait3A_1088 = tpu.memref_slice %arg8[%dma_wait3A_1087] : memref<512xi32, #tpu.memory_space<vmem>> -> memref<64xi32, #tpu.memory_space<vmem>>
    %dma_wait3A_1089 = arith.constant 0 : i32
    %dma_wait3A_1090 = arith.constant 0 : i32
    %dma_wait3A_1091 = tpu.memref_slice %arg2[%dma_wait3A_1089, %dma_wait3A_1090] : memref<8192x512xf32, #tpu.memory_space<hbm>> -> memref<8192x512xf32, #tpu.memory_space<hbm>>
    tpu.wait_indirect_dma semaphore(%arg10 : memref<!tpu.dma_semaphore, #tpu.memory_space<semaphore_mem>>) src(%dma_wait3A_1091 : memref<8192x512xf32, #tpu.memory_space<hbm>>) dst(%dma_wait3A_1086 : memref<64x512xf32, #tpu.memory_space<vmem>>)
    %add3A_1092 = arith.constant 256 : i32
    %add3A_1093 = arith.addi %mul3A_6, %add3A_1092 : i32
    %dma_start3A_1094 = arith.constant 1 : i32
    %dma_start3A_1095 = arith.constant 0 : i32
    %dma_start3A_1096 = arith.constant 0 : i32
    %dma_start3A_1097 = tpu.memref_slice %arg9[%dma_start3A_1094, %dma_start3A_1095, %dma_start3A_1096] : memref<3x64x512xf32, #tpu.memory_space<vmem>> -> memref<1x64x512xf32, #tpu.memory_space<vmem>>
    %dma_start3A_1098 = tpu.memref_squeeze %dma_start3A_1097 : memref<1x64x512xf32, #tpu.memory_space<vmem>> -> memref<64x512xf32, #tpu.memory_space<vmem>>
    %dma_start3A_1099 = arith.constant 0 : i32
    %dma_start3A_1100 = tpu.memref_slice %arg4[%add3A_1093, %dma_start3A_1099] : memref<16384x512xf32, #tpu.memory_space<hbm>> -> memref<64x512xf32, #tpu.memory_space<hbm>>
    %dma_start3A_1101 = arith.constant 0 : i32
    %dma_start3A_1102 = tpu.memref_slice %arg4[%add3A_1093, %dma_start3A_1101] : memref<16384x512xf32, #tpu.memory_space<hbm>> -> memref<64x512xf32, #tpu.memory_space<hbm>>
    %dma_start3A_1103 = arith.constant 0 : i32
    %dma_start3A_1104 = arith.constant 0 : i32
    %dma_start3A_1105 = tpu.memref_slice %arg9[%dma_start3A_1094, %dma_start3A_1103, %dma_start3A_1104] : memref<3x64x512xf32, #tpu.memory_space<vmem>> -> memref<1x64x512xf32, #tpu.memory_space<vmem>>
    %dma_start3A_1106 = tpu.memref_squeeze %dma_start3A_1105 : memref<1x64x512xf32, #tpu.memory_space<vmem>> -> memref<64x512xf32, #tpu.memory_space<vmem>>
    tpu.enqueue_dma source(%dma_start3A_1106 : memref<64x512xf32, #tpu.memory_space<vmem>>) target(%dma_start3A_1102 : memref<64x512xf32, #tpu.memory_space<hbm>>) target_semaphore(%arg11 : memref<!tpu.dma_semaphore, #tpu.memory_space<semaphore_mem>>)
    %get3A_1107 = arith.constant 384 : index
    %get3A_1108 = tpu.vector_load %arg8[%get3A_1107] {strides = array<i32>} : memref<512xi32, #tpu.memory_space<vmem>>, vector<16xi32>,
    %get3A_1109 = vector.shape_cast %get3A_1108 : vector<16xi32> to vector<16xi32>
    %add3A_1110 = arith.constant 384 : i32
    %add3A_1111 = arith.addi %add3A_4, %add3A_1110 : i32
    %jit3A_1112 = arith.constant 2048 : i32
    %div3A_1113 = arith.divsi %add3A_1111, %jit3A_1112 : i32
    %sign3A_1114 = arith.constant 0 : i32
    %sign3A_1115 = arith.cmpi sgt, %add3A_1111, %sign3A_1114 : i32
    %sign3A_1116 = arith.extui %sign3A_1115 : i1 to i32
    %sign3A_1117 = arith.constant 0 : i32
    %sign3A_1118 = arith.cmpi slt, %add3A_1111, %sign3A_1117 : i32
    %sign3A_1119 = arith.extui %sign3A_1118 : i1 to i32
    %sign3A_1120 = arith.subi %sign3A_1116, %sign3A_1119 : i32
    %sign3A_1121 = arith.constant 0 : i32
    %sign3A_1122 = arith.cmpi sgt, %jit3A_1112, %sign3A_1121 : i32
    %sign3A_1123 = arith.extui %sign3A_1122 : i1 to i32
    %sign3A_1124 = arith.constant 0 : i32
    %sign3A_1125 = arith.cmpi slt, %jit3A_1112, %sign3A_1124 : i32
    %sign3A_1126 = arith.extui %sign3A_1125 : i1 to i32
    %sign3A_1127 = arith.subi %sign3A_1123, %sign3A_1126 : i32
    %ne3A_1128 = arith.cmpi ne, %sign3A_1120, %sign3A_1127 : i32
    %rem3A_1129 = arith.remsi %add3A_1111, %jit3A_1112 : i32
    %ne3A_1130 = arith.constant 0 : i32
    %ne3A_1131 = arith.cmpi ne, %rem3A_1129, %ne3A_1130 : i32
    %and3A_1132 = arith.andi %ne3A_1128, %ne3A_1131 : i1
    %sub3A_1133 = arith.constant 1 : i32
    %sub3A_1134 = arith.subi %div3A_1113, %sub3A_1133 : i32
    %select_n3A_1135 = arith.select %and3A_1132, %sub3A_1134, %div3A_1113 : i32
    %mul3A_1136 = arith.constant 512 : i32
    %mul3A_1137 = arith.muli %select_n3A_1135, %mul3A_1136 : i32
    %add3A_1138 = vector.broadcast %mul3A_1137 : i32 to vector<16xi32>
    %add3A_1139 = arith.addi %get3A_1109, %add3A_1138 : vector<16xi32>
    %swap3A_1140 = arith.constant 384 : index
    %swap3A_1141 = tpu.vector_load %arg8[%swap3A_1140] {strides = array<i32>} : memref<512xi32, #tpu.memory_space<vmem>>, vector<16xi32>,
    %swap3A_1142 = vector.shape_cast %swap3A_1141 : vector<16xi32> to vector<16xi32>
    %swap3A_1143 = vector.shape_cast %add3A_1139 : vector<16xi32> to vector<16xi32>
    tpu.vector_store %arg8[%swap3A_1140], %swap3A_1143 {strides = array<i32>} : memref<512xi32, #tpu.memory_space<vmem>>, vector<16xi32>,
    %get3A_1144 = arith.constant 400 : index
    %get3A_1145 = tpu.vector_load %arg8[%get3A_1144] {strides = array<i32>} : memref<512xi32, #tpu.memory_space<vmem>>, vector<16xi32>,
    %get3A_1146 = vector.shape_cast %get3A_1145 : vector<16xi32> to vector<16xi32>
    %add3A_1147 = arith.constant 400 : i32
    %add3A_1148 = arith.addi %add3A_4, %add3A_1147 : i32
    %jit3A_1149 = arith.constant 2048 : i32
    %div3A_1150 = arith.divsi %add3A_1148, %jit3A_1149 : i32
    %sign3A_1151 = arith.constant 0 : i32
    %sign3A_1152 = arith.cmpi sgt, %add3A_1148, %sign3A_1151 : i32
    %sign3A_1153 = arith.extui %sign3A_1152 : i1 to i32
    %sign3A_1154 = arith.constant 0 : i32
    %sign3A_1155 = arith.cmpi slt, %add3A_1148, %sign3A_1154 : i32
    %sign3A_1156 = arith.extui %sign3A_1155 : i1 to i32
    %sign3A_1157 = arith.subi %sign3A_1153, %sign3A_1156 : i32
    %sign3A_1158 = arith.constant 0 : i32
    %sign3A_1159 = arith.cmpi sgt, %jit3A_1149, %sign3A_1158 : i32
    %sign3A_1160 = arith.extui %sign3A_1159 : i1 to i32
    %sign3A_1161 = arith.constant 0 : i32
    %sign3A_1162 = arith.cmpi slt, %jit3A_1149, %sign3A_1161 : i32
    %sign3A_1163 = arith.extui %sign3A_1162 : i1 to i32
    %sign3A_1164 = arith.subi %sign3A_1160, %sign3A_1163 : i32
    %ne3A_1165 = arith.cmpi ne, %sign3A_1157, %sign3A_1164 : i32
    %rem3A_1166 = arith.remsi %add3A_1148, %jit3A_1149 : i32
    %ne3A_1167 = arith.constant 0 : i32
    %ne3A_1168 = arith.cmpi ne, %rem3A_1166, %ne3A_1167 : i32
    %and3A_1169 = arith.andi %ne3A_1165, %ne3A_1168 : i1
    %sub3A_1170 = arith.constant 1 : i32
    %sub3A_1171 = arith.subi %div3A_1150, %sub3A_1170 : i32
    %select_n3A_1172 = arith.select %and3A_1169, %sub3A_1171, %div3A_1150 : i32
    %mul3A_1173 = arith.constant 512 : i32
    %mul3A_1174 = arith.muli %select_n3A_1172, %mul3A_1173 : i32
    %add3A_1175 = vector.broadcast %mul3A_1174 : i32 to vector<16xi32>
    %add3A_1176 = arith.addi %get3A_1146, %add3A_1175 : vector<16xi32>
    %swap3A_1177 = arith.constant 400 : index
    %swap3A_1178 = tpu.vector_load %arg8[%swap3A_1177] {strides = array<i32>} : memref<512xi32, #tpu.memory_space<vmem>>, vector<16xi32>,
    %swap3A_1179 = vector.shape_cast %swap3A_1178 : vector<16xi32> to vector<16xi32>
    %swap3A_1180 = vector.shape_cast %add3A_1176 : vector<16xi32> to vector<16xi32>
    tpu.vector_store %arg8[%swap3A_1177], %swap3A_1180 {strides = array<i32>} : memref<512xi32, #tpu.memory_space<vmem>>, vector<16xi32>,
    %get3A_1181 = arith.constant 416 : index
    %get3A_1182 = tpu.vector_load %arg8[%get3A_1181] {strides = array<i32>} : memref<512xi32, #tpu.memory_space<vmem>>, vector<16xi32>,
    %get3A_1183 = vector.shape_cast %get3A_1182 : vector<16xi32> to vector<16xi32>
    %add3A_1184 = arith.constant 416 : i32
    %add3A_1185 = arith.addi %add3A_4, %add3A_1184 : i32
    %jit3A_1186 = arith.constant 2048 : i32
    %div3A_1187 = arith.divsi %add3A_1185, %jit3A_1186 : i32
    %sign3A_1188 = arith.constant 0 : i32
    %sign3A_1189 = arith.cmpi sgt, %add3A_1185, %sign3A_1188 : i32
    %sign3A_1190 = arith.extui %sign3A_1189 : i1 to i32
    %sign3A_1191 = arith.constant 0 : i32
    %sign3A_1192 = arith.cmpi slt, %add3A_1185, %sign3A_1191 : i32
    %sign3A_1193 = arith.extui %sign3A_1192 : i1 to i32
    %sign3A_1194 = arith.subi %sign3A_1190, %sign3A_1193 : i32
    %sign3A_1195 = arith.constant 0 : i32
    %sign3A_1196 = arith.cmpi sgt, %jit3A_1186, %sign3A_1195 : i32
    %sign3A_1197 = arith.extui %sign3A_1196 : i1 to i32
    %sign3A_1198 = arith.constant 0 : i32
    %sign3A_1199 = arith.cmpi slt, %jit3A_1186, %sign3A_1198 : i32
    %sign3A_1200 = arith.extui %sign3A_1199 : i1 to i32
    %sign3A_1201 = arith.subi %sign3A_1197, %sign3A_1200 : i32
    %ne3A_1202 = arith.cmpi ne, %sign3A_1194, %sign3A_1201 : i32
    %rem3A_1203 = arith.remsi %add3A_1185, %jit3A_1186 : i32
    %ne3A_1204 = arith.constant 0 : i32
    %ne3A_1205 = arith.cmpi ne, %rem3A_1203, %ne3A_1204 : i32
    %and3A_1206 = arith.andi %ne3A_1202, %ne3A_1205 : i1
    %sub3A_1207 = arith.constant 1 : i32
    %sub3A_1208 = arith.subi %div3A_1187, %sub3A_1207 : i32
    %select_n3A_1209 = arith.select %and3A_1206, %sub3A_1208, %div3A_1187 : i32
    %mul3A_1210 = arith.constant 512 : i32
    %mul3A_1211 = arith.muli %select_n3A_1209, %mul3A_1210 : i32
    %add3A_1212 = vector.broadcast %mul3A_1211 : i32 to vector<16xi32>
    %add3A_1213 = arith.addi %get3A_1183, %add3A_1212 : vector<16xi32>
    %swap3A_1214 = arith.constant 416 : index
    %swap3A_1215 = tpu.vector_load %arg8[%swap3A_1214] {strides = array<i32>} : memref<512xi32, #tpu.memory_space<vmem>>, vector<16xi32>,
    %swap3A_1216 = vector.shape_cast %swap3A_1215 : vector<16xi32> to vector<16xi32>
    %swap3A_1217 = vector.shape_cast %add3A_1213 : vector<16xi32> to vector<16xi32>
    tpu.vector_store %arg8[%swap3A_1214], %swap3A_1217 {strides = array<i32>} : memref<512xi32, #tpu.memory_space<vmem>>, vector<16xi32>,
    %get3A_1218 = arith.constant 432 : index
    %get3A_1219 = tpu.vector_load %arg8[%get3A_1218] {strides = array<i32>} : memref<512xi32, #tpu.memory_space<vmem>>, vector<16xi32>,
    %get3A_1220 = vector.shape_cast %get3A_1219 : vector<16xi32> to vector<16xi32>
    %add3A_1221 = arith.constant 432 : i32
    %add3A_1222 = arith.addi %add3A_4, %add3A_1221 : i32
    %jit3A_1223 = arith.constant 2048 : i32
    %div3A_1224 = arith.divsi %add3A_1222, %jit3A_1223 : i32
    %sign3A_1225 = arith.constant 0 : i32
    %sign3A_1226 = arith.cmpi sgt, %add3A_1222, %sign3A_1225 : i32
    %sign3A_1227 = arith.extui %sign3A_1226 : i1 to i32
    %sign3A_1228 = arith.constant 0 : i32
    %sign3A_1229 = arith.cmpi slt, %add3A_1222, %sign3A_1228 : i32
    %sign3A_1230 = arith.extui %sign3A_1229 : i1 to i32
    %sign3A_1231 = arith.subi %sign3A_1227, %sign3A_1230 : i32
    %sign3A_1232 = arith.constant 0 : i32
    %sign3A_1233 = arith.cmpi sgt, %jit3A_1223, %sign3A_1232 : i32
    %sign3A_1234 = arith.extui %sign3A_1233 : i1 to i32
    %sign3A_1235 = arith.constant 0 : i32
    %sign3A_1236 = arith.cmpi slt, %jit3A_1223, %sign3A_1235 : i32
    %sign3A_1237 = arith.extui %sign3A_1236 : i1 to i32
    %sign3A_1238 = arith.subi %sign3A_1234, %sign3A_1237 : i32
    %ne3A_1239 = arith.cmpi ne, %sign3A_1231, %sign3A_1238 : i32
    %rem3A_1240 = arith.remsi %add3A_1222, %jit3A_1223 : i32
    %ne3A_1241 = arith.constant 0 : i32
    %ne3A_1242 = arith.cmpi ne, %rem3A_1240, %ne3A_1241 : i32
    %and3A_1243 = arith.andi %ne3A_1239, %ne3A_1242 : i1
    %sub3A_1244 = arith.constant 1 : i32
    %sub3A_1245 = arith.subi %div3A_1224, %sub3A_1244 : i32
    %select_n3A_1246 = arith.select %and3A_1243, %sub3A_1245, %div3A_1224 : i32
    %mul3A_1247 = arith.constant 512 : i32
    %mul3A_1248 = arith.muli %select_n3A_1246, %mul3A_1247 : i32
    %add3A_1249 = vector.broadcast %mul3A_1248 : i32 to vector<16xi32>
    %add3A_1250 = arith.addi %get3A_1220, %add3A_1249 : vector<16xi32>
    %swap3A_1251 = arith.constant 432 : index
    %swap3A_1252 = tpu.vector_load %arg8[%swap3A_1251] {strides = array<i32>} : memref<512xi32, #tpu.memory_space<vmem>>, vector<16xi32>,
    %swap3A_1253 = vector.shape_cast %swap3A_1252 : vector<16xi32> to vector<16xi32>
    %swap3A_1254 = vector.shape_cast %add3A_1250 : vector<16xi32> to vector<16xi32>
    tpu.vector_store %arg8[%swap3A_1251], %swap3A_1254 {strides = array<i32>} : memref<512xi32, #tpu.memory_space<vmem>>, vector<16xi32>,
    %dma_wait3A_1255 = arith.constant 0 : i32
    %dma_wait3A_1256 = arith.constant 0 : i32
    %dma_wait3A_1257 = arith.constant 0 : i32
    %dma_wait3A_1258 = tpu.memref_slice %arg9[%dma_wait3A_1255, %dma_wait3A_1256, %dma_wait3A_1257] : memref<3x64x512xf32, #tpu.memory_space<vmem>> -> memref<1x64x512xf32, #tpu.memory_space<vmem>>
    %dma_wait3A_1259 = tpu.memref_squeeze %dma_wait3A_1258 : memref<1x64x512xf32, #tpu.memory_space<vmem>> -> memref<64x512xf32, #tpu.memory_space<vmem>>
    %dma_wait3A_1260 = arith.constant 0 : i32
    %dma_wait3A_1261 = tpu.memref_slice %arg4[%add3A_897, %dma_wait3A_1260] : memref<16384x512xf32, #tpu.memory_space<hbm>> -> memref<64x512xf32, #tpu.memory_space<hbm>>
    %dma_wait3A_1262 = arith.constant 0 : i32
    %dma_wait3A_1263 = tpu.memref_slice %arg4[%add3A_897, %dma_wait3A_1262] : memref<16384x512xf32, #tpu.memory_space<hbm>> -> memref<64x512xf32, #tpu.memory_space<hbm>>
    %dma_wait3A_1264 = arith.constant 0 : i32
    %dma_wait3A_1265 = arith.constant 0 : i32
    %dma_wait3A_1266 = tpu.memref_slice %arg9[%dma_wait3A_1255, %dma_wait3A_1264, %dma_wait3A_1265] : memref<3x64x512xf32, #tpu.memory_space<vmem>> -> memref<1x64x512xf32, #tpu.memory_space<vmem>>
    %dma_wait3A_1267 = tpu.memref_squeeze %dma_wait3A_1266 : memref<1x64x512xf32, #tpu.memory_space<vmem>> -> memref<64x512xf32, #tpu.memory_space<vmem>>
    tpu.wait_dma2 semaphore(%arg11 : memref<!tpu.dma_semaphore, #tpu.memory_space<semaphore_mem>>) src(%dma_wait3A_1267 : memref<64x512xf32, #tpu.memory_space<vmem>>) dst(%dma_wait3A_1263 : memref<64x512xf32, #tpu.memory_space<hbm>>)
    %dma_start3A_1268 = arith.constant 0 : i32
    %dma_start3A_1269 = arith.constant 0 : i32
    %dma_start3A_1270 = arith.constant 0 : i32
    %dma_start3A_1271 = tpu.memref_slice %arg9[%dma_start3A_1268, %dma_start3A_1269, %dma_start3A_1270] : memref<3x64x512xf32, #tpu.memory_space<vmem>> -> memref<1x64x512xf32, #tpu.memory_space<vmem>>
    %dma_start3A_1272 = tpu.memref_squeeze %dma_start3A_1271 : memref<1x64x512xf32, #tpu.memory_space<vmem>> -> memref<64x512xf32, #tpu.memory_space<vmem>>
    %dma_start3A_1273 = arith.constant 384 : i32
    %dma_start3A_1274 = tpu.memref_slice %arg8[%dma_start3A_1273] : memref<512xi32, #tpu.memory_space<vmem>> -> memref<64xi32, #tpu.memory_space<vmem>>
    %dma_start3A_1275 = arith.constant 0 : i32
    %dma_start3A_1276 = arith.constant 0 : i32
    %dma_start3A_1277 = tpu.memref_slice %arg2[%dma_start3A_1275, %dma_start3A_1276] : memref<8192x512xf32, #tpu.memory_space<hbm>> -> memref<8192x512xf32, #tpu.memory_space<hbm>>
    tpu.enqueue_indirect_dma source(%dma_start3A_1277 : memref<8192x512xf32, #tpu.memory_space<hbm>>) target(%dma_start3A_1272 : memref<64x512xf32, #tpu.memory_space<vmem>>) offsets(%dma_start3A_1274 : memref<64xi32, #tpu.memory_space<vmem>>) semaphore(%arg10 : memref<!tpu.dma_semaphore, #tpu.memory_space<semaphore_mem>>)
    %dma_wait3A_1278 = arith.constant 2 : i32
    %dma_wait3A_1279 = arith.constant 0 : i32
    %dma_wait3A_1280 = arith.constant 0 : i32
    %dma_wait3A_1281 = tpu.memref_slice %arg9[%dma_wait3A_1278, %dma_wait3A_1279, %dma_wait3A_1280] : memref<3x64x512xf32, #tpu.memory_space<vmem>> -> memref<1x64x512xf32, #tpu.memory_space<vmem>>
    %dma_wait3A_1282 = tpu.memref_squeeze %dma_wait3A_1281 : memref<1x64x512xf32, #tpu.memory_space<vmem>> -> memref<64x512xf32, #tpu.memory_space<vmem>>
    %dma_wait3A_1283 = arith.constant 320 : i32
    %dma_wait3A_1284 = tpu.memref_slice %arg8[%dma_wait3A_1283] : memref<512xi32, #tpu.memory_space<vmem>> -> memref<64xi32, #tpu.memory_space<vmem>>
    %dma_wait3A_1285 = arith.constant 0 : i32
    %dma_wait3A_1286 = arith.constant 0 : i32
    %dma_wait3A_1287 = tpu.memref_slice %arg2[%dma_wait3A_1285, %dma_wait3A_1286] : memref<8192x512xf32, #tpu.memory_space<hbm>> -> memref<8192x512xf32, #tpu.memory_space<hbm>>
    tpu.wait_indirect_dma semaphore(%arg10 : memref<!tpu.dma_semaphore, #tpu.memory_space<semaphore_mem>>) src(%dma_wait3A_1287 : memref<8192x512xf32, #tpu.memory_space<hbm>>) dst(%dma_wait3A_1282 : memref<64x512xf32, #tpu.memory_space<vmem>>)
    %add3A_1288 = arith.constant 320 : i32
    %add3A_1289 = arith.addi %mul3A_6, %add3A_1288 : i32
    %dma_start3A_1290 = arith.constant 2 : i32
    %dma_start3A_1291 = arith.constant 0 : i32
    %dma_start3A_1292 = arith.constant 0 : i32
    %dma_start3A_1293 = tpu.memref_slice %arg9[%dma_start3A_1290, %dma_start3A_1291, %dma_start3A_1292] : memref<3x64x512xf32, #tpu.memory_space<vmem>> -> memref<1x64x512xf32, #tpu.memory_space<vmem>>
    %dma_start3A_1294 = tpu.memref_squeeze %dma_start3A_1293 : memref<1x64x512xf32, #tpu.memory_space<vmem>> -> memref<64x512xf32, #tpu.memory_space<vmem>>
    %dma_start3A_1295 = arith.constant 0 : i32
    %dma_start3A_1296 = tpu.memref_slice %arg4[%add3A_1289, %dma_start3A_1295] : memref<16384x512xf32, #tpu.memory_space<hbm>> -> memref<64x512xf32, #tpu.memory_space<hbm>>
    %dma_start3A_1297 = arith.constant 0 : i32
    %dma_start3A_1298 = tpu.memref_slice %arg4[%add3A_1289, %dma_start3A_1297] : memref<16384x512xf32, #tpu.memory_space<hbm>> -> memref<64x512xf32, #tpu.memory_space<hbm>>
    %dma_start3A_1299 = arith.constant 0 : i32
    %dma_start3A_1300 = arith.constant 0 : i32
    %dma_start3A_1301 = tpu.memref_slice %arg9[%dma_start3A_1290, %dma_start3A_1299, %dma_start3A_1300] : memref<3x64x512xf32, #tpu.memory_space<vmem>> -> memref<1x64x512xf32, #tpu.memory_space<vmem>>
    %dma_start3A_1302 = tpu.memref_squeeze %dma_start3A_1301 : memref<1x64x512xf32, #tpu.memory_space<vmem>> -> memref<64x512xf32, #tpu.memory_space<vmem>>
    tpu.enqueue_dma source(%dma_start3A_1302 : memref<64x512xf32, #tpu.memory_space<vmem>>) target(%dma_start3A_1298 : memref<64x512xf32, #tpu.memory_space<hbm>>) target_semaphore(%arg11 : memref<!tpu.dma_semaphore, #tpu.memory_space<semaphore_mem>>)
    %get3A_1303 = arith.constant 448 : index
    %get3A_1304 = tpu.vector_load %arg8[%get3A_1303] {strides = array<i32>} : memref<512xi32, #tpu.memory_space<vmem>>, vector<16xi32>,
    %get3A_1305 = vector.shape_cast %get3A_1304 : vector<16xi32> to vector<16xi32>
    %add3A_1306 = arith.constant 448 : i32
    %add3A_1307 = arith.addi %add3A_4, %add3A_1306 : i32
    %jit3A_1308 = arith.constant 2048 : i32
    %div3A_1309 = arith.divsi %add3A_1307, %jit3A_1308 : i32
    %sign3A_1310 = arith.constant 0 : i32
    %sign3A_1311 = arith.cmpi sgt, %add3A_1307, %sign3A_1310 : i32
    %sign3A_1312 = arith.extui %sign3A_1311 : i1 to i32
    %sign3A_1313 = arith.constant 0 : i32
    %sign3A_1314 = arith.cmpi slt, %add3A_1307, %sign3A_1313 : i32
    %sign3A_1315 = arith.extui %sign3A_1314 : i1 to i32
    %sign3A_1316 = arith.subi %sign3A_1312, %sign3A_1315 : i32
    %sign3A_1317 = arith.constant 0 : i32
    %sign3A_1318 = arith.cmpi sgt, %jit3A_1308, %sign3A_1317 : i32
    %sign3A_1319 = arith.extui %sign3A_1318 : i1 to i32
    %sign3A_1320 = arith.constant 0 : i32
    %sign3A_1321 = arith.cmpi slt, %jit3A_1308, %sign3A_1320 : i32
    %sign3A_1322 = arith.extui %sign3A_1321 : i1 to i32
    %sign3A_1323 = arith.subi %sign3A_1319, %sign3A_1322 : i32
    %ne3A_1324 = arith.cmpi ne, %sign3A_1316, %sign3A_1323 : i32
    %rem3A_1325 = arith.remsi %add3A_1307, %jit3A_1308 : i32
    %ne3A_1326 = arith.constant 0 : i32
    %ne3A_1327 = arith.cmpi ne, %rem3A_1325, %ne3A_1326 : i32
    %and3A_1328 = arith.andi %ne3A_1324, %ne3A_1327 : i1
    %sub3A_1329 = arith.constant 1 : i32
    %sub3A_1330 = arith.subi %div3A_1309, %sub3A_1329 : i32
    %select_n3A_1331 = arith.select %and3A_1328, %sub3A_1330, %div3A_1309 : i32
    %mul3A_1332 = arith.constant 512 : i32
    %mul3A_1333 = arith.muli %select_n3A_1331, %mul3A_1332 : i32
    %add3A_1334 = vector.broadcast %mul3A_1333 : i32 to vector<16xi32>
    %add3A_1335 = arith.addi %get3A_1305, %add3A_1334 : vector<16xi32>
    %swap3A_1336 = arith.constant 448 : index
    %swap3A_1337 = tpu.vector_load %arg8[%swap3A_1336] {strides = array<i32>} : memref<512xi32, #tpu.memory_space<vmem>>, vector<16xi32>,
    %swap3A_1338 = vector.shape_cast %swap3A_1337 : vector<16xi32> to vector<16xi32>
    %swap3A_1339 = vector.shape_cast %add3A_1335 : vector<16xi32> to vector<16xi32>
    tpu.vector_store %arg8[%swap3A_1336], %swap3A_1339 {strides = array<i32>} : memref<512xi32, #tpu.memory_space<vmem>>, vector<16xi32>,
    %get3A_1340 = arith.constant 464 : index
    %get3A_1341 = tpu.vector_load %arg8[%get3A_1340] {strides = array<i32>} : memref<512xi32, #tpu.memory_space<vmem>>, vector<16xi32>,
    %get3A_1342 = vector.shape_cast %get3A_1341 : vector<16xi32> to vector<16xi32>
    %add3A_1343 = arith.constant 464 : i32
    %add3A_1344 = arith.addi %add3A_4, %add3A_1343 : i32
    %jit3A_1345 = arith.constant 2048 : i32
    %div3A_1346 = arith.divsi %add3A_1344, %jit3A_1345 : i32
    %sign3A_1347 = arith.constant 0 : i32
    %sign3A_1348 = arith.cmpi sgt, %add3A_1344, %sign3A_1347 : i32
    %sign3A_1349 = arith.extui %sign3A_1348 : i1 to i32
    %sign3A_1350 = arith.constant 0 : i32
    %sign3A_1351 = arith.cmpi slt, %add3A_1344, %sign3A_1350 : i32
    %sign3A_1352 = arith.extui %sign3A_1351 : i1 to i32
    %sign3A_1353 = arith.subi %sign3A_1349, %sign3A_1352 : i32
    %sign3A_1354 = arith.constant 0 : i32
    %sign3A_1355 = arith.cmpi sgt, %jit3A_1345, %sign3A_1354 : i32
    %sign3A_1356 = arith.extui %sign3A_1355 : i1 to i32
    %sign3A_1357 = arith.constant 0 : i32
    %sign3A_1358 = arith.cmpi slt, %jit3A_1345, %sign3A_1357 : i32
    %sign3A_1359 = arith.extui %sign3A_1358 : i1 to i32
    %sign3A_1360 = arith.subi %sign3A_1356, %sign3A_1359 : i32
    %ne3A_1361 = arith.cmpi ne, %sign3A_1353, %sign3A_1360 : i32
    %rem3A_1362 = arith.remsi %add3A_1344, %jit3A_1345 : i32
    %ne3A_1363 = arith.constant 0 : i32
    %ne3A_1364 = arith.cmpi ne, %rem3A_1362, %ne3A_1363 : i32
    %and3A_1365 = arith.andi %ne3A_1361, %ne3A_1364 : i1
    %sub3A_1366 = arith.constant 1 : i32
    %sub3A_1367 = arith.subi %div3A_1346, %sub3A_1366 : i32
    %select_n3A_1368 = arith.select %and3A_1365, %sub3A_1367, %div3A_1346 : i32
    %mul3A_1369 = arith.constant 512 : i32
    %mul3A_1370 = arith.muli %select_n3A_1368, %mul3A_1369 : i32
    %add3A_1371 = vector.broadcast %mul3A_1370 : i32 to vector<16xi32>
    %add3A_1372 = arith.addi %get3A_1342, %add3A_1371 : vector<16xi32>
    %swap3A_1373 = arith.constant 464 : index
    %swap3A_1374 = tpu.vector_load %arg8[%swap3A_1373] {strides = array<i32>} : memref<512xi32, #tpu.memory_space<vmem>>, vector<16xi32>,
    %swap3A_1375 = vector.shape_cast %swap3A_1374 : vector<16xi32> to vector<16xi32>
    %swap3A_1376 = vector.shape_cast %add3A_1372 : vector<16xi32> to vector<16xi32>
    tpu.vector_store %arg8[%swap3A_1373], %swap3A_1376 {strides = array<i32>} : memref<512xi32, #tpu.memory_space<vmem>>, vector<16xi32>,
    %get3A_1377 = arith.constant 480 : index
    %get3A_1378 = tpu.vector_load %arg8[%get3A_1377] {strides = array<i32>} : memref<512xi32, #tpu.memory_space<vmem>>, vector<16xi32>,
    %get3A_1379 = vector.shape_cast %get3A_1378 : vector<16xi32> to vector<16xi32>
    %add3A_1380 = arith.constant 480 : i32
    %add3A_1381 = arith.addi %add3A_4, %add3A_1380 : i32
    %jit3A_1382 = arith.constant 2048 : i32
    %div3A_1383 = arith.divsi %add3A_1381, %jit3A_1382 : i32
    %sign3A_1384 = arith.constant 0 : i32
    %sign3A_1385 = arith.cmpi sgt, %add3A_1381, %sign3A_1384 : i32
    %sign3A_1386 = arith.extui %sign3A_1385 : i1 to i32
    %sign3A_1387 = arith.constant 0 : i32
    %sign3A_1388 = arith.cmpi slt, %add3A_1381, %sign3A_1387 : i32
    %sign3A_1389 = arith.extui %sign3A_1388 : i1 to i32
    %sign3A_1390 = arith.subi %sign3A_1386, %sign3A_1389 : i32
    %sign3A_1391 = arith.constant 0 : i32
    %sign3A_1392 = arith.cmpi sgt, %jit3A_1382, %sign3A_1391 : i32
    %sign3A_1393 = arith.extui %sign3A_1392 : i1 to i32
    %sign3A_1394 = arith.constant 0 : i32
    %sign3A_1395 = arith.cmpi slt, %jit3A_1382, %sign3A_1394 : i32
    %sign3A_1396 = arith.extui %sign3A_1395 : i1 to i32
    %sign3A_1397 = arith.subi %sign3A_1393, %sign3A_1396 : i32
    %ne3A_1398 = arith.cmpi ne, %sign3A_1390, %sign3A_1397 : i32
    %rem3A_1399 = arith.remsi %add3A_1381, %jit3A_1382 : i32
    %ne3A_1400 = arith.constant 0 : i32
    %ne3A_1401 = arith.cmpi ne, %rem3A_1399, %ne3A_1400 : i32
    %and3A_1402 = arith.andi %ne3A_1398, %ne3A_1401 : i1
    %sub3A_1403 = arith.constant 1 : i32
    %sub3A_1404 = arith.subi %div3A_1383, %sub3A_1403 : i32
    %select_n3A_1405 = arith.select %and3A_1402, %sub3A_1404, %div3A_1383 : i32
    %mul3A_1406 = arith.constant 512 : i32
    %mul3A_1407 = arith.muli %select_n3A_1405, %mul3A_1406 : i32
    %add3A_1408 = vector.broadcast %mul3A_1407 : i32 to vector<16xi32>
    %add3A_1409 = arith.addi %get3A_1379, %add3A_1408 : vector<16xi32>
    %swap3A_1410 = arith.constant 480 : index
    %swap3A_1411 = tpu.vector_load %arg8[%swap3A_1410] {strides = array<i32>} : memref<512xi32, #tpu.memory_space<vmem>>, vector<16xi32>,
    %swap3A_1412 = vector.shape_cast %swap3A_1411 : vector<16xi32> to vector<16xi32>
    %swap3A_1413 = vector.shape_cast %add3A_1409 : vector<16xi32> to vector<16xi32>
    tpu.vector_store %arg8[%swap3A_1410], %swap3A_1413 {strides = array<i32>} : memref<512xi32, #tpu.memory_space<vmem>>, vector<16xi32>,
    %get3A_1414 = arith.constant 496 : index
    %get3A_1415 = tpu.vector_load %arg8[%get3A_1414] {strides = array<i32>} : memref<512xi32, #tpu.memory_space<vmem>>, vector<16xi32>,
    %get3A_1416 = vector.shape_cast %get3A_1415 : vector<16xi32> to vector<16xi32>
    %add3A_1417 = arith.constant 496 : i32
    %add3A_1418 = arith.addi %add3A_4, %add3A_1417 : i32
    %jit3A_1419 = arith.constant 2048 : i32
    %div3A_1420 = arith.divsi %add3A_1418, %jit3A_1419 : i32
    %sign3A_1421 = arith.constant 0 : i32
    %sign3A_1422 = arith.cmpi sgt, %add3A_1418, %sign3A_1421 : i32
    %sign3A_1423 = arith.extui %sign3A_1422 : i1 to i32
    %sign3A_1424 = arith.constant 0 : i32
    %sign3A_1425 = arith.cmpi slt, %add3A_1418, %sign3A_1424 : i32
    %sign3A_1426 = arith.extui %sign3A_1425 : i1 to i32
    %sign3A_1427 = arith.subi %sign3A_1423, %sign3A_1426 : i32
    %sign3A_1428 = arith.constant 0 : i32
    %sign3A_1429 = arith.cmpi sgt, %jit3A_1419, %sign3A_1428 : i32
    %sign3A_1430 = arith.extui %sign3A_1429 : i1 to i32
    %sign3A_1431 = arith.constant 0 : i32
    %sign3A_1432 = arith.cmpi slt, %jit3A_1419, %sign3A_1431 : i32
    %sign3A_1433 = arith.extui %sign3A_1432 : i1 to i32
    %sign3A_1434 = arith.subi %sign3A_1430, %sign3A_1433 : i32
    %ne3A_1435 = arith.cmpi ne, %sign3A_1427, %sign3A_1434 : i32
    %rem3A_1436 = arith.remsi %add3A_1418, %jit3A_1419 : i32
    %ne3A_1437 = arith.constant 0 : i32
    %ne3A_1438 = arith.cmpi ne, %rem3A_1436, %ne3A_1437 : i32
    %and3A_1439 = arith.andi %ne3A_1435, %ne3A_1438 : i1
    %sub3A_1440 = arith.constant 1 : i32
    %sub3A_1441 = arith.subi %div3A_1420, %sub3A_1440 : i32
    %select_n3A_1442 = arith.select %and3A_1439, %sub3A_1441, %div3A_1420 : i32
    %mul3A_1443 = arith.constant 512 : i32
    %mul3A_1444 = arith.muli %select_n3A_1442, %mul3A_1443 : i32
    %add3A_1445 = vector.broadcast %mul3A_1444 : i32 to vector<16xi32>
    %add3A_1446 = arith.addi %get3A_1416, %add3A_1445 : vector<16xi32>
    %swap3A_1447 = arith.constant 496 : index
    %swap3A_1448 = tpu.vector_load %arg8[%swap3A_1447] {strides = array<i32>} : memref<512xi32, #tpu.memory_space<vmem>>, vector<16xi32>,
    %swap3A_1449 = vector.shape_cast %swap3A_1448 : vector<16xi32> to vector<16xi32>
    %swap3A_1450 = vector.shape_cast %add3A_1446 : vector<16xi32> to vector<16xi32>
    tpu.vector_store %arg8[%swap3A_1447], %swap3A_1450 {strides = array<i32>} : memref<512xi32, #tpu.memory_space<vmem>>, vector<16xi32>,
    %dma_wait3A_1451 = arith.constant 1 : i32
    %dma_wait3A_1452 = arith.constant 0 : i32
    %dma_wait3A_1453 = arith.constant 0 : i32
    %dma_wait3A_1454 = tpu.memref_slice %arg9[%dma_wait3A_1451, %dma_wait3A_1452, %dma_wait3A_1453] : memref<3x64x512xf32, #tpu.memory_space<vmem>> -> memref<1x64x512xf32, #tpu.memory_space<vmem>>
    %dma_wait3A_1455 = tpu.memref_squeeze %dma_wait3A_1454 : memref<1x64x512xf32, #tpu.memory_space<vmem>> -> memref<64x512xf32, #tpu.memory_space<vmem>>
    %dma_wait3A_1456 = arith.constant 0 : i32
    %dma_wait3A_1457 = tpu.memref_slice %arg4[%add3A_1093, %dma_wait3A_1456] : memref<16384x512xf32, #tpu.memory_space<hbm>> -> memref<64x512xf32, #tpu.memory_space<hbm>>
    %dma_wait3A_1458 = arith.constant 0 : i32
    %dma_wait3A_1459 = tpu.memref_slice %arg4[%add3A_1093, %dma_wait3A_1458] : memref<16384x512xf32, #tpu.memory_space<hbm>> -> memref<64x512xf32, #tpu.memory_space<hbm>>
    %dma_wait3A_1460 = arith.constant 0 : i32
    %dma_wait3A_1461 = arith.constant 0 : i32
    %dma_wait3A_1462 = tpu.memref_slice %arg9[%dma_wait3A_1451, %dma_wait3A_1460, %dma_wait3A_1461] : memref<3x64x512xf32, #tpu.memory_space<vmem>> -> memref<1x64x512xf32, #tpu.memory_space<vmem>>
    %dma_wait3A_1463 = tpu.memref_squeeze %dma_wait3A_1462 : memref<1x64x512xf32, #tpu.memory_space<vmem>> -> memref<64x512xf32, #tpu.memory_space<vmem>>
    tpu.wait_dma2 semaphore(%arg11 : memref<!tpu.dma_semaphore, #tpu.memory_space<semaphore_mem>>) src(%dma_wait3A_1463 : memref<64x512xf32, #tpu.memory_space<vmem>>) dst(%dma_wait3A_1459 : memref<64x512xf32, #tpu.memory_space<hbm>>)
    %dma_start3A_1464 = arith.constant 1 : i32
    %dma_start3A_1465 = arith.constant 0 : i32
    %dma_start3A_1466 = arith.constant 0 : i32
    %dma_start3A_1467 = tpu.memref_slice %arg9[%dma_start3A_1464, %dma_start3A_1465, %dma_start3A_1466] : memref<3x64x512xf32, #tpu.memory_space<vmem>> -> memref<1x64x512xf32, #tpu.memory_space<vmem>>
    %dma_start3A_1468 = tpu.memref_squeeze %dma_start3A_1467 : memref<1x64x512xf32, #tpu.memory_space<vmem>> -> memref<64x512xf32, #tpu.memory_space<vmem>>
    %dma_start3A_1469 = arith.constant 448 : i32
    %dma_start3A_1470 = tpu.memref_slice %arg8[%dma_start3A_1469] : memref<512xi32, #tpu.memory_space<vmem>> -> memref<64xi32, #tpu.memory_space<vmem>>
    %dma_start3A_1471 = arith.constant 0 : i32
    %dma_start3A_1472 = arith.constant 0 : i32
    %dma_start3A_1473 = tpu.memref_slice %arg2[%dma_start3A_1471, %dma_start3A_1472] : memref<8192x512xf32, #tpu.memory_space<hbm>> -> memref<8192x512xf32, #tpu.memory_space<hbm>>
    tpu.enqueue_indirect_dma source(%dma_start3A_1473 : memref<8192x512xf32, #tpu.memory_space<hbm>>) target(%dma_start3A_1468 : memref<64x512xf32, #tpu.memory_space<vmem>>) offsets(%dma_start3A_1470 : memref<64xi32, #tpu.memory_space<vmem>>) semaphore(%arg10 : memref<!tpu.dma_semaphore, #tpu.memory_space<semaphore_mem>>)
    %dma_wait3A_1474 = arith.constant 0 : i32
    %dma_wait3A_1475 = arith.constant 0 : i32
    %dma_wait3A_1476 = arith.constant 0 : i32
    %dma_wait3A_1477 = tpu.memref_slice %arg9[%dma_wait3A_1474, %dma_wait3A_1475, %dma_wait3A_1476] : memref<3x64x512xf32, #tpu.memory_space<vmem>> -> memref<1x64x512xf32, #tpu.memory_space<vmem>>
    %dma_wait3A_1478 = tpu.memref_squeeze %dma_wait3A_1477 : memref<1x64x512xf32, #tpu.memory_space<vmem>> -> memref<64x512xf32, #tpu.memory_space<vmem>>
    %dma_wait3A_1479 = arith.constant 384 : i32
    %dma_wait3A_1480 = tpu.memref_slice %arg8[%dma_wait3A_1479] : memref<512xi32, #tpu.memory_space<vmem>> -> memref<64xi32, #tpu.memory_space<vmem>>
    %dma_wait3A_1481 = arith.constant 0 : i32
    %dma_wait3A_1482 = arith.constant 0 : i32
    %dma_wait3A_1483 = tpu.memref_slice %arg2[%dma_wait3A_1481, %dma_wait3A_1482] : memref<8192x512xf32, #tpu.memory_space<hbm>> -> memref<8192x512xf32, #tpu.memory_space<hbm>>
    tpu.wait_indirect_dma semaphore(%arg10 : memref<!tpu.dma_semaphore, #tpu.memory_space<semaphore_mem>>) src(%dma_wait3A_1483 : memref<8192x512xf32, #tpu.memory_space<hbm>>) dst(%dma_wait3A_1478 : memref<64x512xf32, #tpu.memory_space<vmem>>)
    %add3A_1484 = arith.constant 384 : i32
    %add3A_1485 = arith.addi %mul3A_6, %add3A_1484 : i32
    %dma_start3A_1486 = arith.constant 0 : i32
    %dma_start3A_1487 = arith.constant 0 : i32
    %dma_start3A_1488 = arith.constant 0 : i32
    %dma_start3A_1489 = tpu.memref_slice %arg9[%dma_start3A_1486, %dma_start3A_1487, %dma_start3A_1488] : memref<3x64x512xf32, #tpu.memory_space<vmem>> -> memref<1x64x512xf32, #tpu.memory_space<vmem>>
    %dma_start3A_1490 = tpu.memref_squeeze %dma_start3A_1489 : memref<1x64x512xf32, #tpu.memory_space<vmem>> -> memref<64x512xf32, #tpu.memory_space<vmem>>
    %dma_start3A_1491 = arith.constant 0 : i32
    %dma_start3A_1492 = tpu.memref_slice %arg4[%add3A_1485, %dma_start3A_1491] : memref<16384x512xf32, #tpu.memory_space<hbm>> -> memref<64x512xf32, #tpu.memory_space<hbm>>
    %dma_start3A_1493 = arith.constant 0 : i32
    %dma_start3A_1494 = tpu.memref_slice %arg4[%add3A_1485, %dma_start3A_1493] : memref<16384x512xf32, #tpu.memory_space<hbm>> -> memref<64x512xf32, #tpu.memory_space<hbm>>
    %dma_start3A_1495 = arith.constant 0 : i32
    %dma_start3A_1496 = arith.constant 0 : i32
    %dma_start3A_1497 = tpu.memref_slice %arg9[%dma_start3A_1486, %dma_start3A_1495, %dma_start3A_1496] : memref<3x64x512xf32, #tpu.memory_space<vmem>> -> memref<1x64x512xf32, #tpu.memory_space<vmem>>
    %dma_start3A_1498 = tpu.memref_squeeze %dma_start3A_1497 : memref<1x64x512xf32, #tpu.memory_space<vmem>> -> memref<64x512xf32, #tpu.memory_space<vmem>>
    tpu.enqueue_dma source(%dma_start3A_1498 : memref<64x512xf32, #tpu.memory_space<vmem>>) target(%dma_start3A_1494 : memref<64x512xf32, #tpu.memory_space<hbm>>) target_semaphore(%arg11 : memref<!tpu.dma_semaphore, #tpu.memory_space<semaphore_mem>>)
    %mul3A_1499 = arith.constant 1024 : i32
    %mul3A_1500 = arith.muli %add3A, %mul3A_1499 : i32
    "tpu.region"() ({
      %run_scoped3A = tpu.sem_alloc : memref<!tpu.dma_semaphore, #tpu.memory_space<semaphore_mem>>
      %dma_start3A_2528 = tpu.memref_slice %arg3[%mul3A_1500] : memref<32768xi32, #tpu.memory_space<hbm>> -> memref<1024xi32, #tpu.memory_space<hbm>>
      %dma_start3A_2529 = tpu.memref_slice %arg3[%mul3A_1500] : memref<32768xi32, #tpu.memory_space<hbm>> -> memref<1024xi32, #tpu.memory_space<hbm>>
      tpu.enqueue_dma source(%dma_start3A_2529 : memref<1024xi32, #tpu.memory_space<hbm>>) target(%arg6 : memref<1024xi32, #tpu.memory_space<vmem>>) target_semaphore(%run_scoped3A : memref<!tpu.dma_semaphore, #tpu.memory_space<semaphore_mem>>)
      %dma_wait3A_2530 = tpu.memref_slice %arg3[%mul3A_1500] : memref<32768xi32, #tpu.memory_space<hbm>> -> memref<1024xi32, #tpu.memory_space<hbm>>
      %dma_wait3A_2531 = tpu.memref_slice %arg3[%mul3A_1500] : memref<32768xi32, #tpu.memory_space<hbm>> -> memref<1024xi32, #tpu.memory_space<hbm>>
      tpu.wait_dma2 semaphore(%run_scoped3A : memref<!tpu.dma_semaphore, #tpu.memory_space<semaphore_mem>>) src(%dma_wait3A_2531 : memref<1024xi32, #tpu.memory_space<hbm>>) dst(%arg6 : memref<1024xi32, #tpu.memory_space<vmem>>)
      tpu.yield
    }) : () -> ()
    %get3A_1501 = arith.constant 0 : index
    %get3A_1502 = tpu.vector_load %arg6[%get3A_1501] {strides = array<i32>} : memref<1024xi32, #tpu.memory_space<vmem>>, vector<16xi32>,
    %get3A_1503 = vector.shape_cast %get3A_1502 : vector<16xi32> to vector<16xi32>
    %ne3A_1504 = arith.constant 511 : i32
    %ne3A_1505 = vector.broadcast %ne3A_1504 : i32 to vector<16xi32>
    %ne3A_1506 = arith.cmpi ne, %get3A_1503, %ne3A_1505 : vector<16xi32>
    %broadcast_in_dim3A = arith.constant 1 : i32
    %broadcast_in_dim3A_1507 = vector.broadcast %broadcast_in_dim3A : i32 to vector<16xi32>
    %broadcast_in_dim3A_1508 = arith.constant 0 : i32
    %broadcast_in_dim3A_1509 = vector.broadcast %broadcast_in_dim3A_1508 : i32 to vector<16xi32>
    %select_n3A_1510 = arith.select %ne3A_1506, %broadcast_in_dim3A_1507, %broadcast_in_dim3A_1509 : vector<16xi1>, vector<16xi32>
    %swap3A_1511 = arith.constant 0 : index
    %swap3A_1512 = tpu.vector_load %arg7[%swap3A_1511] {strides = array<i32>} : memref<1024xi32, #tpu.memory_space<vmem>>, vector<16xi32>,
    %swap3A_1513 = vector.shape_cast %swap3A_1512 : vector<16xi32> to vector<16xi32>
    %swap3A_1514 = vector.shape_cast %select_n3A_1510 : vector<16xi32> to vector<16xi32>
    tpu.vector_store %arg7[%swap3A_1511], %swap3A_1514 {strides = array<i32>} : memref<1024xi32, #tpu.memory_space<vmem>>, vector<16xi32>,
    %get3A_1515 = arith.constant 16 : index
    %get3A_1516 = tpu.vector_load %arg6[%get3A_1515] {strides = array<i32>} : memref<1024xi32, #tpu.memory_space<vmem>>, vector<16xi32>,
    %get3A_1517 = vector.shape_cast %get3A_1516 : vector<16xi32> to vector<16xi32>
    %ne3A_1518 = arith.constant 511 : i32
    %ne3A_1519 = vector.broadcast %ne3A_1518 : i32 to vector<16xi32>
    %ne3A_1520 = arith.cmpi ne, %get3A_1517, %ne3A_1519 : vector<16xi32>
    %broadcast_in_dim3A_1521 = arith.constant 1 : i32
    %broadcast_in_dim3A_1522 = vector.broadcast %broadcast_in_dim3A_1521 : i32 to vector<16xi32>
    %broadcast_in_dim3A_1523 = arith.constant 0 : i32
    %broadcast_in_dim3A_1524 = vector.broadcast %broadcast_in_dim3A_1523 : i32 to vector<16xi32>
    %select_n3A_1525 = arith.select %ne3A_1520, %broadcast_in_dim3A_1522, %broadcast_in_dim3A_1524 : vector<16xi1>, vector<16xi32>
    %swap3A_1526 = arith.constant 16 : index
    %swap3A_1527 = tpu.vector_load %arg7[%swap3A_1526] {strides = array<i32>} : memref<1024xi32, #tpu.memory_space<vmem>>, vector<16xi32>,
    %swap3A_1528 = vector.shape_cast %swap3A_1527 : vector<16xi32> to vector<16xi32>
    %swap3A_1529 = vector.shape_cast %select_n3A_1525 : vector<16xi32> to vector<16xi32>
    tpu.vector_store %arg7[%swap3A_1526], %swap3A_1529 {strides = array<i32>} : memref<1024xi32, #tpu.memory_space<vmem>>, vector<16xi32>,
    %get3A_1530 = arith.constant 32 : index
    %get3A_1531 = tpu.vector_load %arg6[%get3A_1530] {strides = array<i32>} : memref<1024xi32, #tpu.memory_space<vmem>>, vector<16xi32>,
    %get3A_1532 = vector.shape_cast %get3A_1531 : vector<16xi32> to vector<16xi32>
    %ne3A_1533 = arith.constant 511 : i32
    %ne3A_1534 = vector.broadcast %ne3A_1533 : i32 to vector<16xi32>
    %ne3A_1535 = arith.cmpi ne, %get3A_1532, %ne3A_1534 : vector<16xi32>
    %broadcast_in_dim3A_1536 = arith.constant 1 : i32
    %broadcast_in_dim3A_1537 = vector.broadcast %broadcast_in_dim3A_1536 : i32 to vector<16xi32>
    %broadcast_in_dim3A_1538 = arith.constant 0 : i32
    %broadcast_in_dim3A_1539 = vector.broadcast %broadcast_in_dim3A_1538 : i32 to vector<16xi32>
    %select_n3A_1540 = arith.select %ne3A_1535, %broadcast_in_dim3A_1537, %broadcast_in_dim3A_1539 : vector<16xi1>, vector<16xi32>
    %swap3A_1541 = arith.constant 32 : index
    %swap3A_1542 = tpu.vector_load %arg7[%swap3A_1541] {strides = array<i32>} : memref<1024xi32, #tpu.memory_space<vmem>>, vector<16xi32>,
    %swap3A_1543 = vector.shape_cast %swap3A_1542 : vector<16xi32> to vector<16xi32>
    %swap3A_1544 = vector.shape_cast %select_n3A_1540 : vector<16xi32> to vector<16xi32>
    tpu.vector_store %arg7[%swap3A_1541], %swap3A_1544 {strides = array<i32>} : memref<1024xi32, #tpu.memory_space<vmem>>, vector<16xi32>,
    %get3A_1545 = arith.constant 48 : index
    %get3A_1546 = tpu.vector_load %arg6[%get3A_1545] {strides = array<i32>} : memref<1024xi32, #tpu.memory_space<vmem>>, vector<16xi32>,
    %get3A_1547 = vector.shape_cast %get3A_1546 : vector<16xi32> to vector<16xi32>
    %ne3A_1548 = arith.constant 511 : i32
    %ne3A_1549 = vector.broadcast %ne3A_1548 : i32 to vector<16xi32>
    %ne3A_1550 = arith.cmpi ne, %get3A_1547, %ne3A_1549 : vector<16xi32>
    %broadcast_in_dim3A_1551 = arith.constant 1 : i32
    %broadcast_in_dim3A_1552 = vector.broadcast %broadcast_in_dim3A_1551 : i32 to vector<16xi32>
    %broadcast_in_dim3A_1553 = arith.constant 0 : i32
    %broadcast_in_dim3A_1554 = vector.broadcast %broadcast_in_dim3A_1553 : i32 to vector<16xi32>
    %select_n3A_1555 = arith.select %ne3A_1550, %broadcast_in_dim3A_1552, %broadcast_in_dim3A_1554 : vector<16xi1>, vector<16xi32>
    %swap3A_1556 = arith.constant 48 : index
    %swap3A_1557 = tpu.vector_load %arg7[%swap3A_1556] {strides = array<i32>} : memref<1024xi32, #tpu.memory_space<vmem>>, vector<16xi32>,
    %swap3A_1558 = vector.shape_cast %swap3A_1557 : vector<16xi32> to vector<16xi32>
    %swap3A_1559 = vector.shape_cast %select_n3A_1555 : vector<16xi32> to vector<16xi32>
    tpu.vector_store %arg7[%swap3A_1556], %swap3A_1559 {strides = array<i32>} : memref<1024xi32, #tpu.memory_space<vmem>>, vector<16xi32>,
    %get3A_1560 = arith.constant 64 : index
    %get3A_1561 = tpu.vector_load %arg6[%get3A_1560] {strides = array<i32>} : memref<1024xi32, #tpu.memory_space<vmem>>, vector<16xi32>,
    %get3A_1562 = vector.shape_cast %get3A_1561 : vector<16xi32> to vector<16xi32>
    %ne3A_1563 = arith.constant 511 : i32
    %ne3A_1564 = vector.broadcast %ne3A_1563 : i32 to vector<16xi32>
    %ne3A_1565 = arith.cmpi ne, %get3A_1562, %ne3A_1564 : vector<16xi32>
    %broadcast_in_dim3A_1566 = arith.constant 1 : i32
    %broadcast_in_dim3A_1567 = vector.broadcast %broadcast_in_dim3A_1566 : i32 to vector<16xi32>
    %broadcast_in_dim3A_1568 = arith.constant 0 : i32
    %broadcast_in_dim3A_1569 = vector.broadcast %broadcast_in_dim3A_1568 : i32 to vector<16xi32>
    %select_n3A_1570 = arith.select %ne3A_1565, %broadcast_in_dim3A_1567, %broadcast_in_dim3A_1569 : vector<16xi1>, vector<16xi32>
    %swap3A_1571 = arith.constant 64 : index
    %swap3A_1572 = tpu.vector_load %arg7[%swap3A_1571] {strides = array<i32>} : memref<1024xi32, #tpu.memory_space<vmem>>, vector<16xi32>,
    %swap3A_1573 = vector.shape_cast %swap3A_1572 : vector<16xi32> to vector<16xi32>
    %swap3A_1574 = vector.shape_cast %select_n3A_1570 : vector<16xi32> to vector<16xi32>
    tpu.vector_store %arg7[%swap3A_1571], %swap3A_1574 {strides = array<i32>} : memref<1024xi32, #tpu.memory_space<vmem>>, vector<16xi32>,
    %get3A_1575 = arith.constant 80 : index
    %get3A_1576 = tpu.vector_load %arg6[%get3A_1575] {strides = array<i32>} : memref<1024xi32, #tpu.memory_space<vmem>>, vector<16xi32>,
    %get3A_1577 = vector.shape_cast %get3A_1576 : vector<16xi32> to vector<16xi32>
    %ne3A_1578 = arith.constant 511 : i32
    %ne3A_1579 = vector.broadcast %ne3A_1578 : i32 to vector<16xi32>
    %ne3A_1580 = arith.cmpi ne, %get3A_1577, %ne3A_1579 : vector<16xi32>
    %broadcast_in_dim3A_1581 = arith.constant 1 : i32
    %broadcast_in_dim3A_1582 = vector.broadcast %broadcast_in_dim3A_1581 : i32 to vector<16xi32>
    %broadcast_in_dim3A_1583 = arith.constant 0 : i32
    %broadcast_in_dim3A_1584 = vector.broadcast %broadcast_in_dim3A_1583 : i32 to vector<16xi32>
    %select_n3A_1585 = arith.select %ne3A_1580, %broadcast_in_dim3A_1582, %broadcast_in_dim3A_1584 : vector<16xi1>, vector<16xi32>
    %swap3A_1586 = arith.constant 80 : index
    %swap3A_1587 = tpu.vector_load %arg7[%swap3A_1586] {strides = array<i32>} : memref<1024xi32, #tpu.memory_space<vmem>>, vector<16xi32>,
    %swap3A_1588 = vector.shape_cast %swap3A_1587 : vector<16xi32> to vector<16xi32>
    %swap3A_1589 = vector.shape_cast %select_n3A_1585 : vector<16xi32> to vector<16xi32>
    tpu.vector_store %arg7[%swap3A_1586], %swap3A_1589 {strides = array<i32>} : memref<1024xi32, #tpu.memory_space<vmem>>, vector<16xi32>,
    %get3A_1590 = arith.constant 96 : index
    %get3A_1591 = tpu.vector_load %arg6[%get3A_1590] {strides = array<i32>} : memref<1024xi32, #tpu.memory_space<vmem>>, vector<16xi32>,
    %get3A_1592 = vector.shape_cast %get3A_1591 : vector<16xi32> to vector<16xi32>
    %ne3A_1593 = arith.constant 511 : i32
    %ne3A_1594 = vector.broadcast %ne3A_1593 : i32 to vector<16xi32>
    %ne3A_1595 = arith.cmpi ne, %get3A_1592, %ne3A_1594 : vector<16xi32>
    %broadcast_in_dim3A_1596 = arith.constant 1 : i32
    %broadcast_in_dim3A_1597 = vector.broadcast %broadcast_in_dim3A_1596 : i32 to vector<16xi32>
    %broadcast_in_dim3A_1598 = arith.constant 0 : i32
    %broadcast_in_dim3A_1599 = vector.broadcast %broadcast_in_dim3A_1598 : i32 to vector<16xi32>
    %select_n3A_1600 = arith.select %ne3A_1595, %broadcast_in_dim3A_1597, %broadcast_in_dim3A_1599 : vector<16xi1>, vector<16xi32>
    %swap3A_1601 = arith.constant 96 : index
    %swap3A_1602 = tpu.vector_load %arg7[%swap3A_1601] {strides = array<i32>} : memref<1024xi32, #tpu.memory_space<vmem>>, vector<16xi32>,
    %swap3A_1603 = vector.shape_cast %swap3A_1602 : vector<16xi32> to vector<16xi32>
    %swap3A_1604 = vector.shape_cast %select_n3A_1600 : vector<16xi32> to vector<16xi32>
    tpu.vector_store %arg7[%swap3A_1601], %swap3A_1604 {strides = array<i32>} : memref<1024xi32, #tpu.memory_space<vmem>>, vector<16xi32>,
    %get3A_1605 = arith.constant 112 : index
    %get3A_1606 = tpu.vector_load %arg6[%get3A_1605] {strides = array<i32>} : memref<1024xi32, #tpu.memory_space<vmem>>, vector<16xi32>,
    %get3A_1607 = vector.shape_cast %get3A_1606 : vector<16xi32> to vector<16xi32>
    %ne3A_1608 = arith.constant 511 : i32
    %ne3A_1609 = vector.broadcast %ne3A_1608 : i32 to vector<16xi32>
    %ne3A_1610 = arith.cmpi ne, %get3A_1607, %ne3A_1609 : vector<16xi32>
    %broadcast_in_dim3A_1611 = arith.constant 1 : i32
    %broadcast_in_dim3A_1612 = vector.broadcast %broadcast_in_dim3A_1611 : i32 to vector<16xi32>
    %broadcast_in_dim3A_1613 = arith.constant 0 : i32
    %broadcast_in_dim3A_1614 = vector.broadcast %broadcast_in_dim3A_1613 : i32 to vector<16xi32>
    %select_n3A_1615 = arith.select %ne3A_1610, %broadcast_in_dim3A_1612, %broadcast_in_dim3A_1614 : vector<16xi1>, vector<16xi32>
    %swap3A_1616 = arith.constant 112 : index
    %swap3A_1617 = tpu.vector_load %arg7[%swap3A_1616] {strides = array<i32>} : memref<1024xi32, #tpu.memory_space<vmem>>, vector<16xi32>,
    %swap3A_1618 = vector.shape_cast %swap3A_1617 : vector<16xi32> to vector<16xi32>
    %swap3A_1619 = vector.shape_cast %select_n3A_1615 : vector<16xi32> to vector<16xi32>
    tpu.vector_store %arg7[%swap3A_1616], %swap3A_1619 {strides = array<i32>} : memref<1024xi32, #tpu.memory_space<vmem>>, vector<16xi32>,
    %get3A_1620 = arith.constant 128 : index
    %get3A_1621 = tpu.vector_load %arg6[%get3A_1620] {strides = array<i32>} : memref<1024xi32, #tpu.memory_space<vmem>>, vector<16xi32>,
    %get3A_1622 = vector.shape_cast %get3A_1621 : vector<16xi32> to vector<16xi32>
    %ne3A_1623 = arith.constant 511 : i32
    %ne3A_1624 = vector.broadcast %ne3A_1623 : i32 to vector<16xi32>
    %ne3A_1625 = arith.cmpi ne, %get3A_1622, %ne3A_1624 : vector<16xi32>
    %broadcast_in_dim3A_1626 = arith.constant 1 : i32
    %broadcast_in_dim3A_1627 = vector.broadcast %broadcast_in_dim3A_1626 : i32 to vector<16xi32>
    %broadcast_in_dim3A_1628 = arith.constant 0 : i32
    %broadcast_in_dim3A_1629 = vector.broadcast %broadcast_in_dim3A_1628 : i32 to vector<16xi32>
    %select_n3A_1630 = arith.select %ne3A_1625, %broadcast_in_dim3A_1627, %broadcast_in_dim3A_1629 : vector<16xi1>, vector<16xi32>
    %swap3A_1631 = arith.constant 128 : index
    %swap3A_1632 = tpu.vector_load %arg7[%swap3A_1631] {strides = array<i32>} : memref<1024xi32, #tpu.memory_space<vmem>>, vector<16xi32>,
    %swap3A_1633 = vector.shape_cast %swap3A_1632 : vector<16xi32> to vector<16xi32>
    %swap3A_1634 = vector.shape_cast %select_n3A_1630 : vector<16xi32> to vector<16xi32>
    tpu.vector_store %arg7[%swap3A_1631], %swap3A_1634 {strides = array<i32>} : memref<1024xi32, #tpu.memory_space<vmem>>, vector<16xi32>,
    %get3A_1635 = arith.constant 144 : index
    %get3A_1636 = tpu.vector_load %arg6[%get3A_1635] {strides = array<i32>} : memref<1024xi32, #tpu.memory_space<vmem>>, vector<16xi32>,
    %get3A_1637 = vector.shape_cast %get3A_1636 : vector<16xi32> to vector<16xi32>
    %ne3A_1638 = arith.constant 511 : i32
    %ne3A_1639 = vector.broadcast %ne3A_1638 : i32 to vector<16xi32>
    %ne3A_1640 = arith.cmpi ne, %get3A_1637, %ne3A_1639 : vector<16xi32>
    %broadcast_in_dim3A_1641 = arith.constant 1 : i32
    %broadcast_in_dim3A_1642 = vector.broadcast %broadcast_in_dim3A_1641 : i32 to vector<16xi32>
    %broadcast_in_dim3A_1643 = arith.constant 0 : i32
    %broadcast_in_dim3A_1644 = vector.broadcast %broadcast_in_dim3A_1643 : i32 to vector<16xi32>
    %select_n3A_1645 = arith.select %ne3A_1640, %broadcast_in_dim3A_1642, %broadcast_in_dim3A_1644 : vector<16xi1>, vector<16xi32>
    %swap3A_1646 = arith.constant 144 : index
    %swap3A_1647 = tpu.vector_load %arg7[%swap3A_1646] {strides = array<i32>} : memref<1024xi32, #tpu.memory_space<vmem>>, vector<16xi32>,
    %swap3A_1648 = vector.shape_cast %swap3A_1647 : vector<16xi32> to vector<16xi32>
    %swap3A_1649 = vector.shape_cast %select_n3A_1645 : vector<16xi32> to vector<16xi32>
    tpu.vector_store %arg7[%swap3A_1646], %swap3A_1649 {strides = array<i32>} : memref<1024xi32, #tpu.memory_space<vmem>>, vector<16xi32>,
    %get3A_1650 = arith.constant 160 : index
    %get3A_1651 = tpu.vector_load %arg6[%get3A_1650] {strides = array<i32>} : memref<1024xi32, #tpu.memory_space<vmem>>, vector<16xi32>,
    %get3A_1652 = vector.shape_cast %get3A_1651 : vector<16xi32> to vector<16xi32>
    %ne3A_1653 = arith.constant 511 : i32
    %ne3A_1654 = vector.broadcast %ne3A_1653 : i32 to vector<16xi32>
    %ne3A_1655 = arith.cmpi ne, %get3A_1652, %ne3A_1654 : vector<16xi32>
    %broadcast_in_dim3A_1656 = arith.constant 1 : i32
    %broadcast_in_dim3A_1657 = vector.broadcast %broadcast_in_dim3A_1656 : i32 to vector<16xi32>
    %broadcast_in_dim3A_1658 = arith.constant 0 : i32
    %broadcast_in_dim3A_1659 = vector.broadcast %broadcast_in_dim3A_1658 : i32 to vector<16xi32>
    %select_n3A_1660 = arith.select %ne3A_1655, %broadcast_in_dim3A_1657, %broadcast_in_dim3A_1659 : vector<16xi1>, vector<16xi32>
    %swap3A_1661 = arith.constant 160 : index
    %swap3A_1662 = tpu.vector_load %arg7[%swap3A_1661] {strides = array<i32>} : memref<1024xi32, #tpu.memory_space<vmem>>, vector<16xi32>,
    %swap3A_1663 = vector.shape_cast %swap3A_1662 : vector<16xi32> to vector<16xi32>
    %swap3A_1664 = vector.shape_cast %select_n3A_1660 : vector<16xi32> to vector<16xi32>
    tpu.vector_store %arg7[%swap3A_1661], %swap3A_1664 {strides = array<i32>} : memref<1024xi32, #tpu.memory_space<vmem>>, vector<16xi32>,
    %get3A_1665 = arith.constant 176 : index
    %get3A_1666 = tpu.vector_load %arg6[%get3A_1665] {strides = array<i32>} : memref<1024xi32, #tpu.memory_space<vmem>>, vector<16xi32>,
    %get3A_1667 = vector.shape_cast %get3A_1666 : vector<16xi32> to vector<16xi32>
    %ne3A_1668 = arith.constant 511 : i32
    %ne3A_1669 = vector.broadcast %ne3A_1668 : i32 to vector<16xi32>
    %ne3A_1670 = arith.cmpi ne, %get3A_1667, %ne3A_1669 : vector<16xi32>
    %broadcast_in_dim3A_1671 = arith.constant 1 : i32
    %broadcast_in_dim3A_1672 = vector.broadcast %broadcast_in_dim3A_1671 : i32 to vector<16xi32>
    %broadcast_in_dim3A_1673 = arith.constant 0 : i32
    %broadcast_in_dim3A_1674 = vector.broadcast %broadcast_in_dim3A_1673 : i32 to vector<16xi32>
    %select_n3A_1675 = arith.select %ne3A_1670, %broadcast_in_dim3A_1672, %broadcast_in_dim3A_1674 : vector<16xi1>, vector<16xi32>
    %swap3A_1676 = arith.constant 176 : index
    %swap3A_1677 = tpu.vector_load %arg7[%swap3A_1676] {strides = array<i32>} : memref<1024xi32, #tpu.memory_space<vmem>>, vector<16xi32>,
    %swap3A_1678 = vector.shape_cast %swap3A_1677 : vector<16xi32> to vector<16xi32>
    %swap3A_1679 = vector.shape_cast %select_n3A_1675 : vector<16xi32> to vector<16xi32>
    tpu.vector_store %arg7[%swap3A_1676], %swap3A_1679 {strides = array<i32>} : memref<1024xi32, #tpu.memory_space<vmem>>, vector<16xi32>,
    %get3A_1680 = arith.constant 192 : index
    %get3A_1681 = tpu.vector_load %arg6[%get3A_1680] {strides = array<i32>} : memref<1024xi32, #tpu.memory_space<vmem>>, vector<16xi32>,
    %get3A_1682 = vector.shape_cast %get3A_1681 : vector<16xi32> to vector<16xi32>
    %ne3A_1683 = arith.constant 511 : i32
    %ne3A_1684 = vector.broadcast %ne3A_1683 : i32 to vector<16xi32>
    %ne3A_1685 = arith.cmpi ne, %get3A_1682, %ne3A_1684 : vector<16xi32>
    %broadcast_in_dim3A_1686 = arith.constant 1 : i32
    %broadcast_in_dim3A_1687 = vector.broadcast %broadcast_in_dim3A_1686 : i32 to vector<16xi32>
    %broadcast_in_dim3A_1688 = arith.constant 0 : i32
    %broadcast_in_dim3A_1689 = vector.broadcast %broadcast_in_dim3A_1688 : i32 to vector<16xi32>
    %select_n3A_1690 = arith.select %ne3A_1685, %broadcast_in_dim3A_1687, %broadcast_in_dim3A_1689 : vector<16xi1>, vector<16xi32>
    %swap3A_1691 = arith.constant 192 : index
    %swap3A_1692 = tpu.vector_load %arg7[%swap3A_1691] {strides = array<i32>} : memref<1024xi32, #tpu.memory_space<vmem>>, vector<16xi32>,
    %swap3A_1693 = vector.shape_cast %swap3A_1692 : vector<16xi32> to vector<16xi32>
    %swap3A_1694 = vector.shape_cast %select_n3A_1690 : vector<16xi32> to vector<16xi32>
    tpu.vector_store %arg7[%swap3A_1691], %swap3A_1694 {strides = array<i32>} : memref<1024xi32, #tpu.memory_space<vmem>>, vector<16xi32>,
    %get3A_1695 = arith.constant 208 : index
    %get3A_1696 = tpu.vector_load %arg6[%get3A_1695] {strides = array<i32>} : memref<1024xi32, #tpu.memory_space<vmem>>, vector<16xi32>,
    %get3A_1697 = vector.shape_cast %get3A_1696 : vector<16xi32> to vector<16xi32>
    %ne3A_1698 = arith.constant 511 : i32
    %ne3A_1699 = vector.broadcast %ne3A_1698 : i32 to vector<16xi32>
    %ne3A_1700 = arith.cmpi ne, %get3A_1697, %ne3A_1699 : vector<16xi32>
    %broadcast_in_dim3A_1701 = arith.constant 1 : i32
    %broadcast_in_dim3A_1702 = vector.broadcast %broadcast_in_dim3A_1701 : i32 to vector<16xi32>
    %broadcast_in_dim3A_1703 = arith.constant 0 : i32
    %broadcast_in_dim3A_1704 = vector.broadcast %broadcast_in_dim3A_1703 : i32 to vector<16xi32>
    %select_n3A_1705 = arith.select %ne3A_1700, %broadcast_in_dim3A_1702, %broadcast_in_dim3A_1704 : vector<16xi1>, vector<16xi32>
    %swap3A_1706 = arith.constant 208 : index
    %swap3A_1707 = tpu.vector_load %arg7[%swap3A_1706] {strides = array<i32>} : memref<1024xi32, #tpu.memory_space<vmem>>, vector<16xi32>,
    %swap3A_1708 = vector.shape_cast %swap3A_1707 : vector<16xi32> to vector<16xi32>
    %swap3A_1709 = vector.shape_cast %select_n3A_1705 : vector<16xi32> to vector<16xi32>
    tpu.vector_store %arg7[%swap3A_1706], %swap3A_1709 {strides = array<i32>} : memref<1024xi32, #tpu.memory_space<vmem>>, vector<16xi32>,
    %get3A_1710 = arith.constant 224 : index
    %get3A_1711 = tpu.vector_load %arg6[%get3A_1710] {strides = array<i32>} : memref<1024xi32, #tpu.memory_space<vmem>>, vector<16xi32>,
    %get3A_1712 = vector.shape_cast %get3A_1711 : vector<16xi32> to vector<16xi32>
    %ne3A_1713 = arith.constant 511 : i32
    %ne3A_1714 = vector.broadcast %ne3A_1713 : i32 to vector<16xi32>
    %ne3A_1715 = arith.cmpi ne, %get3A_1712, %ne3A_1714 : vector<16xi32>
    %broadcast_in_dim3A_1716 = arith.constant 1 : i32
    %broadcast_in_dim3A_1717 = vector.broadcast %broadcast_in_dim3A_1716 : i32 to vector<16xi32>
    %broadcast_in_dim3A_1718 = arith.constant 0 : i32
    %broadcast_in_dim3A_1719 = vector.broadcast %broadcast_in_dim3A_1718 : i32 to vector<16xi32>
    %select_n3A_1720 = arith.select %ne3A_1715, %broadcast_in_dim3A_1717, %broadcast_in_dim3A_1719 : vector<16xi1>, vector<16xi32>
    %swap3A_1721 = arith.constant 224 : index
    %swap3A_1722 = tpu.vector_load %arg7[%swap3A_1721] {strides = array<i32>} : memref<1024xi32, #tpu.memory_space<vmem>>, vector<16xi32>,
    %swap3A_1723 = vector.shape_cast %swap3A_1722 : vector<16xi32> to vector<16xi32>
    %swap3A_1724 = vector.shape_cast %select_n3A_1720 : vector<16xi32> to vector<16xi32>
    tpu.vector_store %arg7[%swap3A_1721], %swap3A_1724 {strides = array<i32>} : memref<1024xi32, #tpu.memory_space<vmem>>, vector<16xi32>,
    %get3A_1725 = arith.constant 240 : index
    %get3A_1726 = tpu.vector_load %arg6[%get3A_1725] {strides = array<i32>} : memref<1024xi32, #tpu.memory_space<vmem>>, vector<16xi32>,
    %get3A_1727 = vector.shape_cast %get3A_1726 : vector<16xi32> to vector<16xi32>
    %ne3A_1728 = arith.constant 511 : i32
    %ne3A_1729 = vector.broadcast %ne3A_1728 : i32 to vector<16xi32>
    %ne3A_1730 = arith.cmpi ne, %get3A_1727, %ne3A_1729 : vector<16xi32>
    %broadcast_in_dim3A_1731 = arith.constant 1 : i32
    %broadcast_in_dim3A_1732 = vector.broadcast %broadcast_in_dim3A_1731 : i32 to vector<16xi32>
    %broadcast_in_dim3A_1733 = arith.constant 0 : i32
    %broadcast_in_dim3A_1734 = vector.broadcast %broadcast_in_dim3A_1733 : i32 to vector<16xi32>
    %select_n3A_1735 = arith.select %ne3A_1730, %broadcast_in_dim3A_1732, %broadcast_in_dim3A_1734 : vector<16xi1>, vector<16xi32>
    %swap3A_1736 = arith.constant 240 : index
    %swap3A_1737 = tpu.vector_load %arg7[%swap3A_1736] {strides = array<i32>} : memref<1024xi32, #tpu.memory_space<vmem>>, vector<16xi32>,
    %swap3A_1738 = vector.shape_cast %swap3A_1737 : vector<16xi32> to vector<16xi32>
    %swap3A_1739 = vector.shape_cast %select_n3A_1735 : vector<16xi32> to vector<16xi32>
    tpu.vector_store %arg7[%swap3A_1736], %swap3A_1739 {strides = array<i32>} : memref<1024xi32, #tpu.memory_space<vmem>>, vector<16xi32>,
    %get3A_1740 = arith.constant 256 : index
    %get3A_1741 = tpu.vector_load %arg6[%get3A_1740] {strides = array<i32>} : memref<1024xi32, #tpu.memory_space<vmem>>, vector<16xi32>,
    %get3A_1742 = vector.shape_cast %get3A_1741 : vector<16xi32> to vector<16xi32>
    %ne3A_1743 = arith.constant 511 : i32
    %ne3A_1744 = vector.broadcast %ne3A_1743 : i32 to vector<16xi32>
    %ne3A_1745 = arith.cmpi ne, %get3A_1742, %ne3A_1744 : vector<16xi32>
    %broadcast_in_dim3A_1746 = arith.constant 1 : i32
    %broadcast_in_dim3A_1747 = vector.broadcast %broadcast_in_dim3A_1746 : i32 to vector<16xi32>
    %broadcast_in_dim3A_1748 = arith.constant 0 : i32
    %broadcast_in_dim3A_1749 = vector.broadcast %broadcast_in_dim3A_1748 : i32 to vector<16xi32>
    %select_n3A_1750 = arith.select %ne3A_1745, %broadcast_in_dim3A_1747, %broadcast_in_dim3A_1749 : vector<16xi1>, vector<16xi32>
    %swap3A_1751 = arith.constant 256 : index
    %swap3A_1752 = tpu.vector_load %arg7[%swap3A_1751] {strides = array<i32>} : memref<1024xi32, #tpu.memory_space<vmem>>, vector<16xi32>,
    %swap3A_1753 = vector.shape_cast %swap3A_1752 : vector<16xi32> to vector<16xi32>
    %swap3A_1754 = vector.shape_cast %select_n3A_1750 : vector<16xi32> to vector<16xi32>
    tpu.vector_store %arg7[%swap3A_1751], %swap3A_1754 {strides = array<i32>} : memref<1024xi32, #tpu.memory_space<vmem>>, vector<16xi32>,
    %get3A_1755 = arith.constant 272 : index
    %get3A_1756 = tpu.vector_load %arg6[%get3A_1755] {strides = array<i32>} : memref<1024xi32, #tpu.memory_space<vmem>>, vector<16xi32>,
    %get3A_1757 = vector.shape_cast %get3A_1756 : vector<16xi32> to vector<16xi32>
    %ne3A_1758 = arith.constant 511 : i32
    %ne3A_1759 = vector.broadcast %ne3A_1758 : i32 to vector<16xi32>
    %ne3A_1760 = arith.cmpi ne, %get3A_1757, %ne3A_1759 : vector<16xi32>
    %broadcast_in_dim3A_1761 = arith.constant 1 : i32
    %broadcast_in_dim3A_1762 = vector.broadcast %broadcast_in_dim3A_1761 : i32 to vector<16xi32>
    %broadcast_in_dim3A_1763 = arith.constant 0 : i32
    %broadcast_in_dim3A_1764 = vector.broadcast %broadcast_in_dim3A_1763 : i32 to vector<16xi32>
    %select_n3A_1765 = arith.select %ne3A_1760, %broadcast_in_dim3A_1762, %broadcast_in_dim3A_1764 : vector<16xi1>, vector<16xi32>
    %swap3A_1766 = arith.constant 272 : index
    %swap3A_1767 = tpu.vector_load %arg7[%swap3A_1766] {strides = array<i32>} : memref<1024xi32, #tpu.memory_space<vmem>>, vector<16xi32>,
    %swap3A_1768 = vector.shape_cast %swap3A_1767 : vector<16xi32> to vector<16xi32>
    %swap3A_1769 = vector.shape_cast %select_n3A_1765 : vector<16xi32> to vector<16xi32>
    tpu.vector_store %arg7[%swap3A_1766], %swap3A_1769 {strides = array<i32>} : memref<1024xi32, #tpu.memory_space<vmem>>, vector<16xi32>,
    %get3A_1770 = arith.constant 288 : index
    %get3A_1771 = tpu.vector_load %arg6[%get3A_1770] {strides = array<i32>} : memref<1024xi32, #tpu.memory_space<vmem>>, vector<16xi32>,
    %get3A_1772 = vector.shape_cast %get3A_1771 : vector<16xi32> to vector<16xi32>
    %ne3A_1773 = arith.constant 511 : i32
    %ne3A_1774 = vector.broadcast %ne3A_1773 : i32 to vector<16xi32>
    %ne3A_1775 = arith.cmpi ne, %get3A_1772, %ne3A_1774 : vector<16xi32>
    %broadcast_in_dim3A_1776 = arith.constant 1 : i32
    %broadcast_in_dim3A_1777 = vector.broadcast %broadcast_in_dim3A_1776 : i32 to vector<16xi32>
    %broadcast_in_dim3A_1778 = arith.constant 0 : i32
    %broadcast_in_dim3A_1779 = vector.broadcast %broadcast_in_dim3A_1778 : i32 to vector<16xi32>
    %select_n3A_1780 = arith.select %ne3A_1775, %broadcast_in_dim3A_1777, %broadcast_in_dim3A_1779 : vector<16xi1>, vector<16xi32>
    %swap3A_1781 = arith.constant 288 : index
    %swap3A_1782 = tpu.vector_load %arg7[%swap3A_1781] {strides = array<i32>} : memref<1024xi32, #tpu.memory_space<vmem>>, vector<16xi32>,
    %swap3A_1783 = vector.shape_cast %swap3A_1782 : vector<16xi32> to vector<16xi32>
    %swap3A_1784 = vector.shape_cast %select_n3A_1780 : vector<16xi32> to vector<16xi32>
    tpu.vector_store %arg7[%swap3A_1781], %swap3A_1784 {strides = array<i32>} : memref<1024xi32, #tpu.memory_space<vmem>>, vector<16xi32>,
    %get3A_1785 = arith.constant 304 : index
    %get3A_1786 = tpu.vector_load %arg6[%get3A_1785] {strides = array<i32>} : memref<1024xi32, #tpu.memory_space<vmem>>, vector<16xi32>,
    %get3A_1787 = vector.shape_cast %get3A_1786 : vector<16xi32> to vector<16xi32>
    %ne3A_1788 = arith.constant 511 : i32
    %ne3A_1789 = vector.broadcast %ne3A_1788 : i32 to vector<16xi32>
    %ne3A_1790 = arith.cmpi ne, %get3A_1787, %ne3A_1789 : vector<16xi32>
    %broadcast_in_dim3A_1791 = arith.constant 1 : i32
    %broadcast_in_dim3A_1792 = vector.broadcast %broadcast_in_dim3A_1791 : i32 to vector<16xi32>
    %broadcast_in_dim3A_1793 = arith.constant 0 : i32
    %broadcast_in_dim3A_1794 = vector.broadcast %broadcast_in_dim3A_1793 : i32 to vector<16xi32>
    %select_n3A_1795 = arith.select %ne3A_1790, %broadcast_in_dim3A_1792, %broadcast_in_dim3A_1794 : vector<16xi1>, vector<16xi32>
    %swap3A_1796 = arith.constant 304 : index
    %swap3A_1797 = tpu.vector_load %arg7[%swap3A_1796] {strides = array<i32>} : memref<1024xi32, #tpu.memory_space<vmem>>, vector<16xi32>,
    %swap3A_1798 = vector.shape_cast %swap3A_1797 : vector<16xi32> to vector<16xi32>
    %swap3A_1799 = vector.shape_cast %select_n3A_1795 : vector<16xi32> to vector<16xi32>
    tpu.vector_store %arg7[%swap3A_1796], %swap3A_1799 {strides = array<i32>} : memref<1024xi32, #tpu.memory_space<vmem>>, vector<16xi32>,
    %get3A_1800 = arith.constant 320 : index
    %get3A_1801 = tpu.vector_load %arg6[%get3A_1800] {strides = array<i32>} : memref<1024xi32, #tpu.memory_space<vmem>>, vector<16xi32>,
    %get3A_1802 = vector.shape_cast %get3A_1801 : vector<16xi32> to vector<16xi32>
    %ne3A_1803 = arith.constant 511 : i32
    %ne3A_1804 = vector.broadcast %ne3A_1803 : i32 to vector<16xi32>
    %ne3A_1805 = arith.cmpi ne, %get3A_1802, %ne3A_1804 : vector<16xi32>
    %broadcast_in_dim3A_1806 = arith.constant 1 : i32
    %broadcast_in_dim3A_1807 = vector.broadcast %broadcast_in_dim3A_1806 : i32 to vector<16xi32>
    %broadcast_in_dim3A_1808 = arith.constant 0 : i32
    %broadcast_in_dim3A_1809 = vector.broadcast %broadcast_in_dim3A_1808 : i32 to vector<16xi32>
    %select_n3A_1810 = arith.select %ne3A_1805, %broadcast_in_dim3A_1807, %broadcast_in_dim3A_1809 : vector<16xi1>, vector<16xi32>
    %swap3A_1811 = arith.constant 320 : index
    %swap3A_1812 = tpu.vector_load %arg7[%swap3A_1811] {strides = array<i32>} : memref<1024xi32, #tpu.memory_space<vmem>>, vector<16xi32>,
    %swap3A_1813 = vector.shape_cast %swap3A_1812 : vector<16xi32> to vector<16xi32>
    %swap3A_1814 = vector.shape_cast %select_n3A_1810 : vector<16xi32> to vector<16xi32>
    tpu.vector_store %arg7[%swap3A_1811], %swap3A_1814 {strides = array<i32>} : memref<1024xi32, #tpu.memory_space<vmem>>, vector<16xi32>,
    %get3A_1815 = arith.constant 336 : index
    %get3A_1816 = tpu.vector_load %arg6[%get3A_1815] {strides = array<i32>} : memref<1024xi32, #tpu.memory_space<vmem>>, vector<16xi32>,
    %get3A_1817 = vector.shape_cast %get3A_1816 : vector<16xi32> to vector<16xi32>
    %ne3A_1818 = arith.constant 511 : i32
    %ne3A_1819 = vector.broadcast %ne3A_1818 : i32 to vector<16xi32>
    %ne3A_1820 = arith.cmpi ne, %get3A_1817, %ne3A_1819 : vector<16xi32>
    %broadcast_in_dim3A_1821 = arith.constant 1 : i32
    %broadcast_in_dim3A_1822 = vector.broadcast %broadcast_in_dim3A_1821 : i32 to vector<16xi32>
    %broadcast_in_dim3A_1823 = arith.constant 0 : i32
    %broadcast_in_dim3A_1824 = vector.broadcast %broadcast_in_dim3A_1823 : i32 to vector<16xi32>
    %select_n3A_1825 = arith.select %ne3A_1820, %broadcast_in_dim3A_1822, %broadcast_in_dim3A_1824 : vector<16xi1>, vector<16xi32>
    %swap3A_1826 = arith.constant 336 : index
    %swap3A_1827 = tpu.vector_load %arg7[%swap3A_1826] {strides = array<i32>} : memref<1024xi32, #tpu.memory_space<vmem>>, vector<16xi32>,
    %swap3A_1828 = vector.shape_cast %swap3A_1827 : vector<16xi32> to vector<16xi32>
    %swap3A_1829 = vector.shape_cast %select_n3A_1825 : vector<16xi32> to vector<16xi32>
    tpu.vector_store %arg7[%swap3A_1826], %swap3A_1829 {strides = array<i32>} : memref<1024xi32, #tpu.memory_space<vmem>>, vector<16xi32>,
    %get3A_1830 = arith.constant 352 : index
    %get3A_1831 = tpu.vector_load %arg6[%get3A_1830] {strides = array<i32>} : memref<1024xi32, #tpu.memory_space<vmem>>, vector<16xi32>,
    %get3A_1832 = vector.shape_cast %get3A_1831 : vector<16xi32> to vector<16xi32>
    %ne3A_1833 = arith.constant 511 : i32
    %ne3A_1834 = vector.broadcast %ne3A_1833 : i32 to vector<16xi32>
    %ne3A_1835 = arith.cmpi ne, %get3A_1832, %ne3A_1834 : vector<16xi32>
    %broadcast_in_dim3A_1836 = arith.constant 1 : i32
    %broadcast_in_dim3A_1837 = vector.broadcast %broadcast_in_dim3A_1836 : i32 to vector<16xi32>
    %broadcast_in_dim3A_1838 = arith.constant 0 : i32
    %broadcast_in_dim3A_1839 = vector.broadcast %broadcast_in_dim3A_1838 : i32 to vector<16xi32>
    %select_n3A_1840 = arith.select %ne3A_1835, %broadcast_in_dim3A_1837, %broadcast_in_dim3A_1839 : vector<16xi1>, vector<16xi32>
    %swap3A_1841 = arith.constant 352 : index
    %swap3A_1842 = tpu.vector_load %arg7[%swap3A_1841] {strides = array<i32>} : memref<1024xi32, #tpu.memory_space<vmem>>, vector<16xi32>,
    %swap3A_1843 = vector.shape_cast %swap3A_1842 : vector<16xi32> to vector<16xi32>
    %swap3A_1844 = vector.shape_cast %select_n3A_1840 : vector<16xi32> to vector<16xi32>
    tpu.vector_store %arg7[%swap3A_1841], %swap3A_1844 {strides = array<i32>} : memref<1024xi32, #tpu.memory_space<vmem>>, vector<16xi32>,
    %get3A_1845 = arith.constant 368 : index
    %get3A_1846 = tpu.vector_load %arg6[%get3A_1845] {strides = array<i32>} : memref<1024xi32, #tpu.memory_space<vmem>>, vector<16xi32>,
    %get3A_1847 = vector.shape_cast %get3A_1846 : vector<16xi32> to vector<16xi32>
    %ne3A_1848 = arith.constant 511 : i32
    %ne3A_1849 = vector.broadcast %ne3A_1848 : i32 to vector<16xi32>
    %ne3A_1850 = arith.cmpi ne, %get3A_1847, %ne3A_1849 : vector<16xi32>
    %broadcast_in_dim3A_1851 = arith.constant 1 : i32
    %broadcast_in_dim3A_1852 = vector.broadcast %broadcast_in_dim3A_1851 : i32 to vector<16xi32>
    %broadcast_in_dim3A_1853 = arith.constant 0 : i32
    %broadcast_in_dim3A_1854 = vector.broadcast %broadcast_in_dim3A_1853 : i32 to vector<16xi32>
    %select_n3A_1855 = arith.select %ne3A_1850, %broadcast_in_dim3A_1852, %broadcast_in_dim3A_1854 : vector<16xi1>, vector<16xi32>
    %swap3A_1856 = arith.constant 368 : index
    %swap3A_1857 = tpu.vector_load %arg7[%swap3A_1856] {strides = array<i32>} : memref<1024xi32, #tpu.memory_space<vmem>>, vector<16xi32>,
    %swap3A_1858 = vector.shape_cast %swap3A_1857 : vector<16xi32> to vector<16xi32>
    %swap3A_1859 = vector.shape_cast %select_n3A_1855 : vector<16xi32> to vector<16xi32>
    tpu.vector_store %arg7[%swap3A_1856], %swap3A_1859 {strides = array<i32>} : memref<1024xi32, #tpu.memory_space<vmem>>, vector<16xi32>,
    %get3A_1860 = arith.constant 384 : index
    %get3A_1861 = tpu.vector_load %arg6[%get3A_1860] {strides = array<i32>} : memref<1024xi32, #tpu.memory_space<vmem>>, vector<16xi32>,
    %get3A_1862 = vector.shape_cast %get3A_1861 : vector<16xi32> to vector<16xi32>
    %ne3A_1863 = arith.constant 511 : i32
    %ne3A_1864 = vector.broadcast %ne3A_1863 : i32 to vector<16xi32>
    %ne3A_1865 = arith.cmpi ne, %get3A_1862, %ne3A_1864 : vector<16xi32>
    %broadcast_in_dim3A_1866 = arith.constant 1 : i32
    %broadcast_in_dim3A_1867 = vector.broadcast %broadcast_in_dim3A_1866 : i32 to vector<16xi32>
    %broadcast_in_dim3A_1868 = arith.constant 0 : i32
    %broadcast_in_dim3A_1869 = vector.broadcast %broadcast_in_dim3A_1868 : i32 to vector<16xi32>
    %select_n3A_1870 = arith.select %ne3A_1865, %broadcast_in_dim3A_1867, %broadcast_in_dim3A_1869 : vector<16xi1>, vector<16xi32>
    %swap3A_1871 = arith.constant 384 : index
    %swap3A_1872 = tpu.vector_load %arg7[%swap3A_1871] {strides = array<i32>} : memref<1024xi32, #tpu.memory_space<vmem>>, vector<16xi32>,
    %swap3A_1873 = vector.shape_cast %swap3A_1872 : vector<16xi32> to vector<16xi32>
    %swap3A_1874 = vector.shape_cast %select_n3A_1870 : vector<16xi32> to vector<16xi32>
    tpu.vector_store %arg7[%swap3A_1871], %swap3A_1874 {strides = array<i32>} : memref<1024xi32, #tpu.memory_space<vmem>>, vector<16xi32>,
    %get3A_1875 = arith.constant 400 : index
    %get3A_1876 = tpu.vector_load %arg6[%get3A_1875] {strides = array<i32>} : memref<1024xi32, #tpu.memory_space<vmem>>, vector<16xi32>,
    %get3A_1877 = vector.shape_cast %get3A_1876 : vector<16xi32> to vector<16xi32>
    %ne3A_1878 = arith.constant 511 : i32
    %ne3A_1879 = vector.broadcast %ne3A_1878 : i32 to vector<16xi32>
    %ne3A_1880 = arith.cmpi ne, %get3A_1877, %ne3A_1879 : vector<16xi32>
    %broadcast_in_dim3A_1881 = arith.constant 1 : i32
    %broadcast_in_dim3A_1882 = vector.broadcast %broadcast_in_dim3A_1881 : i32 to vector<16xi32>
    %broadcast_in_dim3A_1883 = arith.constant 0 : i32
    %broadcast_in_dim3A_1884 = vector.broadcast %broadcast_in_dim3A_1883 : i32 to vector<16xi32>
    %select_n3A_1885 = arith.select %ne3A_1880, %broadcast_in_dim3A_1882, %broadcast_in_dim3A_1884 : vector<16xi1>, vector<16xi32>
    %swap3A_1886 = arith.constant 400 : index
    %swap3A_1887 = tpu.vector_load %arg7[%swap3A_1886] {strides = array<i32>} : memref<1024xi32, #tpu.memory_space<vmem>>, vector<16xi32>,
    %swap3A_1888 = vector.shape_cast %swap3A_1887 : vector<16xi32> to vector<16xi32>
    %swap3A_1889 = vector.shape_cast %select_n3A_1885 : vector<16xi32> to vector<16xi32>
    tpu.vector_store %arg7[%swap3A_1886], %swap3A_1889 {strides = array<i32>} : memref<1024xi32, #tpu.memory_space<vmem>>, vector<16xi32>,
    %get3A_1890 = arith.constant 416 : index
    %get3A_1891 = tpu.vector_load %arg6[%get3A_1890] {strides = array<i32>} : memref<1024xi32, #tpu.memory_space<vmem>>, vector<16xi32>,
    %get3A_1892 = vector.shape_cast %get3A_1891 : vector<16xi32> to vector<16xi32>
    %ne3A_1893 = arith.constant 511 : i32
    %ne3A_1894 = vector.broadcast %ne3A_1893 : i32 to vector<16xi32>
    %ne3A_1895 = arith.cmpi ne, %get3A_1892, %ne3A_1894 : vector<16xi32>
    %broadcast_in_dim3A_1896 = arith.constant 1 : i32
    %broadcast_in_dim3A_1897 = vector.broadcast %broadcast_in_dim3A_1896 : i32 to vector<16xi32>
    %broadcast_in_dim3A_1898 = arith.constant 0 : i32
    %broadcast_in_dim3A_1899 = vector.broadcast %broadcast_in_dim3A_1898 : i32 to vector<16xi32>
    %select_n3A_1900 = arith.select %ne3A_1895, %broadcast_in_dim3A_1897, %broadcast_in_dim3A_1899 : vector<16xi1>, vector<16xi32>
    %swap3A_1901 = arith.constant 416 : index
    %swap3A_1902 = tpu.vector_load %arg7[%swap3A_1901] {strides = array<i32>} : memref<1024xi32, #tpu.memory_space<vmem>>, vector<16xi32>,
    %swap3A_1903 = vector.shape_cast %swap3A_1902 : vector<16xi32> to vector<16xi32>
    %swap3A_1904 = vector.shape_cast %select_n3A_1900 : vector<16xi32> to vector<16xi32>
    tpu.vector_store %arg7[%swap3A_1901], %swap3A_1904 {strides = array<i32>} : memref<1024xi32, #tpu.memory_space<vmem>>, vector<16xi32>,
    %get3A_1905 = arith.constant 432 : index
    %get3A_1906 = tpu.vector_load %arg6[%get3A_1905] {strides = array<i32>} : memref<1024xi32, #tpu.memory_space<vmem>>, vector<16xi32>,
    %get3A_1907 = vector.shape_cast %get3A_1906 : vector<16xi32> to vector<16xi32>
    %ne3A_1908 = arith.constant 511 : i32
    %ne3A_1909 = vector.broadcast %ne3A_1908 : i32 to vector<16xi32>
    %ne3A_1910 = arith.cmpi ne, %get3A_1907, %ne3A_1909 : vector<16xi32>
    %broadcast_in_dim3A_1911 = arith.constant 1 : i32
    %broadcast_in_dim3A_1912 = vector.broadcast %broadcast_in_dim3A_1911 : i32 to vector<16xi32>
    %broadcast_in_dim3A_1913 = arith.constant 0 : i32
    %broadcast_in_dim3A_1914 = vector.broadcast %broadcast_in_dim3A_1913 : i32 to vector<16xi32>
    %select_n3A_1915 = arith.select %ne3A_1910, %broadcast_in_dim3A_1912, %broadcast_in_dim3A_1914 : vector<16xi1>, vector<16xi32>
    %swap3A_1916 = arith.constant 432 : index
    %swap3A_1917 = tpu.vector_load %arg7[%swap3A_1916] {strides = array<i32>} : memref<1024xi32, #tpu.memory_space<vmem>>, vector<16xi32>,
    %swap3A_1918 = vector.shape_cast %swap3A_1917 : vector<16xi32> to vector<16xi32>
    %swap3A_1919 = vector.shape_cast %select_n3A_1915 : vector<16xi32> to vector<16xi32>
    tpu.vector_store %arg7[%swap3A_1916], %swap3A_1919 {strides = array<i32>} : memref<1024xi32, #tpu.memory_space<vmem>>, vector<16xi32>,
    %get3A_1920 = arith.constant 448 : index
    %get3A_1921 = tpu.vector_load %arg6[%get3A_1920] {strides = array<i32>} : memref<1024xi32, #tpu.memory_space<vmem>>, vector<16xi32>,
    %get3A_1922 = vector.shape_cast %get3A_1921 : vector<16xi32> to vector<16xi32>
    %ne3A_1923 = arith.constant 511 : i32
    %ne3A_1924 = vector.broadcast %ne3A_1923 : i32 to vector<16xi32>
    %ne3A_1925 = arith.cmpi ne, %get3A_1922, %ne3A_1924 : vector<16xi32>
    %broadcast_in_dim3A_1926 = arith.constant 1 : i32
    %broadcast_in_dim3A_1927 = vector.broadcast %broadcast_in_dim3A_1926 : i32 to vector<16xi32>
    %broadcast_in_dim3A_1928 = arith.constant 0 : i32
    %broadcast_in_dim3A_1929 = vector.broadcast %broadcast_in_dim3A_1928 : i32 to vector<16xi32>
    %select_n3A_1930 = arith.select %ne3A_1925, %broadcast_in_dim3A_1927, %broadcast_in_dim3A_1929 : vector<16xi1>, vector<16xi32>
    %swap3A_1931 = arith.constant 448 : index
    %swap3A_1932 = tpu.vector_load %arg7[%swap3A_1931] {strides = array<i32>} : memref<1024xi32, #tpu.memory_space<vmem>>, vector<16xi32>,
    %swap3A_1933 = vector.shape_cast %swap3A_1932 : vector<16xi32> to vector<16xi32>
    %swap3A_1934 = vector.shape_cast %select_n3A_1930 : vector<16xi32> to vector<16xi32>
    tpu.vector_store %arg7[%swap3A_1931], %swap3A_1934 {strides = array<i32>} : memref<1024xi32, #tpu.memory_space<vmem>>, vector<16xi32>,
    %get3A_1935 = arith.constant 464 : index
    %get3A_1936 = tpu.vector_load %arg6[%get3A_1935] {strides = array<i32>} : memref<1024xi32, #tpu.memory_space<vmem>>, vector<16xi32>,
    %get3A_1937 = vector.shape_cast %get3A_1936 : vector<16xi32> to vector<16xi32>
    %ne3A_1938 = arith.constant 511 : i32
    %ne3A_1939 = vector.broadcast %ne3A_1938 : i32 to vector<16xi32>
    %ne3A_1940 = arith.cmpi ne, %get3A_1937, %ne3A_1939 : vector<16xi32>
    %broadcast_in_dim3A_1941 = arith.constant 1 : i32
    %broadcast_in_dim3A_1942 = vector.broadcast %broadcast_in_dim3A_1941 : i32 to vector<16xi32>
    %broadcast_in_dim3A_1943 = arith.constant 0 : i32
    %broadcast_in_dim3A_1944 = vector.broadcast %broadcast_in_dim3A_1943 : i32 to vector<16xi32>
    %select_n3A_1945 = arith.select %ne3A_1940, %broadcast_in_dim3A_1942, %broadcast_in_dim3A_1944 : vector<16xi1>, vector<16xi32>
    %swap3A_1946 = arith.constant 464 : index
    %swap3A_1947 = tpu.vector_load %arg7[%swap3A_1946] {strides = array<i32>} : memref<1024xi32, #tpu.memory_space<vmem>>, vector<16xi32>,
    %swap3A_1948 = vector.shape_cast %swap3A_1947 : vector<16xi32> to vector<16xi32>
    %swap3A_1949 = vector.shape_cast %select_n3A_1945 : vector<16xi32> to vector<16xi32>
    tpu.vector_store %arg7[%swap3A_1946], %swap3A_1949 {strides = array<i32>} : memref<1024xi32, #tpu.memory_space<vmem>>, vector<16xi32>,
    %get3A_1950 = arith.constant 480 : index
    %get3A_1951 = tpu.vector_load %arg6[%get3A_1950] {strides = array<i32>} : memref<1024xi32, #tpu.memory_space<vmem>>, vector<16xi32>,
    %get3A_1952 = vector.shape_cast %get3A_1951 : vector<16xi32> to vector<16xi32>
    %ne3A_1953 = arith.constant 511 : i32
    %ne3A_1954 = vector.broadcast %ne3A_1953 : i32 to vector<16xi32>
    %ne3A_1955 = arith.cmpi ne, %get3A_1952, %ne3A_1954 : vector<16xi32>
    %broadcast_in_dim3A_1956 = arith.constant 1 : i32
    %broadcast_in_dim3A_1957 = vector.broadcast %broadcast_in_dim3A_1956 : i32 to vector<16xi32>
    %broadcast_in_dim3A_1958 = arith.constant 0 : i32
    %broadcast_in_dim3A_1959 = vector.broadcast %broadcast_in_dim3A_1958 : i32 to vector<16xi32>
    %select_n3A_1960 = arith.select %ne3A_1955, %broadcast_in_dim3A_1957, %broadcast_in_dim3A_1959 : vector<16xi1>, vector<16xi32>
    %swap3A_1961 = arith.constant 480 : index
    %swap3A_1962 = tpu.vector_load %arg7[%swap3A_1961] {strides = array<i32>} : memref<1024xi32, #tpu.memory_space<vmem>>, vector<16xi32>,
    %swap3A_1963 = vector.shape_cast %swap3A_1962 : vector<16xi32> to vector<16xi32>
    %swap3A_1964 = vector.shape_cast %select_n3A_1960 : vector<16xi32> to vector<16xi32>
    tpu.vector_store %arg7[%swap3A_1961], %swap3A_1964 {strides = array<i32>} : memref<1024xi32, #tpu.memory_space<vmem>>, vector<16xi32>,
    %get3A_1965 = arith.constant 496 : index
    %get3A_1966 = tpu.vector_load %arg6[%get3A_1965] {strides = array<i32>} : memref<1024xi32, #tpu.memory_space<vmem>>, vector<16xi32>,
    %get3A_1967 = vector.shape_cast %get3A_1966 : vector<16xi32> to vector<16xi32>
    %ne3A_1968 = arith.constant 511 : i32
    %ne3A_1969 = vector.broadcast %ne3A_1968 : i32 to vector<16xi32>
    %ne3A_1970 = arith.cmpi ne, %get3A_1967, %ne3A_1969 : vector<16xi32>
    %broadcast_in_dim3A_1971 = arith.constant 1 : i32
    %broadcast_in_dim3A_1972 = vector.broadcast %broadcast_in_dim3A_1971 : i32 to vector<16xi32>
    %broadcast_in_dim3A_1973 = arith.constant 0 : i32
    %broadcast_in_dim3A_1974 = vector.broadcast %broadcast_in_dim3A_1973 : i32 to vector<16xi32>
    %select_n3A_1975 = arith.select %ne3A_1970, %broadcast_in_dim3A_1972, %broadcast_in_dim3A_1974 : vector<16xi1>, vector<16xi32>
    %swap3A_1976 = arith.constant 496 : index
    %swap3A_1977 = tpu.vector_load %arg7[%swap3A_1976] {strides = array<i32>} : memref<1024xi32, #tpu.memory_space<vmem>>, vector<16xi32>,
    %swap3A_1978 = vector.shape_cast %swap3A_1977 : vector<16xi32> to vector<16xi32>
    %swap3A_1979 = vector.shape_cast %select_n3A_1975 : vector<16xi32> to vector<16xi32>
    tpu.vector_store %arg7[%swap3A_1976], %swap3A_1979 {strides = array<i32>} : memref<1024xi32, #tpu.memory_space<vmem>>, vector<16xi32>,
    %get3A_1980 = arith.constant 512 : index
    %get3A_1981 = tpu.vector_load %arg6[%get3A_1980] {strides = array<i32>} : memref<1024xi32, #tpu.memory_space<vmem>>, vector<16xi32>,
    %get3A_1982 = vector.shape_cast %get3A_1981 : vector<16xi32> to vector<16xi32>
    %ne3A_1983 = arith.constant 511 : i32
    %ne3A_1984 = vector.broadcast %ne3A_1983 : i32 to vector<16xi32>
    %ne3A_1985 = arith.cmpi ne, %get3A_1982, %ne3A_1984 : vector<16xi32>
    %broadcast_in_dim3A_1986 = arith.constant 1 : i32
    %broadcast_in_dim3A_1987 = vector.broadcast %broadcast_in_dim3A_1986 : i32 to vector<16xi32>
    %broadcast_in_dim3A_1988 = arith.constant 0 : i32
    %broadcast_in_dim3A_1989 = vector.broadcast %broadcast_in_dim3A_1988 : i32 to vector<16xi32>
    %select_n3A_1990 = arith.select %ne3A_1985, %broadcast_in_dim3A_1987, %broadcast_in_dim3A_1989 : vector<16xi1>, vector<16xi32>
    %swap3A_1991 = arith.constant 512 : index
    %swap3A_1992 = tpu.vector_load %arg7[%swap3A_1991] {strides = array<i32>} : memref<1024xi32, #tpu.memory_space<vmem>>, vector<16xi32>,
    %swap3A_1993 = vector.shape_cast %swap3A_1992 : vector<16xi32> to vector<16xi32>
    %swap3A_1994 = vector.shape_cast %select_n3A_1990 : vector<16xi32> to vector<16xi32>
    tpu.vector_store %arg7[%swap3A_1991], %swap3A_1994 {strides = array<i32>} : memref<1024xi32, #tpu.memory_space<vmem>>, vector<16xi32>,
    %get3A_1995 = arith.constant 528 : index
    %get3A_1996 = tpu.vector_load %arg6[%get3A_1995] {strides = array<i32>} : memref<1024xi32, #tpu.memory_space<vmem>>, vector<16xi32>,
    %get3A_1997 = vector.shape_cast %get3A_1996 : vector<16xi32> to vector<16xi32>
    %ne3A_1998 = arith.constant 511 : i32
    %ne3A_1999 = vector.broadcast %ne3A_1998 : i32 to vector<16xi32>
    %ne3A_2000 = arith.cmpi ne, %get3A_1997, %ne3A_1999 : vector<16xi32>
    %broadcast_in_dim3A_2001 = arith.constant 1 : i32
    %broadcast_in_dim3A_2002 = vector.broadcast %broadcast_in_dim3A_2001 : i32 to vector<16xi32>
    %broadcast_in_dim3A_2003 = arith.constant 0 : i32
    %broadcast_in_dim3A_2004 = vector.broadcast %broadcast_in_dim3A_2003 : i32 to vector<16xi32>
    %select_n3A_2005 = arith.select %ne3A_2000, %broadcast_in_dim3A_2002, %broadcast_in_dim3A_2004 : vector<16xi1>, vector<16xi32>
    %swap3A_2006 = arith.constant 528 : index
    %swap3A_2007 = tpu.vector_load %arg7[%swap3A_2006] {strides = array<i32>} : memref<1024xi32, #tpu.memory_space<vmem>>, vector<16xi32>,
    %swap3A_2008 = vector.shape_cast %swap3A_2007 : vector<16xi32> to vector<16xi32>
    %swap3A_2009 = vector.shape_cast %select_n3A_2005 : vector<16xi32> to vector<16xi32>
    tpu.vector_store %arg7[%swap3A_2006], %swap3A_2009 {strides = array<i32>} : memref<1024xi32, #tpu.memory_space<vmem>>, vector<16xi32>,
    %get3A_2010 = arith.constant 544 : index
    %get3A_2011 = tpu.vector_load %arg6[%get3A_2010] {strides = array<i32>} : memref<1024xi32, #tpu.memory_space<vmem>>, vector<16xi32>,
    %get3A_2012 = vector.shape_cast %get3A_2011 : vector<16xi32> to vector<16xi32>
    %ne3A_2013 = arith.constant 511 : i32
    %ne3A_2014 = vector.broadcast %ne3A_2013 : i32 to vector<16xi32>
    %ne3A_2015 = arith.cmpi ne, %get3A_2012, %ne3A_2014 : vector<16xi32>
    %broadcast_in_dim3A_2016 = arith.constant 1 : i32
    %broadcast_in_dim3A_2017 = vector.broadcast %broadcast_in_dim3A_2016 : i32 to vector<16xi32>
    %broadcast_in_dim3A_2018 = arith.constant 0 : i32
    %broadcast_in_dim3A_2019 = vector.broadcast %broadcast_in_dim3A_2018 : i32 to vector<16xi32>
    %select_n3A_2020 = arith.select %ne3A_2015, %broadcast_in_dim3A_2017, %broadcast_in_dim3A_2019 : vector<16xi1>, vector<16xi32>
    %swap3A_2021 = arith.constant 544 : index
    %swap3A_2022 = tpu.vector_load %arg7[%swap3A_2021] {strides = array<i32>} : memref<1024xi32, #tpu.memory_space<vmem>>, vector<16xi32>,
    %swap3A_2023 = vector.shape_cast %swap3A_2022 : vector<16xi32> to vector<16xi32>
    %swap3A_2024 = vector.shape_cast %select_n3A_2020 : vector<16xi32> to vector<16xi32>
    tpu.vector_store %arg7[%swap3A_2021], %swap3A_2024 {strides = array<i32>} : memref<1024xi32, #tpu.memory_space<vmem>>, vector<16xi32>,
    %get3A_2025 = arith.constant 560 : index
    %get3A_2026 = tpu.vector_load %arg6[%get3A_2025] {strides = array<i32>} : memref<1024xi32, #tpu.memory_space<vmem>>, vector<16xi32>,
    %get3A_2027 = vector.shape_cast %get3A_2026 : vector<16xi32> to vector<16xi32>
    %ne3A_2028 = arith.constant 511 : i32
    %ne3A_2029 = vector.broadcast %ne3A_2028 : i32 to vector<16xi32>
    %ne3A_2030 = arith.cmpi ne, %get3A_2027, %ne3A_2029 : vector<16xi32>
    %broadcast_in_dim3A_2031 = arith.constant 1 : i32
    %broadcast_in_dim3A_2032 = vector.broadcast %broadcast_in_dim3A_2031 : i32 to vector<16xi32>
    %broadcast_in_dim3A_2033 = arith.constant 0 : i32
    %broadcast_in_dim3A_2034 = vector.broadcast %broadcast_in_dim3A_2033 : i32 to vector<16xi32>
    %select_n3A_2035 = arith.select %ne3A_2030, %broadcast_in_dim3A_2032, %broadcast_in_dim3A_2034 : vector<16xi1>, vector<16xi32>
    %swap3A_2036 = arith.constant 560 : index
    %swap3A_2037 = tpu.vector_load %arg7[%swap3A_2036] {strides = array<i32>} : memref<1024xi32, #tpu.memory_space<vmem>>, vector<16xi32>,
    %swap3A_2038 = vector.shape_cast %swap3A_2037 : vector<16xi32> to vector<16xi32>
    %swap3A_2039 = vector.shape_cast %select_n3A_2035 : vector<16xi32> to vector<16xi32>
    tpu.vector_store %arg7[%swap3A_2036], %swap3A_2039 {strides = array<i32>} : memref<1024xi32, #tpu.memory_space<vmem>>, vector<16xi32>,
    %get3A_2040 = arith.constant 576 : index
    %get3A_2041 = tpu.vector_load %arg6[%get3A_2040] {strides = array<i32>} : memref<1024xi32, #tpu.memory_space<vmem>>, vector<16xi32>,
    %get3A_2042 = vector.shape_cast %get3A_2041 : vector<16xi32> to vector<16xi32>
    %ne3A_2043 = arith.constant 511 : i32
    %ne3A_2044 = vector.broadcast %ne3A_2043 : i32 to vector<16xi32>
    %ne3A_2045 = arith.cmpi ne, %get3A_2042, %ne3A_2044 : vector<16xi32>
    %broadcast_in_dim3A_2046 = arith.constant 1 : i32
    %broadcast_in_dim3A_2047 = vector.broadcast %broadcast_in_dim3A_2046 : i32 to vector<16xi32>
    %broadcast_in_dim3A_2048 = arith.constant 0 : i32
    %broadcast_in_dim3A_2049 = vector.broadcast %broadcast_in_dim3A_2048 : i32 to vector<16xi32>
    %select_n3A_2050 = arith.select %ne3A_2045, %broadcast_in_dim3A_2047, %broadcast_in_dim3A_2049 : vector<16xi1>, vector<16xi32>
    %swap3A_2051 = arith.constant 576 : index
    %swap3A_2052 = tpu.vector_load %arg7[%swap3A_2051] {strides = array<i32>} : memref<1024xi32, #tpu.memory_space<vmem>>, vector<16xi32>,
    %swap3A_2053 = vector.shape_cast %swap3A_2052 : vector<16xi32> to vector<16xi32>
    %swap3A_2054 = vector.shape_cast %select_n3A_2050 : vector<16xi32> to vector<16xi32>
    tpu.vector_store %arg7[%swap3A_2051], %swap3A_2054 {strides = array<i32>} : memref<1024xi32, #tpu.memory_space<vmem>>, vector<16xi32>,
    %get3A_2055 = arith.constant 592 : index
    %get3A_2056 = tpu.vector_load %arg6[%get3A_2055] {strides = array<i32>} : memref<1024xi32, #tpu.memory_space<vmem>>, vector<16xi32>,
    %get3A_2057 = vector.shape_cast %get3A_2056 : vector<16xi32> to vector<16xi32>
    %ne3A_2058 = arith.constant 511 : i32
    %ne3A_2059 = vector.broadcast %ne3A_2058 : i32 to vector<16xi32>
    %ne3A_2060 = arith.cmpi ne, %get3A_2057, %ne3A_2059 : vector<16xi32>
    %broadcast_in_dim3A_2061 = arith.constant 1 : i32
    %broadcast_in_dim3A_2062 = vector.broadcast %broadcast_in_dim3A_2061 : i32 to vector<16xi32>
    %broadcast_in_dim3A_2063 = arith.constant 0 : i32
    %broadcast_in_dim3A_2064 = vector.broadcast %broadcast_in_dim3A_2063 : i32 to vector<16xi32>
    %select_n3A_2065 = arith.select %ne3A_2060, %broadcast_in_dim3A_2062, %broadcast_in_dim3A_2064 : vector<16xi1>, vector<16xi32>
    %swap3A_2066 = arith.constant 592 : index
    %swap3A_2067 = tpu.vector_load %arg7[%swap3A_2066] {strides = array<i32>} : memref<1024xi32, #tpu.memory_space<vmem>>, vector<16xi32>,
    %swap3A_2068 = vector.shape_cast %swap3A_2067 : vector<16xi32> to vector<16xi32>
    %swap3A_2069 = vector.shape_cast %select_n3A_2065 : vector<16xi32> to vector<16xi32>
    tpu.vector_store %arg7[%swap3A_2066], %swap3A_2069 {strides = array<i32>} : memref<1024xi32, #tpu.memory_space<vmem>>, vector<16xi32>,
    %get3A_2070 = arith.constant 608 : index
    %get3A_2071 = tpu.vector_load %arg6[%get3A_2070] {strides = array<i32>} : memref<1024xi32, #tpu.memory_space<vmem>>, vector<16xi32>,
    %get3A_2072 = vector.shape_cast %get3A_2071 : vector<16xi32> to vector<16xi32>
    %ne3A_2073 = arith.constant 511 : i32
    %ne3A_2074 = vector.broadcast %ne3A_2073 : i32 to vector<16xi32>
    %ne3A_2075 = arith.cmpi ne, %get3A_2072, %ne3A_2074 : vector<16xi32>
    %broadcast_in_dim3A_2076 = arith.constant 1 : i32
    %broadcast_in_dim3A_2077 = vector.broadcast %broadcast_in_dim3A_2076 : i32 to vector<16xi32>
    %broadcast_in_dim3A_2078 = arith.constant 0 : i32
    %broadcast_in_dim3A_2079 = vector.broadcast %broadcast_in_dim3A_2078 : i32 to vector<16xi32>
    %select_n3A_2080 = arith.select %ne3A_2075, %broadcast_in_dim3A_2077, %broadcast_in_dim3A_2079 : vector<16xi1>, vector<16xi32>
    %swap3A_2081 = arith.constant 608 : index
    %swap3A_2082 = tpu.vector_load %arg7[%swap3A_2081] {strides = array<i32>} : memref<1024xi32, #tpu.memory_space<vmem>>, vector<16xi32>,
    %swap3A_2083 = vector.shape_cast %swap3A_2082 : vector<16xi32> to vector<16xi32>
    %swap3A_2084 = vector.shape_cast %select_n3A_2080 : vector<16xi32> to vector<16xi32>
    tpu.vector_store %arg7[%swap3A_2081], %swap3A_2084 {strides = array<i32>} : memref<1024xi32, #tpu.memory_space<vmem>>, vector<16xi32>,
    %get3A_2085 = arith.constant 624 : index
    %get3A_2086 = tpu.vector_load %arg6[%get3A_2085] {strides = array<i32>} : memref<1024xi32, #tpu.memory_space<vmem>>, vector<16xi32>,
    %get3A_2087 = vector.shape_cast %get3A_2086 : vector<16xi32> to vector<16xi32>
    %ne3A_2088 = arith.constant 511 : i32
    %ne3A_2089 = vector.broadcast %ne3A_2088 : i32 to vector<16xi32>
    %ne3A_2090 = arith.cmpi ne, %get3A_2087, %ne3A_2089 : vector<16xi32>
    %broadcast_in_dim3A_2091 = arith.constant 1 : i32
    %broadcast_in_dim3A_2092 = vector.broadcast %broadcast_in_dim3A_2091 : i32 to vector<16xi32>
    %broadcast_in_dim3A_2093 = arith.constant 0 : i32
    %broadcast_in_dim3A_2094 = vector.broadcast %broadcast_in_dim3A_2093 : i32 to vector<16xi32>
    %select_n3A_2095 = arith.select %ne3A_2090, %broadcast_in_dim3A_2092, %broadcast_in_dim3A_2094 : vector<16xi1>, vector<16xi32>
    %swap3A_2096 = arith.constant 624 : index
    %swap3A_2097 = tpu.vector_load %arg7[%swap3A_2096] {strides = array<i32>} : memref<1024xi32, #tpu.memory_space<vmem>>, vector<16xi32>,
    %swap3A_2098 = vector.shape_cast %swap3A_2097 : vector<16xi32> to vector<16xi32>
    %swap3A_2099 = vector.shape_cast %select_n3A_2095 : vector<16xi32> to vector<16xi32>
    tpu.vector_store %arg7[%swap3A_2096], %swap3A_2099 {strides = array<i32>} : memref<1024xi32, #tpu.memory_space<vmem>>, vector<16xi32>,
    %get3A_2100 = arith.constant 640 : index
    %get3A_2101 = tpu.vector_load %arg6[%get3A_2100] {strides = array<i32>} : memref<1024xi32, #tpu.memory_space<vmem>>, vector<16xi32>,
    %get3A_2102 = vector.shape_cast %get3A_2101 : vector<16xi32> to vector<16xi32>
    %ne3A_2103 = arith.constant 511 : i32
    %ne3A_2104 = vector.broadcast %ne3A_2103 : i32 to vector<16xi32>
    %ne3A_2105 = arith.cmpi ne, %get3A_2102, %ne3A_2104 : vector<16xi32>
    %broadcast_in_dim3A_2106 = arith.constant 1 : i32
    %broadcast_in_dim3A_2107 = vector.broadcast %broadcast_in_dim3A_2106 : i32 to vector<16xi32>
    %broadcast_in_dim3A_2108 = arith.constant 0 : i32
    %broadcast_in_dim3A_2109 = vector.broadcast %broadcast_in_dim3A_2108 : i32 to vector<16xi32>
    %select_n3A_2110 = arith.select %ne3A_2105, %broadcast_in_dim3A_2107, %broadcast_in_dim3A_2109 : vector<16xi1>, vector<16xi32>
    %swap3A_2111 = arith.constant 640 : index
    %swap3A_2112 = tpu.vector_load %arg7[%swap3A_2111] {strides = array<i32>} : memref<1024xi32, #tpu.memory_space<vmem>>, vector<16xi32>,
    %swap3A_2113 = vector.shape_cast %swap3A_2112 : vector<16xi32> to vector<16xi32>
    %swap3A_2114 = vector.shape_cast %select_n3A_2110 : vector<16xi32> to vector<16xi32>
    tpu.vector_store %arg7[%swap3A_2111], %swap3A_2114 {strides = array<i32>} : memref<1024xi32, #tpu.memory_space<vmem>>, vector<16xi32>,
    %get3A_2115 = arith.constant 656 : index
    %get3A_2116 = tpu.vector_load %arg6[%get3A_2115] {strides = array<i32>} : memref<1024xi32, #tpu.memory_space<vmem>>, vector<16xi32>,
    %get3A_2117 = vector.shape_cast %get3A_2116 : vector<16xi32> to vector<16xi32>
    %ne3A_2118 = arith.constant 511 : i32
    %ne3A_2119 = vector.broadcast %ne3A_2118 : i32 to vector<16xi32>
    %ne3A_2120 = arith.cmpi ne, %get3A_2117, %ne3A_2119 : vector<16xi32>
    %broadcast_in_dim3A_2121 = arith.constant 1 : i32
    %broadcast_in_dim3A_2122 = vector.broadcast %broadcast_in_dim3A_2121 : i32 to vector<16xi32>
    %broadcast_in_dim3A_2123 = arith.constant 0 : i32
    %broadcast_in_dim3A_2124 = vector.broadcast %broadcast_in_dim3A_2123 : i32 to vector<16xi32>
    %select_n3A_2125 = arith.select %ne3A_2120, %broadcast_in_dim3A_2122, %broadcast_in_dim3A_2124 : vector<16xi1>, vector<16xi32>
    %swap3A_2126 = arith.constant 656 : index
    %swap3A_2127 = tpu.vector_load %arg7[%swap3A_2126] {strides = array<i32>} : memref<1024xi32, #tpu.memory_space<vmem>>, vector<16xi32>,
    %swap3A_2128 = vector.shape_cast %swap3A_2127 : vector<16xi32> to vector<16xi32>
    %swap3A_2129 = vector.shape_cast %select_n3A_2125 : vector<16xi32> to vector<16xi32>
    tpu.vector_store %arg7[%swap3A_2126], %swap3A_2129 {strides = array<i32>} : memref<1024xi32, #tpu.memory_space<vmem>>, vector<16xi32>,
    %get3A_2130 = arith.constant 672 : index
    %get3A_2131 = tpu.vector_load %arg6[%get3A_2130] {strides = array<i32>} : memref<1024xi32, #tpu.memory_space<vmem>>, vector<16xi32>,
    %get3A_2132 = vector.shape_cast %get3A_2131 : vector<16xi32> to vector<16xi32>
    %ne3A_2133 = arith.constant 511 : i32
    %ne3A_2134 = vector.broadcast %ne3A_2133 : i32 to vector<16xi32>
    %ne3A_2135 = arith.cmpi ne, %get3A_2132, %ne3A_2134 : vector<16xi32>
    %broadcast_in_dim3A_2136 = arith.constant 1 : i32
    %broadcast_in_dim3A_2137 = vector.broadcast %broadcast_in_dim3A_2136 : i32 to vector<16xi32>
    %broadcast_in_dim3A_2138 = arith.constant 0 : i32
    %broadcast_in_dim3A_2139 = vector.broadcast %broadcast_in_dim3A_2138 : i32 to vector<16xi32>
    %select_n3A_2140 = arith.select %ne3A_2135, %broadcast_in_dim3A_2137, %broadcast_in_dim3A_2139 : vector<16xi1>, vector<16xi32>
    %swap3A_2141 = arith.constant 672 : index
    %swap3A_2142 = tpu.vector_load %arg7[%swap3A_2141] {strides = array<i32>} : memref<1024xi32, #tpu.memory_space<vmem>>, vector<16xi32>,
    %swap3A_2143 = vector.shape_cast %swap3A_2142 : vector<16xi32> to vector<16xi32>
    %swap3A_2144 = vector.shape_cast %select_n3A_2140 : vector<16xi32> to vector<16xi32>
    tpu.vector_store %arg7[%swap3A_2141], %swap3A_2144 {strides = array<i32>} : memref<1024xi32, #tpu.memory_space<vmem>>, vector<16xi32>,
    %get3A_2145 = arith.constant 688 : index
    %get3A_2146 = tpu.vector_load %arg6[%get3A_2145] {strides = array<i32>} : memref<1024xi32, #tpu.memory_space<vmem>>, vector<16xi32>,
    %get3A_2147 = vector.shape_cast %get3A_2146 : vector<16xi32> to vector<16xi32>
    %ne3A_2148 = arith.constant 511 : i32
    %ne3A_2149 = vector.broadcast %ne3A_2148 : i32 to vector<16xi32>
    %ne3A_2150 = arith.cmpi ne, %get3A_2147, %ne3A_2149 : vector<16xi32>
    %broadcast_in_dim3A_2151 = arith.constant 1 : i32
    %broadcast_in_dim3A_2152 = vector.broadcast %broadcast_in_dim3A_2151 : i32 to vector<16xi32>
    %broadcast_in_dim3A_2153 = arith.constant 0 : i32
    %broadcast_in_dim3A_2154 = vector.broadcast %broadcast_in_dim3A_2153 : i32 to vector<16xi32>
    %select_n3A_2155 = arith.select %ne3A_2150, %broadcast_in_dim3A_2152, %broadcast_in_dim3A_2154 : vector<16xi1>, vector<16xi32>
    %swap3A_2156 = arith.constant 688 : index
    %swap3A_2157 = tpu.vector_load %arg7[%swap3A_2156] {strides = array<i32>} : memref<1024xi32, #tpu.memory_space<vmem>>, vector<16xi32>,
    %swap3A_2158 = vector.shape_cast %swap3A_2157 : vector<16xi32> to vector<16xi32>
    %swap3A_2159 = vector.shape_cast %select_n3A_2155 : vector<16xi32> to vector<16xi32>
    tpu.vector_store %arg7[%swap3A_2156], %swap3A_2159 {strides = array<i32>} : memref<1024xi32, #tpu.memory_space<vmem>>, vector<16xi32>,
    %get3A_2160 = arith.constant 704 : index
    %get3A_2161 = tpu.vector_load %arg6[%get3A_2160] {strides = array<i32>} : memref<1024xi32, #tpu.memory_space<vmem>>, vector<16xi32>,
    %get3A_2162 = vector.shape_cast %get3A_2161 : vector<16xi32> to vector<16xi32>
    %ne3A_2163 = arith.constant 511 : i32
    %ne3A_2164 = vector.broadcast %ne3A_2163 : i32 to vector<16xi32>
    %ne3A_2165 = arith.cmpi ne, %get3A_2162, %ne3A_2164 : vector<16xi32>
    %broadcast_in_dim3A_2166 = arith.constant 1 : i32
    %broadcast_in_dim3A_2167 = vector.broadcast %broadcast_in_dim3A_2166 : i32 to vector<16xi32>
    %broadcast_in_dim3A_2168 = arith.constant 0 : i32
    %broadcast_in_dim3A_2169 = vector.broadcast %broadcast_in_dim3A_2168 : i32 to vector<16xi32>
    %select_n3A_2170 = arith.select %ne3A_2165, %broadcast_in_dim3A_2167, %broadcast_in_dim3A_2169 : vector<16xi1>, vector<16xi32>
    %swap3A_2171 = arith.constant 704 : index
    %swap3A_2172 = tpu.vector_load %arg7[%swap3A_2171] {strides = array<i32>} : memref<1024xi32, #tpu.memory_space<vmem>>, vector<16xi32>,
    %swap3A_2173 = vector.shape_cast %swap3A_2172 : vector<16xi32> to vector<16xi32>
    %swap3A_2174 = vector.shape_cast %select_n3A_2170 : vector<16xi32> to vector<16xi32>
    tpu.vector_store %arg7[%swap3A_2171], %swap3A_2174 {strides = array<i32>} : memref<1024xi32, #tpu.memory_space<vmem>>, vector<16xi32>,
    %get3A_2175 = arith.constant 720 : index
    %get3A_2176 = tpu.vector_load %arg6[%get3A_2175] {strides = array<i32>} : memref<1024xi32, #tpu.memory_space<vmem>>, vector<16xi32>,
    %get3A_2177 = vector.shape_cast %get3A_2176 : vector<16xi32> to vector<16xi32>
    %ne3A_2178 = arith.constant 511 : i32
    %ne3A_2179 = vector.broadcast %ne3A_2178 : i32 to vector<16xi32>
    %ne3A_2180 = arith.cmpi ne, %get3A_2177, %ne3A_2179 : vector<16xi32>
    %broadcast_in_dim3A_2181 = arith.constant 1 : i32
    %broadcast_in_dim3A_2182 = vector.broadcast %broadcast_in_dim3A_2181 : i32 to vector<16xi32>
    %broadcast_in_dim3A_2183 = arith.constant 0 : i32
    %broadcast_in_dim3A_2184 = vector.broadcast %broadcast_in_dim3A_2183 : i32 to vector<16xi32>
    %select_n3A_2185 = arith.select %ne3A_2180, %broadcast_in_dim3A_2182, %broadcast_in_dim3A_2184 : vector<16xi1>, vector<16xi32>
    %swap3A_2186 = arith.constant 720 : index
    %swap3A_2187 = tpu.vector_load %arg7[%swap3A_2186] {strides = array<i32>} : memref<1024xi32, #tpu.memory_space<vmem>>, vector<16xi32>,
    %swap3A_2188 = vector.shape_cast %swap3A_2187 : vector<16xi32> to vector<16xi32>
    %swap3A_2189 = vector.shape_cast %select_n3A_2185 : vector<16xi32> to vector<16xi32>
    tpu.vector_store %arg7[%swap3A_2186], %swap3A_2189 {strides = array<i32>} : memref<1024xi32, #tpu.memory_space<vmem>>, vector<16xi32>,
    %get3A_2190 = arith.constant 736 : index
    %get3A_2191 = tpu.vector_load %arg6[%get3A_2190] {strides = array<i32>} : memref<1024xi32, #tpu.memory_space<vmem>>, vector<16xi32>,
    %get3A_2192 = vector.shape_cast %get3A_2191 : vector<16xi32> to vector<16xi32>
    %ne3A_2193 = arith.constant 511 : i32
    %ne3A_2194 = vector.broadcast %ne3A_2193 : i32 to vector<16xi32>
    %ne3A_2195 = arith.cmpi ne, %get3A_2192, %ne3A_2194 : vector<16xi32>
    %broadcast_in_dim3A_2196 = arith.constant 1 : i32
    %broadcast_in_dim3A_2197 = vector.broadcast %broadcast_in_dim3A_2196 : i32 to vector<16xi32>
    %broadcast_in_dim3A_2198 = arith.constant 0 : i32
    %broadcast_in_dim3A_2199 = vector.broadcast %broadcast_in_dim3A_2198 : i32 to vector<16xi32>
    %select_n3A_2200 = arith.select %ne3A_2195, %broadcast_in_dim3A_2197, %broadcast_in_dim3A_2199 : vector<16xi1>, vector<16xi32>
    %swap3A_2201 = arith.constant 736 : index
    %swap3A_2202 = tpu.vector_load %arg7[%swap3A_2201] {strides = array<i32>} : memref<1024xi32, #tpu.memory_space<vmem>>, vector<16xi32>,
    %swap3A_2203 = vector.shape_cast %swap3A_2202 : vector<16xi32> to vector<16xi32>
    %swap3A_2204 = vector.shape_cast %select_n3A_2200 : vector<16xi32> to vector<16xi32>
    tpu.vector_store %arg7[%swap3A_2201], %swap3A_2204 {strides = array<i32>} : memref<1024xi32, #tpu.memory_space<vmem>>, vector<16xi32>,
    %get3A_2205 = arith.constant 752 : index
    %get3A_2206 = tpu.vector_load %arg6[%get3A_2205] {strides = array<i32>} : memref<1024xi32, #tpu.memory_space<vmem>>, vector<16xi32>,
    %get3A_2207 = vector.shape_cast %get3A_2206 : vector<16xi32> to vector<16xi32>
    %ne3A_2208 = arith.constant 511 : i32
    %ne3A_2209 = vector.broadcast %ne3A_2208 : i32 to vector<16xi32>
    %ne3A_2210 = arith.cmpi ne, %get3A_2207, %ne3A_2209 : vector<16xi32>
    %broadcast_in_dim3A_2211 = arith.constant 1 : i32
    %broadcast_in_dim3A_2212 = vector.broadcast %broadcast_in_dim3A_2211 : i32 to vector<16xi32>
    %broadcast_in_dim3A_2213 = arith.constant 0 : i32
    %broadcast_in_dim3A_2214 = vector.broadcast %broadcast_in_dim3A_2213 : i32 to vector<16xi32>
    %select_n3A_2215 = arith.select %ne3A_2210, %broadcast_in_dim3A_2212, %broadcast_in_dim3A_2214 : vector<16xi1>, vector<16xi32>
    %swap3A_2216 = arith.constant 752 : index
    %swap3A_2217 = tpu.vector_load %arg7[%swap3A_2216] {strides = array<i32>} : memref<1024xi32, #tpu.memory_space<vmem>>, vector<16xi32>,
    %swap3A_2218 = vector.shape_cast %swap3A_2217 : vector<16xi32> to vector<16xi32>
    %swap3A_2219 = vector.shape_cast %select_n3A_2215 : vector<16xi32> to vector<16xi32>
    tpu.vector_store %arg7[%swap3A_2216], %swap3A_2219 {strides = array<i32>} : memref<1024xi32, #tpu.memory_space<vmem>>, vector<16xi32>,
    %get3A_2220 = arith.constant 768 : index
    %get3A_2221 = tpu.vector_load %arg6[%get3A_2220] {strides = array<i32>} : memref<1024xi32, #tpu.memory_space<vmem>>, vector<16xi32>,
    %get3A_2222 = vector.shape_cast %get3A_2221 : vector<16xi32> to vector<16xi32>
    %ne3A_2223 = arith.constant 511 : i32
    %ne3A_2224 = vector.broadcast %ne3A_2223 : i32 to vector<16xi32>
    %ne3A_2225 = arith.cmpi ne, %get3A_2222, %ne3A_2224 : vector<16xi32>
    %broadcast_in_dim3A_2226 = arith.constant 1 : i32
    %broadcast_in_dim3A_2227 = vector.broadcast %broadcast_in_dim3A_2226 : i32 to vector<16xi32>
    %broadcast_in_dim3A_2228 = arith.constant 0 : i32
    %broadcast_in_dim3A_2229 = vector.broadcast %broadcast_in_dim3A_2228 : i32 to vector<16xi32>
    %select_n3A_2230 = arith.select %ne3A_2225, %broadcast_in_dim3A_2227, %broadcast_in_dim3A_2229 : vector<16xi1>, vector<16xi32>
    %swap3A_2231 = arith.constant 768 : index
    %swap3A_2232 = tpu.vector_load %arg7[%swap3A_2231] {strides = array<i32>} : memref<1024xi32, #tpu.memory_space<vmem>>, vector<16xi32>,
    %swap3A_2233 = vector.shape_cast %swap3A_2232 : vector<16xi32> to vector<16xi32>
    %swap3A_2234 = vector.shape_cast %select_n3A_2230 : vector<16xi32> to vector<16xi32>
    tpu.vector_store %arg7[%swap3A_2231], %swap3A_2234 {strides = array<i32>} : memref<1024xi32, #tpu.memory_space<vmem>>, vector<16xi32>,
    %get3A_2235 = arith.constant 784 : index
    %get3A_2236 = tpu.vector_load %arg6[%get3A_2235] {strides = array<i32>} : memref<1024xi32, #tpu.memory_space<vmem>>, vector<16xi32>,
    %get3A_2237 = vector.shape_cast %get3A_2236 : vector<16xi32> to vector<16xi32>
    %ne3A_2238 = arith.constant 511 : i32
    %ne3A_2239 = vector.broadcast %ne3A_2238 : i32 to vector<16xi32>
    %ne3A_2240 = arith.cmpi ne, %get3A_2237, %ne3A_2239 : vector<16xi32>
    %broadcast_in_dim3A_2241 = arith.constant 1 : i32
    %broadcast_in_dim3A_2242 = vector.broadcast %broadcast_in_dim3A_2241 : i32 to vector<16xi32>
    %broadcast_in_dim3A_2243 = arith.constant 0 : i32
    %broadcast_in_dim3A_2244 = vector.broadcast %broadcast_in_dim3A_2243 : i32 to vector<16xi32>
    %select_n3A_2245 = arith.select %ne3A_2240, %broadcast_in_dim3A_2242, %broadcast_in_dim3A_2244 : vector<16xi1>, vector<16xi32>
    %swap3A_2246 = arith.constant 784 : index
    %swap3A_2247 = tpu.vector_load %arg7[%swap3A_2246] {strides = array<i32>} : memref<1024xi32, #tpu.memory_space<vmem>>, vector<16xi32>,
    %swap3A_2248 = vector.shape_cast %swap3A_2247 : vector<16xi32> to vector<16xi32>
    %swap3A_2249 = vector.shape_cast %select_n3A_2245 : vector<16xi32> to vector<16xi32>
    tpu.vector_store %arg7[%swap3A_2246], %swap3A_2249 {strides = array<i32>} : memref<1024xi32, #tpu.memory_space<vmem>>, vector<16xi32>,
    %get3A_2250 = arith.constant 800 : index
    %get3A_2251 = tpu.vector_load %arg6[%get3A_2250] {strides = array<i32>} : memref<1024xi32, #tpu.memory_space<vmem>>, vector<16xi32>,
    %get3A_2252 = vector.shape_cast %get3A_2251 : vector<16xi32> to vector<16xi32>
    %ne3A_2253 = arith.constant 511 : i32
    %ne3A_2254 = vector.broadcast %ne3A_2253 : i32 to vector<16xi32>
    %ne3A_2255 = arith.cmpi ne, %get3A_2252, %ne3A_2254 : vector<16xi32>
    %broadcast_in_dim3A_2256 = arith.constant 1 : i32
    %broadcast_in_dim3A_2257 = vector.broadcast %broadcast_in_dim3A_2256 : i32 to vector<16xi32>
    %broadcast_in_dim3A_2258 = arith.constant 0 : i32
    %broadcast_in_dim3A_2259 = vector.broadcast %broadcast_in_dim3A_2258 : i32 to vector<16xi32>
    %select_n3A_2260 = arith.select %ne3A_2255, %broadcast_in_dim3A_2257, %broadcast_in_dim3A_2259 : vector<16xi1>, vector<16xi32>
    %swap3A_2261 = arith.constant 800 : index
    %swap3A_2262 = tpu.vector_load %arg7[%swap3A_2261] {strides = array<i32>} : memref<1024xi32, #tpu.memory_space<vmem>>, vector<16xi32>,
    %swap3A_2263 = vector.shape_cast %swap3A_2262 : vector<16xi32> to vector<16xi32>
    %swap3A_2264 = vector.shape_cast %select_n3A_2260 : vector<16xi32> to vector<16xi32>
    tpu.vector_store %arg7[%swap3A_2261], %swap3A_2264 {strides = array<i32>} : memref<1024xi32, #tpu.memory_space<vmem>>, vector<16xi32>,
    %get3A_2265 = arith.constant 816 : index
    %get3A_2266 = tpu.vector_load %arg6[%get3A_2265] {strides = array<i32>} : memref<1024xi32, #tpu.memory_space<vmem>>, vector<16xi32>,
    %get3A_2267 = vector.shape_cast %get3A_2266 : vector<16xi32> to vector<16xi32>
    %ne3A_2268 = arith.constant 511 : i32
    %ne3A_2269 = vector.broadcast %ne3A_2268 : i32 to vector<16xi32>
    %ne3A_2270 = arith.cmpi ne, %get3A_2267, %ne3A_2269 : vector<16xi32>
    %broadcast_in_dim3A_2271 = arith.constant 1 : i32
    %broadcast_in_dim3A_2272 = vector.broadcast %broadcast_in_dim3A_2271 : i32 to vector<16xi32>
    %broadcast_in_dim3A_2273 = arith.constant 0 : i32
    %broadcast_in_dim3A_2274 = vector.broadcast %broadcast_in_dim3A_2273 : i32 to vector<16xi32>
    %select_n3A_2275 = arith.select %ne3A_2270, %broadcast_in_dim3A_2272, %broadcast_in_dim3A_2274 : vector<16xi1>, vector<16xi32>
    %swap3A_2276 = arith.constant 816 : index
    %swap3A_2277 = tpu.vector_load %arg7[%swap3A_2276] {strides = array<i32>} : memref<1024xi32, #tpu.memory_space<vmem>>, vector<16xi32>,
    %swap3A_2278 = vector.shape_cast %swap3A_2277 : vector<16xi32> to vector<16xi32>
    %swap3A_2279 = vector.shape_cast %select_n3A_2275 : vector<16xi32> to vector<16xi32>
    tpu.vector_store %arg7[%swap3A_2276], %swap3A_2279 {strides = array<i32>} : memref<1024xi32, #tpu.memory_space<vmem>>, vector<16xi32>,
    %get3A_2280 = arith.constant 832 : index
    %get3A_2281 = tpu.vector_load %arg6[%get3A_2280] {strides = array<i32>} : memref<1024xi32, #tpu.memory_space<vmem>>, vector<16xi32>,
    %get3A_2282 = vector.shape_cast %get3A_2281 : vector<16xi32> to vector<16xi32>
    %ne3A_2283 = arith.constant 511 : i32
    %ne3A_2284 = vector.broadcast %ne3A_2283 : i32 to vector<16xi32>
    %ne3A_2285 = arith.cmpi ne, %get3A_2282, %ne3A_2284 : vector<16xi32>
    %broadcast_in_dim3A_2286 = arith.constant 1 : i32
    %broadcast_in_dim3A_2287 = vector.broadcast %broadcast_in_dim3A_2286 : i32 to vector<16xi32>
    %broadcast_in_dim3A_2288 = arith.constant 0 : i32
    %broadcast_in_dim3A_2289 = vector.broadcast %broadcast_in_dim3A_2288 : i32 to vector<16xi32>
    %select_n3A_2290 = arith.select %ne3A_2285, %broadcast_in_dim3A_2287, %broadcast_in_dim3A_2289 : vector<16xi1>, vector<16xi32>
    %swap3A_2291 = arith.constant 832 : index
    %swap3A_2292 = tpu.vector_load %arg7[%swap3A_2291] {strides = array<i32>} : memref<1024xi32, #tpu.memory_space<vmem>>, vector<16xi32>,
    %swap3A_2293 = vector.shape_cast %swap3A_2292 : vector<16xi32> to vector<16xi32>
    %swap3A_2294 = vector.shape_cast %select_n3A_2290 : vector<16xi32> to vector<16xi32>
    tpu.vector_store %arg7[%swap3A_2291], %swap3A_2294 {strides = array<i32>} : memref<1024xi32, #tpu.memory_space<vmem>>, vector<16xi32>,
    %get3A_2295 = arith.constant 848 : index
    %get3A_2296 = tpu.vector_load %arg6[%get3A_2295] {strides = array<i32>} : memref<1024xi32, #tpu.memory_space<vmem>>, vector<16xi32>,
    %get3A_2297 = vector.shape_cast %get3A_2296 : vector<16xi32> to vector<16xi32>
    %ne3A_2298 = arith.constant 511 : i32
    %ne3A_2299 = vector.broadcast %ne3A_2298 : i32 to vector<16xi32>
    %ne3A_2300 = arith.cmpi ne, %get3A_2297, %ne3A_2299 : vector<16xi32>
    %broadcast_in_dim3A_2301 = arith.constant 1 : i32
    %broadcast_in_dim3A_2302 = vector.broadcast %broadcast_in_dim3A_2301 : i32 to vector<16xi32>
    %broadcast_in_dim3A_2303 = arith.constant 0 : i32
    %broadcast_in_dim3A_2304 = vector.broadcast %broadcast_in_dim3A_2303 : i32 to vector<16xi32>
    %select_n3A_2305 = arith.select %ne3A_2300, %broadcast_in_dim3A_2302, %broadcast_in_dim3A_2304 : vector<16xi1>, vector<16xi32>
    %swap3A_2306 = arith.constant 848 : index
    %swap3A_2307 = tpu.vector_load %arg7[%swap3A_2306] {strides = array<i32>} : memref<1024xi32, #tpu.memory_space<vmem>>, vector<16xi32>,
    %swap3A_2308 = vector.shape_cast %swap3A_2307 : vector<16xi32> to vector<16xi32>
    %swap3A_2309 = vector.shape_cast %select_n3A_2305 : vector<16xi32> to vector<16xi32>
    tpu.vector_store %arg7[%swap3A_2306], %swap3A_2309 {strides = array<i32>} : memref<1024xi32, #tpu.memory_space<vmem>>, vector<16xi32>,
    %get3A_2310 = arith.constant 864 : index
    %get3A_2311 = tpu.vector_load %arg6[%get3A_2310] {strides = array<i32>} : memref<1024xi32, #tpu.memory_space<vmem>>, vector<16xi32>,
    %get3A_2312 = vector.shape_cast %get3A_2311 : vector<16xi32> to vector<16xi32>
    %ne3A_2313 = arith.constant 511 : i32
    %ne3A_2314 = vector.broadcast %ne3A_2313 : i32 to vector<16xi32>
    %ne3A_2315 = arith.cmpi ne, %get3A_2312, %ne3A_2314 : vector<16xi32>
    %broadcast_in_dim3A_2316 = arith.constant 1 : i32
    %broadcast_in_dim3A_2317 = vector.broadcast %broadcast_in_dim3A_2316 : i32 to vector<16xi32>
    %broadcast_in_dim3A_2318 = arith.constant 0 : i32
    %broadcast_in_dim3A_2319 = vector.broadcast %broadcast_in_dim3A_2318 : i32 to vector<16xi32>
    %select_n3A_2320 = arith.select %ne3A_2315, %broadcast_in_dim3A_2317, %broadcast_in_dim3A_2319 : vector<16xi1>, vector<16xi32>
    %swap3A_2321 = arith.constant 864 : index
    %swap3A_2322 = tpu.vector_load %arg7[%swap3A_2321] {strides = array<i32>} : memref<1024xi32, #tpu.memory_space<vmem>>, vector<16xi32>,
    %swap3A_2323 = vector.shape_cast %swap3A_2322 : vector<16xi32> to vector<16xi32>
    %swap3A_2324 = vector.shape_cast %select_n3A_2320 : vector<16xi32> to vector<16xi32>
    tpu.vector_store %arg7[%swap3A_2321], %swap3A_2324 {strides = array<i32>} : memref<1024xi32, #tpu.memory_space<vmem>>, vector<16xi32>,
    %get3A_2325 = arith.constant 880 : index
    %get3A_2326 = tpu.vector_load %arg6[%get3A_2325] {strides = array<i32>} : memref<1024xi32, #tpu.memory_space<vmem>>, vector<16xi32>,
    %get3A_2327 = vector.shape_cast %get3A_2326 : vector<16xi32> to vector<16xi32>
    %ne3A_2328 = arith.constant 511 : i32
    %ne3A_2329 = vector.broadcast %ne3A_2328 : i32 to vector<16xi32>
    %ne3A_2330 = arith.cmpi ne, %get3A_2327, %ne3A_2329 : vector<16xi32>
    %broadcast_in_dim3A_2331 = arith.constant 1 : i32
    %broadcast_in_dim3A_2332 = vector.broadcast %broadcast_in_dim3A_2331 : i32 to vector<16xi32>
    %broadcast_in_dim3A_2333 = arith.constant 0 : i32
    %broadcast_in_dim3A_2334 = vector.broadcast %broadcast_in_dim3A_2333 : i32 to vector<16xi32>
    %select_n3A_2335 = arith.select %ne3A_2330, %broadcast_in_dim3A_2332, %broadcast_in_dim3A_2334 : vector<16xi1>, vector<16xi32>
    %swap3A_2336 = arith.constant 880 : index
    %swap3A_2337 = tpu.vector_load %arg7[%swap3A_2336] {strides = array<i32>} : memref<1024xi32, #tpu.memory_space<vmem>>, vector<16xi32>,
    %swap3A_2338 = vector.shape_cast %swap3A_2337 : vector<16xi32> to vector<16xi32>
    %swap3A_2339 = vector.shape_cast %select_n3A_2335 : vector<16xi32> to vector<16xi32>
    tpu.vector_store %arg7[%swap3A_2336], %swap3A_2339 {strides = array<i32>} : memref<1024xi32, #tpu.memory_space<vmem>>, vector<16xi32>,
    %get3A_2340 = arith.constant 896 : index
    %get3A_2341 = tpu.vector_load %arg6[%get3A_2340] {strides = array<i32>} : memref<1024xi32, #tpu.memory_space<vmem>>, vector<16xi32>,
    %get3A_2342 = vector.shape_cast %get3A_2341 : vector<16xi32> to vector<16xi32>
    %ne3A_2343 = arith.constant 511 : i32
    %ne3A_2344 = vector.broadcast %ne3A_2343 : i32 to vector<16xi32>
    %ne3A_2345 = arith.cmpi ne, %get3A_2342, %ne3A_2344 : vector<16xi32>
    %broadcast_in_dim3A_2346 = arith.constant 1 : i32
    %broadcast_in_dim3A_2347 = vector.broadcast %broadcast_in_dim3A_2346 : i32 to vector<16xi32>
    %broadcast_in_dim3A_2348 = arith.constant 0 : i32
    %broadcast_in_dim3A_2349 = vector.broadcast %broadcast_in_dim3A_2348 : i32 to vector<16xi32>
    %select_n3A_2350 = arith.select %ne3A_2345, %broadcast_in_dim3A_2347, %broadcast_in_dim3A_2349 : vector<16xi1>, vector<16xi32>
    %swap3A_2351 = arith.constant 896 : index
    %swap3A_2352 = tpu.vector_load %arg7[%swap3A_2351] {strides = array<i32>} : memref<1024xi32, #tpu.memory_space<vmem>>, vector<16xi32>,
    %swap3A_2353 = vector.shape_cast %swap3A_2352 : vector<16xi32> to vector<16xi32>
    %swap3A_2354 = vector.shape_cast %select_n3A_2350 : vector<16xi32> to vector<16xi32>
    tpu.vector_store %arg7[%swap3A_2351], %swap3A_2354 {strides = array<i32>} : memref<1024xi32, #tpu.memory_space<vmem>>, vector<16xi32>,
    %get3A_2355 = arith.constant 912 : index
    %get3A_2356 = tpu.vector_load %arg6[%get3A_2355] {strides = array<i32>} : memref<1024xi32, #tpu.memory_space<vmem>>, vector<16xi32>,
    %get3A_2357 = vector.shape_cast %get3A_2356 : vector<16xi32> to vector<16xi32>
    %ne3A_2358 = arith.constant 511 : i32
    %ne3A_2359 = vector.broadcast %ne3A_2358 : i32 to vector<16xi32>
    %ne3A_2360 = arith.cmpi ne, %get3A_2357, %ne3A_2359 : vector<16xi32>
    %broadcast_in_dim3A_2361 = arith.constant 1 : i32
    %broadcast_in_dim3A_2362 = vector.broadcast %broadcast_in_dim3A_2361 : i32 to vector<16xi32>
    %broadcast_in_dim3A_2363 = arith.constant 0 : i32
    %broadcast_in_dim3A_2364 = vector.broadcast %broadcast_in_dim3A_2363 : i32 to vector<16xi32>
    %select_n3A_2365 = arith.select %ne3A_2360, %broadcast_in_dim3A_2362, %broadcast_in_dim3A_2364 : vector<16xi1>, vector<16xi32>
    %swap3A_2366 = arith.constant 912 : index
    %swap3A_2367 = tpu.vector_load %arg7[%swap3A_2366] {strides = array<i32>} : memref<1024xi32, #tpu.memory_space<vmem>>, vector<16xi32>,
    %swap3A_2368 = vector.shape_cast %swap3A_2367 : vector<16xi32> to vector<16xi32>
    %swap3A_2369 = vector.shape_cast %select_n3A_2365 : vector<16xi32> to vector<16xi32>
    tpu.vector_store %arg7[%swap3A_2366], %swap3A_2369 {strides = array<i32>} : memref<1024xi32, #tpu.memory_space<vmem>>, vector<16xi32>,
    %get3A_2370 = arith.constant 928 : index
    %get3A_2371 = tpu.vector_load %arg6[%get3A_2370] {strides = array<i32>} : memref<1024xi32, #tpu.memory_space<vmem>>, vector<16xi32>,
    %get3A_2372 = vector.shape_cast %get3A_2371 : vector<16xi32> to vector<16xi32>
    %ne3A_2373 = arith.constant 511 : i32
    %ne3A_2374 = vector.broadcast %ne3A_2373 : i32 to vector<16xi32>
    %ne3A_2375 = arith.cmpi ne, %get3A_2372, %ne3A_2374 : vector<16xi32>
    %broadcast_in_dim3A_2376 = arith.constant 1 : i32
    %broadcast_in_dim3A_2377 = vector.broadcast %broadcast_in_dim3A_2376 : i32 to vector<16xi32>
    %broadcast_in_dim3A_2378 = arith.constant 0 : i32
    %broadcast_in_dim3A_2379 = vector.broadcast %broadcast_in_dim3A_2378 : i32 to vector<16xi32>
    %select_n3A_2380 = arith.select %ne3A_2375, %broadcast_in_dim3A_2377, %broadcast_in_dim3A_2379 : vector<16xi1>, vector<16xi32>
    %swap3A_2381 = arith.constant 928 : index
    %swap3A_2382 = tpu.vector_load %arg7[%swap3A_2381] {strides = array<i32>} : memref<1024xi32, #tpu.memory_space<vmem>>, vector<16xi32>,
    %swap3A_2383 = vector.shape_cast %swap3A_2382 : vector<16xi32> to vector<16xi32>
    %swap3A_2384 = vector.shape_cast %select_n3A_2380 : vector<16xi32> to vector<16xi32>
    tpu.vector_store %arg7[%swap3A_2381], %swap3A_2384 {strides = array<i32>} : memref<1024xi32, #tpu.memory_space<vmem>>, vector<16xi32>,
    %get3A_2385 = arith.constant 944 : index
    %get3A_2386 = tpu.vector_load %arg6[%get3A_2385] {strides = array<i32>} : memref<1024xi32, #tpu.memory_space<vmem>>, vector<16xi32>,
    %get3A_2387 = vector.shape_cast %get3A_2386 : vector<16xi32> to vector<16xi32>
    %ne3A_2388 = arith.constant 511 : i32
    %ne3A_2389 = vector.broadcast %ne3A_2388 : i32 to vector<16xi32>
    %ne3A_2390 = arith.cmpi ne, %get3A_2387, %ne3A_2389 : vector<16xi32>
    %broadcast_in_dim3A_2391 = arith.constant 1 : i32
    %broadcast_in_dim3A_2392 = vector.broadcast %broadcast_in_dim3A_2391 : i32 to vector<16xi32>
    %broadcast_in_dim3A_2393 = arith.constant 0 : i32
    %broadcast_in_dim3A_2394 = vector.broadcast %broadcast_in_dim3A_2393 : i32 to vector<16xi32>
    %select_n3A_2395 = arith.select %ne3A_2390, %broadcast_in_dim3A_2392, %broadcast_in_dim3A_2394 : vector<16xi1>, vector<16xi32>
    %swap3A_2396 = arith.constant 944 : index
    %swap3A_2397 = tpu.vector_load %arg7[%swap3A_2396] {strides = array<i32>} : memref<1024xi32, #tpu.memory_space<vmem>>, vector<16xi32>,
    %swap3A_2398 = vector.shape_cast %swap3A_2397 : vector<16xi32> to vector<16xi32>
    %swap3A_2399 = vector.shape_cast %select_n3A_2395 : vector<16xi32> to vector<16xi32>
    tpu.vector_store %arg7[%swap3A_2396], %swap3A_2399 {strides = array<i32>} : memref<1024xi32, #tpu.memory_space<vmem>>, vector<16xi32>,
    %get3A_2400 = arith.constant 960 : index
    %get3A_2401 = tpu.vector_load %arg6[%get3A_2400] {strides = array<i32>} : memref<1024xi32, #tpu.memory_space<vmem>>, vector<16xi32>,
    %get3A_2402 = vector.shape_cast %get3A_2401 : vector<16xi32> to vector<16xi32>
    %ne3A_2403 = arith.constant 511 : i32
    %ne3A_2404 = vector.broadcast %ne3A_2403 : i32 to vector<16xi32>
    %ne3A_2405 = arith.cmpi ne, %get3A_2402, %ne3A_2404 : vector<16xi32>
    %broadcast_in_dim3A_2406 = arith.constant 1 : i32
    %broadcast_in_dim3A_2407 = vector.broadcast %broadcast_in_dim3A_2406 : i32 to vector<16xi32>
    %broadcast_in_dim3A_2408 = arith.constant 0 : i32
    %broadcast_in_dim3A_2409 = vector.broadcast %broadcast_in_dim3A_2408 : i32 to vector<16xi32>
    %select_n3A_2410 = arith.select %ne3A_2405, %broadcast_in_dim3A_2407, %broadcast_in_dim3A_2409 : vector<16xi1>, vector<16xi32>
    %swap3A_2411 = arith.constant 960 : index
    %swap3A_2412 = tpu.vector_load %arg7[%swap3A_2411] {strides = array<i32>} : memref<1024xi32, #tpu.memory_space<vmem>>, vector<16xi32>,
    %swap3A_2413 = vector.shape_cast %swap3A_2412 : vector<16xi32> to vector<16xi32>
    %swap3A_2414 = vector.shape_cast %select_n3A_2410 : vector<16xi32> to vector<16xi32>
    tpu.vector_store %arg7[%swap3A_2411], %swap3A_2414 {strides = array<i32>} : memref<1024xi32, #tpu.memory_space<vmem>>, vector<16xi32>,
    %get3A_2415 = arith.constant 976 : index
    %get3A_2416 = tpu.vector_load %arg6[%get3A_2415] {strides = array<i32>} : memref<1024xi32, #tpu.memory_space<vmem>>, vector<16xi32>,
    %get3A_2417 = vector.shape_cast %get3A_2416 : vector<16xi32> to vector<16xi32>
    %ne3A_2418 = arith.constant 511 : i32
    %ne3A_2419 = vector.broadcast %ne3A_2418 : i32 to vector<16xi32>
    %ne3A_2420 = arith.cmpi ne, %get3A_2417, %ne3A_2419 : vector<16xi32>
    %broadcast_in_dim3A_2421 = arith.constant 1 : i32
    %broadcast_in_dim3A_2422 = vector.broadcast %broadcast_in_dim3A_2421 : i32 to vector<16xi32>
    %broadcast_in_dim3A_2423 = arith.constant 0 : i32
    %broadcast_in_dim3A_2424 = vector.broadcast %broadcast_in_dim3A_2423 : i32 to vector<16xi32>
    %select_n3A_2425 = arith.select %ne3A_2420, %broadcast_in_dim3A_2422, %broadcast_in_dim3A_2424 : vector<16xi1>, vector<16xi32>
    %swap3A_2426 = arith.constant 976 : index
    %swap3A_2427 = tpu.vector_load %arg7[%swap3A_2426] {strides = array<i32>} : memref<1024xi32, #tpu.memory_space<vmem>>, vector<16xi32>,
    %swap3A_2428 = vector.shape_cast %swap3A_2427 : vector<16xi32> to vector<16xi32>
    %swap3A_2429 = vector.shape_cast %select_n3A_2425 : vector<16xi32> to vector<16xi32>
    tpu.vector_store %arg7[%swap3A_2426], %swap3A_2429 {strides = array<i32>} : memref<1024xi32, #tpu.memory_space<vmem>>, vector<16xi32>,
    %get3A_2430 = arith.constant 992 : index
    %get3A_2431 = tpu.vector_load %arg6[%get3A_2430] {strides = array<i32>} : memref<1024xi32, #tpu.memory_space<vmem>>, vector<16xi32>,
    %get3A_2432 = vector.shape_cast %get3A_2431 : vector<16xi32> to vector<16xi32>
    %ne3A_2433 = arith.constant 511 : i32
    %ne3A_2434 = vector.broadcast %ne3A_2433 : i32 to vector<16xi32>
    %ne3A_2435 = arith.cmpi ne, %get3A_2432, %ne3A_2434 : vector<16xi32>
    %broadcast_in_dim3A_2436 = arith.constant 1 : i32
    %broadcast_in_dim3A_2437 = vector.broadcast %broadcast_in_dim3A_2436 : i32 to vector<16xi32>
    %broadcast_in_dim3A_2438 = arith.constant 0 : i32
    %broadcast_in_dim3A_2439 = vector.broadcast %broadcast_in_dim3A_2438 : i32 to vector<16xi32>
    %select_n3A_2440 = arith.select %ne3A_2435, %broadcast_in_dim3A_2437, %broadcast_in_dim3A_2439 : vector<16xi1>, vector<16xi32>
    %swap3A_2441 = arith.constant 992 : index
    %swap3A_2442 = tpu.vector_load %arg7[%swap3A_2441] {strides = array<i32>} : memref<1024xi32, #tpu.memory_space<vmem>>, vector<16xi32>,
    %swap3A_2443 = vector.shape_cast %swap3A_2442 : vector<16xi32> to vector<16xi32>
    %swap3A_2444 = vector.shape_cast %select_n3A_2440 : vector<16xi32> to vector<16xi32>
    tpu.vector_store %arg7[%swap3A_2441], %swap3A_2444 {strides = array<i32>} : memref<1024xi32, #tpu.memory_space<vmem>>, vector<16xi32>,
    %get3A_2445 = arith.constant 1008 : index
    %get3A_2446 = tpu.vector_load %arg6[%get3A_2445] {strides = array<i32>} : memref<1024xi32, #tpu.memory_space<vmem>>, vector<16xi32>,
    %get3A_2447 = vector.shape_cast %get3A_2446 : vector<16xi32> to vector<16xi32>
    %ne3A_2448 = arith.constant 511 : i32
    %ne3A_2449 = vector.broadcast %ne3A_2448 : i32 to vector<16xi32>
    %ne3A_2450 = arith.cmpi ne, %get3A_2447, %ne3A_2449 : vector<16xi32>
    %broadcast_in_dim3A_2451 = arith.constant 1 : i32
    %broadcast_in_dim3A_2452 = vector.broadcast %broadcast_in_dim3A_2451 : i32 to vector<16xi32>
    %broadcast_in_dim3A_2453 = arith.constant 0 : i32
    %broadcast_in_dim3A_2454 = vector.broadcast %broadcast_in_dim3A_2453 : i32 to vector<16xi32>
    %select_n3A_2455 = arith.select %ne3A_2450, %broadcast_in_dim3A_2452, %broadcast_in_dim3A_2454 : vector<16xi1>, vector<16xi32>
    %swap3A_2456 = arith.constant 1008 : index
    %swap3A_2457 = tpu.vector_load %arg7[%swap3A_2456] {strides = array<i32>} : memref<1024xi32, #tpu.memory_space<vmem>>, vector<16xi32>,
    %swap3A_2458 = vector.shape_cast %swap3A_2457 : vector<16xi32> to vector<16xi32>
    %swap3A_2459 = vector.shape_cast %select_n3A_2455 : vector<16xi32> to vector<16xi32>
    tpu.vector_store %arg7[%swap3A_2456], %swap3A_2459 {strides = array<i32>} : memref<1024xi32, #tpu.memory_space<vmem>>, vector<16xi32>,
    %dma_start3A_2460 = tpu.memref_slice %arg5[%mul3A_1500] : memref<32768xi32, #tpu.memory_space<hbm>> -> memref<1024xi32, #tpu.memory_space<hbm>>
    %dma_start3A_2461 = tpu.memref_slice %arg5[%mul3A_1500] : memref<32768xi32, #tpu.memory_space<hbm>> -> memref<1024xi32, #tpu.memory_space<hbm>>
    tpu.enqueue_dma source(%arg7 : memref<1024xi32, #tpu.memory_space<vmem>>) target(%dma_start3A_2461 : memref<1024xi32, #tpu.memory_space<hbm>>) target_semaphore(%arg10 : memref<!tpu.dma_semaphore, #tpu.memory_space<semaphore_mem>>)
    %dma_wait3A_2462 = arith.constant 1 : i32
    %dma_wait3A_2463 = arith.constant 0 : i32
    %dma_wait3A_2464 = arith.constant 0 : i32
    %dma_wait3A_2465 = tpu.memref_slice %arg9[%dma_wait3A_2462, %dma_wait3A_2463, %dma_wait3A_2464] : memref<3x64x512xf32, #tpu.memory_space<vmem>> -> memref<1x64x512xf32, #tpu.memory_space<vmem>>
    %dma_wait3A_2466 = tpu.memref_squeeze %dma_wait3A_2465 : memref<1x64x512xf32, #tpu.memory_space<vmem>> -> memref<64x512xf32, #tpu.memory_space<vmem>>
    %dma_wait3A_2467 = arith.constant 448 : i32
    %dma_wait3A_2468 = tpu.memref_slice %arg8[%dma_wait3A_2467] : memref<512xi32, #tpu.memory_space<vmem>> -> memref<64xi32, #tpu.memory_space<vmem>>
    %dma_wait3A_2469 = arith.constant 0 : i32
    %dma_wait3A_2470 = arith.constant 0 : i32
    %dma_wait3A_2471 = tpu.memref_slice %arg2[%dma_wait3A_2469, %dma_wait3A_2470] : memref<8192x512xf32, #tpu.memory_space<hbm>> -> memref<8192x512xf32, #tpu.memory_space<hbm>>
    tpu.wait_indirect_dma semaphore(%arg10 : memref<!tpu.dma_semaphore, #tpu.memory_space<semaphore_mem>>) src(%dma_wait3A_2471 : memref<8192x512xf32, #tpu.memory_space<hbm>>) dst(%dma_wait3A_2466 : memref<64x512xf32, #tpu.memory_space<vmem>>)
    %add3A_2472 = arith.constant 448 : i32
    %add3A_2473 = arith.addi %mul3A_6, %add3A_2472 : i32
    %dma_start3A_2474 = arith.constant 1 : i32
    %dma_start3A_2475 = arith.constant 0 : i32
    %dma_start3A_2476 = arith.constant 0 : i32
    %dma_start3A_2477 = tpu.memref_slice %arg9[%dma_start3A_2474, %dma_start3A_2475, %dma_start3A_2476] : memref<3x64x512xf32, #tpu.memory_space<vmem>> -> memref<1x64x512xf32, #tpu.memory_space<vmem>>
    %dma_start3A_2478 = tpu.memref_squeeze %dma_start3A_2477 : memref<1x64x512xf32, #tpu.memory_space<vmem>> -> memref<64x512xf32, #tpu.memory_space<vmem>>
    %dma_start3A_2479 = arith.constant 0 : i32
    %dma_start3A_2480 = tpu.memref_slice %arg4[%add3A_2473, %dma_start3A_2479] : memref<16384x512xf32, #tpu.memory_space<hbm>> -> memref<64x512xf32, #tpu.memory_space<hbm>>
    %dma_start3A_2481 = arith.constant 0 : i32
    %dma_start3A_2482 = tpu.memref_slice %arg4[%add3A_2473, %dma_start3A_2481] : memref<16384x512xf32, #tpu.memory_space<hbm>> -> memref<64x512xf32, #tpu.memory_space<hbm>>
    %dma_start3A_2483 = arith.constant 0 : i32
    %dma_start3A_2484 = arith.constant 0 : i32
    %dma_start3A_2485 = tpu.memref_slice %arg9[%dma_start3A_2474, %dma_start3A_2483, %dma_start3A_2484] : memref<3x64x512xf32, #tpu.memory_space<vmem>> -> memref<1x64x512xf32, #tpu.memory_space<vmem>>
    %dma_start3A_2486 = tpu.memref_squeeze %dma_start3A_2485 : memref<1x64x512xf32, #tpu.memory_space<vmem>> -> memref<64x512xf32, #tpu.memory_space<vmem>>
    tpu.enqueue_dma source(%dma_start3A_2486 : memref<64x512xf32, #tpu.memory_space<vmem>>) target(%dma_start3A_2482 : memref<64x512xf32, #tpu.memory_space<hbm>>) target_semaphore(%arg11 : memref<!tpu.dma_semaphore, #tpu.memory_space<semaphore_mem>>)
    %dma_wait3A_2487 = arith.constant 2 : i32
    %dma_wait3A_2488 = arith.constant 0 : i32
    %dma_wait3A_2489 = arith.constant 0 : i32
    %dma_wait3A_2490 = tpu.memref_slice %arg9[%dma_wait3A_2487, %dma_wait3A_2488, %dma_wait3A_2489] : memref<3x64x512xf32, #tpu.memory_space<vmem>> -> memref<1x64x512xf32, #tpu.memory_space<vmem>>
    %dma_wait3A_2491 = tpu.memref_squeeze %dma_wait3A_2490 : memref<1x64x512xf32, #tpu.memory_space<vmem>> -> memref<64x512xf32, #tpu.memory_space<vmem>>
    %dma_wait3A_2492 = arith.constant 0 : i32
    %dma_wait3A_2493 = tpu.memref_slice %arg4[%add3A_1289, %dma_wait3A_2492] : memref<16384x512xf32, #tpu.memory_space<hbm>> -> memref<64x512xf32, #tpu.memory_space<hbm>>
    %dma_wait3A_2494 = arith.constant 0 : i32
    %dma_wait3A_2495 = tpu.memref_slice %arg4[%add3A_1289, %dma_wait3A_2494] : memref<16384x512xf32, #tpu.memory_space<hbm>> -> memref<64x512xf32, #tpu.memory_space<hbm>>
    %dma_wait3A_2496 = arith.constant 0 : i32
    %dma_wait3A_2497 = arith.constant 0 : i32
    %dma_wait3A_2498 = tpu.memref_slice %arg9[%dma_wait3A_2487, %dma_wait3A_2496, %dma_wait3A_2497] : memref<3x64x512xf32, #tpu.memory_space<vmem>> -> memref<1x64x512xf32, #tpu.memory_space<vmem>>
    %dma_wait3A_2499 = tpu.memref_squeeze %dma_wait3A_2498 : memref<1x64x512xf32, #tpu.memory_space<vmem>> -> memref<64x512xf32, #tpu.memory_space<vmem>>
    tpu.wait_dma2 semaphore(%arg11 : memref<!tpu.dma_semaphore, #tpu.memory_space<semaphore_mem>>) src(%dma_wait3A_2499 : memref<64x512xf32, #tpu.memory_space<vmem>>) dst(%dma_wait3A_2495 : memref<64x512xf32, #tpu.memory_space<hbm>>)
    %dma_wait3A_2500 = arith.constant 0 : i32
    %dma_wait3A_2501 = arith.constant 0 : i32
    %dma_wait3A_2502 = arith.constant 0 : i32
    %dma_wait3A_2503 = tpu.memref_slice %arg9[%dma_wait3A_2500, %dma_wait3A_2501, %dma_wait3A_2502] : memref<3x64x512xf32, #tpu.memory_space<vmem>> -> memref<1x64x512xf32, #tpu.memory_space<vmem>>
    %dma_wait3A_2504 = tpu.memref_squeeze %dma_wait3A_2503 : memref<1x64x512xf32, #tpu.memory_space<vmem>> -> memref<64x512xf32, #tpu.memory_space<vmem>>
    %dma_wait3A_2505 = arith.constant 0 : i32
    %dma_wait3A_2506 = tpu.memref_slice %arg4[%add3A_1485, %dma_wait3A_2505] : memref<16384x512xf32, #tpu.memory_space<hbm>> -> memref<64x512xf32, #tpu.memory_space<hbm>>
    %dma_wait3A_2507 = arith.constant 0 : i32
    %dma_wait3A_2508 = tpu.memref_slice %arg4[%add3A_1485, %dma_wait3A_2507] : memref<16384x512xf32, #tpu.memory_space<hbm>> -> memref<64x512xf32, #tpu.memory_space<hbm>>
    %dma_wait3A_2509 = arith.constant 0 : i32
    %dma_wait3A_2510 = arith.constant 0 : i32
    %dma_wait3A_2511 = tpu.memref_slice %arg9[%dma_wait3A_2500, %dma_wait3A_2509, %dma_wait3A_2510] : memref<3x64x512xf32, #tpu.memory_space<vmem>> -> memref<1x64x512xf32, #tpu.memory_space<vmem>>
    %dma_wait3A_2512 = tpu.memref_squeeze %dma_wait3A_2511 : memref<1x64x512xf32, #tpu.memory_space<vmem>> -> memref<64x512xf32, #tpu.memory_space<vmem>>
    tpu.wait_dma2 semaphore(%arg11 : memref<!tpu.dma_semaphore, #tpu.memory_space<semaphore_mem>>) src(%dma_wait3A_2512 : memref<64x512xf32, #tpu.memory_space<vmem>>) dst(%dma_wait3A_2508 : memref<64x512xf32, #tpu.memory_space<hbm>>)
    %dma_wait3A_2513 = arith.constant 1 : i32
    %dma_wait3A_2514 = arith.constant 0 : i32
    %dma_wait3A_2515 = arith.constant 0 : i32
    %dma_wait3A_2516 = tpu.memref_slice %arg9[%dma_wait3A_2513, %dma_wait3A_2514, %dma_wait3A_2515] : memref<3x64x512xf32, #tpu.memory_space<vmem>> -> memref<1x64x512xf32, #tpu.memory_space<vmem>>
    %dma_wait3A_2517 = tpu.memref_squeeze %dma_wait3A_2516 : memref<1x64x512xf32, #tpu.memory_space<vmem>> -> memref<64x512xf32, #tpu.memory_space<vmem>>
    %dma_wait3A_2518 = arith.constant 0 : i32
    %dma_wait3A_2519 = tpu.memref_slice %arg4[%add3A_2473, %dma_wait3A_2518] : memref<16384x512xf32, #tpu.memory_space<hbm>> -> memref<64x512xf32, #tpu.memory_space<hbm>>
    %dma_wait3A_2520 = arith.constant 0 : i32
    %dma_wait3A_2521 = tpu.memref_slice %arg4[%add3A_2473, %dma_wait3A_2520] : memref<16384x512xf32, #tpu.memory_space<hbm>> -> memref<64x512xf32, #tpu.memory_space<hbm>>
    %dma_wait3A_2522 = arith.constant 0 : i32
    %dma_wait3A_2523 = arith.constant 0 : i32
    %dma_wait3A_2524 = tpu.memref_slice %arg9[%dma_wait3A_2513, %dma_wait3A_2522, %dma_wait3A_2523] : memref<3x64x512xf32, #tpu.memory_space<vmem>> -> memref<1x64x512xf32, #tpu.memory_space<vmem>>
    %dma_wait3A_2525 = tpu.memref_squeeze %dma_wait3A_2524 : memref<1x64x512xf32, #tpu.memory_space<vmem>> -> memref<64x512xf32, #tpu.memory_space<vmem>>
    tpu.wait_dma2 semaphore(%arg11 : memref<!tpu.dma_semaphore, #tpu.memory_space<semaphore_mem>>) src(%dma_wait3A_2525 : memref<64x512xf32, #tpu.memory_space<vmem>>) dst(%dma_wait3A_2521 : memref<64x512xf32, #tpu.memory_space<hbm>>)
    %dma_wait3A_2526 = tpu.memref_slice %arg5[%mul3A_1500] : memref<32768xi32, #tpu.memory_space<hbm>> -> memref<1024xi32, #tpu.memory_space<hbm>>
    %dma_wait3A_2527 = tpu.memref_slice %arg5[%mul3A_1500] : memref<32768xi32, #tpu.memory_space<hbm>> -> memref<1024xi32, #tpu.memory_space<hbm>>
    tpu.wait_dma2 semaphore(%arg10 : memref<!tpu.dma_semaphore, #tpu.memory_space<semaphore_mem>>) src(%arg7 : memref<1024xi32, #tpu.memory_space<vmem>>) dst(%dma_wait3A_2527 : memref<1024xi32, #tpu.memory_space<hbm>>)
    return
  }
}

module attributes {stable_mosaic.version = 14 : i64} {
  func.func @tc(%arg0: i32, %arg1: memref<16384xi32, #tpu.memory_space<smem>>, %arg2: memref<8192x512xf32, #tpu.memory_space<any>>, %arg3: memref<128x512xf32, #tpu.memory_space<vmem>>, %arg4: memref<!tpu.dma_semaphore, #tpu.memory_space<semaphore_mem>>) attributes {dimension_semantics = [#tpu.dimension_semantics<arbitrary>], iteration_bounds = array<i64: 128>, scalar_prefetch = 1 : i64, scratch_operands = 1 : i64, tpu.core_type = #tpu.core_type<tc>, window_params = [{}, {transform_indices = @transform_1, window_bounds = array<i64: 128, 512>}]} {
    %jit3A = arith.constant 16 : i32
    %div3A = arith.divsi %arg0, %jit3A : i32
    %sign3A = arith.constant 0 : i32
    %sign3A_0 = arith.cmpi sgt, %arg0, %sign3A : i32
    %sign3A_1 = arith.extui %sign3A_0 : i1 to i32
    %sign3A_2 = arith.constant 0 : i32
    %sign3A_3 = arith.cmpi slt, %arg0, %sign3A_2 : i32
    %sign3A_4 = arith.extui %sign3A_3 : i1 to i32
    %sign3A_5 = arith.subi %sign3A_1, %sign3A_4 : i32
    %sign3A_6 = arith.constant 0 : i32
    %sign3A_7 = arith.cmpi sgt, %jit3A, %sign3A_6 : i32
    %sign3A_8 = arith.extui %sign3A_7 : i1 to i32
    %sign3A_9 = arith.constant 0 : i32
    %sign3A_10 = arith.cmpi slt, %jit3A, %sign3A_9 : i32
    %sign3A_11 = arith.extui %sign3A_10 : i1 to i32
    %sign3A_12 = arith.subi %sign3A_8, %sign3A_11 : i32
    %ne3A = arith.cmpi ne, %sign3A_5, %sign3A_12 : i32
    %rem3A = arith.remsi %arg0, %jit3A : i32
    %ne3A_13 = arith.constant 0 : i32
    %ne3A_14 = arith.cmpi ne, %rem3A, %ne3A_13 : i32
    %and3A = arith.andi %ne3A, %ne3A_14 : i1
    %sub3A = arith.constant 1 : i32
    %sub3A_15 = arith.subi %div3A, %sub3A : i32
    %select_n3A = arith.select %and3A, %sub3A_15, %div3A : i32
    %mul3A = arith.constant 512 : i32
    %mul3A_16 = arith.muli %select_n3A, %mul3A : i32
    %mul3A_17 = arith.constant 128 : i32
    %mul3A_18 = arith.muli %arg0, %mul3A_17 : i32
    %add3A = arith.constant 0 : i32
    %add3A_19 = arith.addi %mul3A_18, %add3A : i32
    %get3A = arith.index_cast %add3A_19 : i32 to index
    %get3A_20 = memref.load %arg1[%get3A] : memref<16384xi32, #tpu.memory_space<smem>>
    %add3A_21 = arith.addi %get3A_20, %mul3A_16 : i32
    %dma_start3A = arith.constant 0 : i32
    %dma_start3A_22 = arith.constant 0 : i32
    %dma_start3A_23 = tpu.memref_slice %arg3[%dma_start3A, %dma_start3A_22] : memref<128x512xf32, #tpu.memory_space<vmem>> -> memref<1x512xf32, #tpu.memory_space<vmem>>
    %dma_start3A_24 = arith.constant 0 : i32
    %dma_start3A_25 = tpu.memref_slice %arg2[%add3A_21, %dma_start3A_24] : memref<8192x512xf32, #tpu.memory_space<any>> -> memref<1x512xf32, #tpu.memory_space<any>>
    tpu.enqueue_dma source(%dma_start3A_25 : memref<1x512xf32, #tpu.memory_space<any>>) target(%dma_start3A_23 : memref<1x512xf32, #tpu.memory_space<vmem>>) target_semaphore(%arg4 : memref<!tpu.dma_semaphore, #tpu.memory_space<semaphore_mem>>)
    %mul3A_26 = arith.constant 128 : i32
    %mul3A_27 = arith.muli %arg0, %mul3A_26 : i32
    %add3A_28 = arith.constant 1 : i32
    %add3A_29 = arith.addi %mul3A_27, %add3A_28 : i32
    %get3A_30 = arith.index_cast %add3A_29 : i32 to index
    %get3A_31 = memref.load %arg1[%get3A_30] : memref<16384xi32, #tpu.memory_space<smem>>
    %add3A_32 = arith.addi %get3A_31, %mul3A_16 : i32
    %dma_start3A_33 = arith.constant 1 : i32
    %dma_start3A_34 = arith.constant 0 : i32
    %dma_start3A_35 = tpu.memref_slice %arg3[%dma_start3A_33, %dma_start3A_34] : memref<128x512xf32, #tpu.memory_space<vmem>> -> memref<1x512xf32, #tpu.memory_space<vmem>>
    %dma_start3A_36 = arith.constant 0 : i32
    %dma_start3A_37 = tpu.memref_slice %arg2[%add3A_32, %dma_start3A_36] : memref<8192x512xf32, #tpu.memory_space<any>> -> memref<1x512xf32, #tpu.memory_space<any>>
    tpu.enqueue_dma source(%dma_start3A_37 : memref<1x512xf32, #tpu.memory_space<any>>) target(%dma_start3A_35 : memref<1x512xf32, #tpu.memory_space<vmem>>) target_semaphore(%arg4 : memref<!tpu.dma_semaphore, #tpu.memory_space<semaphore_mem>>)
    %mul3A_38 = arith.constant 128 : i32
    %mul3A_39 = arith.muli %arg0, %mul3A_38 : i32
    %add3A_40 = arith.constant 2 : i32
    %add3A_41 = arith.addi %mul3A_39, %add3A_40 : i32
    %get3A_42 = arith.index_cast %add3A_41 : i32 to index
    %get3A_43 = memref.load %arg1[%get3A_42] : memref<16384xi32, #tpu.memory_space<smem>>
    %add3A_44 = arith.addi %get3A_43, %mul3A_16 : i32
    %dma_start3A_45 = arith.constant 2 : i32
    %dma_start3A_46 = arith.constant 0 : i32
    %dma_start3A_47 = tpu.memref_slice %arg3[%dma_start3A_45, %dma_start3A_46] : memref<128x512xf32, #tpu.memory_space<vmem>> -> memref<1x512xf32, #tpu.memory_space<vmem>>
    %dma_start3A_48 = arith.constant 0 : i32
    %dma_start3A_49 = tpu.memref_slice %arg2[%add3A_44, %dma_start3A_48] : memref<8192x512xf32, #tpu.memory_space<any>> -> memref<1x512xf32, #tpu.memory_space<any>>
    tpu.enqueue_dma source(%dma_start3A_49 : memref<1x512xf32, #tpu.memory_space<any>>) target(%dma_start3A_47 : memref<1x512xf32, #tpu.memory_space<vmem>>) target_semaphore(%arg4 : memref<!tpu.dma_semaphore, #tpu.memory_space<semaphore_mem>>)
    %mul3A_50 = arith.constant 128 : i32
    %mul3A_51 = arith.muli %arg0, %mul3A_50 : i32
    %add3A_52 = arith.constant 3 : i32
    %add3A_53 = arith.addi %mul3A_51, %add3A_52 : i32
    %get3A_54 = arith.index_cast %add3A_53 : i32 to index
    %get3A_55 = memref.load %arg1[%get3A_54] : memref<16384xi32, #tpu.memory_space<smem>>
    %add3A_56 = arith.addi %get3A_55, %mul3A_16 : i32
    %dma_start3A_57 = arith.constant 3 : i32
    %dma_start3A_58 = arith.constant 0 : i32
    %dma_start3A_59 = tpu.memref_slice %arg3[%dma_start3A_57, %dma_start3A_58] : memref<128x512xf32, #tpu.memory_space<vmem>> -> memref<1x512xf32, #tpu.memory_space<vmem>>
    %dma_start3A_60 = arith.constant 0 : i32
    %dma_start3A_61 = tpu.memref_slice %arg2[%add3A_56, %dma_start3A_60] : memref<8192x512xf32, #tpu.memory_space<any>> -> memref<1x512xf32, #tpu.memory_space<any>>
    tpu.enqueue_dma source(%dma_start3A_61 : memref<1x512xf32, #tpu.memory_space<any>>) target(%dma_start3A_59 : memref<1x512xf32, #tpu.memory_space<vmem>>) target_semaphore(%arg4 : memref<!tpu.dma_semaphore, #tpu.memory_space<semaphore_mem>>)
    %mul3A_62 = arith.constant 128 : i32
    %mul3A_63 = arith.muli %arg0, %mul3A_62 : i32
    %add3A_64 = arith.constant 4 : i32
    %add3A_65 = arith.addi %mul3A_63, %add3A_64 : i32
    %get3A_66 = arith.index_cast %add3A_65 : i32 to index
    %get3A_67 = memref.load %arg1[%get3A_66] : memref<16384xi32, #tpu.memory_space<smem>>
    %add3A_68 = arith.addi %get3A_67, %mul3A_16 : i32
    %dma_start3A_69 = arith.constant 4 : i32
    %dma_start3A_70 = arith.constant 0 : i32
    %dma_start3A_71 = tpu.memref_slice %arg3[%dma_start3A_69, %dma_start3A_70] : memref<128x512xf32, #tpu.memory_space<vmem>> -> memref<1x512xf32, #tpu.memory_space<vmem>>
    %dma_start3A_72 = arith.constant 0 : i32
    %dma_start3A_73 = tpu.memref_slice %arg2[%add3A_68, %dma_start3A_72] : memref<8192x512xf32, #tpu.memory_space<any>> -> memref<1x512xf32, #tpu.memory_space<any>>
    tpu.enqueue_dma source(%dma_start3A_73 : memref<1x512xf32, #tpu.memory_space<any>>) target(%dma_start3A_71 : memref<1x512xf32, #tpu.memory_space<vmem>>) target_semaphore(%arg4 : memref<!tpu.dma_semaphore, #tpu.memory_space<semaphore_mem>>)
    %mul3A_74 = arith.constant 128 : i32
    %mul3A_75 = arith.muli %arg0, %mul3A_74 : i32
    %add3A_76 = arith.constant 5 : i32
    %add3A_77 = arith.addi %mul3A_75, %add3A_76 : i32
    %get3A_78 = arith.index_cast %add3A_77 : i32 to index
    %get3A_79 = memref.load %arg1[%get3A_78] : memref<16384xi32, #tpu.memory_space<smem>>
    %add3A_80 = arith.addi %get3A_79, %mul3A_16 : i32
    %dma_start3A_81 = arith.constant 5 : i32
    %dma_start3A_82 = arith.constant 0 : i32
    %dma_start3A_83 = tpu.memref_slice %arg3[%dma_start3A_81, %dma_start3A_82] : memref<128x512xf32, #tpu.memory_space<vmem>> -> memref<1x512xf32, #tpu.memory_space<vmem>>
    %dma_start3A_84 = arith.constant 0 : i32
    %dma_start3A_85 = tpu.memref_slice %arg2[%add3A_80, %dma_start3A_84] : memref<8192x512xf32, #tpu.memory_space<any>> -> memref<1x512xf32, #tpu.memory_space<any>>
    tpu.enqueue_dma source(%dma_start3A_85 : memref<1x512xf32, #tpu.memory_space<any>>) target(%dma_start3A_83 : memref<1x512xf32, #tpu.memory_space<vmem>>) target_semaphore(%arg4 : memref<!tpu.dma_semaphore, #tpu.memory_space<semaphore_mem>>)
    %mul3A_86 = arith.constant 128 : i32
    %mul3A_87 = arith.muli %arg0, %mul3A_86 : i32
    %add3A_88 = arith.constant 6 : i32
    %add3A_89 = arith.addi %mul3A_87, %add3A_88 : i32
    %get3A_90 = arith.index_cast %add3A_89 : i32 to index
    %get3A_91 = memref.load %arg1[%get3A_90] : memref<16384xi32, #tpu.memory_space<smem>>
    %add3A_92 = arith.addi %get3A_91, %mul3A_16 : i32
    %dma_start3A_93 = arith.constant 6 : i32
    %dma_start3A_94 = arith.constant 0 : i32
    %dma_start3A_95 = tpu.memref_slice %arg3[%dma_start3A_93, %dma_start3A_94] : memref<128x512xf32, #tpu.memory_space<vmem>> -> memref<1x512xf32, #tpu.memory_space<vmem>>
    %dma_start3A_96 = arith.constant 0 : i32
    %dma_start3A_97 = tpu.memref_slice %arg2[%add3A_92, %dma_start3A_96] : memref<8192x512xf32, #tpu.memory_space<any>> -> memref<1x512xf32, #tpu.memory_space<any>>
    tpu.enqueue_dma source(%dma_start3A_97 : memref<1x512xf32, #tpu.memory_space<any>>) target(%dma_start3A_95 : memref<1x512xf32, #tpu.memory_space<vmem>>) target_semaphore(%arg4 : memref<!tpu.dma_semaphore, #tpu.memory_space<semaphore_mem>>)
    %mul3A_98 = arith.constant 128 : i32
    %mul3A_99 = arith.muli %arg0, %mul3A_98 : i32
    %add3A_100 = arith.constant 7 : i32
    %add3A_101 = arith.addi %mul3A_99, %add3A_100 : i32
    %get3A_102 = arith.index_cast %add3A_101 : i32 to index
    %get3A_103 = memref.load %arg1[%get3A_102] : memref<16384xi32, #tpu.memory_space<smem>>
    %add3A_104 = arith.addi %get3A_103, %mul3A_16 : i32
    %dma_start3A_105 = arith.constant 7 : i32
    %dma_start3A_106 = arith.constant 0 : i32
    %dma_start3A_107 = tpu.memref_slice %arg3[%dma_start3A_105, %dma_start3A_106] : memref<128x512xf32, #tpu.memory_space<vmem>> -> memref<1x512xf32, #tpu.memory_space<vmem>>
    %dma_start3A_108 = arith.constant 0 : i32
    %dma_start3A_109 = tpu.memref_slice %arg2[%add3A_104, %dma_start3A_108] : memref<8192x512xf32, #tpu.memory_space<any>> -> memref<1x512xf32, #tpu.memory_space<any>>
    tpu.enqueue_dma source(%dma_start3A_109 : memref<1x512xf32, #tpu.memory_space<any>>) target(%dma_start3A_107 : memref<1x512xf32, #tpu.memory_space<vmem>>) target_semaphore(%arg4 : memref<!tpu.dma_semaphore, #tpu.memory_space<semaphore_mem>>)
    %mul3A_110 = arith.constant 128 : i32
    %mul3A_111 = arith.muli %arg0, %mul3A_110 : i32
    %add3A_112 = arith.constant 8 : i32
    %add3A_113 = arith.addi %mul3A_111, %add3A_112 : i32
    %get3A_114 = arith.index_cast %add3A_113 : i32 to index
    %get3A_115 = memref.load %arg1[%get3A_114] : memref<16384xi32, #tpu.memory_space<smem>>
    %add3A_116 = arith.addi %get3A_115, %mul3A_16 : i32
    %dma_start3A_117 = arith.constant 8 : i32
    %dma_start3A_118 = arith.constant 0 : i32
    %dma_start3A_119 = tpu.memref_slice %arg3[%dma_start3A_117, %dma_start3A_118] : memref<128x512xf32, #tpu.memory_space<vmem>> -> memref<1x512xf32, #tpu.memory_space<vmem>>
    %dma_start3A_120 = arith.constant 0 : i32
    %dma_start3A_121 = tpu.memref_slice %arg2[%add3A_116, %dma_start3A_120] : memref<8192x512xf32, #tpu.memory_space<any>> -> memref<1x512xf32, #tpu.memory_space<any>>
    tpu.enqueue_dma source(%dma_start3A_121 : memref<1x512xf32, #tpu.memory_space<any>>) target(%dma_start3A_119 : memref<1x512xf32, #tpu.memory_space<vmem>>) target_semaphore(%arg4 : memref<!tpu.dma_semaphore, #tpu.memory_space<semaphore_mem>>)
    %mul3A_122 = arith.constant 128 : i32
    %mul3A_123 = arith.muli %arg0, %mul3A_122 : i32
    %add3A_124 = arith.constant 9 : i32
    %add3A_125 = arith.addi %mul3A_123, %add3A_124 : i32
    %get3A_126 = arith.index_cast %add3A_125 : i32 to index
    %get3A_127 = memref.load %arg1[%get3A_126] : memref<16384xi32, #tpu.memory_space<smem>>
    %add3A_128 = arith.addi %get3A_127, %mul3A_16 : i32
    %dma_start3A_129 = arith.constant 9 : i32
    %dma_start3A_130 = arith.constant 0 : i32
    %dma_start3A_131 = tpu.memref_slice %arg3[%dma_start3A_129, %dma_start3A_130] : memref<128x512xf32, #tpu.memory_space<vmem>> -> memref<1x512xf32, #tpu.memory_space<vmem>>
    %dma_start3A_132 = arith.constant 0 : i32
    %dma_start3A_133 = tpu.memref_slice %arg2[%add3A_128, %dma_start3A_132] : memref<8192x512xf32, #tpu.memory_space<any>> -> memref<1x512xf32, #tpu.memory_space<any>>
    tpu.enqueue_dma source(%dma_start3A_133 : memref<1x512xf32, #tpu.memory_space<any>>) target(%dma_start3A_131 : memref<1x512xf32, #tpu.memory_space<vmem>>) target_semaphore(%arg4 : memref<!tpu.dma_semaphore, #tpu.memory_space<semaphore_mem>>)
    %mul3A_134 = arith.constant 128 : i32
    %mul3A_135 = arith.muli %arg0, %mul3A_134 : i32
    %add3A_136 = arith.constant 10 : i32
    %add3A_137 = arith.addi %mul3A_135, %add3A_136 : i32
    %get3A_138 = arith.index_cast %add3A_137 : i32 to index
    %get3A_139 = memref.load %arg1[%get3A_138] : memref<16384xi32, #tpu.memory_space<smem>>
    %add3A_140 = arith.addi %get3A_139, %mul3A_16 : i32
    %dma_start3A_141 = arith.constant 10 : i32
    %dma_start3A_142 = arith.constant 0 : i32
    %dma_start3A_143 = tpu.memref_slice %arg3[%dma_start3A_141, %dma_start3A_142] : memref<128x512xf32, #tpu.memory_space<vmem>> -> memref<1x512xf32, #tpu.memory_space<vmem>>
    %dma_start3A_144 = arith.constant 0 : i32
    %dma_start3A_145 = tpu.memref_slice %arg2[%add3A_140, %dma_start3A_144] : memref<8192x512xf32, #tpu.memory_space<any>> -> memref<1x512xf32, #tpu.memory_space<any>>
    tpu.enqueue_dma source(%dma_start3A_145 : memref<1x512xf32, #tpu.memory_space<any>>) target(%dma_start3A_143 : memref<1x512xf32, #tpu.memory_space<vmem>>) target_semaphore(%arg4 : memref<!tpu.dma_semaphore, #tpu.memory_space<semaphore_mem>>)
    %mul3A_146 = arith.constant 128 : i32
    %mul3A_147 = arith.muli %arg0, %mul3A_146 : i32
    %add3A_148 = arith.constant 11 : i32
    %add3A_149 = arith.addi %mul3A_147, %add3A_148 : i32
    %get3A_150 = arith.index_cast %add3A_149 : i32 to index
    %get3A_151 = memref.load %arg1[%get3A_150] : memref<16384xi32, #tpu.memory_space<smem>>
    %add3A_152 = arith.addi %get3A_151, %mul3A_16 : i32
    %dma_start3A_153 = arith.constant 11 : i32
    %dma_start3A_154 = arith.constant 0 : i32
    %dma_start3A_155 = tpu.memref_slice %arg3[%dma_start3A_153, %dma_start3A_154] : memref<128x512xf32, #tpu.memory_space<vmem>> -> memref<1x512xf32, #tpu.memory_space<vmem>>
    %dma_start3A_156 = arith.constant 0 : i32
    %dma_start3A_157 = tpu.memref_slice %arg2[%add3A_152, %dma_start3A_156] : memref<8192x512xf32, #tpu.memory_space<any>> -> memref<1x512xf32, #tpu.memory_space<any>>
    tpu.enqueue_dma source(%dma_start3A_157 : memref<1x512xf32, #tpu.memory_space<any>>) target(%dma_start3A_155 : memref<1x512xf32, #tpu.memory_space<vmem>>) target_semaphore(%arg4 : memref<!tpu.dma_semaphore, #tpu.memory_space<semaphore_mem>>)
    %mul3A_158 = arith.constant 128 : i32
    %mul3A_159 = arith.muli %arg0, %mul3A_158 : i32
    %add3A_160 = arith.constant 12 : i32
    %add3A_161 = arith.addi %mul3A_159, %add3A_160 : i32
    %get3A_162 = arith.index_cast %add3A_161 : i32 to index
    %get3A_163 = memref.load %arg1[%get3A_162] : memref<16384xi32, #tpu.memory_space<smem>>
    %add3A_164 = arith.addi %get3A_163, %mul3A_16 : i32
    %dma_start3A_165 = arith.constant 12 : i32
    %dma_start3A_166 = arith.constant 0 : i32
    %dma_start3A_167 = tpu.memref_slice %arg3[%dma_start3A_165, %dma_start3A_166] : memref<128x512xf32, #tpu.memory_space<vmem>> -> memref<1x512xf32, #tpu.memory_space<vmem>>
    %dma_start3A_168 = arith.constant 0 : i32
    %dma_start3A_169 = tpu.memref_slice %arg2[%add3A_164, %dma_start3A_168] : memref<8192x512xf32, #tpu.memory_space<any>> -> memref<1x512xf32, #tpu.memory_space<any>>
    tpu.enqueue_dma source(%dma_start3A_169 : memref<1x512xf32, #tpu.memory_space<any>>) target(%dma_start3A_167 : memref<1x512xf32, #tpu.memory_space<vmem>>) target_semaphore(%arg4 : memref<!tpu.dma_semaphore, #tpu.memory_space<semaphore_mem>>)
    %mul3A_170 = arith.constant 128 : i32
    %mul3A_171 = arith.muli %arg0, %mul3A_170 : i32
    %add3A_172 = arith.constant 13 : i32
    %add3A_173 = arith.addi %mul3A_171, %add3A_172 : i32
    %get3A_174 = arith.index_cast %add3A_173 : i32 to index
    %get3A_175 = memref.load %arg1[%get3A_174] : memref<16384xi32, #tpu.memory_space<smem>>
    %add3A_176 = arith.addi %get3A_175, %mul3A_16 : i32
    %dma_start3A_177 = arith.constant 13 : i32
    %dma_start3A_178 = arith.constant 0 : i32
    %dma_start3A_179 = tpu.memref_slice %arg3[%dma_start3A_177, %dma_start3A_178] : memref<128x512xf32, #tpu.memory_space<vmem>> -> memref<1x512xf32, #tpu.memory_space<vmem>>
    %dma_start3A_180 = arith.constant 0 : i32
    %dma_start3A_181 = tpu.memref_slice %arg2[%add3A_176, %dma_start3A_180] : memref<8192x512xf32, #tpu.memory_space<any>> -> memref<1x512xf32, #tpu.memory_space<any>>
    tpu.enqueue_dma source(%dma_start3A_181 : memref<1x512xf32, #tpu.memory_space<any>>) target(%dma_start3A_179 : memref<1x512xf32, #tpu.memory_space<vmem>>) target_semaphore(%arg4 : memref<!tpu.dma_semaphore, #tpu.memory_space<semaphore_mem>>)
    %mul3A_182 = arith.constant 128 : i32
    %mul3A_183 = arith.muli %arg0, %mul3A_182 : i32
    %add3A_184 = arith.constant 14 : i32
    %add3A_185 = arith.addi %mul3A_183, %add3A_184 : i32
    %get3A_186 = arith.index_cast %add3A_185 : i32 to index
    %get3A_187 = memref.load %arg1[%get3A_186] : memref<16384xi32, #tpu.memory_space<smem>>
    %add3A_188 = arith.addi %get3A_187, %mul3A_16 : i32
    %dma_start3A_189 = arith.constant 14 : i32
    %dma_start3A_190 = arith.constant 0 : i32
    %dma_start3A_191 = tpu.memref_slice %arg3[%dma_start3A_189, %dma_start3A_190] : memref<128x512xf32, #tpu.memory_space<vmem>> -> memref<1x512xf32, #tpu.memory_space<vmem>>
    %dma_start3A_192 = arith.constant 0 : i32
    %dma_start3A_193 = tpu.memref_slice %arg2[%add3A_188, %dma_start3A_192] : memref<8192x512xf32, #tpu.memory_space<any>> -> memref<1x512xf32, #tpu.memory_space<any>>
    tpu.enqueue_dma source(%dma_start3A_193 : memref<1x512xf32, #tpu.memory_space<any>>) target(%dma_start3A_191 : memref<1x512xf32, #tpu.memory_space<vmem>>) target_semaphore(%arg4 : memref<!tpu.dma_semaphore, #tpu.memory_space<semaphore_mem>>)
    %mul3A_194 = arith.constant 128 : i32
    %mul3A_195 = arith.muli %arg0, %mul3A_194 : i32
    %add3A_196 = arith.constant 15 : i32
    %add3A_197 = arith.addi %mul3A_195, %add3A_196 : i32
    %get3A_198 = arith.index_cast %add3A_197 : i32 to index
    %get3A_199 = memref.load %arg1[%get3A_198] : memref<16384xi32, #tpu.memory_space<smem>>
    %add3A_200 = arith.addi %get3A_199, %mul3A_16 : i32
    %dma_start3A_201 = arith.constant 15 : i32
    %dma_start3A_202 = arith.constant 0 : i32
    %dma_start3A_203 = tpu.memref_slice %arg3[%dma_start3A_201, %dma_start3A_202] : memref<128x512xf32, #tpu.memory_space<vmem>> -> memref<1x512xf32, #tpu.memory_space<vmem>>
    %dma_start3A_204 = arith.constant 0 : i32
    %dma_start3A_205 = tpu.memref_slice %arg2[%add3A_200, %dma_start3A_204] : memref<8192x512xf32, #tpu.memory_space<any>> -> memref<1x512xf32, #tpu.memory_space<any>>
    tpu.enqueue_dma source(%dma_start3A_205 : memref<1x512xf32, #tpu.memory_space<any>>) target(%dma_start3A_203 : memref<1x512xf32, #tpu.memory_space<vmem>>) target_semaphore(%arg4 : memref<!tpu.dma_semaphore, #tpu.memory_space<semaphore_mem>>)
    %mul3A_206 = arith.constant 128 : i32
    %mul3A_207 = arith.muli %arg0, %mul3A_206 : i32
    %add3A_208 = arith.constant 16 : i32
    %add3A_209 = arith.addi %mul3A_207, %add3A_208 : i32
    %get3A_210 = arith.index_cast %add3A_209 : i32 to index
    %get3A_211 = memref.load %arg1[%get3A_210] : memref<16384xi32, #tpu.memory_space<smem>>
    %add3A_212 = arith.addi %get3A_211, %mul3A_16 : i32
    %dma_start3A_213 = arith.constant 16 : i32
    %dma_start3A_214 = arith.constant 0 : i32
    %dma_start3A_215 = tpu.memref_slice %arg3[%dma_start3A_213, %dma_start3A_214] : memref<128x512xf32, #tpu.memory_space<vmem>> -> memref<1x512xf32, #tpu.memory_space<vmem>>
    %dma_start3A_216 = arith.constant 0 : i32
    %dma_start3A_217 = tpu.memref_slice %arg2[%add3A_212, %dma_start3A_216] : memref<8192x512xf32, #tpu.memory_space<any>> -> memref<1x512xf32, #tpu.memory_space<any>>
    tpu.enqueue_dma source(%dma_start3A_217 : memref<1x512xf32, #tpu.memory_space<any>>) target(%dma_start3A_215 : memref<1x512xf32, #tpu.memory_space<vmem>>) target_semaphore(%arg4 : memref<!tpu.dma_semaphore, #tpu.memory_space<semaphore_mem>>)
    %mul3A_218 = arith.constant 128 : i32
    %mul3A_219 = arith.muli %arg0, %mul3A_218 : i32
    %add3A_220 = arith.constant 17 : i32
    %add3A_221 = arith.addi %mul3A_219, %add3A_220 : i32
    %get3A_222 = arith.index_cast %add3A_221 : i32 to index
    %get3A_223 = memref.load %arg1[%get3A_222] : memref<16384xi32, #tpu.memory_space<smem>>
    %add3A_224 = arith.addi %get3A_223, %mul3A_16 : i32
    %dma_start3A_225 = arith.constant 17 : i32
    %dma_start3A_226 = arith.constant 0 : i32
    %dma_start3A_227 = tpu.memref_slice %arg3[%dma_start3A_225, %dma_start3A_226] : memref<128x512xf32, #tpu.memory_space<vmem>> -> memref<1x512xf32, #tpu.memory_space<vmem>>
    %dma_start3A_228 = arith.constant 0 : i32
    %dma_start3A_229 = tpu.memref_slice %arg2[%add3A_224, %dma_start3A_228] : memref<8192x512xf32, #tpu.memory_space<any>> -> memref<1x512xf32, #tpu.memory_space<any>>
    tpu.enqueue_dma source(%dma_start3A_229 : memref<1x512xf32, #tpu.memory_space<any>>) target(%dma_start3A_227 : memref<1x512xf32, #tpu.memory_space<vmem>>) target_semaphore(%arg4 : memref<!tpu.dma_semaphore, #tpu.memory_space<semaphore_mem>>)
    %mul3A_230 = arith.constant 128 : i32
    %mul3A_231 = arith.muli %arg0, %mul3A_230 : i32
    %add3A_232 = arith.constant 18 : i32
    %add3A_233 = arith.addi %mul3A_231, %add3A_232 : i32
    %get3A_234 = arith.index_cast %add3A_233 : i32 to index
    %get3A_235 = memref.load %arg1[%get3A_234] : memref<16384xi32, #tpu.memory_space<smem>>
    %add3A_236 = arith.addi %get3A_235, %mul3A_16 : i32
    %dma_start3A_237 = arith.constant 18 : i32
    %dma_start3A_238 = arith.constant 0 : i32
    %dma_start3A_239 = tpu.memref_slice %arg3[%dma_start3A_237, %dma_start3A_238] : memref<128x512xf32, #tpu.memory_space<vmem>> -> memref<1x512xf32, #tpu.memory_space<vmem>>
    %dma_start3A_240 = arith.constant 0 : i32
    %dma_start3A_241 = tpu.memref_slice %arg2[%add3A_236, %dma_start3A_240] : memref<8192x512xf32, #tpu.memory_space<any>> -> memref<1x512xf32, #tpu.memory_space<any>>
    tpu.enqueue_dma source(%dma_start3A_241 : memref<1x512xf32, #tpu.memory_space<any>>) target(%dma_start3A_239 : memref<1x512xf32, #tpu.memory_space<vmem>>) target_semaphore(%arg4 : memref<!tpu.dma_semaphore, #tpu.memory_space<semaphore_mem>>)
    %mul3A_242 = arith.constant 128 : i32
    %mul3A_243 = arith.muli %arg0, %mul3A_242 : i32
    %add3A_244 = arith.constant 19 : i32
    %add3A_245 = arith.addi %mul3A_243, %add3A_244 : i32
    %get3A_246 = arith.index_cast %add3A_245 : i32 to index
    %get3A_247 = memref.load %arg1[%get3A_246] : memref<16384xi32, #tpu.memory_space<smem>>
    %add3A_248 = arith.addi %get3A_247, %mul3A_16 : i32
    %dma_start3A_249 = arith.constant 19 : i32
    %dma_start3A_250 = arith.constant 0 : i32
    %dma_start3A_251 = tpu.memref_slice %arg3[%dma_start3A_249, %dma_start3A_250] : memref<128x512xf32, #tpu.memory_space<vmem>> -> memref<1x512xf32, #tpu.memory_space<vmem>>
    %dma_start3A_252 = arith.constant 0 : i32
    %dma_start3A_253 = tpu.memref_slice %arg2[%add3A_248, %dma_start3A_252] : memref<8192x512xf32, #tpu.memory_space<any>> -> memref<1x512xf32, #tpu.memory_space<any>>
    tpu.enqueue_dma source(%dma_start3A_253 : memref<1x512xf32, #tpu.memory_space<any>>) target(%dma_start3A_251 : memref<1x512xf32, #tpu.memory_space<vmem>>) target_semaphore(%arg4 : memref<!tpu.dma_semaphore, #tpu.memory_space<semaphore_mem>>)
    %mul3A_254 = arith.constant 128 : i32
    %mul3A_255 = arith.muli %arg0, %mul3A_254 : i32
    %add3A_256 = arith.constant 20 : i32
    %add3A_257 = arith.addi %mul3A_255, %add3A_256 : i32
    %get3A_258 = arith.index_cast %add3A_257 : i32 to index
    %get3A_259 = memref.load %arg1[%get3A_258] : memref<16384xi32, #tpu.memory_space<smem>>
    %add3A_260 = arith.addi %get3A_259, %mul3A_16 : i32
    %dma_start3A_261 = arith.constant 20 : i32
    %dma_start3A_262 = arith.constant 0 : i32
    %dma_start3A_263 = tpu.memref_slice %arg3[%dma_start3A_261, %dma_start3A_262] : memref<128x512xf32, #tpu.memory_space<vmem>> -> memref<1x512xf32, #tpu.memory_space<vmem>>
    %dma_start3A_264 = arith.constant 0 : i32
    %dma_start3A_265 = tpu.memref_slice %arg2[%add3A_260, %dma_start3A_264] : memref<8192x512xf32, #tpu.memory_space<any>> -> memref<1x512xf32, #tpu.memory_space<any>>
    tpu.enqueue_dma source(%dma_start3A_265 : memref<1x512xf32, #tpu.memory_space<any>>) target(%dma_start3A_263 : memref<1x512xf32, #tpu.memory_space<vmem>>) target_semaphore(%arg4 : memref<!tpu.dma_semaphore, #tpu.memory_space<semaphore_mem>>)
    %mul3A_266 = arith.constant 128 : i32
    %mul3A_267 = arith.muli %arg0, %mul3A_266 : i32
    %add3A_268 = arith.constant 21 : i32
    %add3A_269 = arith.addi %mul3A_267, %add3A_268 : i32
    %get3A_270 = arith.index_cast %add3A_269 : i32 to index
    %get3A_271 = memref.load %arg1[%get3A_270] : memref<16384xi32, #tpu.memory_space<smem>>
    %add3A_272 = arith.addi %get3A_271, %mul3A_16 : i32
    %dma_start3A_273 = arith.constant 21 : i32
    %dma_start3A_274 = arith.constant 0 : i32
    %dma_start3A_275 = tpu.memref_slice %arg3[%dma_start3A_273, %dma_start3A_274] : memref<128x512xf32, #tpu.memory_space<vmem>> -> memref<1x512xf32, #tpu.memory_space<vmem>>
    %dma_start3A_276 = arith.constant 0 : i32
    %dma_start3A_277 = tpu.memref_slice %arg2[%add3A_272, %dma_start3A_276] : memref<8192x512xf32, #tpu.memory_space<any>> -> memref<1x512xf32, #tpu.memory_space<any>>
    tpu.enqueue_dma source(%dma_start3A_277 : memref<1x512xf32, #tpu.memory_space<any>>) target(%dma_start3A_275 : memref<1x512xf32, #tpu.memory_space<vmem>>) target_semaphore(%arg4 : memref<!tpu.dma_semaphore, #tpu.memory_space<semaphore_mem>>)
    %mul3A_278 = arith.constant 128 : i32
    %mul3A_279 = arith.muli %arg0, %mul3A_278 : i32
    %add3A_280 = arith.constant 22 : i32
    %add3A_281 = arith.addi %mul3A_279, %add3A_280 : i32
    %get3A_282 = arith.index_cast %add3A_281 : i32 to index
    %get3A_283 = memref.load %arg1[%get3A_282] : memref<16384xi32, #tpu.memory_space<smem>>
    %add3A_284 = arith.addi %get3A_283, %mul3A_16 : i32
    %dma_start3A_285 = arith.constant 22 : i32
    %dma_start3A_286 = arith.constant 0 : i32
    %dma_start3A_287 = tpu.memref_slice %arg3[%dma_start3A_285, %dma_start3A_286] : memref<128x512xf32, #tpu.memory_space<vmem>> -> memref<1x512xf32, #tpu.memory_space<vmem>>
    %dma_start3A_288 = arith.constant 0 : i32
    %dma_start3A_289 = tpu.memref_slice %arg2[%add3A_284, %dma_start3A_288] : memref<8192x512xf32, #tpu.memory_space<any>> -> memref<1x512xf32, #tpu.memory_space<any>>
    tpu.enqueue_dma source(%dma_start3A_289 : memref<1x512xf32, #tpu.memory_space<any>>) target(%dma_start3A_287 : memref<1x512xf32, #tpu.memory_space<vmem>>) target_semaphore(%arg4 : memref<!tpu.dma_semaphore, #tpu.memory_space<semaphore_mem>>)
    %mul3A_290 = arith.constant 128 : i32
    %mul3A_291 = arith.muli %arg0, %mul3A_290 : i32
    %add3A_292 = arith.constant 23 : i32
    %add3A_293 = arith.addi %mul3A_291, %add3A_292 : i32
    %get3A_294 = arith.index_cast %add3A_293 : i32 to index
    %get3A_295 = memref.load %arg1[%get3A_294] : memref<16384xi32, #tpu.memory_space<smem>>
    %add3A_296 = arith.addi %get3A_295, %mul3A_16 : i32
    %dma_start3A_297 = arith.constant 23 : i32
    %dma_start3A_298 = arith.constant 0 : i32
    %dma_start3A_299 = tpu.memref_slice %arg3[%dma_start3A_297, %dma_start3A_298] : memref<128x512xf32, #tpu.memory_space<vmem>> -> memref<1x512xf32, #tpu.memory_space<vmem>>
    %dma_start3A_300 = arith.constant 0 : i32
    %dma_start3A_301 = tpu.memref_slice %arg2[%add3A_296, %dma_start3A_300] : memref<8192x512xf32, #tpu.memory_space<any>> -> memref<1x512xf32, #tpu.memory_space<any>>
    tpu.enqueue_dma source(%dma_start3A_301 : memref<1x512xf32, #tpu.memory_space<any>>) target(%dma_start3A_299 : memref<1x512xf32, #tpu.memory_space<vmem>>) target_semaphore(%arg4 : memref<!tpu.dma_semaphore, #tpu.memory_space<semaphore_mem>>)
    %mul3A_302 = arith.constant 128 : i32
    %mul3A_303 = arith.muli %arg0, %mul3A_302 : i32
    %add3A_304 = arith.constant 24 : i32
    %add3A_305 = arith.addi %mul3A_303, %add3A_304 : i32
    %get3A_306 = arith.index_cast %add3A_305 : i32 to index
    %get3A_307 = memref.load %arg1[%get3A_306] : memref<16384xi32, #tpu.memory_space<smem>>
    %add3A_308 = arith.addi %get3A_307, %mul3A_16 : i32
    %dma_start3A_309 = arith.constant 24 : i32
    %dma_start3A_310 = arith.constant 0 : i32
    %dma_start3A_311 = tpu.memref_slice %arg3[%dma_start3A_309, %dma_start3A_310] : memref<128x512xf32, #tpu.memory_space<vmem>> -> memref<1x512xf32, #tpu.memory_space<vmem>>
    %dma_start3A_312 = arith.constant 0 : i32
    %dma_start3A_313 = tpu.memref_slice %arg2[%add3A_308, %dma_start3A_312] : memref<8192x512xf32, #tpu.memory_space<any>> -> memref<1x512xf32, #tpu.memory_space<any>>
    tpu.enqueue_dma source(%dma_start3A_313 : memref<1x512xf32, #tpu.memory_space<any>>) target(%dma_start3A_311 : memref<1x512xf32, #tpu.memory_space<vmem>>) target_semaphore(%arg4 : memref<!tpu.dma_semaphore, #tpu.memory_space<semaphore_mem>>)
    %mul3A_314 = arith.constant 128 : i32
    %mul3A_315 = arith.muli %arg0, %mul3A_314 : i32
    %add3A_316 = arith.constant 25 : i32
    %add3A_317 = arith.addi %mul3A_315, %add3A_316 : i32
    %get3A_318 = arith.index_cast %add3A_317 : i32 to index
    %get3A_319 = memref.load %arg1[%get3A_318] : memref<16384xi32, #tpu.memory_space<smem>>
    %add3A_320 = arith.addi %get3A_319, %mul3A_16 : i32
    %dma_start3A_321 = arith.constant 25 : i32
    %dma_start3A_322 = arith.constant 0 : i32
    %dma_start3A_323 = tpu.memref_slice %arg3[%dma_start3A_321, %dma_start3A_322] : memref<128x512xf32, #tpu.memory_space<vmem>> -> memref<1x512xf32, #tpu.memory_space<vmem>>
    %dma_start3A_324 = arith.constant 0 : i32
    %dma_start3A_325 = tpu.memref_slice %arg2[%add3A_320, %dma_start3A_324] : memref<8192x512xf32, #tpu.memory_space<any>> -> memref<1x512xf32, #tpu.memory_space<any>>
    tpu.enqueue_dma source(%dma_start3A_325 : memref<1x512xf32, #tpu.memory_space<any>>) target(%dma_start3A_323 : memref<1x512xf32, #tpu.memory_space<vmem>>) target_semaphore(%arg4 : memref<!tpu.dma_semaphore, #tpu.memory_space<semaphore_mem>>)
    %mul3A_326 = arith.constant 128 : i32
    %mul3A_327 = arith.muli %arg0, %mul3A_326 : i32
    %add3A_328 = arith.constant 26 : i32
    %add3A_329 = arith.addi %mul3A_327, %add3A_328 : i32
    %get3A_330 = arith.index_cast %add3A_329 : i32 to index
    %get3A_331 = memref.load %arg1[%get3A_330] : memref<16384xi32, #tpu.memory_space<smem>>
    %add3A_332 = arith.addi %get3A_331, %mul3A_16 : i32
    %dma_start3A_333 = arith.constant 26 : i32
    %dma_start3A_334 = arith.constant 0 : i32
    %dma_start3A_335 = tpu.memref_slice %arg3[%dma_start3A_333, %dma_start3A_334] : memref<128x512xf32, #tpu.memory_space<vmem>> -> memref<1x512xf32, #tpu.memory_space<vmem>>
    %dma_start3A_336 = arith.constant 0 : i32
    %dma_start3A_337 = tpu.memref_slice %arg2[%add3A_332, %dma_start3A_336] : memref<8192x512xf32, #tpu.memory_space<any>> -> memref<1x512xf32, #tpu.memory_space<any>>
    tpu.enqueue_dma source(%dma_start3A_337 : memref<1x512xf32, #tpu.memory_space<any>>) target(%dma_start3A_335 : memref<1x512xf32, #tpu.memory_space<vmem>>) target_semaphore(%arg4 : memref<!tpu.dma_semaphore, #tpu.memory_space<semaphore_mem>>)
    %mul3A_338 = arith.constant 128 : i32
    %mul3A_339 = arith.muli %arg0, %mul3A_338 : i32
    %add3A_340 = arith.constant 27 : i32
    %add3A_341 = arith.addi %mul3A_339, %add3A_340 : i32
    %get3A_342 = arith.index_cast %add3A_341 : i32 to index
    %get3A_343 = memref.load %arg1[%get3A_342] : memref<16384xi32, #tpu.memory_space<smem>>
    %add3A_344 = arith.addi %get3A_343, %mul3A_16 : i32
    %dma_start3A_345 = arith.constant 27 : i32
    %dma_start3A_346 = arith.constant 0 : i32
    %dma_start3A_347 = tpu.memref_slice %arg3[%dma_start3A_345, %dma_start3A_346] : memref<128x512xf32, #tpu.memory_space<vmem>> -> memref<1x512xf32, #tpu.memory_space<vmem>>
    %dma_start3A_348 = arith.constant 0 : i32
    %dma_start3A_349 = tpu.memref_slice %arg2[%add3A_344, %dma_start3A_348] : memref<8192x512xf32, #tpu.memory_space<any>> -> memref<1x512xf32, #tpu.memory_space<any>>
    tpu.enqueue_dma source(%dma_start3A_349 : memref<1x512xf32, #tpu.memory_space<any>>) target(%dma_start3A_347 : memref<1x512xf32, #tpu.memory_space<vmem>>) target_semaphore(%arg4 : memref<!tpu.dma_semaphore, #tpu.memory_space<semaphore_mem>>)
    %mul3A_350 = arith.constant 128 : i32
    %mul3A_351 = arith.muli %arg0, %mul3A_350 : i32
    %add3A_352 = arith.constant 28 : i32
    %add3A_353 = arith.addi %mul3A_351, %add3A_352 : i32
    %get3A_354 = arith.index_cast %add3A_353 : i32 to index
    %get3A_355 = memref.load %arg1[%get3A_354] : memref<16384xi32, #tpu.memory_space<smem>>
    %add3A_356 = arith.addi %get3A_355, %mul3A_16 : i32
    %dma_start3A_357 = arith.constant 28 : i32
    %dma_start3A_358 = arith.constant 0 : i32
    %dma_start3A_359 = tpu.memref_slice %arg3[%dma_start3A_357, %dma_start3A_358] : memref<128x512xf32, #tpu.memory_space<vmem>> -> memref<1x512xf32, #tpu.memory_space<vmem>>
    %dma_start3A_360 = arith.constant 0 : i32
    %dma_start3A_361 = tpu.memref_slice %arg2[%add3A_356, %dma_start3A_360] : memref<8192x512xf32, #tpu.memory_space<any>> -> memref<1x512xf32, #tpu.memory_space<any>>
    tpu.enqueue_dma source(%dma_start3A_361 : memref<1x512xf32, #tpu.memory_space<any>>) target(%dma_start3A_359 : memref<1x512xf32, #tpu.memory_space<vmem>>) target_semaphore(%arg4 : memref<!tpu.dma_semaphore, #tpu.memory_space<semaphore_mem>>)
    %mul3A_362 = arith.constant 128 : i32
    %mul3A_363 = arith.muli %arg0, %mul3A_362 : i32
    %add3A_364 = arith.constant 29 : i32
    %add3A_365 = arith.addi %mul3A_363, %add3A_364 : i32
    %get3A_366 = arith.index_cast %add3A_365 : i32 to index
    %get3A_367 = memref.load %arg1[%get3A_366] : memref<16384xi32, #tpu.memory_space<smem>>
    %add3A_368 = arith.addi %get3A_367, %mul3A_16 : i32
    %dma_start3A_369 = arith.constant 29 : i32
    %dma_start3A_370 = arith.constant 0 : i32
    %dma_start3A_371 = tpu.memref_slice %arg3[%dma_start3A_369, %dma_start3A_370] : memref<128x512xf32, #tpu.memory_space<vmem>> -> memref<1x512xf32, #tpu.memory_space<vmem>>
    %dma_start3A_372 = arith.constant 0 : i32
    %dma_start3A_373 = tpu.memref_slice %arg2[%add3A_368, %dma_start3A_372] : memref<8192x512xf32, #tpu.memory_space<any>> -> memref<1x512xf32, #tpu.memory_space<any>>
    tpu.enqueue_dma source(%dma_start3A_373 : memref<1x512xf32, #tpu.memory_space<any>>) target(%dma_start3A_371 : memref<1x512xf32, #tpu.memory_space<vmem>>) target_semaphore(%arg4 : memref<!tpu.dma_semaphore, #tpu.memory_space<semaphore_mem>>)
    %mul3A_374 = arith.constant 128 : i32
    %mul3A_375 = arith.muli %arg0, %mul3A_374 : i32
    %add3A_376 = arith.constant 30 : i32
    %add3A_377 = arith.addi %mul3A_375, %add3A_376 : i32
    %get3A_378 = arith.index_cast %add3A_377 : i32 to index
    %get3A_379 = memref.load %arg1[%get3A_378] : memref<16384xi32, #tpu.memory_space<smem>>
    %add3A_380 = arith.addi %get3A_379, %mul3A_16 : i32
    %dma_start3A_381 = arith.constant 30 : i32
    %dma_start3A_382 = arith.constant 0 : i32
    %dma_start3A_383 = tpu.memref_slice %arg3[%dma_start3A_381, %dma_start3A_382] : memref<128x512xf32, #tpu.memory_space<vmem>> -> memref<1x512xf32, #tpu.memory_space<vmem>>
    %dma_start3A_384 = arith.constant 0 : i32
    %dma_start3A_385 = tpu.memref_slice %arg2[%add3A_380, %dma_start3A_384] : memref<8192x512xf32, #tpu.memory_space<any>> -> memref<1x512xf32, #tpu.memory_space<any>>
    tpu.enqueue_dma source(%dma_start3A_385 : memref<1x512xf32, #tpu.memory_space<any>>) target(%dma_start3A_383 : memref<1x512xf32, #tpu.memory_space<vmem>>) target_semaphore(%arg4 : memref<!tpu.dma_semaphore, #tpu.memory_space<semaphore_mem>>)
    %mul3A_386 = arith.constant 128 : i32
    %mul3A_387 = arith.muli %arg0, %mul3A_386 : i32
    %add3A_388 = arith.constant 31 : i32
    %add3A_389 = arith.addi %mul3A_387, %add3A_388 : i32
    %get3A_390 = arith.index_cast %add3A_389 : i32 to index
    %get3A_391 = memref.load %arg1[%get3A_390] : memref<16384xi32, #tpu.memory_space<smem>>
    %add3A_392 = arith.addi %get3A_391, %mul3A_16 : i32
    %dma_start3A_393 = arith.constant 31 : i32
    %dma_start3A_394 = arith.constant 0 : i32
    %dma_start3A_395 = tpu.memref_slice %arg3[%dma_start3A_393, %dma_start3A_394] : memref<128x512xf32, #tpu.memory_space<vmem>> -> memref<1x512xf32, #tpu.memory_space<vmem>>
    %dma_start3A_396 = arith.constant 0 : i32
    %dma_start3A_397 = tpu.memref_slice %arg2[%add3A_392, %dma_start3A_396] : memref<8192x512xf32, #tpu.memory_space<any>> -> memref<1x512xf32, #tpu.memory_space<any>>
    tpu.enqueue_dma source(%dma_start3A_397 : memref<1x512xf32, #tpu.memory_space<any>>) target(%dma_start3A_395 : memref<1x512xf32, #tpu.memory_space<vmem>>) target_semaphore(%arg4 : memref<!tpu.dma_semaphore, #tpu.memory_space<semaphore_mem>>)
    %mul3A_398 = arith.constant 128 : i32
    %mul3A_399 = arith.muli %arg0, %mul3A_398 : i32
    %add3A_400 = arith.constant 32 : i32
    %add3A_401 = arith.addi %mul3A_399, %add3A_400 : i32
    %get3A_402 = arith.index_cast %add3A_401 : i32 to index
    %get3A_403 = memref.load %arg1[%get3A_402] : memref<16384xi32, #tpu.memory_space<smem>>
    %add3A_404 = arith.addi %get3A_403, %mul3A_16 : i32
    %dma_start3A_405 = arith.constant 32 : i32
    %dma_start3A_406 = arith.constant 0 : i32
    %dma_start3A_407 = tpu.memref_slice %arg3[%dma_start3A_405, %dma_start3A_406] : memref<128x512xf32, #tpu.memory_space<vmem>> -> memref<1x512xf32, #tpu.memory_space<vmem>>
    %dma_start3A_408 = arith.constant 0 : i32
    %dma_start3A_409 = tpu.memref_slice %arg2[%add3A_404, %dma_start3A_408] : memref<8192x512xf32, #tpu.memory_space<any>> -> memref<1x512xf32, #tpu.memory_space<any>>
    tpu.enqueue_dma source(%dma_start3A_409 : memref<1x512xf32, #tpu.memory_space<any>>) target(%dma_start3A_407 : memref<1x512xf32, #tpu.memory_space<vmem>>) target_semaphore(%arg4 : memref<!tpu.dma_semaphore, #tpu.memory_space<semaphore_mem>>)
    %mul3A_410 = arith.constant 128 : i32
    %mul3A_411 = arith.muli %arg0, %mul3A_410 : i32
    %add3A_412 = arith.constant 33 : i32
    %add3A_413 = arith.addi %mul3A_411, %add3A_412 : i32
    %get3A_414 = arith.index_cast %add3A_413 : i32 to index
    %get3A_415 = memref.load %arg1[%get3A_414] : memref<16384xi32, #tpu.memory_space<smem>>
    %add3A_416 = arith.addi %get3A_415, %mul3A_16 : i32
    %dma_start3A_417 = arith.constant 33 : i32
    %dma_start3A_418 = arith.constant 0 : i32
    %dma_start3A_419 = tpu.memref_slice %arg3[%dma_start3A_417, %dma_start3A_418] : memref<128x512xf32, #tpu.memory_space<vmem>> -> memref<1x512xf32, #tpu.memory_space<vmem>>
    %dma_start3A_420 = arith.constant 0 : i32
    %dma_start3A_421 = tpu.memref_slice %arg2[%add3A_416, %dma_start3A_420] : memref<8192x512xf32, #tpu.memory_space<any>> -> memref<1x512xf32, #tpu.memory_space<any>>
    tpu.enqueue_dma source(%dma_start3A_421 : memref<1x512xf32, #tpu.memory_space<any>>) target(%dma_start3A_419 : memref<1x512xf32, #tpu.memory_space<vmem>>) target_semaphore(%arg4 : memref<!tpu.dma_semaphore, #tpu.memory_space<semaphore_mem>>)
    %mul3A_422 = arith.constant 128 : i32
    %mul3A_423 = arith.muli %arg0, %mul3A_422 : i32
    %add3A_424 = arith.constant 34 : i32
    %add3A_425 = arith.addi %mul3A_423, %add3A_424 : i32
    %get3A_426 = arith.index_cast %add3A_425 : i32 to index
    %get3A_427 = memref.load %arg1[%get3A_426] : memref<16384xi32, #tpu.memory_space<smem>>
    %add3A_428 = arith.addi %get3A_427, %mul3A_16 : i32
    %dma_start3A_429 = arith.constant 34 : i32
    %dma_start3A_430 = arith.constant 0 : i32
    %dma_start3A_431 = tpu.memref_slice %arg3[%dma_start3A_429, %dma_start3A_430] : memref<128x512xf32, #tpu.memory_space<vmem>> -> memref<1x512xf32, #tpu.memory_space<vmem>>
    %dma_start3A_432 = arith.constant 0 : i32
    %dma_start3A_433 = tpu.memref_slice %arg2[%add3A_428, %dma_start3A_432] : memref<8192x512xf32, #tpu.memory_space<any>> -> memref<1x512xf32, #tpu.memory_space<any>>
    tpu.enqueue_dma source(%dma_start3A_433 : memref<1x512xf32, #tpu.memory_space<any>>) target(%dma_start3A_431 : memref<1x512xf32, #tpu.memory_space<vmem>>) target_semaphore(%arg4 : memref<!tpu.dma_semaphore, #tpu.memory_space<semaphore_mem>>)
    %mul3A_434 = arith.constant 128 : i32
    %mul3A_435 = arith.muli %arg0, %mul3A_434 : i32
    %add3A_436 = arith.constant 35 : i32
    %add3A_437 = arith.addi %mul3A_435, %add3A_436 : i32
    %get3A_438 = arith.index_cast %add3A_437 : i32 to index
    %get3A_439 = memref.load %arg1[%get3A_438] : memref<16384xi32, #tpu.memory_space<smem>>
    %add3A_440 = arith.addi %get3A_439, %mul3A_16 : i32
    %dma_start3A_441 = arith.constant 35 : i32
    %dma_start3A_442 = arith.constant 0 : i32
    %dma_start3A_443 = tpu.memref_slice %arg3[%dma_start3A_441, %dma_start3A_442] : memref<128x512xf32, #tpu.memory_space<vmem>> -> memref<1x512xf32, #tpu.memory_space<vmem>>
    %dma_start3A_444 = arith.constant 0 : i32
    %dma_start3A_445 = tpu.memref_slice %arg2[%add3A_440, %dma_start3A_444] : memref<8192x512xf32, #tpu.memory_space<any>> -> memref<1x512xf32, #tpu.memory_space<any>>
    tpu.enqueue_dma source(%dma_start3A_445 : memref<1x512xf32, #tpu.memory_space<any>>) target(%dma_start3A_443 : memref<1x512xf32, #tpu.memory_space<vmem>>) target_semaphore(%arg4 : memref<!tpu.dma_semaphore, #tpu.memory_space<semaphore_mem>>)
    %mul3A_446 = arith.constant 128 : i32
    %mul3A_447 = arith.muli %arg0, %mul3A_446 : i32
    %add3A_448 = arith.constant 36 : i32
    %add3A_449 = arith.addi %mul3A_447, %add3A_448 : i32
    %get3A_450 = arith.index_cast %add3A_449 : i32 to index
    %get3A_451 = memref.load %arg1[%get3A_450] : memref<16384xi32, #tpu.memory_space<smem>>
    %add3A_452 = arith.addi %get3A_451, %mul3A_16 : i32
    %dma_start3A_453 = arith.constant 36 : i32
    %dma_start3A_454 = arith.constant 0 : i32
    %dma_start3A_455 = tpu.memref_slice %arg3[%dma_start3A_453, %dma_start3A_454] : memref<128x512xf32, #tpu.memory_space<vmem>> -> memref<1x512xf32, #tpu.memory_space<vmem>>
    %dma_start3A_456 = arith.constant 0 : i32
    %dma_start3A_457 = tpu.memref_slice %arg2[%add3A_452, %dma_start3A_456] : memref<8192x512xf32, #tpu.memory_space<any>> -> memref<1x512xf32, #tpu.memory_space<any>>
    tpu.enqueue_dma source(%dma_start3A_457 : memref<1x512xf32, #tpu.memory_space<any>>) target(%dma_start3A_455 : memref<1x512xf32, #tpu.memory_space<vmem>>) target_semaphore(%arg4 : memref<!tpu.dma_semaphore, #tpu.memory_space<semaphore_mem>>)
    %mul3A_458 = arith.constant 128 : i32
    %mul3A_459 = arith.muli %arg0, %mul3A_458 : i32
    %add3A_460 = arith.constant 37 : i32
    %add3A_461 = arith.addi %mul3A_459, %add3A_460 : i32
    %get3A_462 = arith.index_cast %add3A_461 : i32 to index
    %get3A_463 = memref.load %arg1[%get3A_462] : memref<16384xi32, #tpu.memory_space<smem>>
    %add3A_464 = arith.addi %get3A_463, %mul3A_16 : i32
    %dma_start3A_465 = arith.constant 37 : i32
    %dma_start3A_466 = arith.constant 0 : i32
    %dma_start3A_467 = tpu.memref_slice %arg3[%dma_start3A_465, %dma_start3A_466] : memref<128x512xf32, #tpu.memory_space<vmem>> -> memref<1x512xf32, #tpu.memory_space<vmem>>
    %dma_start3A_468 = arith.constant 0 : i32
    %dma_start3A_469 = tpu.memref_slice %arg2[%add3A_464, %dma_start3A_468] : memref<8192x512xf32, #tpu.memory_space<any>> -> memref<1x512xf32, #tpu.memory_space<any>>
    tpu.enqueue_dma source(%dma_start3A_469 : memref<1x512xf32, #tpu.memory_space<any>>) target(%dma_start3A_467 : memref<1x512xf32, #tpu.memory_space<vmem>>) target_semaphore(%arg4 : memref<!tpu.dma_semaphore, #tpu.memory_space<semaphore_mem>>)
    %mul3A_470 = arith.constant 128 : i32
    %mul3A_471 = arith.muli %arg0, %mul3A_470 : i32
    %add3A_472 = arith.constant 38 : i32
    %add3A_473 = arith.addi %mul3A_471, %add3A_472 : i32
    %get3A_474 = arith.index_cast %add3A_473 : i32 to index
    %get3A_475 = memref.load %arg1[%get3A_474] : memref<16384xi32, #tpu.memory_space<smem>>
    %add3A_476 = arith.addi %get3A_475, %mul3A_16 : i32
    %dma_start3A_477 = arith.constant 38 : i32
    %dma_start3A_478 = arith.constant 0 : i32
    %dma_start3A_479 = tpu.memref_slice %arg3[%dma_start3A_477, %dma_start3A_478] : memref<128x512xf32, #tpu.memory_space<vmem>> -> memref<1x512xf32, #tpu.memory_space<vmem>>
    %dma_start3A_480 = arith.constant 0 : i32
    %dma_start3A_481 = tpu.memref_slice %arg2[%add3A_476, %dma_start3A_480] : memref<8192x512xf32, #tpu.memory_space<any>> -> memref<1x512xf32, #tpu.memory_space<any>>
    tpu.enqueue_dma source(%dma_start3A_481 : memref<1x512xf32, #tpu.memory_space<any>>) target(%dma_start3A_479 : memref<1x512xf32, #tpu.memory_space<vmem>>) target_semaphore(%arg4 : memref<!tpu.dma_semaphore, #tpu.memory_space<semaphore_mem>>)
    %mul3A_482 = arith.constant 128 : i32
    %mul3A_483 = arith.muli %arg0, %mul3A_482 : i32
    %add3A_484 = arith.constant 39 : i32
    %add3A_485 = arith.addi %mul3A_483, %add3A_484 : i32
    %get3A_486 = arith.index_cast %add3A_485 : i32 to index
    %get3A_487 = memref.load %arg1[%get3A_486] : memref<16384xi32, #tpu.memory_space<smem>>
    %add3A_488 = arith.addi %get3A_487, %mul3A_16 : i32
    %dma_start3A_489 = arith.constant 39 : i32
    %dma_start3A_490 = arith.constant 0 : i32
    %dma_start3A_491 = tpu.memref_slice %arg3[%dma_start3A_489, %dma_start3A_490] : memref<128x512xf32, #tpu.memory_space<vmem>> -> memref<1x512xf32, #tpu.memory_space<vmem>>
    %dma_start3A_492 = arith.constant 0 : i32
    %dma_start3A_493 = tpu.memref_slice %arg2[%add3A_488, %dma_start3A_492] : memref<8192x512xf32, #tpu.memory_space<any>> -> memref<1x512xf32, #tpu.memory_space<any>>
    tpu.enqueue_dma source(%dma_start3A_493 : memref<1x512xf32, #tpu.memory_space<any>>) target(%dma_start3A_491 : memref<1x512xf32, #tpu.memory_space<vmem>>) target_semaphore(%arg4 : memref<!tpu.dma_semaphore, #tpu.memory_space<semaphore_mem>>)
    %mul3A_494 = arith.constant 128 : i32
    %mul3A_495 = arith.muli %arg0, %mul3A_494 : i32
    %add3A_496 = arith.constant 40 : i32
    %add3A_497 = arith.addi %mul3A_495, %add3A_496 : i32
    %get3A_498 = arith.index_cast %add3A_497 : i32 to index
    %get3A_499 = memref.load %arg1[%get3A_498] : memref<16384xi32, #tpu.memory_space<smem>>
    %add3A_500 = arith.addi %get3A_499, %mul3A_16 : i32
    %dma_start3A_501 = arith.constant 40 : i32
    %dma_start3A_502 = arith.constant 0 : i32
    %dma_start3A_503 = tpu.memref_slice %arg3[%dma_start3A_501, %dma_start3A_502] : memref<128x512xf32, #tpu.memory_space<vmem>> -> memref<1x512xf32, #tpu.memory_space<vmem>>
    %dma_start3A_504 = arith.constant 0 : i32
    %dma_start3A_505 = tpu.memref_slice %arg2[%add3A_500, %dma_start3A_504] : memref<8192x512xf32, #tpu.memory_space<any>> -> memref<1x512xf32, #tpu.memory_space<any>>
    tpu.enqueue_dma source(%dma_start3A_505 : memref<1x512xf32, #tpu.memory_space<any>>) target(%dma_start3A_503 : memref<1x512xf32, #tpu.memory_space<vmem>>) target_semaphore(%arg4 : memref<!tpu.dma_semaphore, #tpu.memory_space<semaphore_mem>>)
    %mul3A_506 = arith.constant 128 : i32
    %mul3A_507 = arith.muli %arg0, %mul3A_506 : i32
    %add3A_508 = arith.constant 41 : i32
    %add3A_509 = arith.addi %mul3A_507, %add3A_508 : i32
    %get3A_510 = arith.index_cast %add3A_509 : i32 to index
    %get3A_511 = memref.load %arg1[%get3A_510] : memref<16384xi32, #tpu.memory_space<smem>>
    %add3A_512 = arith.addi %get3A_511, %mul3A_16 : i32
    %dma_start3A_513 = arith.constant 41 : i32
    %dma_start3A_514 = arith.constant 0 : i32
    %dma_start3A_515 = tpu.memref_slice %arg3[%dma_start3A_513, %dma_start3A_514] : memref<128x512xf32, #tpu.memory_space<vmem>> -> memref<1x512xf32, #tpu.memory_space<vmem>>
    %dma_start3A_516 = arith.constant 0 : i32
    %dma_start3A_517 = tpu.memref_slice %arg2[%add3A_512, %dma_start3A_516] : memref<8192x512xf32, #tpu.memory_space<any>> -> memref<1x512xf32, #tpu.memory_space<any>>
    tpu.enqueue_dma source(%dma_start3A_517 : memref<1x512xf32, #tpu.memory_space<any>>) target(%dma_start3A_515 : memref<1x512xf32, #tpu.memory_space<vmem>>) target_semaphore(%arg4 : memref<!tpu.dma_semaphore, #tpu.memory_space<semaphore_mem>>)
    %mul3A_518 = arith.constant 128 : i32
    %mul3A_519 = arith.muli %arg0, %mul3A_518 : i32
    %add3A_520 = arith.constant 42 : i32
    %add3A_521 = arith.addi %mul3A_519, %add3A_520 : i32
    %get3A_522 = arith.index_cast %add3A_521 : i32 to index
    %get3A_523 = memref.load %arg1[%get3A_522] : memref<16384xi32, #tpu.memory_space<smem>>
    %add3A_524 = arith.addi %get3A_523, %mul3A_16 : i32
    %dma_start3A_525 = arith.constant 42 : i32
    %dma_start3A_526 = arith.constant 0 : i32
    %dma_start3A_527 = tpu.memref_slice %arg3[%dma_start3A_525, %dma_start3A_526] : memref<128x512xf32, #tpu.memory_space<vmem>> -> memref<1x512xf32, #tpu.memory_space<vmem>>
    %dma_start3A_528 = arith.constant 0 : i32
    %dma_start3A_529 = tpu.memref_slice %arg2[%add3A_524, %dma_start3A_528] : memref<8192x512xf32, #tpu.memory_space<any>> -> memref<1x512xf32, #tpu.memory_space<any>>
    tpu.enqueue_dma source(%dma_start3A_529 : memref<1x512xf32, #tpu.memory_space<any>>) target(%dma_start3A_527 : memref<1x512xf32, #tpu.memory_space<vmem>>) target_semaphore(%arg4 : memref<!tpu.dma_semaphore, #tpu.memory_space<semaphore_mem>>)
    %mul3A_530 = arith.constant 128 : i32
    %mul3A_531 = arith.muli %arg0, %mul3A_530 : i32
    %add3A_532 = arith.constant 43 : i32
    %add3A_533 = arith.addi %mul3A_531, %add3A_532 : i32
    %get3A_534 = arith.index_cast %add3A_533 : i32 to index
    %get3A_535 = memref.load %arg1[%get3A_534] : memref<16384xi32, #tpu.memory_space<smem>>
    %add3A_536 = arith.addi %get3A_535, %mul3A_16 : i32
    %dma_start3A_537 = arith.constant 43 : i32
    %dma_start3A_538 = arith.constant 0 : i32
    %dma_start3A_539 = tpu.memref_slice %arg3[%dma_start3A_537, %dma_start3A_538] : memref<128x512xf32, #tpu.memory_space<vmem>> -> memref<1x512xf32, #tpu.memory_space<vmem>>
    %dma_start3A_540 = arith.constant 0 : i32
    %dma_start3A_541 = tpu.memref_slice %arg2[%add3A_536, %dma_start3A_540] : memref<8192x512xf32, #tpu.memory_space<any>> -> memref<1x512xf32, #tpu.memory_space<any>>
    tpu.enqueue_dma source(%dma_start3A_541 : memref<1x512xf32, #tpu.memory_space<any>>) target(%dma_start3A_539 : memref<1x512xf32, #tpu.memory_space<vmem>>) target_semaphore(%arg4 : memref<!tpu.dma_semaphore, #tpu.memory_space<semaphore_mem>>)
    %mul3A_542 = arith.constant 128 : i32
    %mul3A_543 = arith.muli %arg0, %mul3A_542 : i32
    %add3A_544 = arith.constant 44 : i32
    %add3A_545 = arith.addi %mul3A_543, %add3A_544 : i32
    %get3A_546 = arith.index_cast %add3A_545 : i32 to index
    %get3A_547 = memref.load %arg1[%get3A_546] : memref<16384xi32, #tpu.memory_space<smem>>
    %add3A_548 = arith.addi %get3A_547, %mul3A_16 : i32
    %dma_start3A_549 = arith.constant 44 : i32
    %dma_start3A_550 = arith.constant 0 : i32
    %dma_start3A_551 = tpu.memref_slice %arg3[%dma_start3A_549, %dma_start3A_550] : memref<128x512xf32, #tpu.memory_space<vmem>> -> memref<1x512xf32, #tpu.memory_space<vmem>>
    %dma_start3A_552 = arith.constant 0 : i32
    %dma_start3A_553 = tpu.memref_slice %arg2[%add3A_548, %dma_start3A_552] : memref<8192x512xf32, #tpu.memory_space<any>> -> memref<1x512xf32, #tpu.memory_space<any>>
    tpu.enqueue_dma source(%dma_start3A_553 : memref<1x512xf32, #tpu.memory_space<any>>) target(%dma_start3A_551 : memref<1x512xf32, #tpu.memory_space<vmem>>) target_semaphore(%arg4 : memref<!tpu.dma_semaphore, #tpu.memory_space<semaphore_mem>>)
    %mul3A_554 = arith.constant 128 : i32
    %mul3A_555 = arith.muli %arg0, %mul3A_554 : i32
    %add3A_556 = arith.constant 45 : i32
    %add3A_557 = arith.addi %mul3A_555, %add3A_556 : i32
    %get3A_558 = arith.index_cast %add3A_557 : i32 to index
    %get3A_559 = memref.load %arg1[%get3A_558] : memref<16384xi32, #tpu.memory_space<smem>>
    %add3A_560 = arith.addi %get3A_559, %mul3A_16 : i32
    %dma_start3A_561 = arith.constant 45 : i32
    %dma_start3A_562 = arith.constant 0 : i32
    %dma_start3A_563 = tpu.memref_slice %arg3[%dma_start3A_561, %dma_start3A_562] : memref<128x512xf32, #tpu.memory_space<vmem>> -> memref<1x512xf32, #tpu.memory_space<vmem>>
    %dma_start3A_564 = arith.constant 0 : i32
    %dma_start3A_565 = tpu.memref_slice %arg2[%add3A_560, %dma_start3A_564] : memref<8192x512xf32, #tpu.memory_space<any>> -> memref<1x512xf32, #tpu.memory_space<any>>
    tpu.enqueue_dma source(%dma_start3A_565 : memref<1x512xf32, #tpu.memory_space<any>>) target(%dma_start3A_563 : memref<1x512xf32, #tpu.memory_space<vmem>>) target_semaphore(%arg4 : memref<!tpu.dma_semaphore, #tpu.memory_space<semaphore_mem>>)
    %mul3A_566 = arith.constant 128 : i32
    %mul3A_567 = arith.muli %arg0, %mul3A_566 : i32
    %add3A_568 = arith.constant 46 : i32
    %add3A_569 = arith.addi %mul3A_567, %add3A_568 : i32
    %get3A_570 = arith.index_cast %add3A_569 : i32 to index
    %get3A_571 = memref.load %arg1[%get3A_570] : memref<16384xi32, #tpu.memory_space<smem>>
    %add3A_572 = arith.addi %get3A_571, %mul3A_16 : i32
    %dma_start3A_573 = arith.constant 46 : i32
    %dma_start3A_574 = arith.constant 0 : i32
    %dma_start3A_575 = tpu.memref_slice %arg3[%dma_start3A_573, %dma_start3A_574] : memref<128x512xf32, #tpu.memory_space<vmem>> -> memref<1x512xf32, #tpu.memory_space<vmem>>
    %dma_start3A_576 = arith.constant 0 : i32
    %dma_start3A_577 = tpu.memref_slice %arg2[%add3A_572, %dma_start3A_576] : memref<8192x512xf32, #tpu.memory_space<any>> -> memref<1x512xf32, #tpu.memory_space<any>>
    tpu.enqueue_dma source(%dma_start3A_577 : memref<1x512xf32, #tpu.memory_space<any>>) target(%dma_start3A_575 : memref<1x512xf32, #tpu.memory_space<vmem>>) target_semaphore(%arg4 : memref<!tpu.dma_semaphore, #tpu.memory_space<semaphore_mem>>)
    %mul3A_578 = arith.constant 128 : i32
    %mul3A_579 = arith.muli %arg0, %mul3A_578 : i32
    %add3A_580 = arith.constant 47 : i32
    %add3A_581 = arith.addi %mul3A_579, %add3A_580 : i32
    %get3A_582 = arith.index_cast %add3A_581 : i32 to index
    %get3A_583 = memref.load %arg1[%get3A_582] : memref<16384xi32, #tpu.memory_space<smem>>
    %add3A_584 = arith.addi %get3A_583, %mul3A_16 : i32
    %dma_start3A_585 = arith.constant 47 : i32
    %dma_start3A_586 = arith.constant 0 : i32
    %dma_start3A_587 = tpu.memref_slice %arg3[%dma_start3A_585, %dma_start3A_586] : memref<128x512xf32, #tpu.memory_space<vmem>> -> memref<1x512xf32, #tpu.memory_space<vmem>>
    %dma_start3A_588 = arith.constant 0 : i32
    %dma_start3A_589 = tpu.memref_slice %arg2[%add3A_584, %dma_start3A_588] : memref<8192x512xf32, #tpu.memory_space<any>> -> memref<1x512xf32, #tpu.memory_space<any>>
    tpu.enqueue_dma source(%dma_start3A_589 : memref<1x512xf32, #tpu.memory_space<any>>) target(%dma_start3A_587 : memref<1x512xf32, #tpu.memory_space<vmem>>) target_semaphore(%arg4 : memref<!tpu.dma_semaphore, #tpu.memory_space<semaphore_mem>>)
    %mul3A_590 = arith.constant 128 : i32
    %mul3A_591 = arith.muli %arg0, %mul3A_590 : i32
    %add3A_592 = arith.constant 48 : i32
    %add3A_593 = arith.addi %mul3A_591, %add3A_592 : i32
    %get3A_594 = arith.index_cast %add3A_593 : i32 to index
    %get3A_595 = memref.load %arg1[%get3A_594] : memref<16384xi32, #tpu.memory_space<smem>>
    %add3A_596 = arith.addi %get3A_595, %mul3A_16 : i32
    %dma_start3A_597 = arith.constant 48 : i32
    %dma_start3A_598 = arith.constant 0 : i32
    %dma_start3A_599 = tpu.memref_slice %arg3[%dma_start3A_597, %dma_start3A_598] : memref<128x512xf32, #tpu.memory_space<vmem>> -> memref<1x512xf32, #tpu.memory_space<vmem>>
    %dma_start3A_600 = arith.constant 0 : i32
    %dma_start3A_601 = tpu.memref_slice %arg2[%add3A_596, %dma_start3A_600] : memref<8192x512xf32, #tpu.memory_space<any>> -> memref<1x512xf32, #tpu.memory_space<any>>
    tpu.enqueue_dma source(%dma_start3A_601 : memref<1x512xf32, #tpu.memory_space<any>>) target(%dma_start3A_599 : memref<1x512xf32, #tpu.memory_space<vmem>>) target_semaphore(%arg4 : memref<!tpu.dma_semaphore, #tpu.memory_space<semaphore_mem>>)
    %mul3A_602 = arith.constant 128 : i32
    %mul3A_603 = arith.muli %arg0, %mul3A_602 : i32
    %add3A_604 = arith.constant 49 : i32
    %add3A_605 = arith.addi %mul3A_603, %add3A_604 : i32
    %get3A_606 = arith.index_cast %add3A_605 : i32 to index
    %get3A_607 = memref.load %arg1[%get3A_606] : memref<16384xi32, #tpu.memory_space<smem>>
    %add3A_608 = arith.addi %get3A_607, %mul3A_16 : i32
    %dma_start3A_609 = arith.constant 49 : i32
    %dma_start3A_610 = arith.constant 0 : i32
    %dma_start3A_611 = tpu.memref_slice %arg3[%dma_start3A_609, %dma_start3A_610] : memref<128x512xf32, #tpu.memory_space<vmem>> -> memref<1x512xf32, #tpu.memory_space<vmem>>
    %dma_start3A_612 = arith.constant 0 : i32
    %dma_start3A_613 = tpu.memref_slice %arg2[%add3A_608, %dma_start3A_612] : memref<8192x512xf32, #tpu.memory_space<any>> -> memref<1x512xf32, #tpu.memory_space<any>>
    tpu.enqueue_dma source(%dma_start3A_613 : memref<1x512xf32, #tpu.memory_space<any>>) target(%dma_start3A_611 : memref<1x512xf32, #tpu.memory_space<vmem>>) target_semaphore(%arg4 : memref<!tpu.dma_semaphore, #tpu.memory_space<semaphore_mem>>)
    %mul3A_614 = arith.constant 128 : i32
    %mul3A_615 = arith.muli %arg0, %mul3A_614 : i32
    %add3A_616 = arith.constant 50 : i32
    %add3A_617 = arith.addi %mul3A_615, %add3A_616 : i32
    %get3A_618 = arith.index_cast %add3A_617 : i32 to index
    %get3A_619 = memref.load %arg1[%get3A_618] : memref<16384xi32, #tpu.memory_space<smem>>
    %add3A_620 = arith.addi %get3A_619, %mul3A_16 : i32
    %dma_start3A_621 = arith.constant 50 : i32
    %dma_start3A_622 = arith.constant 0 : i32
    %dma_start3A_623 = tpu.memref_slice %arg3[%dma_start3A_621, %dma_start3A_622] : memref<128x512xf32, #tpu.memory_space<vmem>> -> memref<1x512xf32, #tpu.memory_space<vmem>>
    %dma_start3A_624 = arith.constant 0 : i32
    %dma_start3A_625 = tpu.memref_slice %arg2[%add3A_620, %dma_start3A_624] : memref<8192x512xf32, #tpu.memory_space<any>> -> memref<1x512xf32, #tpu.memory_space<any>>
    tpu.enqueue_dma source(%dma_start3A_625 : memref<1x512xf32, #tpu.memory_space<any>>) target(%dma_start3A_623 : memref<1x512xf32, #tpu.memory_space<vmem>>) target_semaphore(%arg4 : memref<!tpu.dma_semaphore, #tpu.memory_space<semaphore_mem>>)
    %mul3A_626 = arith.constant 128 : i32
    %mul3A_627 = arith.muli %arg0, %mul3A_626 : i32
    %add3A_628 = arith.constant 51 : i32
    %add3A_629 = arith.addi %mul3A_627, %add3A_628 : i32
    %get3A_630 = arith.index_cast %add3A_629 : i32 to index
    %get3A_631 = memref.load %arg1[%get3A_630] : memref<16384xi32, #tpu.memory_space<smem>>
    %add3A_632 = arith.addi %get3A_631, %mul3A_16 : i32
    %dma_start3A_633 = arith.constant 51 : i32
    %dma_start3A_634 = arith.constant 0 : i32
    %dma_start3A_635 = tpu.memref_slice %arg3[%dma_start3A_633, %dma_start3A_634] : memref<128x512xf32, #tpu.memory_space<vmem>> -> memref<1x512xf32, #tpu.memory_space<vmem>>
    %dma_start3A_636 = arith.constant 0 : i32
    %dma_start3A_637 = tpu.memref_slice %arg2[%add3A_632, %dma_start3A_636] : memref<8192x512xf32, #tpu.memory_space<any>> -> memref<1x512xf32, #tpu.memory_space<any>>
    tpu.enqueue_dma source(%dma_start3A_637 : memref<1x512xf32, #tpu.memory_space<any>>) target(%dma_start3A_635 : memref<1x512xf32, #tpu.memory_space<vmem>>) target_semaphore(%arg4 : memref<!tpu.dma_semaphore, #tpu.memory_space<semaphore_mem>>)
    %mul3A_638 = arith.constant 128 : i32
    %mul3A_639 = arith.muli %arg0, %mul3A_638 : i32
    %add3A_640 = arith.constant 52 : i32
    %add3A_641 = arith.addi %mul3A_639, %add3A_640 : i32
    %get3A_642 = arith.index_cast %add3A_641 : i32 to index
    %get3A_643 = memref.load %arg1[%get3A_642] : memref<16384xi32, #tpu.memory_space<smem>>
    %add3A_644 = arith.addi %get3A_643, %mul3A_16 : i32
    %dma_start3A_645 = arith.constant 52 : i32
    %dma_start3A_646 = arith.constant 0 : i32
    %dma_start3A_647 = tpu.memref_slice %arg3[%dma_start3A_645, %dma_start3A_646] : memref<128x512xf32, #tpu.memory_space<vmem>> -> memref<1x512xf32, #tpu.memory_space<vmem>>
    %dma_start3A_648 = arith.constant 0 : i32
    %dma_start3A_649 = tpu.memref_slice %arg2[%add3A_644, %dma_start3A_648] : memref<8192x512xf32, #tpu.memory_space<any>> -> memref<1x512xf32, #tpu.memory_space<any>>
    tpu.enqueue_dma source(%dma_start3A_649 : memref<1x512xf32, #tpu.memory_space<any>>) target(%dma_start3A_647 : memref<1x512xf32, #tpu.memory_space<vmem>>) target_semaphore(%arg4 : memref<!tpu.dma_semaphore, #tpu.memory_space<semaphore_mem>>)
    %mul3A_650 = arith.constant 128 : i32
    %mul3A_651 = arith.muli %arg0, %mul3A_650 : i32
    %add3A_652 = arith.constant 53 : i32
    %add3A_653 = arith.addi %mul3A_651, %add3A_652 : i32
    %get3A_654 = arith.index_cast %add3A_653 : i32 to index
    %get3A_655 = memref.load %arg1[%get3A_654] : memref<16384xi32, #tpu.memory_space<smem>>
    %add3A_656 = arith.addi %get3A_655, %mul3A_16 : i32
    %dma_start3A_657 = arith.constant 53 : i32
    %dma_start3A_658 = arith.constant 0 : i32
    %dma_start3A_659 = tpu.memref_slice %arg3[%dma_start3A_657, %dma_start3A_658] : memref<128x512xf32, #tpu.memory_space<vmem>> -> memref<1x512xf32, #tpu.memory_space<vmem>>
    %dma_start3A_660 = arith.constant 0 : i32
    %dma_start3A_661 = tpu.memref_slice %arg2[%add3A_656, %dma_start3A_660] : memref<8192x512xf32, #tpu.memory_space<any>> -> memref<1x512xf32, #tpu.memory_space<any>>
    tpu.enqueue_dma source(%dma_start3A_661 : memref<1x512xf32, #tpu.memory_space<any>>) target(%dma_start3A_659 : memref<1x512xf32, #tpu.memory_space<vmem>>) target_semaphore(%arg4 : memref<!tpu.dma_semaphore, #tpu.memory_space<semaphore_mem>>)
    %mul3A_662 = arith.constant 128 : i32
    %mul3A_663 = arith.muli %arg0, %mul3A_662 : i32
    %add3A_664 = arith.constant 54 : i32
    %add3A_665 = arith.addi %mul3A_663, %add3A_664 : i32
    %get3A_666 = arith.index_cast %add3A_665 : i32 to index
    %get3A_667 = memref.load %arg1[%get3A_666] : memref<16384xi32, #tpu.memory_space<smem>>
    %add3A_668 = arith.addi %get3A_667, %mul3A_16 : i32
    %dma_start3A_669 = arith.constant 54 : i32
    %dma_start3A_670 = arith.constant 0 : i32
    %dma_start3A_671 = tpu.memref_slice %arg3[%dma_start3A_669, %dma_start3A_670] : memref<128x512xf32, #tpu.memory_space<vmem>> -> memref<1x512xf32, #tpu.memory_space<vmem>>
    %dma_start3A_672 = arith.constant 0 : i32
    %dma_start3A_673 = tpu.memref_slice %arg2[%add3A_668, %dma_start3A_672] : memref<8192x512xf32, #tpu.memory_space<any>> -> memref<1x512xf32, #tpu.memory_space<any>>
    tpu.enqueue_dma source(%dma_start3A_673 : memref<1x512xf32, #tpu.memory_space<any>>) target(%dma_start3A_671 : memref<1x512xf32, #tpu.memory_space<vmem>>) target_semaphore(%arg4 : memref<!tpu.dma_semaphore, #tpu.memory_space<semaphore_mem>>)
    %mul3A_674 = arith.constant 128 : i32
    %mul3A_675 = arith.muli %arg0, %mul3A_674 : i32
    %add3A_676 = arith.constant 55 : i32
    %add3A_677 = arith.addi %mul3A_675, %add3A_676 : i32
    %get3A_678 = arith.index_cast %add3A_677 : i32 to index
    %get3A_679 = memref.load %arg1[%get3A_678] : memref<16384xi32, #tpu.memory_space<smem>>
    %add3A_680 = arith.addi %get3A_679, %mul3A_16 : i32
    %dma_start3A_681 = arith.constant 55 : i32
    %dma_start3A_682 = arith.constant 0 : i32
    %dma_start3A_683 = tpu.memref_slice %arg3[%dma_start3A_681, %dma_start3A_682] : memref<128x512xf32, #tpu.memory_space<vmem>> -> memref<1x512xf32, #tpu.memory_space<vmem>>
    %dma_start3A_684 = arith.constant 0 : i32
    %dma_start3A_685 = tpu.memref_slice %arg2[%add3A_680, %dma_start3A_684] : memref<8192x512xf32, #tpu.memory_space<any>> -> memref<1x512xf32, #tpu.memory_space<any>>
    tpu.enqueue_dma source(%dma_start3A_685 : memref<1x512xf32, #tpu.memory_space<any>>) target(%dma_start3A_683 : memref<1x512xf32, #tpu.memory_space<vmem>>) target_semaphore(%arg4 : memref<!tpu.dma_semaphore, #tpu.memory_space<semaphore_mem>>)
    %mul3A_686 = arith.constant 128 : i32
    %mul3A_687 = arith.muli %arg0, %mul3A_686 : i32
    %add3A_688 = arith.constant 56 : i32
    %add3A_689 = arith.addi %mul3A_687, %add3A_688 : i32
    %get3A_690 = arith.index_cast %add3A_689 : i32 to index
    %get3A_691 = memref.load %arg1[%get3A_690] : memref<16384xi32, #tpu.memory_space<smem>>
    %add3A_692 = arith.addi %get3A_691, %mul3A_16 : i32
    %dma_start3A_693 = arith.constant 56 : i32
    %dma_start3A_694 = arith.constant 0 : i32
    %dma_start3A_695 = tpu.memref_slice %arg3[%dma_start3A_693, %dma_start3A_694] : memref<128x512xf32, #tpu.memory_space<vmem>> -> memref<1x512xf32, #tpu.memory_space<vmem>>
    %dma_start3A_696 = arith.constant 0 : i32
    %dma_start3A_697 = tpu.memref_slice %arg2[%add3A_692, %dma_start3A_696] : memref<8192x512xf32, #tpu.memory_space<any>> -> memref<1x512xf32, #tpu.memory_space<any>>
    tpu.enqueue_dma source(%dma_start3A_697 : memref<1x512xf32, #tpu.memory_space<any>>) target(%dma_start3A_695 : memref<1x512xf32, #tpu.memory_space<vmem>>) target_semaphore(%arg4 : memref<!tpu.dma_semaphore, #tpu.memory_space<semaphore_mem>>)
    %mul3A_698 = arith.constant 128 : i32
    %mul3A_699 = arith.muli %arg0, %mul3A_698 : i32
    %add3A_700 = arith.constant 57 : i32
    %add3A_701 = arith.addi %mul3A_699, %add3A_700 : i32
    %get3A_702 = arith.index_cast %add3A_701 : i32 to index
    %get3A_703 = memref.load %arg1[%get3A_702] : memref<16384xi32, #tpu.memory_space<smem>>
    %add3A_704 = arith.addi %get3A_703, %mul3A_16 : i32
    %dma_start3A_705 = arith.constant 57 : i32
    %dma_start3A_706 = arith.constant 0 : i32
    %dma_start3A_707 = tpu.memref_slice %arg3[%dma_start3A_705, %dma_start3A_706] : memref<128x512xf32, #tpu.memory_space<vmem>> -> memref<1x512xf32, #tpu.memory_space<vmem>>
    %dma_start3A_708 = arith.constant 0 : i32
    %dma_start3A_709 = tpu.memref_slice %arg2[%add3A_704, %dma_start3A_708] : memref<8192x512xf32, #tpu.memory_space<any>> -> memref<1x512xf32, #tpu.memory_space<any>>
    tpu.enqueue_dma source(%dma_start3A_709 : memref<1x512xf32, #tpu.memory_space<any>>) target(%dma_start3A_707 : memref<1x512xf32, #tpu.memory_space<vmem>>) target_semaphore(%arg4 : memref<!tpu.dma_semaphore, #tpu.memory_space<semaphore_mem>>)
    %mul3A_710 = arith.constant 128 : i32
    %mul3A_711 = arith.muli %arg0, %mul3A_710 : i32
    %add3A_712 = arith.constant 58 : i32
    %add3A_713 = arith.addi %mul3A_711, %add3A_712 : i32
    %get3A_714 = arith.index_cast %add3A_713 : i32 to index
    %get3A_715 = memref.load %arg1[%get3A_714] : memref<16384xi32, #tpu.memory_space<smem>>
    %add3A_716 = arith.addi %get3A_715, %mul3A_16 : i32
    %dma_start3A_717 = arith.constant 58 : i32
    %dma_start3A_718 = arith.constant 0 : i32
    %dma_start3A_719 = tpu.memref_slice %arg3[%dma_start3A_717, %dma_start3A_718] : memref<128x512xf32, #tpu.memory_space<vmem>> -> memref<1x512xf32, #tpu.memory_space<vmem>>
    %dma_start3A_720 = arith.constant 0 : i32
    %dma_start3A_721 = tpu.memref_slice %arg2[%add3A_716, %dma_start3A_720] : memref<8192x512xf32, #tpu.memory_space<any>> -> memref<1x512xf32, #tpu.memory_space<any>>
    tpu.enqueue_dma source(%dma_start3A_721 : memref<1x512xf32, #tpu.memory_space<any>>) target(%dma_start3A_719 : memref<1x512xf32, #tpu.memory_space<vmem>>) target_semaphore(%arg4 : memref<!tpu.dma_semaphore, #tpu.memory_space<semaphore_mem>>)
    %mul3A_722 = arith.constant 128 : i32
    %mul3A_723 = arith.muli %arg0, %mul3A_722 : i32
    %add3A_724 = arith.constant 59 : i32
    %add3A_725 = arith.addi %mul3A_723, %add3A_724 : i32
    %get3A_726 = arith.index_cast %add3A_725 : i32 to index
    %get3A_727 = memref.load %arg1[%get3A_726] : memref<16384xi32, #tpu.memory_space<smem>>
    %add3A_728 = arith.addi %get3A_727, %mul3A_16 : i32
    %dma_start3A_729 = arith.constant 59 : i32
    %dma_start3A_730 = arith.constant 0 : i32
    %dma_start3A_731 = tpu.memref_slice %arg3[%dma_start3A_729, %dma_start3A_730] : memref<128x512xf32, #tpu.memory_space<vmem>> -> memref<1x512xf32, #tpu.memory_space<vmem>>
    %dma_start3A_732 = arith.constant 0 : i32
    %dma_start3A_733 = tpu.memref_slice %arg2[%add3A_728, %dma_start3A_732] : memref<8192x512xf32, #tpu.memory_space<any>> -> memref<1x512xf32, #tpu.memory_space<any>>
    tpu.enqueue_dma source(%dma_start3A_733 : memref<1x512xf32, #tpu.memory_space<any>>) target(%dma_start3A_731 : memref<1x512xf32, #tpu.memory_space<vmem>>) target_semaphore(%arg4 : memref<!tpu.dma_semaphore, #tpu.memory_space<semaphore_mem>>)
    %mul3A_734 = arith.constant 128 : i32
    %mul3A_735 = arith.muli %arg0, %mul3A_734 : i32
    %add3A_736 = arith.constant 60 : i32
    %add3A_737 = arith.addi %mul3A_735, %add3A_736 : i32
    %get3A_738 = arith.index_cast %add3A_737 : i32 to index
    %get3A_739 = memref.load %arg1[%get3A_738] : memref<16384xi32, #tpu.memory_space<smem>>
    %add3A_740 = arith.addi %get3A_739, %mul3A_16 : i32
    %dma_start3A_741 = arith.constant 60 : i32
    %dma_start3A_742 = arith.constant 0 : i32
    %dma_start3A_743 = tpu.memref_slice %arg3[%dma_start3A_741, %dma_start3A_742] : memref<128x512xf32, #tpu.memory_space<vmem>> -> memref<1x512xf32, #tpu.memory_space<vmem>>
    %dma_start3A_744 = arith.constant 0 : i32
    %dma_start3A_745 = tpu.memref_slice %arg2[%add3A_740, %dma_start3A_744] : memref<8192x512xf32, #tpu.memory_space<any>> -> memref<1x512xf32, #tpu.memory_space<any>>
    tpu.enqueue_dma source(%dma_start3A_745 : memref<1x512xf32, #tpu.memory_space<any>>) target(%dma_start3A_743 : memref<1x512xf32, #tpu.memory_space<vmem>>) target_semaphore(%arg4 : memref<!tpu.dma_semaphore, #tpu.memory_space<semaphore_mem>>)
    %mul3A_746 = arith.constant 128 : i32
    %mul3A_747 = arith.muli %arg0, %mul3A_746 : i32
    %add3A_748 = arith.constant 61 : i32
    %add3A_749 = arith.addi %mul3A_747, %add3A_748 : i32
    %get3A_750 = arith.index_cast %add3A_749 : i32 to index
    %get3A_751 = memref.load %arg1[%get3A_750] : memref<16384xi32, #tpu.memory_space<smem>>
    %add3A_752 = arith.addi %get3A_751, %mul3A_16 : i32
    %dma_start3A_753 = arith.constant 61 : i32
    %dma_start3A_754 = arith.constant 0 : i32
    %dma_start3A_755 = tpu.memref_slice %arg3[%dma_start3A_753, %dma_start3A_754] : memref<128x512xf32, #tpu.memory_space<vmem>> -> memref<1x512xf32, #tpu.memory_space<vmem>>
    %dma_start3A_756 = arith.constant 0 : i32
    %dma_start3A_757 = tpu.memref_slice %arg2[%add3A_752, %dma_start3A_756] : memref<8192x512xf32, #tpu.memory_space<any>> -> memref<1x512xf32, #tpu.memory_space<any>>
    tpu.enqueue_dma source(%dma_start3A_757 : memref<1x512xf32, #tpu.memory_space<any>>) target(%dma_start3A_755 : memref<1x512xf32, #tpu.memory_space<vmem>>) target_semaphore(%arg4 : memref<!tpu.dma_semaphore, #tpu.memory_space<semaphore_mem>>)
    %mul3A_758 = arith.constant 128 : i32
    %mul3A_759 = arith.muli %arg0, %mul3A_758 : i32
    %add3A_760 = arith.constant 62 : i32
    %add3A_761 = arith.addi %mul3A_759, %add3A_760 : i32
    %get3A_762 = arith.index_cast %add3A_761 : i32 to index
    %get3A_763 = memref.load %arg1[%get3A_762] : memref<16384xi32, #tpu.memory_space<smem>>
    %add3A_764 = arith.addi %get3A_763, %mul3A_16 : i32
    %dma_start3A_765 = arith.constant 62 : i32
    %dma_start3A_766 = arith.constant 0 : i32
    %dma_start3A_767 = tpu.memref_slice %arg3[%dma_start3A_765, %dma_start3A_766] : memref<128x512xf32, #tpu.memory_space<vmem>> -> memref<1x512xf32, #tpu.memory_space<vmem>>
    %dma_start3A_768 = arith.constant 0 : i32
    %dma_start3A_769 = tpu.memref_slice %arg2[%add3A_764, %dma_start3A_768] : memref<8192x512xf32, #tpu.memory_space<any>> -> memref<1x512xf32, #tpu.memory_space<any>>
    tpu.enqueue_dma source(%dma_start3A_769 : memref<1x512xf32, #tpu.memory_space<any>>) target(%dma_start3A_767 : memref<1x512xf32, #tpu.memory_space<vmem>>) target_semaphore(%arg4 : memref<!tpu.dma_semaphore, #tpu.memory_space<semaphore_mem>>)
    %mul3A_770 = arith.constant 128 : i32
    %mul3A_771 = arith.muli %arg0, %mul3A_770 : i32
    %add3A_772 = arith.constant 63 : i32
    %add3A_773 = arith.addi %mul3A_771, %add3A_772 : i32
    %get3A_774 = arith.index_cast %add3A_773 : i32 to index
    %get3A_775 = memref.load %arg1[%get3A_774] : memref<16384xi32, #tpu.memory_space<smem>>
    %add3A_776 = arith.addi %get3A_775, %mul3A_16 : i32
    %dma_start3A_777 = arith.constant 63 : i32
    %dma_start3A_778 = arith.constant 0 : i32
    %dma_start3A_779 = tpu.memref_slice %arg3[%dma_start3A_777, %dma_start3A_778] : memref<128x512xf32, #tpu.memory_space<vmem>> -> memref<1x512xf32, #tpu.memory_space<vmem>>
    %dma_start3A_780 = arith.constant 0 : i32
    %dma_start3A_781 = tpu.memref_slice %arg2[%add3A_776, %dma_start3A_780] : memref<8192x512xf32, #tpu.memory_space<any>> -> memref<1x512xf32, #tpu.memory_space<any>>
    tpu.enqueue_dma source(%dma_start3A_781 : memref<1x512xf32, #tpu.memory_space<any>>) target(%dma_start3A_779 : memref<1x512xf32, #tpu.memory_space<vmem>>) target_semaphore(%arg4 : memref<!tpu.dma_semaphore, #tpu.memory_space<semaphore_mem>>)
    %mul3A_782 = arith.constant 128 : i32
    %mul3A_783 = arith.muli %arg0, %mul3A_782 : i32
    %add3A_784 = arith.constant 64 : i32
    %add3A_785 = arith.addi %mul3A_783, %add3A_784 : i32
    %get3A_786 = arith.index_cast %add3A_785 : i32 to index
    %get3A_787 = memref.load %arg1[%get3A_786] : memref<16384xi32, #tpu.memory_space<smem>>
    %add3A_788 = arith.addi %get3A_787, %mul3A_16 : i32
    %dma_start3A_789 = arith.constant 64 : i32
    %dma_start3A_790 = arith.constant 0 : i32
    %dma_start3A_791 = tpu.memref_slice %arg3[%dma_start3A_789, %dma_start3A_790] : memref<128x512xf32, #tpu.memory_space<vmem>> -> memref<1x512xf32, #tpu.memory_space<vmem>>
    %dma_start3A_792 = arith.constant 0 : i32
    %dma_start3A_793 = tpu.memref_slice %arg2[%add3A_788, %dma_start3A_792] : memref<8192x512xf32, #tpu.memory_space<any>> -> memref<1x512xf32, #tpu.memory_space<any>>
    tpu.enqueue_dma source(%dma_start3A_793 : memref<1x512xf32, #tpu.memory_space<any>>) target(%dma_start3A_791 : memref<1x512xf32, #tpu.memory_space<vmem>>) target_semaphore(%arg4 : memref<!tpu.dma_semaphore, #tpu.memory_space<semaphore_mem>>)
    %mul3A_794 = arith.constant 128 : i32
    %mul3A_795 = arith.muli %arg0, %mul3A_794 : i32
    %add3A_796 = arith.constant 65 : i32
    %add3A_797 = arith.addi %mul3A_795, %add3A_796 : i32
    %get3A_798 = arith.index_cast %add3A_797 : i32 to index
    %get3A_799 = memref.load %arg1[%get3A_798] : memref<16384xi32, #tpu.memory_space<smem>>
    %add3A_800 = arith.addi %get3A_799, %mul3A_16 : i32
    %dma_start3A_801 = arith.constant 65 : i32
    %dma_start3A_802 = arith.constant 0 : i32
    %dma_start3A_803 = tpu.memref_slice %arg3[%dma_start3A_801, %dma_start3A_802] : memref<128x512xf32, #tpu.memory_space<vmem>> -> memref<1x512xf32, #tpu.memory_space<vmem>>
    %dma_start3A_804 = arith.constant 0 : i32
    %dma_start3A_805 = tpu.memref_slice %arg2[%add3A_800, %dma_start3A_804] : memref<8192x512xf32, #tpu.memory_space<any>> -> memref<1x512xf32, #tpu.memory_space<any>>
    tpu.enqueue_dma source(%dma_start3A_805 : memref<1x512xf32, #tpu.memory_space<any>>) target(%dma_start3A_803 : memref<1x512xf32, #tpu.memory_space<vmem>>) target_semaphore(%arg4 : memref<!tpu.dma_semaphore, #tpu.memory_space<semaphore_mem>>)
    %mul3A_806 = arith.constant 128 : i32
    %mul3A_807 = arith.muli %arg0, %mul3A_806 : i32
    %add3A_808 = arith.constant 66 : i32
    %add3A_809 = arith.addi %mul3A_807, %add3A_808 : i32
    %get3A_810 = arith.index_cast %add3A_809 : i32 to index
    %get3A_811 = memref.load %arg1[%get3A_810] : memref<16384xi32, #tpu.memory_space<smem>>
    %add3A_812 = arith.addi %get3A_811, %mul3A_16 : i32
    %dma_start3A_813 = arith.constant 66 : i32
    %dma_start3A_814 = arith.constant 0 : i32
    %dma_start3A_815 = tpu.memref_slice %arg3[%dma_start3A_813, %dma_start3A_814] : memref<128x512xf32, #tpu.memory_space<vmem>> -> memref<1x512xf32, #tpu.memory_space<vmem>>
    %dma_start3A_816 = arith.constant 0 : i32
    %dma_start3A_817 = tpu.memref_slice %arg2[%add3A_812, %dma_start3A_816] : memref<8192x512xf32, #tpu.memory_space<any>> -> memref<1x512xf32, #tpu.memory_space<any>>
    tpu.enqueue_dma source(%dma_start3A_817 : memref<1x512xf32, #tpu.memory_space<any>>) target(%dma_start3A_815 : memref<1x512xf32, #tpu.memory_space<vmem>>) target_semaphore(%arg4 : memref<!tpu.dma_semaphore, #tpu.memory_space<semaphore_mem>>)
    %mul3A_818 = arith.constant 128 : i32
    %mul3A_819 = arith.muli %arg0, %mul3A_818 : i32
    %add3A_820 = arith.constant 67 : i32
    %add3A_821 = arith.addi %mul3A_819, %add3A_820 : i32
    %get3A_822 = arith.index_cast %add3A_821 : i32 to index
    %get3A_823 = memref.load %arg1[%get3A_822] : memref<16384xi32, #tpu.memory_space<smem>>
    %add3A_824 = arith.addi %get3A_823, %mul3A_16 : i32
    %dma_start3A_825 = arith.constant 67 : i32
    %dma_start3A_826 = arith.constant 0 : i32
    %dma_start3A_827 = tpu.memref_slice %arg3[%dma_start3A_825, %dma_start3A_826] : memref<128x512xf32, #tpu.memory_space<vmem>> -> memref<1x512xf32, #tpu.memory_space<vmem>>
    %dma_start3A_828 = arith.constant 0 : i32
    %dma_start3A_829 = tpu.memref_slice %arg2[%add3A_824, %dma_start3A_828] : memref<8192x512xf32, #tpu.memory_space<any>> -> memref<1x512xf32, #tpu.memory_space<any>>
    tpu.enqueue_dma source(%dma_start3A_829 : memref<1x512xf32, #tpu.memory_space<any>>) target(%dma_start3A_827 : memref<1x512xf32, #tpu.memory_space<vmem>>) target_semaphore(%arg4 : memref<!tpu.dma_semaphore, #tpu.memory_space<semaphore_mem>>)
    %mul3A_830 = arith.constant 128 : i32
    %mul3A_831 = arith.muli %arg0, %mul3A_830 : i32
    %add3A_832 = arith.constant 68 : i32
    %add3A_833 = arith.addi %mul3A_831, %add3A_832 : i32
    %get3A_834 = arith.index_cast %add3A_833 : i32 to index
    %get3A_835 = memref.load %arg1[%get3A_834] : memref<16384xi32, #tpu.memory_space<smem>>
    %add3A_836 = arith.addi %get3A_835, %mul3A_16 : i32
    %dma_start3A_837 = arith.constant 68 : i32
    %dma_start3A_838 = arith.constant 0 : i32
    %dma_start3A_839 = tpu.memref_slice %arg3[%dma_start3A_837, %dma_start3A_838] : memref<128x512xf32, #tpu.memory_space<vmem>> -> memref<1x512xf32, #tpu.memory_space<vmem>>
    %dma_start3A_840 = arith.constant 0 : i32
    %dma_start3A_841 = tpu.memref_slice %arg2[%add3A_836, %dma_start3A_840] : memref<8192x512xf32, #tpu.memory_space<any>> -> memref<1x512xf32, #tpu.memory_space<any>>
    tpu.enqueue_dma source(%dma_start3A_841 : memref<1x512xf32, #tpu.memory_space<any>>) target(%dma_start3A_839 : memref<1x512xf32, #tpu.memory_space<vmem>>) target_semaphore(%arg4 : memref<!tpu.dma_semaphore, #tpu.memory_space<semaphore_mem>>)
    %mul3A_842 = arith.constant 128 : i32
    %mul3A_843 = arith.muli %arg0, %mul3A_842 : i32
    %add3A_844 = arith.constant 69 : i32
    %add3A_845 = arith.addi %mul3A_843, %add3A_844 : i32
    %get3A_846 = arith.index_cast %add3A_845 : i32 to index
    %get3A_847 = memref.load %arg1[%get3A_846] : memref<16384xi32, #tpu.memory_space<smem>>
    %add3A_848 = arith.addi %get3A_847, %mul3A_16 : i32
    %dma_start3A_849 = arith.constant 69 : i32
    %dma_start3A_850 = arith.constant 0 : i32
    %dma_start3A_851 = tpu.memref_slice %arg3[%dma_start3A_849, %dma_start3A_850] : memref<128x512xf32, #tpu.memory_space<vmem>> -> memref<1x512xf32, #tpu.memory_space<vmem>>
    %dma_start3A_852 = arith.constant 0 : i32
    %dma_start3A_853 = tpu.memref_slice %arg2[%add3A_848, %dma_start3A_852] : memref<8192x512xf32, #tpu.memory_space<any>> -> memref<1x512xf32, #tpu.memory_space<any>>
    tpu.enqueue_dma source(%dma_start3A_853 : memref<1x512xf32, #tpu.memory_space<any>>) target(%dma_start3A_851 : memref<1x512xf32, #tpu.memory_space<vmem>>) target_semaphore(%arg4 : memref<!tpu.dma_semaphore, #tpu.memory_space<semaphore_mem>>)
    %mul3A_854 = arith.constant 128 : i32
    %mul3A_855 = arith.muli %arg0, %mul3A_854 : i32
    %add3A_856 = arith.constant 70 : i32
    %add3A_857 = arith.addi %mul3A_855, %add3A_856 : i32
    %get3A_858 = arith.index_cast %add3A_857 : i32 to index
    %get3A_859 = memref.load %arg1[%get3A_858] : memref<16384xi32, #tpu.memory_space<smem>>
    %add3A_860 = arith.addi %get3A_859, %mul3A_16 : i32
    %dma_start3A_861 = arith.constant 70 : i32
    %dma_start3A_862 = arith.constant 0 : i32
    %dma_start3A_863 = tpu.memref_slice %arg3[%dma_start3A_861, %dma_start3A_862] : memref<128x512xf32, #tpu.memory_space<vmem>> -> memref<1x512xf32, #tpu.memory_space<vmem>>
    %dma_start3A_864 = arith.constant 0 : i32
    %dma_start3A_865 = tpu.memref_slice %arg2[%add3A_860, %dma_start3A_864] : memref<8192x512xf32, #tpu.memory_space<any>> -> memref<1x512xf32, #tpu.memory_space<any>>
    tpu.enqueue_dma source(%dma_start3A_865 : memref<1x512xf32, #tpu.memory_space<any>>) target(%dma_start3A_863 : memref<1x512xf32, #tpu.memory_space<vmem>>) target_semaphore(%arg4 : memref<!tpu.dma_semaphore, #tpu.memory_space<semaphore_mem>>)
    %mul3A_866 = arith.constant 128 : i32
    %mul3A_867 = arith.muli %arg0, %mul3A_866 : i32
    %add3A_868 = arith.constant 71 : i32
    %add3A_869 = arith.addi %mul3A_867, %add3A_868 : i32
    %get3A_870 = arith.index_cast %add3A_869 : i32 to index
    %get3A_871 = memref.load %arg1[%get3A_870] : memref<16384xi32, #tpu.memory_space<smem>>
    %add3A_872 = arith.addi %get3A_871, %mul3A_16 : i32
    %dma_start3A_873 = arith.constant 71 : i32
    %dma_start3A_874 = arith.constant 0 : i32
    %dma_start3A_875 = tpu.memref_slice %arg3[%dma_start3A_873, %dma_start3A_874] : memref<128x512xf32, #tpu.memory_space<vmem>> -> memref<1x512xf32, #tpu.memory_space<vmem>>
    %dma_start3A_876 = arith.constant 0 : i32
    %dma_start3A_877 = tpu.memref_slice %arg2[%add3A_872, %dma_start3A_876] : memref<8192x512xf32, #tpu.memory_space<any>> -> memref<1x512xf32, #tpu.memory_space<any>>
    tpu.enqueue_dma source(%dma_start3A_877 : memref<1x512xf32, #tpu.memory_space<any>>) target(%dma_start3A_875 : memref<1x512xf32, #tpu.memory_space<vmem>>) target_semaphore(%arg4 : memref<!tpu.dma_semaphore, #tpu.memory_space<semaphore_mem>>)
    %mul3A_878 = arith.constant 128 : i32
    %mul3A_879 = arith.muli %arg0, %mul3A_878 : i32
    %add3A_880 = arith.constant 72 : i32
    %add3A_881 = arith.addi %mul3A_879, %add3A_880 : i32
    %get3A_882 = arith.index_cast %add3A_881 : i32 to index
    %get3A_883 = memref.load %arg1[%get3A_882] : memref<16384xi32, #tpu.memory_space<smem>>
    %add3A_884 = arith.addi %get3A_883, %mul3A_16 : i32
    %dma_start3A_885 = arith.constant 72 : i32
    %dma_start3A_886 = arith.constant 0 : i32
    %dma_start3A_887 = tpu.memref_slice %arg3[%dma_start3A_885, %dma_start3A_886] : memref<128x512xf32, #tpu.memory_space<vmem>> -> memref<1x512xf32, #tpu.memory_space<vmem>>
    %dma_start3A_888 = arith.constant 0 : i32
    %dma_start3A_889 = tpu.memref_slice %arg2[%add3A_884, %dma_start3A_888] : memref<8192x512xf32, #tpu.memory_space<any>> -> memref<1x512xf32, #tpu.memory_space<any>>
    tpu.enqueue_dma source(%dma_start3A_889 : memref<1x512xf32, #tpu.memory_space<any>>) target(%dma_start3A_887 : memref<1x512xf32, #tpu.memory_space<vmem>>) target_semaphore(%arg4 : memref<!tpu.dma_semaphore, #tpu.memory_space<semaphore_mem>>)
    %mul3A_890 = arith.constant 128 : i32
    %mul3A_891 = arith.muli %arg0, %mul3A_890 : i32
    %add3A_892 = arith.constant 73 : i32
    %add3A_893 = arith.addi %mul3A_891, %add3A_892 : i32
    %get3A_894 = arith.index_cast %add3A_893 : i32 to index
    %get3A_895 = memref.load %arg1[%get3A_894] : memref<16384xi32, #tpu.memory_space<smem>>
    %add3A_896 = arith.addi %get3A_895, %mul3A_16 : i32
    %dma_start3A_897 = arith.constant 73 : i32
    %dma_start3A_898 = arith.constant 0 : i32
    %dma_start3A_899 = tpu.memref_slice %arg3[%dma_start3A_897, %dma_start3A_898] : memref<128x512xf32, #tpu.memory_space<vmem>> -> memref<1x512xf32, #tpu.memory_space<vmem>>
    %dma_start3A_900 = arith.constant 0 : i32
    %dma_start3A_901 = tpu.memref_slice %arg2[%add3A_896, %dma_start3A_900] : memref<8192x512xf32, #tpu.memory_space<any>> -> memref<1x512xf32, #tpu.memory_space<any>>
    tpu.enqueue_dma source(%dma_start3A_901 : memref<1x512xf32, #tpu.memory_space<any>>) target(%dma_start3A_899 : memref<1x512xf32, #tpu.memory_space<vmem>>) target_semaphore(%arg4 : memref<!tpu.dma_semaphore, #tpu.memory_space<semaphore_mem>>)
    %mul3A_902 = arith.constant 128 : i32
    %mul3A_903 = arith.muli %arg0, %mul3A_902 : i32
    %add3A_904 = arith.constant 74 : i32
    %add3A_905 = arith.addi %mul3A_903, %add3A_904 : i32
    %get3A_906 = arith.index_cast %add3A_905 : i32 to index
    %get3A_907 = memref.load %arg1[%get3A_906] : memref<16384xi32, #tpu.memory_space<smem>>
    %add3A_908 = arith.addi %get3A_907, %mul3A_16 : i32
    %dma_start3A_909 = arith.constant 74 : i32
    %dma_start3A_910 = arith.constant 0 : i32
    %dma_start3A_911 = tpu.memref_slice %arg3[%dma_start3A_909, %dma_start3A_910] : memref<128x512xf32, #tpu.memory_space<vmem>> -> memref<1x512xf32, #tpu.memory_space<vmem>>
    %dma_start3A_912 = arith.constant 0 : i32
    %dma_start3A_913 = tpu.memref_slice %arg2[%add3A_908, %dma_start3A_912] : memref<8192x512xf32, #tpu.memory_space<any>> -> memref<1x512xf32, #tpu.memory_space<any>>
    tpu.enqueue_dma source(%dma_start3A_913 : memref<1x512xf32, #tpu.memory_space<any>>) target(%dma_start3A_911 : memref<1x512xf32, #tpu.memory_space<vmem>>) target_semaphore(%arg4 : memref<!tpu.dma_semaphore, #tpu.memory_space<semaphore_mem>>)
    %mul3A_914 = arith.constant 128 : i32
    %mul3A_915 = arith.muli %arg0, %mul3A_914 : i32
    %add3A_916 = arith.constant 75 : i32
    %add3A_917 = arith.addi %mul3A_915, %add3A_916 : i32
    %get3A_918 = arith.index_cast %add3A_917 : i32 to index
    %get3A_919 = memref.load %arg1[%get3A_918] : memref<16384xi32, #tpu.memory_space<smem>>
    %add3A_920 = arith.addi %get3A_919, %mul3A_16 : i32
    %dma_start3A_921 = arith.constant 75 : i32
    %dma_start3A_922 = arith.constant 0 : i32
    %dma_start3A_923 = tpu.memref_slice %arg3[%dma_start3A_921, %dma_start3A_922] : memref<128x512xf32, #tpu.memory_space<vmem>> -> memref<1x512xf32, #tpu.memory_space<vmem>>
    %dma_start3A_924 = arith.constant 0 : i32
    %dma_start3A_925 = tpu.memref_slice %arg2[%add3A_920, %dma_start3A_924] : memref<8192x512xf32, #tpu.memory_space<any>> -> memref<1x512xf32, #tpu.memory_space<any>>
    tpu.enqueue_dma source(%dma_start3A_925 : memref<1x512xf32, #tpu.memory_space<any>>) target(%dma_start3A_923 : memref<1x512xf32, #tpu.memory_space<vmem>>) target_semaphore(%arg4 : memref<!tpu.dma_semaphore, #tpu.memory_space<semaphore_mem>>)
    %mul3A_926 = arith.constant 128 : i32
    %mul3A_927 = arith.muli %arg0, %mul3A_926 : i32
    %add3A_928 = arith.constant 76 : i32
    %add3A_929 = arith.addi %mul3A_927, %add3A_928 : i32
    %get3A_930 = arith.index_cast %add3A_929 : i32 to index
    %get3A_931 = memref.load %arg1[%get3A_930] : memref<16384xi32, #tpu.memory_space<smem>>
    %add3A_932 = arith.addi %get3A_931, %mul3A_16 : i32
    %dma_start3A_933 = arith.constant 76 : i32
    %dma_start3A_934 = arith.constant 0 : i32
    %dma_start3A_935 = tpu.memref_slice %arg3[%dma_start3A_933, %dma_start3A_934] : memref<128x512xf32, #tpu.memory_space<vmem>> -> memref<1x512xf32, #tpu.memory_space<vmem>>
    %dma_start3A_936 = arith.constant 0 : i32
    %dma_start3A_937 = tpu.memref_slice %arg2[%add3A_932, %dma_start3A_936] : memref<8192x512xf32, #tpu.memory_space<any>> -> memref<1x512xf32, #tpu.memory_space<any>>
    tpu.enqueue_dma source(%dma_start3A_937 : memref<1x512xf32, #tpu.memory_space<any>>) target(%dma_start3A_935 : memref<1x512xf32, #tpu.memory_space<vmem>>) target_semaphore(%arg4 : memref<!tpu.dma_semaphore, #tpu.memory_space<semaphore_mem>>)
    %mul3A_938 = arith.constant 128 : i32
    %mul3A_939 = arith.muli %arg0, %mul3A_938 : i32
    %add3A_940 = arith.constant 77 : i32
    %add3A_941 = arith.addi %mul3A_939, %add3A_940 : i32
    %get3A_942 = arith.index_cast %add3A_941 : i32 to index
    %get3A_943 = memref.load %arg1[%get3A_942] : memref<16384xi32, #tpu.memory_space<smem>>
    %add3A_944 = arith.addi %get3A_943, %mul3A_16 : i32
    %dma_start3A_945 = arith.constant 77 : i32
    %dma_start3A_946 = arith.constant 0 : i32
    %dma_start3A_947 = tpu.memref_slice %arg3[%dma_start3A_945, %dma_start3A_946] : memref<128x512xf32, #tpu.memory_space<vmem>> -> memref<1x512xf32, #tpu.memory_space<vmem>>
    %dma_start3A_948 = arith.constant 0 : i32
    %dma_start3A_949 = tpu.memref_slice %arg2[%add3A_944, %dma_start3A_948] : memref<8192x512xf32, #tpu.memory_space<any>> -> memref<1x512xf32, #tpu.memory_space<any>>
    tpu.enqueue_dma source(%dma_start3A_949 : memref<1x512xf32, #tpu.memory_space<any>>) target(%dma_start3A_947 : memref<1x512xf32, #tpu.memory_space<vmem>>) target_semaphore(%arg4 : memref<!tpu.dma_semaphore, #tpu.memory_space<semaphore_mem>>)
    %mul3A_950 = arith.constant 128 : i32
    %mul3A_951 = arith.muli %arg0, %mul3A_950 : i32
    %add3A_952 = arith.constant 78 : i32
    %add3A_953 = arith.addi %mul3A_951, %add3A_952 : i32
    %get3A_954 = arith.index_cast %add3A_953 : i32 to index
    %get3A_955 = memref.load %arg1[%get3A_954] : memref<16384xi32, #tpu.memory_space<smem>>
    %add3A_956 = arith.addi %get3A_955, %mul3A_16 : i32
    %dma_start3A_957 = arith.constant 78 : i32
    %dma_start3A_958 = arith.constant 0 : i32
    %dma_start3A_959 = tpu.memref_slice %arg3[%dma_start3A_957, %dma_start3A_958] : memref<128x512xf32, #tpu.memory_space<vmem>> -> memref<1x512xf32, #tpu.memory_space<vmem>>
    %dma_start3A_960 = arith.constant 0 : i32
    %dma_start3A_961 = tpu.memref_slice %arg2[%add3A_956, %dma_start3A_960] : memref<8192x512xf32, #tpu.memory_space<any>> -> memref<1x512xf32, #tpu.memory_space<any>>
    tpu.enqueue_dma source(%dma_start3A_961 : memref<1x512xf32, #tpu.memory_space<any>>) target(%dma_start3A_959 : memref<1x512xf32, #tpu.memory_space<vmem>>) target_semaphore(%arg4 : memref<!tpu.dma_semaphore, #tpu.memory_space<semaphore_mem>>)
    %mul3A_962 = arith.constant 128 : i32
    %mul3A_963 = arith.muli %arg0, %mul3A_962 : i32
    %add3A_964 = arith.constant 79 : i32
    %add3A_965 = arith.addi %mul3A_963, %add3A_964 : i32
    %get3A_966 = arith.index_cast %add3A_965 : i32 to index
    %get3A_967 = memref.load %arg1[%get3A_966] : memref<16384xi32, #tpu.memory_space<smem>>
    %add3A_968 = arith.addi %get3A_967, %mul3A_16 : i32
    %dma_start3A_969 = arith.constant 79 : i32
    %dma_start3A_970 = arith.constant 0 : i32
    %dma_start3A_971 = tpu.memref_slice %arg3[%dma_start3A_969, %dma_start3A_970] : memref<128x512xf32, #tpu.memory_space<vmem>> -> memref<1x512xf32, #tpu.memory_space<vmem>>
    %dma_start3A_972 = arith.constant 0 : i32
    %dma_start3A_973 = tpu.memref_slice %arg2[%add3A_968, %dma_start3A_972] : memref<8192x512xf32, #tpu.memory_space<any>> -> memref<1x512xf32, #tpu.memory_space<any>>
    tpu.enqueue_dma source(%dma_start3A_973 : memref<1x512xf32, #tpu.memory_space<any>>) target(%dma_start3A_971 : memref<1x512xf32, #tpu.memory_space<vmem>>) target_semaphore(%arg4 : memref<!tpu.dma_semaphore, #tpu.memory_space<semaphore_mem>>)
    %mul3A_974 = arith.constant 128 : i32
    %mul3A_975 = arith.muli %arg0, %mul3A_974 : i32
    %add3A_976 = arith.constant 80 : i32
    %add3A_977 = arith.addi %mul3A_975, %add3A_976 : i32
    %get3A_978 = arith.index_cast %add3A_977 : i32 to index
    %get3A_979 = memref.load %arg1[%get3A_978] : memref<16384xi32, #tpu.memory_space<smem>>
    %add3A_980 = arith.addi %get3A_979, %mul3A_16 : i32
    %dma_start3A_981 = arith.constant 80 : i32
    %dma_start3A_982 = arith.constant 0 : i32
    %dma_start3A_983 = tpu.memref_slice %arg3[%dma_start3A_981, %dma_start3A_982] : memref<128x512xf32, #tpu.memory_space<vmem>> -> memref<1x512xf32, #tpu.memory_space<vmem>>
    %dma_start3A_984 = arith.constant 0 : i32
    %dma_start3A_985 = tpu.memref_slice %arg2[%add3A_980, %dma_start3A_984] : memref<8192x512xf32, #tpu.memory_space<any>> -> memref<1x512xf32, #tpu.memory_space<any>>
    tpu.enqueue_dma source(%dma_start3A_985 : memref<1x512xf32, #tpu.memory_space<any>>) target(%dma_start3A_983 : memref<1x512xf32, #tpu.memory_space<vmem>>) target_semaphore(%arg4 : memref<!tpu.dma_semaphore, #tpu.memory_space<semaphore_mem>>)
    %mul3A_986 = arith.constant 128 : i32
    %mul3A_987 = arith.muli %arg0, %mul3A_986 : i32
    %add3A_988 = arith.constant 81 : i32
    %add3A_989 = arith.addi %mul3A_987, %add3A_988 : i32
    %get3A_990 = arith.index_cast %add3A_989 : i32 to index
    %get3A_991 = memref.load %arg1[%get3A_990] : memref<16384xi32, #tpu.memory_space<smem>>
    %add3A_992 = arith.addi %get3A_991, %mul3A_16 : i32
    %dma_start3A_993 = arith.constant 81 : i32
    %dma_start3A_994 = arith.constant 0 : i32
    %dma_start3A_995 = tpu.memref_slice %arg3[%dma_start3A_993, %dma_start3A_994] : memref<128x512xf32, #tpu.memory_space<vmem>> -> memref<1x512xf32, #tpu.memory_space<vmem>>
    %dma_start3A_996 = arith.constant 0 : i32
    %dma_start3A_997 = tpu.memref_slice %arg2[%add3A_992, %dma_start3A_996] : memref<8192x512xf32, #tpu.memory_space<any>> -> memref<1x512xf32, #tpu.memory_space<any>>
    tpu.enqueue_dma source(%dma_start3A_997 : memref<1x512xf32, #tpu.memory_space<any>>) target(%dma_start3A_995 : memref<1x512xf32, #tpu.memory_space<vmem>>) target_semaphore(%arg4 : memref<!tpu.dma_semaphore, #tpu.memory_space<semaphore_mem>>)
    %mul3A_998 = arith.constant 128 : i32
    %mul3A_999 = arith.muli %arg0, %mul3A_998 : i32
    %add3A_1000 = arith.constant 82 : i32
    %add3A_1001 = arith.addi %mul3A_999, %add3A_1000 : i32
    %get3A_1002 = arith.index_cast %add3A_1001 : i32 to index
    %get3A_1003 = memref.load %arg1[%get3A_1002] : memref<16384xi32, #tpu.memory_space<smem>>
    %add3A_1004 = arith.addi %get3A_1003, %mul3A_16 : i32
    %dma_start3A_1005 = arith.constant 82 : i32
    %dma_start3A_1006 = arith.constant 0 : i32
    %dma_start3A_1007 = tpu.memref_slice %arg3[%dma_start3A_1005, %dma_start3A_1006] : memref<128x512xf32, #tpu.memory_space<vmem>> -> memref<1x512xf32, #tpu.memory_space<vmem>>
    %dma_start3A_1008 = arith.constant 0 : i32
    %dma_start3A_1009 = tpu.memref_slice %arg2[%add3A_1004, %dma_start3A_1008] : memref<8192x512xf32, #tpu.memory_space<any>> -> memref<1x512xf32, #tpu.memory_space<any>>
    tpu.enqueue_dma source(%dma_start3A_1009 : memref<1x512xf32, #tpu.memory_space<any>>) target(%dma_start3A_1007 : memref<1x512xf32, #tpu.memory_space<vmem>>) target_semaphore(%arg4 : memref<!tpu.dma_semaphore, #tpu.memory_space<semaphore_mem>>)
    %mul3A_1010 = arith.constant 128 : i32
    %mul3A_1011 = arith.muli %arg0, %mul3A_1010 : i32
    %add3A_1012 = arith.constant 83 : i32
    %add3A_1013 = arith.addi %mul3A_1011, %add3A_1012 : i32
    %get3A_1014 = arith.index_cast %add3A_1013 : i32 to index
    %get3A_1015 = memref.load %arg1[%get3A_1014] : memref<16384xi32, #tpu.memory_space<smem>>
    %add3A_1016 = arith.addi %get3A_1015, %mul3A_16 : i32
    %dma_start3A_1017 = arith.constant 83 : i32
    %dma_start3A_1018 = arith.constant 0 : i32
    %dma_start3A_1019 = tpu.memref_slice %arg3[%dma_start3A_1017, %dma_start3A_1018] : memref<128x512xf32, #tpu.memory_space<vmem>> -> memref<1x512xf32, #tpu.memory_space<vmem>>
    %dma_start3A_1020 = arith.constant 0 : i32
    %dma_start3A_1021 = tpu.memref_slice %arg2[%add3A_1016, %dma_start3A_1020] : memref<8192x512xf32, #tpu.memory_space<any>> -> memref<1x512xf32, #tpu.memory_space<any>>
    tpu.enqueue_dma source(%dma_start3A_1021 : memref<1x512xf32, #tpu.memory_space<any>>) target(%dma_start3A_1019 : memref<1x512xf32, #tpu.memory_space<vmem>>) target_semaphore(%arg4 : memref<!tpu.dma_semaphore, #tpu.memory_space<semaphore_mem>>)
    %mul3A_1022 = arith.constant 128 : i32
    %mul3A_1023 = arith.muli %arg0, %mul3A_1022 : i32
    %add3A_1024 = arith.constant 84 : i32
    %add3A_1025 = arith.addi %mul3A_1023, %add3A_1024 : i32
    %get3A_1026 = arith.index_cast %add3A_1025 : i32 to index
    %get3A_1027 = memref.load %arg1[%get3A_1026] : memref<16384xi32, #tpu.memory_space<smem>>
    %add3A_1028 = arith.addi %get3A_1027, %mul3A_16 : i32
    %dma_start3A_1029 = arith.constant 84 : i32
    %dma_start3A_1030 = arith.constant 0 : i32
    %dma_start3A_1031 = tpu.memref_slice %arg3[%dma_start3A_1029, %dma_start3A_1030] : memref<128x512xf32, #tpu.memory_space<vmem>> -> memref<1x512xf32, #tpu.memory_space<vmem>>
    %dma_start3A_1032 = arith.constant 0 : i32
    %dma_start3A_1033 = tpu.memref_slice %arg2[%add3A_1028, %dma_start3A_1032] : memref<8192x512xf32, #tpu.memory_space<any>> -> memref<1x512xf32, #tpu.memory_space<any>>
    tpu.enqueue_dma source(%dma_start3A_1033 : memref<1x512xf32, #tpu.memory_space<any>>) target(%dma_start3A_1031 : memref<1x512xf32, #tpu.memory_space<vmem>>) target_semaphore(%arg4 : memref<!tpu.dma_semaphore, #tpu.memory_space<semaphore_mem>>)
    %mul3A_1034 = arith.constant 128 : i32
    %mul3A_1035 = arith.muli %arg0, %mul3A_1034 : i32
    %add3A_1036 = arith.constant 85 : i32
    %add3A_1037 = arith.addi %mul3A_1035, %add3A_1036 : i32
    %get3A_1038 = arith.index_cast %add3A_1037 : i32 to index
    %get3A_1039 = memref.load %arg1[%get3A_1038] : memref<16384xi32, #tpu.memory_space<smem>>
    %add3A_1040 = arith.addi %get3A_1039, %mul3A_16 : i32
    %dma_start3A_1041 = arith.constant 85 : i32
    %dma_start3A_1042 = arith.constant 0 : i32
    %dma_start3A_1043 = tpu.memref_slice %arg3[%dma_start3A_1041, %dma_start3A_1042] : memref<128x512xf32, #tpu.memory_space<vmem>> -> memref<1x512xf32, #tpu.memory_space<vmem>>
    %dma_start3A_1044 = arith.constant 0 : i32
    %dma_start3A_1045 = tpu.memref_slice %arg2[%add3A_1040, %dma_start3A_1044] : memref<8192x512xf32, #tpu.memory_space<any>> -> memref<1x512xf32, #tpu.memory_space<any>>
    tpu.enqueue_dma source(%dma_start3A_1045 : memref<1x512xf32, #tpu.memory_space<any>>) target(%dma_start3A_1043 : memref<1x512xf32, #tpu.memory_space<vmem>>) target_semaphore(%arg4 : memref<!tpu.dma_semaphore, #tpu.memory_space<semaphore_mem>>)
    %mul3A_1046 = arith.constant 128 : i32
    %mul3A_1047 = arith.muli %arg0, %mul3A_1046 : i32
    %add3A_1048 = arith.constant 86 : i32
    %add3A_1049 = arith.addi %mul3A_1047, %add3A_1048 : i32
    %get3A_1050 = arith.index_cast %add3A_1049 : i32 to index
    %get3A_1051 = memref.load %arg1[%get3A_1050] : memref<16384xi32, #tpu.memory_space<smem>>
    %add3A_1052 = arith.addi %get3A_1051, %mul3A_16 : i32
    %dma_start3A_1053 = arith.constant 86 : i32
    %dma_start3A_1054 = arith.constant 0 : i32
    %dma_start3A_1055 = tpu.memref_slice %arg3[%dma_start3A_1053, %dma_start3A_1054] : memref<128x512xf32, #tpu.memory_space<vmem>> -> memref<1x512xf32, #tpu.memory_space<vmem>>
    %dma_start3A_1056 = arith.constant 0 : i32
    %dma_start3A_1057 = tpu.memref_slice %arg2[%add3A_1052, %dma_start3A_1056] : memref<8192x512xf32, #tpu.memory_space<any>> -> memref<1x512xf32, #tpu.memory_space<any>>
    tpu.enqueue_dma source(%dma_start3A_1057 : memref<1x512xf32, #tpu.memory_space<any>>) target(%dma_start3A_1055 : memref<1x512xf32, #tpu.memory_space<vmem>>) target_semaphore(%arg4 : memref<!tpu.dma_semaphore, #tpu.memory_space<semaphore_mem>>)
    %mul3A_1058 = arith.constant 128 : i32
    %mul3A_1059 = arith.muli %arg0, %mul3A_1058 : i32
    %add3A_1060 = arith.constant 87 : i32
    %add3A_1061 = arith.addi %mul3A_1059, %add3A_1060 : i32
    %get3A_1062 = arith.index_cast %add3A_1061 : i32 to index
    %get3A_1063 = memref.load %arg1[%get3A_1062] : memref<16384xi32, #tpu.memory_space<smem>>
    %add3A_1064 = arith.addi %get3A_1063, %mul3A_16 : i32
    %dma_start3A_1065 = arith.constant 87 : i32
    %dma_start3A_1066 = arith.constant 0 : i32
    %dma_start3A_1067 = tpu.memref_slice %arg3[%dma_start3A_1065, %dma_start3A_1066] : memref<128x512xf32, #tpu.memory_space<vmem>> -> memref<1x512xf32, #tpu.memory_space<vmem>>
    %dma_start3A_1068 = arith.constant 0 : i32
    %dma_start3A_1069 = tpu.memref_slice %arg2[%add3A_1064, %dma_start3A_1068] : memref<8192x512xf32, #tpu.memory_space<any>> -> memref<1x512xf32, #tpu.memory_space<any>>
    tpu.enqueue_dma source(%dma_start3A_1069 : memref<1x512xf32, #tpu.memory_space<any>>) target(%dma_start3A_1067 : memref<1x512xf32, #tpu.memory_space<vmem>>) target_semaphore(%arg4 : memref<!tpu.dma_semaphore, #tpu.memory_space<semaphore_mem>>)
    %mul3A_1070 = arith.constant 128 : i32
    %mul3A_1071 = arith.muli %arg0, %mul3A_1070 : i32
    %add3A_1072 = arith.constant 88 : i32
    %add3A_1073 = arith.addi %mul3A_1071, %add3A_1072 : i32
    %get3A_1074 = arith.index_cast %add3A_1073 : i32 to index
    %get3A_1075 = memref.load %arg1[%get3A_1074] : memref<16384xi32, #tpu.memory_space<smem>>
    %add3A_1076 = arith.addi %get3A_1075, %mul3A_16 : i32
    %dma_start3A_1077 = arith.constant 88 : i32
    %dma_start3A_1078 = arith.constant 0 : i32
    %dma_start3A_1079 = tpu.memref_slice %arg3[%dma_start3A_1077, %dma_start3A_1078] : memref<128x512xf32, #tpu.memory_space<vmem>> -> memref<1x512xf32, #tpu.memory_space<vmem>>
    %dma_start3A_1080 = arith.constant 0 : i32
    %dma_start3A_1081 = tpu.memref_slice %arg2[%add3A_1076, %dma_start3A_1080] : memref<8192x512xf32, #tpu.memory_space<any>> -> memref<1x512xf32, #tpu.memory_space<any>>
    tpu.enqueue_dma source(%dma_start3A_1081 : memref<1x512xf32, #tpu.memory_space<any>>) target(%dma_start3A_1079 : memref<1x512xf32, #tpu.memory_space<vmem>>) target_semaphore(%arg4 : memref<!tpu.dma_semaphore, #tpu.memory_space<semaphore_mem>>)
    %mul3A_1082 = arith.constant 128 : i32
    %mul3A_1083 = arith.muli %arg0, %mul3A_1082 : i32
    %add3A_1084 = arith.constant 89 : i32
    %add3A_1085 = arith.addi %mul3A_1083, %add3A_1084 : i32
    %get3A_1086 = arith.index_cast %add3A_1085 : i32 to index
    %get3A_1087 = memref.load %arg1[%get3A_1086] : memref<16384xi32, #tpu.memory_space<smem>>
    %add3A_1088 = arith.addi %get3A_1087, %mul3A_16 : i32
    %dma_start3A_1089 = arith.constant 89 : i32
    %dma_start3A_1090 = arith.constant 0 : i32
    %dma_start3A_1091 = tpu.memref_slice %arg3[%dma_start3A_1089, %dma_start3A_1090] : memref<128x512xf32, #tpu.memory_space<vmem>> -> memref<1x512xf32, #tpu.memory_space<vmem>>
    %dma_start3A_1092 = arith.constant 0 : i32
    %dma_start3A_1093 = tpu.memref_slice %arg2[%add3A_1088, %dma_start3A_1092] : memref<8192x512xf32, #tpu.memory_space<any>> -> memref<1x512xf32, #tpu.memory_space<any>>
    tpu.enqueue_dma source(%dma_start3A_1093 : memref<1x512xf32, #tpu.memory_space<any>>) target(%dma_start3A_1091 : memref<1x512xf32, #tpu.memory_space<vmem>>) target_semaphore(%arg4 : memref<!tpu.dma_semaphore, #tpu.memory_space<semaphore_mem>>)
    %mul3A_1094 = arith.constant 128 : i32
    %mul3A_1095 = arith.muli %arg0, %mul3A_1094 : i32
    %add3A_1096 = arith.constant 90 : i32
    %add3A_1097 = arith.addi %mul3A_1095, %add3A_1096 : i32
    %get3A_1098 = arith.index_cast %add3A_1097 : i32 to index
    %get3A_1099 = memref.load %arg1[%get3A_1098] : memref<16384xi32, #tpu.memory_space<smem>>
    %add3A_1100 = arith.addi %get3A_1099, %mul3A_16 : i32
    %dma_start3A_1101 = arith.constant 90 : i32
    %dma_start3A_1102 = arith.constant 0 : i32
    %dma_start3A_1103 = tpu.memref_slice %arg3[%dma_start3A_1101, %dma_start3A_1102] : memref<128x512xf32, #tpu.memory_space<vmem>> -> memref<1x512xf32, #tpu.memory_space<vmem>>
    %dma_start3A_1104 = arith.constant 0 : i32
    %dma_start3A_1105 = tpu.memref_slice %arg2[%add3A_1100, %dma_start3A_1104] : memref<8192x512xf32, #tpu.memory_space<any>> -> memref<1x512xf32, #tpu.memory_space<any>>
    tpu.enqueue_dma source(%dma_start3A_1105 : memref<1x512xf32, #tpu.memory_space<any>>) target(%dma_start3A_1103 : memref<1x512xf32, #tpu.memory_space<vmem>>) target_semaphore(%arg4 : memref<!tpu.dma_semaphore, #tpu.memory_space<semaphore_mem>>)
    %mul3A_1106 = arith.constant 128 : i32
    %mul3A_1107 = arith.muli %arg0, %mul3A_1106 : i32
    %add3A_1108 = arith.constant 91 : i32
    %add3A_1109 = arith.addi %mul3A_1107, %add3A_1108 : i32
    %get3A_1110 = arith.index_cast %add3A_1109 : i32 to index
    %get3A_1111 = memref.load %arg1[%get3A_1110] : memref<16384xi32, #tpu.memory_space<smem>>
    %add3A_1112 = arith.addi %get3A_1111, %mul3A_16 : i32
    %dma_start3A_1113 = arith.constant 91 : i32
    %dma_start3A_1114 = arith.constant 0 : i32
    %dma_start3A_1115 = tpu.memref_slice %arg3[%dma_start3A_1113, %dma_start3A_1114] : memref<128x512xf32, #tpu.memory_space<vmem>> -> memref<1x512xf32, #tpu.memory_space<vmem>>
    %dma_start3A_1116 = arith.constant 0 : i32
    %dma_start3A_1117 = tpu.memref_slice %arg2[%add3A_1112, %dma_start3A_1116] : memref<8192x512xf32, #tpu.memory_space<any>> -> memref<1x512xf32, #tpu.memory_space<any>>
    tpu.enqueue_dma source(%dma_start3A_1117 : memref<1x512xf32, #tpu.memory_space<any>>) target(%dma_start3A_1115 : memref<1x512xf32, #tpu.memory_space<vmem>>) target_semaphore(%arg4 : memref<!tpu.dma_semaphore, #tpu.memory_space<semaphore_mem>>)
    %mul3A_1118 = arith.constant 128 : i32
    %mul3A_1119 = arith.muli %arg0, %mul3A_1118 : i32
    %add3A_1120 = arith.constant 92 : i32
    %add3A_1121 = arith.addi %mul3A_1119, %add3A_1120 : i32
    %get3A_1122 = arith.index_cast %add3A_1121 : i32 to index
    %get3A_1123 = memref.load %arg1[%get3A_1122] : memref<16384xi32, #tpu.memory_space<smem>>
    %add3A_1124 = arith.addi %get3A_1123, %mul3A_16 : i32
    %dma_start3A_1125 = arith.constant 92 : i32
    %dma_start3A_1126 = arith.constant 0 : i32
    %dma_start3A_1127 = tpu.memref_slice %arg3[%dma_start3A_1125, %dma_start3A_1126] : memref<128x512xf32, #tpu.memory_space<vmem>> -> memref<1x512xf32, #tpu.memory_space<vmem>>
    %dma_start3A_1128 = arith.constant 0 : i32
    %dma_start3A_1129 = tpu.memref_slice %arg2[%add3A_1124, %dma_start3A_1128] : memref<8192x512xf32, #tpu.memory_space<any>> -> memref<1x512xf32, #tpu.memory_space<any>>
    tpu.enqueue_dma source(%dma_start3A_1129 : memref<1x512xf32, #tpu.memory_space<any>>) target(%dma_start3A_1127 : memref<1x512xf32, #tpu.memory_space<vmem>>) target_semaphore(%arg4 : memref<!tpu.dma_semaphore, #tpu.memory_space<semaphore_mem>>)
    %mul3A_1130 = arith.constant 128 : i32
    %mul3A_1131 = arith.muli %arg0, %mul3A_1130 : i32
    %add3A_1132 = arith.constant 93 : i32
    %add3A_1133 = arith.addi %mul3A_1131, %add3A_1132 : i32
    %get3A_1134 = arith.index_cast %add3A_1133 : i32 to index
    %get3A_1135 = memref.load %arg1[%get3A_1134] : memref<16384xi32, #tpu.memory_space<smem>>
    %add3A_1136 = arith.addi %get3A_1135, %mul3A_16 : i32
    %dma_start3A_1137 = arith.constant 93 : i32
    %dma_start3A_1138 = arith.constant 0 : i32
    %dma_start3A_1139 = tpu.memref_slice %arg3[%dma_start3A_1137, %dma_start3A_1138] : memref<128x512xf32, #tpu.memory_space<vmem>> -> memref<1x512xf32, #tpu.memory_space<vmem>>
    %dma_start3A_1140 = arith.constant 0 : i32
    %dma_start3A_1141 = tpu.memref_slice %arg2[%add3A_1136, %dma_start3A_1140] : memref<8192x512xf32, #tpu.memory_space<any>> -> memref<1x512xf32, #tpu.memory_space<any>>
    tpu.enqueue_dma source(%dma_start3A_1141 : memref<1x512xf32, #tpu.memory_space<any>>) target(%dma_start3A_1139 : memref<1x512xf32, #tpu.memory_space<vmem>>) target_semaphore(%arg4 : memref<!tpu.dma_semaphore, #tpu.memory_space<semaphore_mem>>)
    %mul3A_1142 = arith.constant 128 : i32
    %mul3A_1143 = arith.muli %arg0, %mul3A_1142 : i32
    %add3A_1144 = arith.constant 94 : i32
    %add3A_1145 = arith.addi %mul3A_1143, %add3A_1144 : i32
    %get3A_1146 = arith.index_cast %add3A_1145 : i32 to index
    %get3A_1147 = memref.load %arg1[%get3A_1146] : memref<16384xi32, #tpu.memory_space<smem>>
    %add3A_1148 = arith.addi %get3A_1147, %mul3A_16 : i32
    %dma_start3A_1149 = arith.constant 94 : i32
    %dma_start3A_1150 = arith.constant 0 : i32
    %dma_start3A_1151 = tpu.memref_slice %arg3[%dma_start3A_1149, %dma_start3A_1150] : memref<128x512xf32, #tpu.memory_space<vmem>> -> memref<1x512xf32, #tpu.memory_space<vmem>>
    %dma_start3A_1152 = arith.constant 0 : i32
    %dma_start3A_1153 = tpu.memref_slice %arg2[%add3A_1148, %dma_start3A_1152] : memref<8192x512xf32, #tpu.memory_space<any>> -> memref<1x512xf32, #tpu.memory_space<any>>
    tpu.enqueue_dma source(%dma_start3A_1153 : memref<1x512xf32, #tpu.memory_space<any>>) target(%dma_start3A_1151 : memref<1x512xf32, #tpu.memory_space<vmem>>) target_semaphore(%arg4 : memref<!tpu.dma_semaphore, #tpu.memory_space<semaphore_mem>>)
    %mul3A_1154 = arith.constant 128 : i32
    %mul3A_1155 = arith.muli %arg0, %mul3A_1154 : i32
    %add3A_1156 = arith.constant 95 : i32
    %add3A_1157 = arith.addi %mul3A_1155, %add3A_1156 : i32
    %get3A_1158 = arith.index_cast %add3A_1157 : i32 to index
    %get3A_1159 = memref.load %arg1[%get3A_1158] : memref<16384xi32, #tpu.memory_space<smem>>
    %add3A_1160 = arith.addi %get3A_1159, %mul3A_16 : i32
    %dma_start3A_1161 = arith.constant 95 : i32
    %dma_start3A_1162 = arith.constant 0 : i32
    %dma_start3A_1163 = tpu.memref_slice %arg3[%dma_start3A_1161, %dma_start3A_1162] : memref<128x512xf32, #tpu.memory_space<vmem>> -> memref<1x512xf32, #tpu.memory_space<vmem>>
    %dma_start3A_1164 = arith.constant 0 : i32
    %dma_start3A_1165 = tpu.memref_slice %arg2[%add3A_1160, %dma_start3A_1164] : memref<8192x512xf32, #tpu.memory_space<any>> -> memref<1x512xf32, #tpu.memory_space<any>>
    tpu.enqueue_dma source(%dma_start3A_1165 : memref<1x512xf32, #tpu.memory_space<any>>) target(%dma_start3A_1163 : memref<1x512xf32, #tpu.memory_space<vmem>>) target_semaphore(%arg4 : memref<!tpu.dma_semaphore, #tpu.memory_space<semaphore_mem>>)
    %mul3A_1166 = arith.constant 128 : i32
    %mul3A_1167 = arith.muli %arg0, %mul3A_1166 : i32
    %add3A_1168 = arith.constant 96 : i32
    %add3A_1169 = arith.addi %mul3A_1167, %add3A_1168 : i32
    %get3A_1170 = arith.index_cast %add3A_1169 : i32 to index
    %get3A_1171 = memref.load %arg1[%get3A_1170] : memref<16384xi32, #tpu.memory_space<smem>>
    %add3A_1172 = arith.addi %get3A_1171, %mul3A_16 : i32
    %dma_start3A_1173 = arith.constant 96 : i32
    %dma_start3A_1174 = arith.constant 0 : i32
    %dma_start3A_1175 = tpu.memref_slice %arg3[%dma_start3A_1173, %dma_start3A_1174] : memref<128x512xf32, #tpu.memory_space<vmem>> -> memref<1x512xf32, #tpu.memory_space<vmem>>
    %dma_start3A_1176 = arith.constant 0 : i32
    %dma_start3A_1177 = tpu.memref_slice %arg2[%add3A_1172, %dma_start3A_1176] : memref<8192x512xf32, #tpu.memory_space<any>> -> memref<1x512xf32, #tpu.memory_space<any>>
    tpu.enqueue_dma source(%dma_start3A_1177 : memref<1x512xf32, #tpu.memory_space<any>>) target(%dma_start3A_1175 : memref<1x512xf32, #tpu.memory_space<vmem>>) target_semaphore(%arg4 : memref<!tpu.dma_semaphore, #tpu.memory_space<semaphore_mem>>)
    %mul3A_1178 = arith.constant 128 : i32
    %mul3A_1179 = arith.muli %arg0, %mul3A_1178 : i32
    %add3A_1180 = arith.constant 97 : i32
    %add3A_1181 = arith.addi %mul3A_1179, %add3A_1180 : i32
    %get3A_1182 = arith.index_cast %add3A_1181 : i32 to index
    %get3A_1183 = memref.load %arg1[%get3A_1182] : memref<16384xi32, #tpu.memory_space<smem>>
    %add3A_1184 = arith.addi %get3A_1183, %mul3A_16 : i32
    %dma_start3A_1185 = arith.constant 97 : i32
    %dma_start3A_1186 = arith.constant 0 : i32
    %dma_start3A_1187 = tpu.memref_slice %arg3[%dma_start3A_1185, %dma_start3A_1186] : memref<128x512xf32, #tpu.memory_space<vmem>> -> memref<1x512xf32, #tpu.memory_space<vmem>>
    %dma_start3A_1188 = arith.constant 0 : i32
    %dma_start3A_1189 = tpu.memref_slice %arg2[%add3A_1184, %dma_start3A_1188] : memref<8192x512xf32, #tpu.memory_space<any>> -> memref<1x512xf32, #tpu.memory_space<any>>
    tpu.enqueue_dma source(%dma_start3A_1189 : memref<1x512xf32, #tpu.memory_space<any>>) target(%dma_start3A_1187 : memref<1x512xf32, #tpu.memory_space<vmem>>) target_semaphore(%arg4 : memref<!tpu.dma_semaphore, #tpu.memory_space<semaphore_mem>>)
    %mul3A_1190 = arith.constant 128 : i32
    %mul3A_1191 = arith.muli %arg0, %mul3A_1190 : i32
    %add3A_1192 = arith.constant 98 : i32
    %add3A_1193 = arith.addi %mul3A_1191, %add3A_1192 : i32
    %get3A_1194 = arith.index_cast %add3A_1193 : i32 to index
    %get3A_1195 = memref.load %arg1[%get3A_1194] : memref<16384xi32, #tpu.memory_space<smem>>
    %add3A_1196 = arith.addi %get3A_1195, %mul3A_16 : i32
    %dma_start3A_1197 = arith.constant 98 : i32
    %dma_start3A_1198 = arith.constant 0 : i32
    %dma_start3A_1199 = tpu.memref_slice %arg3[%dma_start3A_1197, %dma_start3A_1198] : memref<128x512xf32, #tpu.memory_space<vmem>> -> memref<1x512xf32, #tpu.memory_space<vmem>>
    %dma_start3A_1200 = arith.constant 0 : i32
    %dma_start3A_1201 = tpu.memref_slice %arg2[%add3A_1196, %dma_start3A_1200] : memref<8192x512xf32, #tpu.memory_space<any>> -> memref<1x512xf32, #tpu.memory_space<any>>
    tpu.enqueue_dma source(%dma_start3A_1201 : memref<1x512xf32, #tpu.memory_space<any>>) target(%dma_start3A_1199 : memref<1x512xf32, #tpu.memory_space<vmem>>) target_semaphore(%arg4 : memref<!tpu.dma_semaphore, #tpu.memory_space<semaphore_mem>>)
    %mul3A_1202 = arith.constant 128 : i32
    %mul3A_1203 = arith.muli %arg0, %mul3A_1202 : i32
    %add3A_1204 = arith.constant 99 : i32
    %add3A_1205 = arith.addi %mul3A_1203, %add3A_1204 : i32
    %get3A_1206 = arith.index_cast %add3A_1205 : i32 to index
    %get3A_1207 = memref.load %arg1[%get3A_1206] : memref<16384xi32, #tpu.memory_space<smem>>
    %add3A_1208 = arith.addi %get3A_1207, %mul3A_16 : i32
    %dma_start3A_1209 = arith.constant 99 : i32
    %dma_start3A_1210 = arith.constant 0 : i32
    %dma_start3A_1211 = tpu.memref_slice %arg3[%dma_start3A_1209, %dma_start3A_1210] : memref<128x512xf32, #tpu.memory_space<vmem>> -> memref<1x512xf32, #tpu.memory_space<vmem>>
    %dma_start3A_1212 = arith.constant 0 : i32
    %dma_start3A_1213 = tpu.memref_slice %arg2[%add3A_1208, %dma_start3A_1212] : memref<8192x512xf32, #tpu.memory_space<any>> -> memref<1x512xf32, #tpu.memory_space<any>>
    tpu.enqueue_dma source(%dma_start3A_1213 : memref<1x512xf32, #tpu.memory_space<any>>) target(%dma_start3A_1211 : memref<1x512xf32, #tpu.memory_space<vmem>>) target_semaphore(%arg4 : memref<!tpu.dma_semaphore, #tpu.memory_space<semaphore_mem>>)
    %mul3A_1214 = arith.constant 128 : i32
    %mul3A_1215 = arith.muli %arg0, %mul3A_1214 : i32
    %add3A_1216 = arith.constant 100 : i32
    %add3A_1217 = arith.addi %mul3A_1215, %add3A_1216 : i32
    %get3A_1218 = arith.index_cast %add3A_1217 : i32 to index
    %get3A_1219 = memref.load %arg1[%get3A_1218] : memref<16384xi32, #tpu.memory_space<smem>>
    %add3A_1220 = arith.addi %get3A_1219, %mul3A_16 : i32
    %dma_start3A_1221 = arith.constant 100 : i32
    %dma_start3A_1222 = arith.constant 0 : i32
    %dma_start3A_1223 = tpu.memref_slice %arg3[%dma_start3A_1221, %dma_start3A_1222] : memref<128x512xf32, #tpu.memory_space<vmem>> -> memref<1x512xf32, #tpu.memory_space<vmem>>
    %dma_start3A_1224 = arith.constant 0 : i32
    %dma_start3A_1225 = tpu.memref_slice %arg2[%add3A_1220, %dma_start3A_1224] : memref<8192x512xf32, #tpu.memory_space<any>> -> memref<1x512xf32, #tpu.memory_space<any>>
    tpu.enqueue_dma source(%dma_start3A_1225 : memref<1x512xf32, #tpu.memory_space<any>>) target(%dma_start3A_1223 : memref<1x512xf32, #tpu.memory_space<vmem>>) target_semaphore(%arg4 : memref<!tpu.dma_semaphore, #tpu.memory_space<semaphore_mem>>)
    %mul3A_1226 = arith.constant 128 : i32
    %mul3A_1227 = arith.muli %arg0, %mul3A_1226 : i32
    %add3A_1228 = arith.constant 101 : i32
    %add3A_1229 = arith.addi %mul3A_1227, %add3A_1228 : i32
    %get3A_1230 = arith.index_cast %add3A_1229 : i32 to index
    %get3A_1231 = memref.load %arg1[%get3A_1230] : memref<16384xi32, #tpu.memory_space<smem>>
    %add3A_1232 = arith.addi %get3A_1231, %mul3A_16 : i32
    %dma_start3A_1233 = arith.constant 101 : i32
    %dma_start3A_1234 = arith.constant 0 : i32
    %dma_start3A_1235 = tpu.memref_slice %arg3[%dma_start3A_1233, %dma_start3A_1234] : memref<128x512xf32, #tpu.memory_space<vmem>> -> memref<1x512xf32, #tpu.memory_space<vmem>>
    %dma_start3A_1236 = arith.constant 0 : i32
    %dma_start3A_1237 = tpu.memref_slice %arg2[%add3A_1232, %dma_start3A_1236] : memref<8192x512xf32, #tpu.memory_space<any>> -> memref<1x512xf32, #tpu.memory_space<any>>
    tpu.enqueue_dma source(%dma_start3A_1237 : memref<1x512xf32, #tpu.memory_space<any>>) target(%dma_start3A_1235 : memref<1x512xf32, #tpu.memory_space<vmem>>) target_semaphore(%arg4 : memref<!tpu.dma_semaphore, #tpu.memory_space<semaphore_mem>>)
    %mul3A_1238 = arith.constant 128 : i32
    %mul3A_1239 = arith.muli %arg0, %mul3A_1238 : i32
    %add3A_1240 = arith.constant 102 : i32
    %add3A_1241 = arith.addi %mul3A_1239, %add3A_1240 : i32
    %get3A_1242 = arith.index_cast %add3A_1241 : i32 to index
    %get3A_1243 = memref.load %arg1[%get3A_1242] : memref<16384xi32, #tpu.memory_space<smem>>
    %add3A_1244 = arith.addi %get3A_1243, %mul3A_16 : i32
    %dma_start3A_1245 = arith.constant 102 : i32
    %dma_start3A_1246 = arith.constant 0 : i32
    %dma_start3A_1247 = tpu.memref_slice %arg3[%dma_start3A_1245, %dma_start3A_1246] : memref<128x512xf32, #tpu.memory_space<vmem>> -> memref<1x512xf32, #tpu.memory_space<vmem>>
    %dma_start3A_1248 = arith.constant 0 : i32
    %dma_start3A_1249 = tpu.memref_slice %arg2[%add3A_1244, %dma_start3A_1248] : memref<8192x512xf32, #tpu.memory_space<any>> -> memref<1x512xf32, #tpu.memory_space<any>>
    tpu.enqueue_dma source(%dma_start3A_1249 : memref<1x512xf32, #tpu.memory_space<any>>) target(%dma_start3A_1247 : memref<1x512xf32, #tpu.memory_space<vmem>>) target_semaphore(%arg4 : memref<!tpu.dma_semaphore, #tpu.memory_space<semaphore_mem>>)
    %mul3A_1250 = arith.constant 128 : i32
    %mul3A_1251 = arith.muli %arg0, %mul3A_1250 : i32
    %add3A_1252 = arith.constant 103 : i32
    %add3A_1253 = arith.addi %mul3A_1251, %add3A_1252 : i32
    %get3A_1254 = arith.index_cast %add3A_1253 : i32 to index
    %get3A_1255 = memref.load %arg1[%get3A_1254] : memref<16384xi32, #tpu.memory_space<smem>>
    %add3A_1256 = arith.addi %get3A_1255, %mul3A_16 : i32
    %dma_start3A_1257 = arith.constant 103 : i32
    %dma_start3A_1258 = arith.constant 0 : i32
    %dma_start3A_1259 = tpu.memref_slice %arg3[%dma_start3A_1257, %dma_start3A_1258] : memref<128x512xf32, #tpu.memory_space<vmem>> -> memref<1x512xf32, #tpu.memory_space<vmem>>
    %dma_start3A_1260 = arith.constant 0 : i32
    %dma_start3A_1261 = tpu.memref_slice %arg2[%add3A_1256, %dma_start3A_1260] : memref<8192x512xf32, #tpu.memory_space<any>> -> memref<1x512xf32, #tpu.memory_space<any>>
    tpu.enqueue_dma source(%dma_start3A_1261 : memref<1x512xf32, #tpu.memory_space<any>>) target(%dma_start3A_1259 : memref<1x512xf32, #tpu.memory_space<vmem>>) target_semaphore(%arg4 : memref<!tpu.dma_semaphore, #tpu.memory_space<semaphore_mem>>)
    %mul3A_1262 = arith.constant 128 : i32
    %mul3A_1263 = arith.muli %arg0, %mul3A_1262 : i32
    %add3A_1264 = arith.constant 104 : i32
    %add3A_1265 = arith.addi %mul3A_1263, %add3A_1264 : i32
    %get3A_1266 = arith.index_cast %add3A_1265 : i32 to index
    %get3A_1267 = memref.load %arg1[%get3A_1266] : memref<16384xi32, #tpu.memory_space<smem>>
    %add3A_1268 = arith.addi %get3A_1267, %mul3A_16 : i32
    %dma_start3A_1269 = arith.constant 104 : i32
    %dma_start3A_1270 = arith.constant 0 : i32
    %dma_start3A_1271 = tpu.memref_slice %arg3[%dma_start3A_1269, %dma_start3A_1270] : memref<128x512xf32, #tpu.memory_space<vmem>> -> memref<1x512xf32, #tpu.memory_space<vmem>>
    %dma_start3A_1272 = arith.constant 0 : i32
    %dma_start3A_1273 = tpu.memref_slice %arg2[%add3A_1268, %dma_start3A_1272] : memref<8192x512xf32, #tpu.memory_space<any>> -> memref<1x512xf32, #tpu.memory_space<any>>
    tpu.enqueue_dma source(%dma_start3A_1273 : memref<1x512xf32, #tpu.memory_space<any>>) target(%dma_start3A_1271 : memref<1x512xf32, #tpu.memory_space<vmem>>) target_semaphore(%arg4 : memref<!tpu.dma_semaphore, #tpu.memory_space<semaphore_mem>>)
    %mul3A_1274 = arith.constant 128 : i32
    %mul3A_1275 = arith.muli %arg0, %mul3A_1274 : i32
    %add3A_1276 = arith.constant 105 : i32
    %add3A_1277 = arith.addi %mul3A_1275, %add3A_1276 : i32
    %get3A_1278 = arith.index_cast %add3A_1277 : i32 to index
    %get3A_1279 = memref.load %arg1[%get3A_1278] : memref<16384xi32, #tpu.memory_space<smem>>
    %add3A_1280 = arith.addi %get3A_1279, %mul3A_16 : i32
    %dma_start3A_1281 = arith.constant 105 : i32
    %dma_start3A_1282 = arith.constant 0 : i32
    %dma_start3A_1283 = tpu.memref_slice %arg3[%dma_start3A_1281, %dma_start3A_1282] : memref<128x512xf32, #tpu.memory_space<vmem>> -> memref<1x512xf32, #tpu.memory_space<vmem>>
    %dma_start3A_1284 = arith.constant 0 : i32
    %dma_start3A_1285 = tpu.memref_slice %arg2[%add3A_1280, %dma_start3A_1284] : memref<8192x512xf32, #tpu.memory_space<any>> -> memref<1x512xf32, #tpu.memory_space<any>>
    tpu.enqueue_dma source(%dma_start3A_1285 : memref<1x512xf32, #tpu.memory_space<any>>) target(%dma_start3A_1283 : memref<1x512xf32, #tpu.memory_space<vmem>>) target_semaphore(%arg4 : memref<!tpu.dma_semaphore, #tpu.memory_space<semaphore_mem>>)
    %mul3A_1286 = arith.constant 128 : i32
    %mul3A_1287 = arith.muli %arg0, %mul3A_1286 : i32
    %add3A_1288 = arith.constant 106 : i32
    %add3A_1289 = arith.addi %mul3A_1287, %add3A_1288 : i32
    %get3A_1290 = arith.index_cast %add3A_1289 : i32 to index
    %get3A_1291 = memref.load %arg1[%get3A_1290] : memref<16384xi32, #tpu.memory_space<smem>>
    %add3A_1292 = arith.addi %get3A_1291, %mul3A_16 : i32
    %dma_start3A_1293 = arith.constant 106 : i32
    %dma_start3A_1294 = arith.constant 0 : i32
    %dma_start3A_1295 = tpu.memref_slice %arg3[%dma_start3A_1293, %dma_start3A_1294] : memref<128x512xf32, #tpu.memory_space<vmem>> -> memref<1x512xf32, #tpu.memory_space<vmem>>
    %dma_start3A_1296 = arith.constant 0 : i32
    %dma_start3A_1297 = tpu.memref_slice %arg2[%add3A_1292, %dma_start3A_1296] : memref<8192x512xf32, #tpu.memory_space<any>> -> memref<1x512xf32, #tpu.memory_space<any>>
    tpu.enqueue_dma source(%dma_start3A_1297 : memref<1x512xf32, #tpu.memory_space<any>>) target(%dma_start3A_1295 : memref<1x512xf32, #tpu.memory_space<vmem>>) target_semaphore(%arg4 : memref<!tpu.dma_semaphore, #tpu.memory_space<semaphore_mem>>)
    %mul3A_1298 = arith.constant 128 : i32
    %mul3A_1299 = arith.muli %arg0, %mul3A_1298 : i32
    %add3A_1300 = arith.constant 107 : i32
    %add3A_1301 = arith.addi %mul3A_1299, %add3A_1300 : i32
    %get3A_1302 = arith.index_cast %add3A_1301 : i32 to index
    %get3A_1303 = memref.load %arg1[%get3A_1302] : memref<16384xi32, #tpu.memory_space<smem>>
    %add3A_1304 = arith.addi %get3A_1303, %mul3A_16 : i32
    %dma_start3A_1305 = arith.constant 107 : i32
    %dma_start3A_1306 = arith.constant 0 : i32
    %dma_start3A_1307 = tpu.memref_slice %arg3[%dma_start3A_1305, %dma_start3A_1306] : memref<128x512xf32, #tpu.memory_space<vmem>> -> memref<1x512xf32, #tpu.memory_space<vmem>>
    %dma_start3A_1308 = arith.constant 0 : i32
    %dma_start3A_1309 = tpu.memref_slice %arg2[%add3A_1304, %dma_start3A_1308] : memref<8192x512xf32, #tpu.memory_space<any>> -> memref<1x512xf32, #tpu.memory_space<any>>
    tpu.enqueue_dma source(%dma_start3A_1309 : memref<1x512xf32, #tpu.memory_space<any>>) target(%dma_start3A_1307 : memref<1x512xf32, #tpu.memory_space<vmem>>) target_semaphore(%arg4 : memref<!tpu.dma_semaphore, #tpu.memory_space<semaphore_mem>>)
    %mul3A_1310 = arith.constant 128 : i32
    %mul3A_1311 = arith.muli %arg0, %mul3A_1310 : i32
    %add3A_1312 = arith.constant 108 : i32
    %add3A_1313 = arith.addi %mul3A_1311, %add3A_1312 : i32
    %get3A_1314 = arith.index_cast %add3A_1313 : i32 to index
    %get3A_1315 = memref.load %arg1[%get3A_1314] : memref<16384xi32, #tpu.memory_space<smem>>
    %add3A_1316 = arith.addi %get3A_1315, %mul3A_16 : i32
    %dma_start3A_1317 = arith.constant 108 : i32
    %dma_start3A_1318 = arith.constant 0 : i32
    %dma_start3A_1319 = tpu.memref_slice %arg3[%dma_start3A_1317, %dma_start3A_1318] : memref<128x512xf32, #tpu.memory_space<vmem>> -> memref<1x512xf32, #tpu.memory_space<vmem>>
    %dma_start3A_1320 = arith.constant 0 : i32
    %dma_start3A_1321 = tpu.memref_slice %arg2[%add3A_1316, %dma_start3A_1320] : memref<8192x512xf32, #tpu.memory_space<any>> -> memref<1x512xf32, #tpu.memory_space<any>>
    tpu.enqueue_dma source(%dma_start3A_1321 : memref<1x512xf32, #tpu.memory_space<any>>) target(%dma_start3A_1319 : memref<1x512xf32, #tpu.memory_space<vmem>>) target_semaphore(%arg4 : memref<!tpu.dma_semaphore, #tpu.memory_space<semaphore_mem>>)
    %mul3A_1322 = arith.constant 128 : i32
    %mul3A_1323 = arith.muli %arg0, %mul3A_1322 : i32
    %add3A_1324 = arith.constant 109 : i32
    %add3A_1325 = arith.addi %mul3A_1323, %add3A_1324 : i32
    %get3A_1326 = arith.index_cast %add3A_1325 : i32 to index
    %get3A_1327 = memref.load %arg1[%get3A_1326] : memref<16384xi32, #tpu.memory_space<smem>>
    %add3A_1328 = arith.addi %get3A_1327, %mul3A_16 : i32
    %dma_start3A_1329 = arith.constant 109 : i32
    %dma_start3A_1330 = arith.constant 0 : i32
    %dma_start3A_1331 = tpu.memref_slice %arg3[%dma_start3A_1329, %dma_start3A_1330] : memref<128x512xf32, #tpu.memory_space<vmem>> -> memref<1x512xf32, #tpu.memory_space<vmem>>
    %dma_start3A_1332 = arith.constant 0 : i32
    %dma_start3A_1333 = tpu.memref_slice %arg2[%add3A_1328, %dma_start3A_1332] : memref<8192x512xf32, #tpu.memory_space<any>> -> memref<1x512xf32, #tpu.memory_space<any>>
    tpu.enqueue_dma source(%dma_start3A_1333 : memref<1x512xf32, #tpu.memory_space<any>>) target(%dma_start3A_1331 : memref<1x512xf32, #tpu.memory_space<vmem>>) target_semaphore(%arg4 : memref<!tpu.dma_semaphore, #tpu.memory_space<semaphore_mem>>)
    %mul3A_1334 = arith.constant 128 : i32
    %mul3A_1335 = arith.muli %arg0, %mul3A_1334 : i32
    %add3A_1336 = arith.constant 110 : i32
    %add3A_1337 = arith.addi %mul3A_1335, %add3A_1336 : i32
    %get3A_1338 = arith.index_cast %add3A_1337 : i32 to index
    %get3A_1339 = memref.load %arg1[%get3A_1338] : memref<16384xi32, #tpu.memory_space<smem>>
    %add3A_1340 = arith.addi %get3A_1339, %mul3A_16 : i32
    %dma_start3A_1341 = arith.constant 110 : i32
    %dma_start3A_1342 = arith.constant 0 : i32
    %dma_start3A_1343 = tpu.memref_slice %arg3[%dma_start3A_1341, %dma_start3A_1342] : memref<128x512xf32, #tpu.memory_space<vmem>> -> memref<1x512xf32, #tpu.memory_space<vmem>>
    %dma_start3A_1344 = arith.constant 0 : i32
    %dma_start3A_1345 = tpu.memref_slice %arg2[%add3A_1340, %dma_start3A_1344] : memref<8192x512xf32, #tpu.memory_space<any>> -> memref<1x512xf32, #tpu.memory_space<any>>
    tpu.enqueue_dma source(%dma_start3A_1345 : memref<1x512xf32, #tpu.memory_space<any>>) target(%dma_start3A_1343 : memref<1x512xf32, #tpu.memory_space<vmem>>) target_semaphore(%arg4 : memref<!tpu.dma_semaphore, #tpu.memory_space<semaphore_mem>>)
    %mul3A_1346 = arith.constant 128 : i32
    %mul3A_1347 = arith.muli %arg0, %mul3A_1346 : i32
    %add3A_1348 = arith.constant 111 : i32
    %add3A_1349 = arith.addi %mul3A_1347, %add3A_1348 : i32
    %get3A_1350 = arith.index_cast %add3A_1349 : i32 to index
    %get3A_1351 = memref.load %arg1[%get3A_1350] : memref<16384xi32, #tpu.memory_space<smem>>
    %add3A_1352 = arith.addi %get3A_1351, %mul3A_16 : i32
    %dma_start3A_1353 = arith.constant 111 : i32
    %dma_start3A_1354 = arith.constant 0 : i32
    %dma_start3A_1355 = tpu.memref_slice %arg3[%dma_start3A_1353, %dma_start3A_1354] : memref<128x512xf32, #tpu.memory_space<vmem>> -> memref<1x512xf32, #tpu.memory_space<vmem>>
    %dma_start3A_1356 = arith.constant 0 : i32
    %dma_start3A_1357 = tpu.memref_slice %arg2[%add3A_1352, %dma_start3A_1356] : memref<8192x512xf32, #tpu.memory_space<any>> -> memref<1x512xf32, #tpu.memory_space<any>>
    tpu.enqueue_dma source(%dma_start3A_1357 : memref<1x512xf32, #tpu.memory_space<any>>) target(%dma_start3A_1355 : memref<1x512xf32, #tpu.memory_space<vmem>>) target_semaphore(%arg4 : memref<!tpu.dma_semaphore, #tpu.memory_space<semaphore_mem>>)
    %mul3A_1358 = arith.constant 128 : i32
    %mul3A_1359 = arith.muli %arg0, %mul3A_1358 : i32
    %add3A_1360 = arith.constant 112 : i32
    %add3A_1361 = arith.addi %mul3A_1359, %add3A_1360 : i32
    %get3A_1362 = arith.index_cast %add3A_1361 : i32 to index
    %get3A_1363 = memref.load %arg1[%get3A_1362] : memref<16384xi32, #tpu.memory_space<smem>>
    %add3A_1364 = arith.addi %get3A_1363, %mul3A_16 : i32
    %dma_start3A_1365 = arith.constant 112 : i32
    %dma_start3A_1366 = arith.constant 0 : i32
    %dma_start3A_1367 = tpu.memref_slice %arg3[%dma_start3A_1365, %dma_start3A_1366] : memref<128x512xf32, #tpu.memory_space<vmem>> -> memref<1x512xf32, #tpu.memory_space<vmem>>
    %dma_start3A_1368 = arith.constant 0 : i32
    %dma_start3A_1369 = tpu.memref_slice %arg2[%add3A_1364, %dma_start3A_1368] : memref<8192x512xf32, #tpu.memory_space<any>> -> memref<1x512xf32, #tpu.memory_space<any>>
    tpu.enqueue_dma source(%dma_start3A_1369 : memref<1x512xf32, #tpu.memory_space<any>>) target(%dma_start3A_1367 : memref<1x512xf32, #tpu.memory_space<vmem>>) target_semaphore(%arg4 : memref<!tpu.dma_semaphore, #tpu.memory_space<semaphore_mem>>)
    %mul3A_1370 = arith.constant 128 : i32
    %mul3A_1371 = arith.muli %arg0, %mul3A_1370 : i32
    %add3A_1372 = arith.constant 113 : i32
    %add3A_1373 = arith.addi %mul3A_1371, %add3A_1372 : i32
    %get3A_1374 = arith.index_cast %add3A_1373 : i32 to index
    %get3A_1375 = memref.load %arg1[%get3A_1374] : memref<16384xi32, #tpu.memory_space<smem>>
    %add3A_1376 = arith.addi %get3A_1375, %mul3A_16 : i32
    %dma_start3A_1377 = arith.constant 113 : i32
    %dma_start3A_1378 = arith.constant 0 : i32
    %dma_start3A_1379 = tpu.memref_slice %arg3[%dma_start3A_1377, %dma_start3A_1378] : memref<128x512xf32, #tpu.memory_space<vmem>> -> memref<1x512xf32, #tpu.memory_space<vmem>>
    %dma_start3A_1380 = arith.constant 0 : i32
    %dma_start3A_1381 = tpu.memref_slice %arg2[%add3A_1376, %dma_start3A_1380] : memref<8192x512xf32, #tpu.memory_space<any>> -> memref<1x512xf32, #tpu.memory_space<any>>
    tpu.enqueue_dma source(%dma_start3A_1381 : memref<1x512xf32, #tpu.memory_space<any>>) target(%dma_start3A_1379 : memref<1x512xf32, #tpu.memory_space<vmem>>) target_semaphore(%arg4 : memref<!tpu.dma_semaphore, #tpu.memory_space<semaphore_mem>>)
    %mul3A_1382 = arith.constant 128 : i32
    %mul3A_1383 = arith.muli %arg0, %mul3A_1382 : i32
    %add3A_1384 = arith.constant 114 : i32
    %add3A_1385 = arith.addi %mul3A_1383, %add3A_1384 : i32
    %get3A_1386 = arith.index_cast %add3A_1385 : i32 to index
    %get3A_1387 = memref.load %arg1[%get3A_1386] : memref<16384xi32, #tpu.memory_space<smem>>
    %add3A_1388 = arith.addi %get3A_1387, %mul3A_16 : i32
    %dma_start3A_1389 = arith.constant 114 : i32
    %dma_start3A_1390 = arith.constant 0 : i32
    %dma_start3A_1391 = tpu.memref_slice %arg3[%dma_start3A_1389, %dma_start3A_1390] : memref<128x512xf32, #tpu.memory_space<vmem>> -> memref<1x512xf32, #tpu.memory_space<vmem>>
    %dma_start3A_1392 = arith.constant 0 : i32
    %dma_start3A_1393 = tpu.memref_slice %arg2[%add3A_1388, %dma_start3A_1392] : memref<8192x512xf32, #tpu.memory_space<any>> -> memref<1x512xf32, #tpu.memory_space<any>>
    tpu.enqueue_dma source(%dma_start3A_1393 : memref<1x512xf32, #tpu.memory_space<any>>) target(%dma_start3A_1391 : memref<1x512xf32, #tpu.memory_space<vmem>>) target_semaphore(%arg4 : memref<!tpu.dma_semaphore, #tpu.memory_space<semaphore_mem>>)
    %mul3A_1394 = arith.constant 128 : i32
    %mul3A_1395 = arith.muli %arg0, %mul3A_1394 : i32
    %add3A_1396 = arith.constant 115 : i32
    %add3A_1397 = arith.addi %mul3A_1395, %add3A_1396 : i32
    %get3A_1398 = arith.index_cast %add3A_1397 : i32 to index
    %get3A_1399 = memref.load %arg1[%get3A_1398] : memref<16384xi32, #tpu.memory_space<smem>>
    %add3A_1400 = arith.addi %get3A_1399, %mul3A_16 : i32
    %dma_start3A_1401 = arith.constant 115 : i32
    %dma_start3A_1402 = arith.constant 0 : i32
    %dma_start3A_1403 = tpu.memref_slice %arg3[%dma_start3A_1401, %dma_start3A_1402] : memref<128x512xf32, #tpu.memory_space<vmem>> -> memref<1x512xf32, #tpu.memory_space<vmem>>
    %dma_start3A_1404 = arith.constant 0 : i32
    %dma_start3A_1405 = tpu.memref_slice %arg2[%add3A_1400, %dma_start3A_1404] : memref<8192x512xf32, #tpu.memory_space<any>> -> memref<1x512xf32, #tpu.memory_space<any>>
    tpu.enqueue_dma source(%dma_start3A_1405 : memref<1x512xf32, #tpu.memory_space<any>>) target(%dma_start3A_1403 : memref<1x512xf32, #tpu.memory_space<vmem>>) target_semaphore(%arg4 : memref<!tpu.dma_semaphore, #tpu.memory_space<semaphore_mem>>)
    %mul3A_1406 = arith.constant 128 : i32
    %mul3A_1407 = arith.muli %arg0, %mul3A_1406 : i32
    %add3A_1408 = arith.constant 116 : i32
    %add3A_1409 = arith.addi %mul3A_1407, %add3A_1408 : i32
    %get3A_1410 = arith.index_cast %add3A_1409 : i32 to index
    %get3A_1411 = memref.load %arg1[%get3A_1410] : memref<16384xi32, #tpu.memory_space<smem>>
    %add3A_1412 = arith.addi %get3A_1411, %mul3A_16 : i32
    %dma_start3A_1413 = arith.constant 116 : i32
    %dma_start3A_1414 = arith.constant 0 : i32
    %dma_start3A_1415 = tpu.memref_slice %arg3[%dma_start3A_1413, %dma_start3A_1414] : memref<128x512xf32, #tpu.memory_space<vmem>> -> memref<1x512xf32, #tpu.memory_space<vmem>>
    %dma_start3A_1416 = arith.constant 0 : i32
    %dma_start3A_1417 = tpu.memref_slice %arg2[%add3A_1412, %dma_start3A_1416] : memref<8192x512xf32, #tpu.memory_space<any>> -> memref<1x512xf32, #tpu.memory_space<any>>
    tpu.enqueue_dma source(%dma_start3A_1417 : memref<1x512xf32, #tpu.memory_space<any>>) target(%dma_start3A_1415 : memref<1x512xf32, #tpu.memory_space<vmem>>) target_semaphore(%arg4 : memref<!tpu.dma_semaphore, #tpu.memory_space<semaphore_mem>>)
    %mul3A_1418 = arith.constant 128 : i32
    %mul3A_1419 = arith.muli %arg0, %mul3A_1418 : i32
    %add3A_1420 = arith.constant 117 : i32
    %add3A_1421 = arith.addi %mul3A_1419, %add3A_1420 : i32
    %get3A_1422 = arith.index_cast %add3A_1421 : i32 to index
    %get3A_1423 = memref.load %arg1[%get3A_1422] : memref<16384xi32, #tpu.memory_space<smem>>
    %add3A_1424 = arith.addi %get3A_1423, %mul3A_16 : i32
    %dma_start3A_1425 = arith.constant 117 : i32
    %dma_start3A_1426 = arith.constant 0 : i32
    %dma_start3A_1427 = tpu.memref_slice %arg3[%dma_start3A_1425, %dma_start3A_1426] : memref<128x512xf32, #tpu.memory_space<vmem>> -> memref<1x512xf32, #tpu.memory_space<vmem>>
    %dma_start3A_1428 = arith.constant 0 : i32
    %dma_start3A_1429 = tpu.memref_slice %arg2[%add3A_1424, %dma_start3A_1428] : memref<8192x512xf32, #tpu.memory_space<any>> -> memref<1x512xf32, #tpu.memory_space<any>>
    tpu.enqueue_dma source(%dma_start3A_1429 : memref<1x512xf32, #tpu.memory_space<any>>) target(%dma_start3A_1427 : memref<1x512xf32, #tpu.memory_space<vmem>>) target_semaphore(%arg4 : memref<!tpu.dma_semaphore, #tpu.memory_space<semaphore_mem>>)
    %mul3A_1430 = arith.constant 128 : i32
    %mul3A_1431 = arith.muli %arg0, %mul3A_1430 : i32
    %add3A_1432 = arith.constant 118 : i32
    %add3A_1433 = arith.addi %mul3A_1431, %add3A_1432 : i32
    %get3A_1434 = arith.index_cast %add3A_1433 : i32 to index
    %get3A_1435 = memref.load %arg1[%get3A_1434] : memref<16384xi32, #tpu.memory_space<smem>>
    %add3A_1436 = arith.addi %get3A_1435, %mul3A_16 : i32
    %dma_start3A_1437 = arith.constant 118 : i32
    %dma_start3A_1438 = arith.constant 0 : i32
    %dma_start3A_1439 = tpu.memref_slice %arg3[%dma_start3A_1437, %dma_start3A_1438] : memref<128x512xf32, #tpu.memory_space<vmem>> -> memref<1x512xf32, #tpu.memory_space<vmem>>
    %dma_start3A_1440 = arith.constant 0 : i32
    %dma_start3A_1441 = tpu.memref_slice %arg2[%add3A_1436, %dma_start3A_1440] : memref<8192x512xf32, #tpu.memory_space<any>> -> memref<1x512xf32, #tpu.memory_space<any>>
    tpu.enqueue_dma source(%dma_start3A_1441 : memref<1x512xf32, #tpu.memory_space<any>>) target(%dma_start3A_1439 : memref<1x512xf32, #tpu.memory_space<vmem>>) target_semaphore(%arg4 : memref<!tpu.dma_semaphore, #tpu.memory_space<semaphore_mem>>)
    %mul3A_1442 = arith.constant 128 : i32
    %mul3A_1443 = arith.muli %arg0, %mul3A_1442 : i32
    %add3A_1444 = arith.constant 119 : i32
    %add3A_1445 = arith.addi %mul3A_1443, %add3A_1444 : i32
    %get3A_1446 = arith.index_cast %add3A_1445 : i32 to index
    %get3A_1447 = memref.load %arg1[%get3A_1446] : memref<16384xi32, #tpu.memory_space<smem>>
    %add3A_1448 = arith.addi %get3A_1447, %mul3A_16 : i32
    %dma_start3A_1449 = arith.constant 119 : i32
    %dma_start3A_1450 = arith.constant 0 : i32
    %dma_start3A_1451 = tpu.memref_slice %arg3[%dma_start3A_1449, %dma_start3A_1450] : memref<128x512xf32, #tpu.memory_space<vmem>> -> memref<1x512xf32, #tpu.memory_space<vmem>>
    %dma_start3A_1452 = arith.constant 0 : i32
    %dma_start3A_1453 = tpu.memref_slice %arg2[%add3A_1448, %dma_start3A_1452] : memref<8192x512xf32, #tpu.memory_space<any>> -> memref<1x512xf32, #tpu.memory_space<any>>
    tpu.enqueue_dma source(%dma_start3A_1453 : memref<1x512xf32, #tpu.memory_space<any>>) target(%dma_start3A_1451 : memref<1x512xf32, #tpu.memory_space<vmem>>) target_semaphore(%arg4 : memref<!tpu.dma_semaphore, #tpu.memory_space<semaphore_mem>>)
    %mul3A_1454 = arith.constant 128 : i32
    %mul3A_1455 = arith.muli %arg0, %mul3A_1454 : i32
    %add3A_1456 = arith.constant 120 : i32
    %add3A_1457 = arith.addi %mul3A_1455, %add3A_1456 : i32
    %get3A_1458 = arith.index_cast %add3A_1457 : i32 to index
    %get3A_1459 = memref.load %arg1[%get3A_1458] : memref<16384xi32, #tpu.memory_space<smem>>
    %add3A_1460 = arith.addi %get3A_1459, %mul3A_16 : i32
    %dma_start3A_1461 = arith.constant 120 : i32
    %dma_start3A_1462 = arith.constant 0 : i32
    %dma_start3A_1463 = tpu.memref_slice %arg3[%dma_start3A_1461, %dma_start3A_1462] : memref<128x512xf32, #tpu.memory_space<vmem>> -> memref<1x512xf32, #tpu.memory_space<vmem>>
    %dma_start3A_1464 = arith.constant 0 : i32
    %dma_start3A_1465 = tpu.memref_slice %arg2[%add3A_1460, %dma_start3A_1464] : memref<8192x512xf32, #tpu.memory_space<any>> -> memref<1x512xf32, #tpu.memory_space<any>>
    tpu.enqueue_dma source(%dma_start3A_1465 : memref<1x512xf32, #tpu.memory_space<any>>) target(%dma_start3A_1463 : memref<1x512xf32, #tpu.memory_space<vmem>>) target_semaphore(%arg4 : memref<!tpu.dma_semaphore, #tpu.memory_space<semaphore_mem>>)
    %mul3A_1466 = arith.constant 128 : i32
    %mul3A_1467 = arith.muli %arg0, %mul3A_1466 : i32
    %add3A_1468 = arith.constant 121 : i32
    %add3A_1469 = arith.addi %mul3A_1467, %add3A_1468 : i32
    %get3A_1470 = arith.index_cast %add3A_1469 : i32 to index
    %get3A_1471 = memref.load %arg1[%get3A_1470] : memref<16384xi32, #tpu.memory_space<smem>>
    %add3A_1472 = arith.addi %get3A_1471, %mul3A_16 : i32
    %dma_start3A_1473 = arith.constant 121 : i32
    %dma_start3A_1474 = arith.constant 0 : i32
    %dma_start3A_1475 = tpu.memref_slice %arg3[%dma_start3A_1473, %dma_start3A_1474] : memref<128x512xf32, #tpu.memory_space<vmem>> -> memref<1x512xf32, #tpu.memory_space<vmem>>
    %dma_start3A_1476 = arith.constant 0 : i32
    %dma_start3A_1477 = tpu.memref_slice %arg2[%add3A_1472, %dma_start3A_1476] : memref<8192x512xf32, #tpu.memory_space<any>> -> memref<1x512xf32, #tpu.memory_space<any>>
    tpu.enqueue_dma source(%dma_start3A_1477 : memref<1x512xf32, #tpu.memory_space<any>>) target(%dma_start3A_1475 : memref<1x512xf32, #tpu.memory_space<vmem>>) target_semaphore(%arg4 : memref<!tpu.dma_semaphore, #tpu.memory_space<semaphore_mem>>)
    %mul3A_1478 = arith.constant 128 : i32
    %mul3A_1479 = arith.muli %arg0, %mul3A_1478 : i32
    %add3A_1480 = arith.constant 122 : i32
    %add3A_1481 = arith.addi %mul3A_1479, %add3A_1480 : i32
    %get3A_1482 = arith.index_cast %add3A_1481 : i32 to index
    %get3A_1483 = memref.load %arg1[%get3A_1482] : memref<16384xi32, #tpu.memory_space<smem>>
    %add3A_1484 = arith.addi %get3A_1483, %mul3A_16 : i32
    %dma_start3A_1485 = arith.constant 122 : i32
    %dma_start3A_1486 = arith.constant 0 : i32
    %dma_start3A_1487 = tpu.memref_slice %arg3[%dma_start3A_1485, %dma_start3A_1486] : memref<128x512xf32, #tpu.memory_space<vmem>> -> memref<1x512xf32, #tpu.memory_space<vmem>>
    %dma_start3A_1488 = arith.constant 0 : i32
    %dma_start3A_1489 = tpu.memref_slice %arg2[%add3A_1484, %dma_start3A_1488] : memref<8192x512xf32, #tpu.memory_space<any>> -> memref<1x512xf32, #tpu.memory_space<any>>
    tpu.enqueue_dma source(%dma_start3A_1489 : memref<1x512xf32, #tpu.memory_space<any>>) target(%dma_start3A_1487 : memref<1x512xf32, #tpu.memory_space<vmem>>) target_semaphore(%arg4 : memref<!tpu.dma_semaphore, #tpu.memory_space<semaphore_mem>>)
    %mul3A_1490 = arith.constant 128 : i32
    %mul3A_1491 = arith.muli %arg0, %mul3A_1490 : i32
    %add3A_1492 = arith.constant 123 : i32
    %add3A_1493 = arith.addi %mul3A_1491, %add3A_1492 : i32
    %get3A_1494 = arith.index_cast %add3A_1493 : i32 to index
    %get3A_1495 = memref.load %arg1[%get3A_1494] : memref<16384xi32, #tpu.memory_space<smem>>
    %add3A_1496 = arith.addi %get3A_1495, %mul3A_16 : i32
    %dma_start3A_1497 = arith.constant 123 : i32
    %dma_start3A_1498 = arith.constant 0 : i32
    %dma_start3A_1499 = tpu.memref_slice %arg3[%dma_start3A_1497, %dma_start3A_1498] : memref<128x512xf32, #tpu.memory_space<vmem>> -> memref<1x512xf32, #tpu.memory_space<vmem>>
    %dma_start3A_1500 = arith.constant 0 : i32
    %dma_start3A_1501 = tpu.memref_slice %arg2[%add3A_1496, %dma_start3A_1500] : memref<8192x512xf32, #tpu.memory_space<any>> -> memref<1x512xf32, #tpu.memory_space<any>>
    tpu.enqueue_dma source(%dma_start3A_1501 : memref<1x512xf32, #tpu.memory_space<any>>) target(%dma_start3A_1499 : memref<1x512xf32, #tpu.memory_space<vmem>>) target_semaphore(%arg4 : memref<!tpu.dma_semaphore, #tpu.memory_space<semaphore_mem>>)
    %mul3A_1502 = arith.constant 128 : i32
    %mul3A_1503 = arith.muli %arg0, %mul3A_1502 : i32
    %add3A_1504 = arith.constant 124 : i32
    %add3A_1505 = arith.addi %mul3A_1503, %add3A_1504 : i32
    %get3A_1506 = arith.index_cast %add3A_1505 : i32 to index
    %get3A_1507 = memref.load %arg1[%get3A_1506] : memref<16384xi32, #tpu.memory_space<smem>>
    %add3A_1508 = arith.addi %get3A_1507, %mul3A_16 : i32
    %dma_start3A_1509 = arith.constant 124 : i32
    %dma_start3A_1510 = arith.constant 0 : i32
    %dma_start3A_1511 = tpu.memref_slice %arg3[%dma_start3A_1509, %dma_start3A_1510] : memref<128x512xf32, #tpu.memory_space<vmem>> -> memref<1x512xf32, #tpu.memory_space<vmem>>
    %dma_start3A_1512 = arith.constant 0 : i32
    %dma_start3A_1513 = tpu.memref_slice %arg2[%add3A_1508, %dma_start3A_1512] : memref<8192x512xf32, #tpu.memory_space<any>> -> memref<1x512xf32, #tpu.memory_space<any>>
    tpu.enqueue_dma source(%dma_start3A_1513 : memref<1x512xf32, #tpu.memory_space<any>>) target(%dma_start3A_1511 : memref<1x512xf32, #tpu.memory_space<vmem>>) target_semaphore(%arg4 : memref<!tpu.dma_semaphore, #tpu.memory_space<semaphore_mem>>)
    %mul3A_1514 = arith.constant 128 : i32
    %mul3A_1515 = arith.muli %arg0, %mul3A_1514 : i32
    %add3A_1516 = arith.constant 125 : i32
    %add3A_1517 = arith.addi %mul3A_1515, %add3A_1516 : i32
    %get3A_1518 = arith.index_cast %add3A_1517 : i32 to index
    %get3A_1519 = memref.load %arg1[%get3A_1518] : memref<16384xi32, #tpu.memory_space<smem>>
    %add3A_1520 = arith.addi %get3A_1519, %mul3A_16 : i32
    %dma_start3A_1521 = arith.constant 125 : i32
    %dma_start3A_1522 = arith.constant 0 : i32
    %dma_start3A_1523 = tpu.memref_slice %arg3[%dma_start3A_1521, %dma_start3A_1522] : memref<128x512xf32, #tpu.memory_space<vmem>> -> memref<1x512xf32, #tpu.memory_space<vmem>>
    %dma_start3A_1524 = arith.constant 0 : i32
    %dma_start3A_1525 = tpu.memref_slice %arg2[%add3A_1520, %dma_start3A_1524] : memref<8192x512xf32, #tpu.memory_space<any>> -> memref<1x512xf32, #tpu.memory_space<any>>
    tpu.enqueue_dma source(%dma_start3A_1525 : memref<1x512xf32, #tpu.memory_space<any>>) target(%dma_start3A_1523 : memref<1x512xf32, #tpu.memory_space<vmem>>) target_semaphore(%arg4 : memref<!tpu.dma_semaphore, #tpu.memory_space<semaphore_mem>>)
    %mul3A_1526 = arith.constant 128 : i32
    %mul3A_1527 = arith.muli %arg0, %mul3A_1526 : i32
    %add3A_1528 = arith.constant 126 : i32
    %add3A_1529 = arith.addi %mul3A_1527, %add3A_1528 : i32
    %get3A_1530 = arith.index_cast %add3A_1529 : i32 to index
    %get3A_1531 = memref.load %arg1[%get3A_1530] : memref<16384xi32, #tpu.memory_space<smem>>
    %add3A_1532 = arith.addi %get3A_1531, %mul3A_16 : i32
    %dma_start3A_1533 = arith.constant 126 : i32
    %dma_start3A_1534 = arith.constant 0 : i32
    %dma_start3A_1535 = tpu.memref_slice %arg3[%dma_start3A_1533, %dma_start3A_1534] : memref<128x512xf32, #tpu.memory_space<vmem>> -> memref<1x512xf32, #tpu.memory_space<vmem>>
    %dma_start3A_1536 = arith.constant 0 : i32
    %dma_start3A_1537 = tpu.memref_slice %arg2[%add3A_1532, %dma_start3A_1536] : memref<8192x512xf32, #tpu.memory_space<any>> -> memref<1x512xf32, #tpu.memory_space<any>>
    tpu.enqueue_dma source(%dma_start3A_1537 : memref<1x512xf32, #tpu.memory_space<any>>) target(%dma_start3A_1535 : memref<1x512xf32, #tpu.memory_space<vmem>>) target_semaphore(%arg4 : memref<!tpu.dma_semaphore, #tpu.memory_space<semaphore_mem>>)
    %mul3A_1538 = arith.constant 128 : i32
    %mul3A_1539 = arith.muli %arg0, %mul3A_1538 : i32
    %add3A_1540 = arith.constant 127 : i32
    %add3A_1541 = arith.addi %mul3A_1539, %add3A_1540 : i32
    %get3A_1542 = arith.index_cast %add3A_1541 : i32 to index
    %get3A_1543 = memref.load %arg1[%get3A_1542] : memref<16384xi32, #tpu.memory_space<smem>>
    %add3A_1544 = arith.addi %get3A_1543, %mul3A_16 : i32
    %dma_start3A_1545 = arith.constant 127 : i32
    %dma_start3A_1546 = arith.constant 0 : i32
    %dma_start3A_1547 = tpu.memref_slice %arg3[%dma_start3A_1545, %dma_start3A_1546] : memref<128x512xf32, #tpu.memory_space<vmem>> -> memref<1x512xf32, #tpu.memory_space<vmem>>
    %dma_start3A_1548 = arith.constant 0 : i32
    %dma_start3A_1549 = tpu.memref_slice %arg2[%add3A_1544, %dma_start3A_1548] : memref<8192x512xf32, #tpu.memory_space<any>> -> memref<1x512xf32, #tpu.memory_space<any>>
    tpu.enqueue_dma source(%dma_start3A_1549 : memref<1x512xf32, #tpu.memory_space<any>>) target(%dma_start3A_1547 : memref<1x512xf32, #tpu.memory_space<vmem>>) target_semaphore(%arg4 : memref<!tpu.dma_semaphore, #tpu.memory_space<semaphore_mem>>)
    %dma_wait3A = arith.constant 0 : i32
    %dma_wait3A_1550 = arith.constant 0 : i32
    %dma_wait3A_1551 = tpu.memref_slice %arg3[%dma_wait3A, %dma_wait3A_1550] : memref<128x512xf32, #tpu.memory_space<vmem>> -> memref<1x512xf32, #tpu.memory_space<vmem>>
    %dma_wait3A_1552 = arith.constant 0 : i32
    %dma_wait3A_1553 = tpu.memref_slice %arg2[%add3A_21, %dma_wait3A_1552] : memref<8192x512xf32, #tpu.memory_space<any>> -> memref<1x512xf32, #tpu.memory_space<any>>
    tpu.wait_dma2 semaphore(%arg4 : memref<!tpu.dma_semaphore, #tpu.memory_space<semaphore_mem>>) src(%dma_wait3A_1553 : memref<1x512xf32, #tpu.memory_space<any>>) dst(%dma_wait3A_1551 : memref<1x512xf32, #tpu.memory_space<vmem>>)
    %dma_wait3A_1554 = arith.constant 1 : i32
    %dma_wait3A_1555 = arith.constant 0 : i32
    %dma_wait3A_1556 = tpu.memref_slice %arg3[%dma_wait3A_1554, %dma_wait3A_1555] : memref<128x512xf32, #tpu.memory_space<vmem>> -> memref<1x512xf32, #tpu.memory_space<vmem>>
    %dma_wait3A_1557 = arith.constant 0 : i32
    %dma_wait3A_1558 = tpu.memref_slice %arg2[%add3A_32, %dma_wait3A_1557] : memref<8192x512xf32, #tpu.memory_space<any>> -> memref<1x512xf32, #tpu.memory_space<any>>
    tpu.wait_dma2 semaphore(%arg4 : memref<!tpu.dma_semaphore, #tpu.memory_space<semaphore_mem>>) src(%dma_wait3A_1558 : memref<1x512xf32, #tpu.memory_space<any>>) dst(%dma_wait3A_1556 : memref<1x512xf32, #tpu.memory_space<vmem>>)
    %dma_wait3A_1559 = arith.constant 2 : i32
    %dma_wait3A_1560 = arith.constant 0 : i32
    %dma_wait3A_1561 = tpu.memref_slice %arg3[%dma_wait3A_1559, %dma_wait3A_1560] : memref<128x512xf32, #tpu.memory_space<vmem>> -> memref<1x512xf32, #tpu.memory_space<vmem>>
    %dma_wait3A_1562 = arith.constant 0 : i32
    %dma_wait3A_1563 = tpu.memref_slice %arg2[%add3A_44, %dma_wait3A_1562] : memref<8192x512xf32, #tpu.memory_space<any>> -> memref<1x512xf32, #tpu.memory_space<any>>
    tpu.wait_dma2 semaphore(%arg4 : memref<!tpu.dma_semaphore, #tpu.memory_space<semaphore_mem>>) src(%dma_wait3A_1563 : memref<1x512xf32, #tpu.memory_space<any>>) dst(%dma_wait3A_1561 : memref<1x512xf32, #tpu.memory_space<vmem>>)
    %dma_wait3A_1564 = arith.constant 3 : i32
    %dma_wait3A_1565 = arith.constant 0 : i32
    %dma_wait3A_1566 = tpu.memref_slice %arg3[%dma_wait3A_1564, %dma_wait3A_1565] : memref<128x512xf32, #tpu.memory_space<vmem>> -> memref<1x512xf32, #tpu.memory_space<vmem>>
    %dma_wait3A_1567 = arith.constant 0 : i32
    %dma_wait3A_1568 = tpu.memref_slice %arg2[%add3A_56, %dma_wait3A_1567] : memref<8192x512xf32, #tpu.memory_space<any>> -> memref<1x512xf32, #tpu.memory_space<any>>
    tpu.wait_dma2 semaphore(%arg4 : memref<!tpu.dma_semaphore, #tpu.memory_space<semaphore_mem>>) src(%dma_wait3A_1568 : memref<1x512xf32, #tpu.memory_space<any>>) dst(%dma_wait3A_1566 : memref<1x512xf32, #tpu.memory_space<vmem>>)
    %dma_wait3A_1569 = arith.constant 4 : i32
    %dma_wait3A_1570 = arith.constant 0 : i32
    %dma_wait3A_1571 = tpu.memref_slice %arg3[%dma_wait3A_1569, %dma_wait3A_1570] : memref<128x512xf32, #tpu.memory_space<vmem>> -> memref<1x512xf32, #tpu.memory_space<vmem>>
    %dma_wait3A_1572 = arith.constant 0 : i32
    %dma_wait3A_1573 = tpu.memref_slice %arg2[%add3A_68, %dma_wait3A_1572] : memref<8192x512xf32, #tpu.memory_space<any>> -> memref<1x512xf32, #tpu.memory_space<any>>
    tpu.wait_dma2 semaphore(%arg4 : memref<!tpu.dma_semaphore, #tpu.memory_space<semaphore_mem>>) src(%dma_wait3A_1573 : memref<1x512xf32, #tpu.memory_space<any>>) dst(%dma_wait3A_1571 : memref<1x512xf32, #tpu.memory_space<vmem>>)
    %dma_wait3A_1574 = arith.constant 5 : i32
    %dma_wait3A_1575 = arith.constant 0 : i32
    %dma_wait3A_1576 = tpu.memref_slice %arg3[%dma_wait3A_1574, %dma_wait3A_1575] : memref<128x512xf32, #tpu.memory_space<vmem>> -> memref<1x512xf32, #tpu.memory_space<vmem>>
    %dma_wait3A_1577 = arith.constant 0 : i32
    %dma_wait3A_1578 = tpu.memref_slice %arg2[%add3A_80, %dma_wait3A_1577] : memref<8192x512xf32, #tpu.memory_space<any>> -> memref<1x512xf32, #tpu.memory_space<any>>
    tpu.wait_dma2 semaphore(%arg4 : memref<!tpu.dma_semaphore, #tpu.memory_space<semaphore_mem>>) src(%dma_wait3A_1578 : memref<1x512xf32, #tpu.memory_space<any>>) dst(%dma_wait3A_1576 : memref<1x512xf32, #tpu.memory_space<vmem>>)
    %dma_wait3A_1579 = arith.constant 6 : i32
    %dma_wait3A_1580 = arith.constant 0 : i32
    %dma_wait3A_1581 = tpu.memref_slice %arg3[%dma_wait3A_1579, %dma_wait3A_1580] : memref<128x512xf32, #tpu.memory_space<vmem>> -> memref<1x512xf32, #tpu.memory_space<vmem>>
    %dma_wait3A_1582 = arith.constant 0 : i32
    %dma_wait3A_1583 = tpu.memref_slice %arg2[%add3A_92, %dma_wait3A_1582] : memref<8192x512xf32, #tpu.memory_space<any>> -> memref<1x512xf32, #tpu.memory_space<any>>
    tpu.wait_dma2 semaphore(%arg4 : memref<!tpu.dma_semaphore, #tpu.memory_space<semaphore_mem>>) src(%dma_wait3A_1583 : memref<1x512xf32, #tpu.memory_space<any>>) dst(%dma_wait3A_1581 : memref<1x512xf32, #tpu.memory_space<vmem>>)
    %dma_wait3A_1584 = arith.constant 7 : i32
    %dma_wait3A_1585 = arith.constant 0 : i32
    %dma_wait3A_1586 = tpu.memref_slice %arg3[%dma_wait3A_1584, %dma_wait3A_1585] : memref<128x512xf32, #tpu.memory_space<vmem>> -> memref<1x512xf32, #tpu.memory_space<vmem>>
    %dma_wait3A_1587 = arith.constant 0 : i32
    %dma_wait3A_1588 = tpu.memref_slice %arg2[%add3A_104, %dma_wait3A_1587] : memref<8192x512xf32, #tpu.memory_space<any>> -> memref<1x512xf32, #tpu.memory_space<any>>
    tpu.wait_dma2 semaphore(%arg4 : memref<!tpu.dma_semaphore, #tpu.memory_space<semaphore_mem>>) src(%dma_wait3A_1588 : memref<1x512xf32, #tpu.memory_space<any>>) dst(%dma_wait3A_1586 : memref<1x512xf32, #tpu.memory_space<vmem>>)
    %dma_wait3A_1589 = arith.constant 8 : i32
    %dma_wait3A_1590 = arith.constant 0 : i32
    %dma_wait3A_1591 = tpu.memref_slice %arg3[%dma_wait3A_1589, %dma_wait3A_1590] : memref<128x512xf32, #tpu.memory_space<vmem>> -> memref<1x512xf32, #tpu.memory_space<vmem>>
    %dma_wait3A_1592 = arith.constant 0 : i32
    %dma_wait3A_1593 = tpu.memref_slice %arg2[%add3A_116, %dma_wait3A_1592] : memref<8192x512xf32, #tpu.memory_space<any>> -> memref<1x512xf32, #tpu.memory_space<any>>
    tpu.wait_dma2 semaphore(%arg4 : memref<!tpu.dma_semaphore, #tpu.memory_space<semaphore_mem>>) src(%dma_wait3A_1593 : memref<1x512xf32, #tpu.memory_space<any>>) dst(%dma_wait3A_1591 : memref<1x512xf32, #tpu.memory_space<vmem>>)
    %dma_wait3A_1594 = arith.constant 9 : i32
    %dma_wait3A_1595 = arith.constant 0 : i32
    %dma_wait3A_1596 = tpu.memref_slice %arg3[%dma_wait3A_1594, %dma_wait3A_1595] : memref<128x512xf32, #tpu.memory_space<vmem>> -> memref<1x512xf32, #tpu.memory_space<vmem>>
    %dma_wait3A_1597 = arith.constant 0 : i32
    %dma_wait3A_1598 = tpu.memref_slice %arg2[%add3A_128, %dma_wait3A_1597] : memref<8192x512xf32, #tpu.memory_space<any>> -> memref<1x512xf32, #tpu.memory_space<any>>
    tpu.wait_dma2 semaphore(%arg4 : memref<!tpu.dma_semaphore, #tpu.memory_space<semaphore_mem>>) src(%dma_wait3A_1598 : memref<1x512xf32, #tpu.memory_space<any>>) dst(%dma_wait3A_1596 : memref<1x512xf32, #tpu.memory_space<vmem>>)
    %dma_wait3A_1599 = arith.constant 10 : i32
    %dma_wait3A_1600 = arith.constant 0 : i32
    %dma_wait3A_1601 = tpu.memref_slice %arg3[%dma_wait3A_1599, %dma_wait3A_1600] : memref<128x512xf32, #tpu.memory_space<vmem>> -> memref<1x512xf32, #tpu.memory_space<vmem>>
    %dma_wait3A_1602 = arith.constant 0 : i32
    %dma_wait3A_1603 = tpu.memref_slice %arg2[%add3A_140, %dma_wait3A_1602] : memref<8192x512xf32, #tpu.memory_space<any>> -> memref<1x512xf32, #tpu.memory_space<any>>
    tpu.wait_dma2 semaphore(%arg4 : memref<!tpu.dma_semaphore, #tpu.memory_space<semaphore_mem>>) src(%dma_wait3A_1603 : memref<1x512xf32, #tpu.memory_space<any>>) dst(%dma_wait3A_1601 : memref<1x512xf32, #tpu.memory_space<vmem>>)
    %dma_wait3A_1604 = arith.constant 11 : i32
    %dma_wait3A_1605 = arith.constant 0 : i32
    %dma_wait3A_1606 = tpu.memref_slice %arg3[%dma_wait3A_1604, %dma_wait3A_1605] : memref<128x512xf32, #tpu.memory_space<vmem>> -> memref<1x512xf32, #tpu.memory_space<vmem>>
    %dma_wait3A_1607 = arith.constant 0 : i32
    %dma_wait3A_1608 = tpu.memref_slice %arg2[%add3A_152, %dma_wait3A_1607] : memref<8192x512xf32, #tpu.memory_space<any>> -> memref<1x512xf32, #tpu.memory_space<any>>
    tpu.wait_dma2 semaphore(%arg4 : memref<!tpu.dma_semaphore, #tpu.memory_space<semaphore_mem>>) src(%dma_wait3A_1608 : memref<1x512xf32, #tpu.memory_space<any>>) dst(%dma_wait3A_1606 : memref<1x512xf32, #tpu.memory_space<vmem>>)
    %dma_wait3A_1609 = arith.constant 12 : i32
    %dma_wait3A_1610 = arith.constant 0 : i32
    %dma_wait3A_1611 = tpu.memref_slice %arg3[%dma_wait3A_1609, %dma_wait3A_1610] : memref<128x512xf32, #tpu.memory_space<vmem>> -> memref<1x512xf32, #tpu.memory_space<vmem>>
    %dma_wait3A_1612 = arith.constant 0 : i32
    %dma_wait3A_1613 = tpu.memref_slice %arg2[%add3A_164, %dma_wait3A_1612] : memref<8192x512xf32, #tpu.memory_space<any>> -> memref<1x512xf32, #tpu.memory_space<any>>
    tpu.wait_dma2 semaphore(%arg4 : memref<!tpu.dma_semaphore, #tpu.memory_space<semaphore_mem>>) src(%dma_wait3A_1613 : memref<1x512xf32, #tpu.memory_space<any>>) dst(%dma_wait3A_1611 : memref<1x512xf32, #tpu.memory_space<vmem>>)
    %dma_wait3A_1614 = arith.constant 13 : i32
    %dma_wait3A_1615 = arith.constant 0 : i32
    %dma_wait3A_1616 = tpu.memref_slice %arg3[%dma_wait3A_1614, %dma_wait3A_1615] : memref<128x512xf32, #tpu.memory_space<vmem>> -> memref<1x512xf32, #tpu.memory_space<vmem>>
    %dma_wait3A_1617 = arith.constant 0 : i32
    %dma_wait3A_1618 = tpu.memref_slice %arg2[%add3A_176, %dma_wait3A_1617] : memref<8192x512xf32, #tpu.memory_space<any>> -> memref<1x512xf32, #tpu.memory_space<any>>
    tpu.wait_dma2 semaphore(%arg4 : memref<!tpu.dma_semaphore, #tpu.memory_space<semaphore_mem>>) src(%dma_wait3A_1618 : memref<1x512xf32, #tpu.memory_space<any>>) dst(%dma_wait3A_1616 : memref<1x512xf32, #tpu.memory_space<vmem>>)
    %dma_wait3A_1619 = arith.constant 14 : i32
    %dma_wait3A_1620 = arith.constant 0 : i32
    %dma_wait3A_1621 = tpu.memref_slice %arg3[%dma_wait3A_1619, %dma_wait3A_1620] : memref<128x512xf32, #tpu.memory_space<vmem>> -> memref<1x512xf32, #tpu.memory_space<vmem>>
    %dma_wait3A_1622 = arith.constant 0 : i32
    %dma_wait3A_1623 = tpu.memref_slice %arg2[%add3A_188, %dma_wait3A_1622] : memref<8192x512xf32, #tpu.memory_space<any>> -> memref<1x512xf32, #tpu.memory_space<any>>
    tpu.wait_dma2 semaphore(%arg4 : memref<!tpu.dma_semaphore, #tpu.memory_space<semaphore_mem>>) src(%dma_wait3A_1623 : memref<1x512xf32, #tpu.memory_space<any>>) dst(%dma_wait3A_1621 : memref<1x512xf32, #tpu.memory_space<vmem>>)
    %dma_wait3A_1624 = arith.constant 15 : i32
    %dma_wait3A_1625 = arith.constant 0 : i32
    %dma_wait3A_1626 = tpu.memref_slice %arg3[%dma_wait3A_1624, %dma_wait3A_1625] : memref<128x512xf32, #tpu.memory_space<vmem>> -> memref<1x512xf32, #tpu.memory_space<vmem>>
    %dma_wait3A_1627 = arith.constant 0 : i32
    %dma_wait3A_1628 = tpu.memref_slice %arg2[%add3A_200, %dma_wait3A_1627] : memref<8192x512xf32, #tpu.memory_space<any>> -> memref<1x512xf32, #tpu.memory_space<any>>
    tpu.wait_dma2 semaphore(%arg4 : memref<!tpu.dma_semaphore, #tpu.memory_space<semaphore_mem>>) src(%dma_wait3A_1628 : memref<1x512xf32, #tpu.memory_space<any>>) dst(%dma_wait3A_1626 : memref<1x512xf32, #tpu.memory_space<vmem>>)
    %dma_wait3A_1629 = arith.constant 16 : i32
    %dma_wait3A_1630 = arith.constant 0 : i32
    %dma_wait3A_1631 = tpu.memref_slice %arg3[%dma_wait3A_1629, %dma_wait3A_1630] : memref<128x512xf32, #tpu.memory_space<vmem>> -> memref<1x512xf32, #tpu.memory_space<vmem>>
    %dma_wait3A_1632 = arith.constant 0 : i32
    %dma_wait3A_1633 = tpu.memref_slice %arg2[%add3A_212, %dma_wait3A_1632] : memref<8192x512xf32, #tpu.memory_space<any>> -> memref<1x512xf32, #tpu.memory_space<any>>
    tpu.wait_dma2 semaphore(%arg4 : memref<!tpu.dma_semaphore, #tpu.memory_space<semaphore_mem>>) src(%dma_wait3A_1633 : memref<1x512xf32, #tpu.memory_space<any>>) dst(%dma_wait3A_1631 : memref<1x512xf32, #tpu.memory_space<vmem>>)
    %dma_wait3A_1634 = arith.constant 17 : i32
    %dma_wait3A_1635 = arith.constant 0 : i32
    %dma_wait3A_1636 = tpu.memref_slice %arg3[%dma_wait3A_1634, %dma_wait3A_1635] : memref<128x512xf32, #tpu.memory_space<vmem>> -> memref<1x512xf32, #tpu.memory_space<vmem>>
    %dma_wait3A_1637 = arith.constant 0 : i32
    %dma_wait3A_1638 = tpu.memref_slice %arg2[%add3A_224, %dma_wait3A_1637] : memref<8192x512xf32, #tpu.memory_space<any>> -> memref<1x512xf32, #tpu.memory_space<any>>
    tpu.wait_dma2 semaphore(%arg4 : memref<!tpu.dma_semaphore, #tpu.memory_space<semaphore_mem>>) src(%dma_wait3A_1638 : memref<1x512xf32, #tpu.memory_space<any>>) dst(%dma_wait3A_1636 : memref<1x512xf32, #tpu.memory_space<vmem>>)
    %dma_wait3A_1639 = arith.constant 18 : i32
    %dma_wait3A_1640 = arith.constant 0 : i32
    %dma_wait3A_1641 = tpu.memref_slice %arg3[%dma_wait3A_1639, %dma_wait3A_1640] : memref<128x512xf32, #tpu.memory_space<vmem>> -> memref<1x512xf32, #tpu.memory_space<vmem>>
    %dma_wait3A_1642 = arith.constant 0 : i32
    %dma_wait3A_1643 = tpu.memref_slice %arg2[%add3A_236, %dma_wait3A_1642] : memref<8192x512xf32, #tpu.memory_space<any>> -> memref<1x512xf32, #tpu.memory_space<any>>
    tpu.wait_dma2 semaphore(%arg4 : memref<!tpu.dma_semaphore, #tpu.memory_space<semaphore_mem>>) src(%dma_wait3A_1643 : memref<1x512xf32, #tpu.memory_space<any>>) dst(%dma_wait3A_1641 : memref<1x512xf32, #tpu.memory_space<vmem>>)
    %dma_wait3A_1644 = arith.constant 19 : i32
    %dma_wait3A_1645 = arith.constant 0 : i32
    %dma_wait3A_1646 = tpu.memref_slice %arg3[%dma_wait3A_1644, %dma_wait3A_1645] : memref<128x512xf32, #tpu.memory_space<vmem>> -> memref<1x512xf32, #tpu.memory_space<vmem>>
    %dma_wait3A_1647 = arith.constant 0 : i32
    %dma_wait3A_1648 = tpu.memref_slice %arg2[%add3A_248, %dma_wait3A_1647] : memref<8192x512xf32, #tpu.memory_space<any>> -> memref<1x512xf32, #tpu.memory_space<any>>
    tpu.wait_dma2 semaphore(%arg4 : memref<!tpu.dma_semaphore, #tpu.memory_space<semaphore_mem>>) src(%dma_wait3A_1648 : memref<1x512xf32, #tpu.memory_space<any>>) dst(%dma_wait3A_1646 : memref<1x512xf32, #tpu.memory_space<vmem>>)
    %dma_wait3A_1649 = arith.constant 20 : i32
    %dma_wait3A_1650 = arith.constant 0 : i32
    %dma_wait3A_1651 = tpu.memref_slice %arg3[%dma_wait3A_1649, %dma_wait3A_1650] : memref<128x512xf32, #tpu.memory_space<vmem>> -> memref<1x512xf32, #tpu.memory_space<vmem>>
    %dma_wait3A_1652 = arith.constant 0 : i32
    %dma_wait3A_1653 = tpu.memref_slice %arg2[%add3A_260, %dma_wait3A_1652] : memref<8192x512xf32, #tpu.memory_space<any>> -> memref<1x512xf32, #tpu.memory_space<any>>
    tpu.wait_dma2 semaphore(%arg4 : memref<!tpu.dma_semaphore, #tpu.memory_space<semaphore_mem>>) src(%dma_wait3A_1653 : memref<1x512xf32, #tpu.memory_space<any>>) dst(%dma_wait3A_1651 : memref<1x512xf32, #tpu.memory_space<vmem>>)
    %dma_wait3A_1654 = arith.constant 21 : i32
    %dma_wait3A_1655 = arith.constant 0 : i32
    %dma_wait3A_1656 = tpu.memref_slice %arg3[%dma_wait3A_1654, %dma_wait3A_1655] : memref<128x512xf32, #tpu.memory_space<vmem>> -> memref<1x512xf32, #tpu.memory_space<vmem>>
    %dma_wait3A_1657 = arith.constant 0 : i32
    %dma_wait3A_1658 = tpu.memref_slice %arg2[%add3A_272, %dma_wait3A_1657] : memref<8192x512xf32, #tpu.memory_space<any>> -> memref<1x512xf32, #tpu.memory_space<any>>
    tpu.wait_dma2 semaphore(%arg4 : memref<!tpu.dma_semaphore, #tpu.memory_space<semaphore_mem>>) src(%dma_wait3A_1658 : memref<1x512xf32, #tpu.memory_space<any>>) dst(%dma_wait3A_1656 : memref<1x512xf32, #tpu.memory_space<vmem>>)
    %dma_wait3A_1659 = arith.constant 22 : i32
    %dma_wait3A_1660 = arith.constant 0 : i32
    %dma_wait3A_1661 = tpu.memref_slice %arg3[%dma_wait3A_1659, %dma_wait3A_1660] : memref<128x512xf32, #tpu.memory_space<vmem>> -> memref<1x512xf32, #tpu.memory_space<vmem>>
    %dma_wait3A_1662 = arith.constant 0 : i32
    %dma_wait3A_1663 = tpu.memref_slice %arg2[%add3A_284, %dma_wait3A_1662] : memref<8192x512xf32, #tpu.memory_space<any>> -> memref<1x512xf32, #tpu.memory_space<any>>
    tpu.wait_dma2 semaphore(%arg4 : memref<!tpu.dma_semaphore, #tpu.memory_space<semaphore_mem>>) src(%dma_wait3A_1663 : memref<1x512xf32, #tpu.memory_space<any>>) dst(%dma_wait3A_1661 : memref<1x512xf32, #tpu.memory_space<vmem>>)
    %dma_wait3A_1664 = arith.constant 23 : i32
    %dma_wait3A_1665 = arith.constant 0 : i32
    %dma_wait3A_1666 = tpu.memref_slice %arg3[%dma_wait3A_1664, %dma_wait3A_1665] : memref<128x512xf32, #tpu.memory_space<vmem>> -> memref<1x512xf32, #tpu.memory_space<vmem>>
    %dma_wait3A_1667 = arith.constant 0 : i32
    %dma_wait3A_1668 = tpu.memref_slice %arg2[%add3A_296, %dma_wait3A_1667] : memref<8192x512xf32, #tpu.memory_space<any>> -> memref<1x512xf32, #tpu.memory_space<any>>
    tpu.wait_dma2 semaphore(%arg4 : memref<!tpu.dma_semaphore, #tpu.memory_space<semaphore_mem>>) src(%dma_wait3A_1668 : memref<1x512xf32, #tpu.memory_space<any>>) dst(%dma_wait3A_1666 : memref<1x512xf32, #tpu.memory_space<vmem>>)
    %dma_wait3A_1669 = arith.constant 24 : i32
    %dma_wait3A_1670 = arith.constant 0 : i32
    %dma_wait3A_1671 = tpu.memref_slice %arg3[%dma_wait3A_1669, %dma_wait3A_1670] : memref<128x512xf32, #tpu.memory_space<vmem>> -> memref<1x512xf32, #tpu.memory_space<vmem>>
    %dma_wait3A_1672 = arith.constant 0 : i32
    %dma_wait3A_1673 = tpu.memref_slice %arg2[%add3A_308, %dma_wait3A_1672] : memref<8192x512xf32, #tpu.memory_space<any>> -> memref<1x512xf32, #tpu.memory_space<any>>
    tpu.wait_dma2 semaphore(%arg4 : memref<!tpu.dma_semaphore, #tpu.memory_space<semaphore_mem>>) src(%dma_wait3A_1673 : memref<1x512xf32, #tpu.memory_space<any>>) dst(%dma_wait3A_1671 : memref<1x512xf32, #tpu.memory_space<vmem>>)
    %dma_wait3A_1674 = arith.constant 25 : i32
    %dma_wait3A_1675 = arith.constant 0 : i32
    %dma_wait3A_1676 = tpu.memref_slice %arg3[%dma_wait3A_1674, %dma_wait3A_1675] : memref<128x512xf32, #tpu.memory_space<vmem>> -> memref<1x512xf32, #tpu.memory_space<vmem>>
    %dma_wait3A_1677 = arith.constant 0 : i32
    %dma_wait3A_1678 = tpu.memref_slice %arg2[%add3A_320, %dma_wait3A_1677] : memref<8192x512xf32, #tpu.memory_space<any>> -> memref<1x512xf32, #tpu.memory_space<any>>
    tpu.wait_dma2 semaphore(%arg4 : memref<!tpu.dma_semaphore, #tpu.memory_space<semaphore_mem>>) src(%dma_wait3A_1678 : memref<1x512xf32, #tpu.memory_space<any>>) dst(%dma_wait3A_1676 : memref<1x512xf32, #tpu.memory_space<vmem>>)
    %dma_wait3A_1679 = arith.constant 26 : i32
    %dma_wait3A_1680 = arith.constant 0 : i32
    %dma_wait3A_1681 = tpu.memref_slice %arg3[%dma_wait3A_1679, %dma_wait3A_1680] : memref<128x512xf32, #tpu.memory_space<vmem>> -> memref<1x512xf32, #tpu.memory_space<vmem>>
    %dma_wait3A_1682 = arith.constant 0 : i32
    %dma_wait3A_1683 = tpu.memref_slice %arg2[%add3A_332, %dma_wait3A_1682] : memref<8192x512xf32, #tpu.memory_space<any>> -> memref<1x512xf32, #tpu.memory_space<any>>
    tpu.wait_dma2 semaphore(%arg4 : memref<!tpu.dma_semaphore, #tpu.memory_space<semaphore_mem>>) src(%dma_wait3A_1683 : memref<1x512xf32, #tpu.memory_space<any>>) dst(%dma_wait3A_1681 : memref<1x512xf32, #tpu.memory_space<vmem>>)
    %dma_wait3A_1684 = arith.constant 27 : i32
    %dma_wait3A_1685 = arith.constant 0 : i32
    %dma_wait3A_1686 = tpu.memref_slice %arg3[%dma_wait3A_1684, %dma_wait3A_1685] : memref<128x512xf32, #tpu.memory_space<vmem>> -> memref<1x512xf32, #tpu.memory_space<vmem>>
    %dma_wait3A_1687 = arith.constant 0 : i32
    %dma_wait3A_1688 = tpu.memref_slice %arg2[%add3A_344, %dma_wait3A_1687] : memref<8192x512xf32, #tpu.memory_space<any>> -> memref<1x512xf32, #tpu.memory_space<any>>
    tpu.wait_dma2 semaphore(%arg4 : memref<!tpu.dma_semaphore, #tpu.memory_space<semaphore_mem>>) src(%dma_wait3A_1688 : memref<1x512xf32, #tpu.memory_space<any>>) dst(%dma_wait3A_1686 : memref<1x512xf32, #tpu.memory_space<vmem>>)
    %dma_wait3A_1689 = arith.constant 28 : i32
    %dma_wait3A_1690 = arith.constant 0 : i32
    %dma_wait3A_1691 = tpu.memref_slice %arg3[%dma_wait3A_1689, %dma_wait3A_1690] : memref<128x512xf32, #tpu.memory_space<vmem>> -> memref<1x512xf32, #tpu.memory_space<vmem>>
    %dma_wait3A_1692 = arith.constant 0 : i32
    %dma_wait3A_1693 = tpu.memref_slice %arg2[%add3A_356, %dma_wait3A_1692] : memref<8192x512xf32, #tpu.memory_space<any>> -> memref<1x512xf32, #tpu.memory_space<any>>
    tpu.wait_dma2 semaphore(%arg4 : memref<!tpu.dma_semaphore, #tpu.memory_space<semaphore_mem>>) src(%dma_wait3A_1693 : memref<1x512xf32, #tpu.memory_space<any>>) dst(%dma_wait3A_1691 : memref<1x512xf32, #tpu.memory_space<vmem>>)
    %dma_wait3A_1694 = arith.constant 29 : i32
    %dma_wait3A_1695 = arith.constant 0 : i32
    %dma_wait3A_1696 = tpu.memref_slice %arg3[%dma_wait3A_1694, %dma_wait3A_1695] : memref<128x512xf32, #tpu.memory_space<vmem>> -> memref<1x512xf32, #tpu.memory_space<vmem>>
    %dma_wait3A_1697 = arith.constant 0 : i32
    %dma_wait3A_1698 = tpu.memref_slice %arg2[%add3A_368, %dma_wait3A_1697] : memref<8192x512xf32, #tpu.memory_space<any>> -> memref<1x512xf32, #tpu.memory_space<any>>
    tpu.wait_dma2 semaphore(%arg4 : memref<!tpu.dma_semaphore, #tpu.memory_space<semaphore_mem>>) src(%dma_wait3A_1698 : memref<1x512xf32, #tpu.memory_space<any>>) dst(%dma_wait3A_1696 : memref<1x512xf32, #tpu.memory_space<vmem>>)
    %dma_wait3A_1699 = arith.constant 30 : i32
    %dma_wait3A_1700 = arith.constant 0 : i32
    %dma_wait3A_1701 = tpu.memref_slice %arg3[%dma_wait3A_1699, %dma_wait3A_1700] : memref<128x512xf32, #tpu.memory_space<vmem>> -> memref<1x512xf32, #tpu.memory_space<vmem>>
    %dma_wait3A_1702 = arith.constant 0 : i32
    %dma_wait3A_1703 = tpu.memref_slice %arg2[%add3A_380, %dma_wait3A_1702] : memref<8192x512xf32, #tpu.memory_space<any>> -> memref<1x512xf32, #tpu.memory_space<any>>
    tpu.wait_dma2 semaphore(%arg4 : memref<!tpu.dma_semaphore, #tpu.memory_space<semaphore_mem>>) src(%dma_wait3A_1703 : memref<1x512xf32, #tpu.memory_space<any>>) dst(%dma_wait3A_1701 : memref<1x512xf32, #tpu.memory_space<vmem>>)
    %dma_wait3A_1704 = arith.constant 31 : i32
    %dma_wait3A_1705 = arith.constant 0 : i32
    %dma_wait3A_1706 = tpu.memref_slice %arg3[%dma_wait3A_1704, %dma_wait3A_1705] : memref<128x512xf32, #tpu.memory_space<vmem>> -> memref<1x512xf32, #tpu.memory_space<vmem>>
    %dma_wait3A_1707 = arith.constant 0 : i32
    %dma_wait3A_1708 = tpu.memref_slice %arg2[%add3A_392, %dma_wait3A_1707] : memref<8192x512xf32, #tpu.memory_space<any>> -> memref<1x512xf32, #tpu.memory_space<any>>
    tpu.wait_dma2 semaphore(%arg4 : memref<!tpu.dma_semaphore, #tpu.memory_space<semaphore_mem>>) src(%dma_wait3A_1708 : memref<1x512xf32, #tpu.memory_space<any>>) dst(%dma_wait3A_1706 : memref<1x512xf32, #tpu.memory_space<vmem>>)
    %dma_wait3A_1709 = arith.constant 32 : i32
    %dma_wait3A_1710 = arith.constant 0 : i32
    %dma_wait3A_1711 = tpu.memref_slice %arg3[%dma_wait3A_1709, %dma_wait3A_1710] : memref<128x512xf32, #tpu.memory_space<vmem>> -> memref<1x512xf32, #tpu.memory_space<vmem>>
    %dma_wait3A_1712 = arith.constant 0 : i32
    %dma_wait3A_1713 = tpu.memref_slice %arg2[%add3A_404, %dma_wait3A_1712] : memref<8192x512xf32, #tpu.memory_space<any>> -> memref<1x512xf32, #tpu.memory_space<any>>
    tpu.wait_dma2 semaphore(%arg4 : memref<!tpu.dma_semaphore, #tpu.memory_space<semaphore_mem>>) src(%dma_wait3A_1713 : memref<1x512xf32, #tpu.memory_space<any>>) dst(%dma_wait3A_1711 : memref<1x512xf32, #tpu.memory_space<vmem>>)
    %dma_wait3A_1714 = arith.constant 33 : i32
    %dma_wait3A_1715 = arith.constant 0 : i32
    %dma_wait3A_1716 = tpu.memref_slice %arg3[%dma_wait3A_1714, %dma_wait3A_1715] : memref<128x512xf32, #tpu.memory_space<vmem>> -> memref<1x512xf32, #tpu.memory_space<vmem>>
    %dma_wait3A_1717 = arith.constant 0 : i32
    %dma_wait3A_1718 = tpu.memref_slice %arg2[%add3A_416, %dma_wait3A_1717] : memref<8192x512xf32, #tpu.memory_space<any>> -> memref<1x512xf32, #tpu.memory_space<any>>
    tpu.wait_dma2 semaphore(%arg4 : memref<!tpu.dma_semaphore, #tpu.memory_space<semaphore_mem>>) src(%dma_wait3A_1718 : memref<1x512xf32, #tpu.memory_space<any>>) dst(%dma_wait3A_1716 : memref<1x512xf32, #tpu.memory_space<vmem>>)
    %dma_wait3A_1719 = arith.constant 34 : i32
    %dma_wait3A_1720 = arith.constant 0 : i32
    %dma_wait3A_1721 = tpu.memref_slice %arg3[%dma_wait3A_1719, %dma_wait3A_1720] : memref<128x512xf32, #tpu.memory_space<vmem>> -> memref<1x512xf32, #tpu.memory_space<vmem>>
    %dma_wait3A_1722 = arith.constant 0 : i32
    %dma_wait3A_1723 = tpu.memref_slice %arg2[%add3A_428, %dma_wait3A_1722] : memref<8192x512xf32, #tpu.memory_space<any>> -> memref<1x512xf32, #tpu.memory_space<any>>
    tpu.wait_dma2 semaphore(%arg4 : memref<!tpu.dma_semaphore, #tpu.memory_space<semaphore_mem>>) src(%dma_wait3A_1723 : memref<1x512xf32, #tpu.memory_space<any>>) dst(%dma_wait3A_1721 : memref<1x512xf32, #tpu.memory_space<vmem>>)
    %dma_wait3A_1724 = arith.constant 35 : i32
    %dma_wait3A_1725 = arith.constant 0 : i32
    %dma_wait3A_1726 = tpu.memref_slice %arg3[%dma_wait3A_1724, %dma_wait3A_1725] : memref<128x512xf32, #tpu.memory_space<vmem>> -> memref<1x512xf32, #tpu.memory_space<vmem>>
    %dma_wait3A_1727 = arith.constant 0 : i32
    %dma_wait3A_1728 = tpu.memref_slice %arg2[%add3A_440, %dma_wait3A_1727] : memref<8192x512xf32, #tpu.memory_space<any>> -> memref<1x512xf32, #tpu.memory_space<any>>
    tpu.wait_dma2 semaphore(%arg4 : memref<!tpu.dma_semaphore, #tpu.memory_space<semaphore_mem>>) src(%dma_wait3A_1728 : memref<1x512xf32, #tpu.memory_space<any>>) dst(%dma_wait3A_1726 : memref<1x512xf32, #tpu.memory_space<vmem>>)
    %dma_wait3A_1729 = arith.constant 36 : i32
    %dma_wait3A_1730 = arith.constant 0 : i32
    %dma_wait3A_1731 = tpu.memref_slice %arg3[%dma_wait3A_1729, %dma_wait3A_1730] : memref<128x512xf32, #tpu.memory_space<vmem>> -> memref<1x512xf32, #tpu.memory_space<vmem>>
    %dma_wait3A_1732 = arith.constant 0 : i32
    %dma_wait3A_1733 = tpu.memref_slice %arg2[%add3A_452, %dma_wait3A_1732] : memref<8192x512xf32, #tpu.memory_space<any>> -> memref<1x512xf32, #tpu.memory_space<any>>
    tpu.wait_dma2 semaphore(%arg4 : memref<!tpu.dma_semaphore, #tpu.memory_space<semaphore_mem>>) src(%dma_wait3A_1733 : memref<1x512xf32, #tpu.memory_space<any>>) dst(%dma_wait3A_1731 : memref<1x512xf32, #tpu.memory_space<vmem>>)
    %dma_wait3A_1734 = arith.constant 37 : i32
    %dma_wait3A_1735 = arith.constant 0 : i32
    %dma_wait3A_1736 = tpu.memref_slice %arg3[%dma_wait3A_1734, %dma_wait3A_1735] : memref<128x512xf32, #tpu.memory_space<vmem>> -> memref<1x512xf32, #tpu.memory_space<vmem>>
    %dma_wait3A_1737 = arith.constant 0 : i32
    %dma_wait3A_1738 = tpu.memref_slice %arg2[%add3A_464, %dma_wait3A_1737] : memref<8192x512xf32, #tpu.memory_space<any>> -> memref<1x512xf32, #tpu.memory_space<any>>
    tpu.wait_dma2 semaphore(%arg4 : memref<!tpu.dma_semaphore, #tpu.memory_space<semaphore_mem>>) src(%dma_wait3A_1738 : memref<1x512xf32, #tpu.memory_space<any>>) dst(%dma_wait3A_1736 : memref<1x512xf32, #tpu.memory_space<vmem>>)
    %dma_wait3A_1739 = arith.constant 38 : i32
    %dma_wait3A_1740 = arith.constant 0 : i32
    %dma_wait3A_1741 = tpu.memref_slice %arg3[%dma_wait3A_1739, %dma_wait3A_1740] : memref<128x512xf32, #tpu.memory_space<vmem>> -> memref<1x512xf32, #tpu.memory_space<vmem>>
    %dma_wait3A_1742 = arith.constant 0 : i32
    %dma_wait3A_1743 = tpu.memref_slice %arg2[%add3A_476, %dma_wait3A_1742] : memref<8192x512xf32, #tpu.memory_space<any>> -> memref<1x512xf32, #tpu.memory_space<any>>
    tpu.wait_dma2 semaphore(%arg4 : memref<!tpu.dma_semaphore, #tpu.memory_space<semaphore_mem>>) src(%dma_wait3A_1743 : memref<1x512xf32, #tpu.memory_space<any>>) dst(%dma_wait3A_1741 : memref<1x512xf32, #tpu.memory_space<vmem>>)
    %dma_wait3A_1744 = arith.constant 39 : i32
    %dma_wait3A_1745 = arith.constant 0 : i32
    %dma_wait3A_1746 = tpu.memref_slice %arg3[%dma_wait3A_1744, %dma_wait3A_1745] : memref<128x512xf32, #tpu.memory_space<vmem>> -> memref<1x512xf32, #tpu.memory_space<vmem>>
    %dma_wait3A_1747 = arith.constant 0 : i32
    %dma_wait3A_1748 = tpu.memref_slice %arg2[%add3A_488, %dma_wait3A_1747] : memref<8192x512xf32, #tpu.memory_space<any>> -> memref<1x512xf32, #tpu.memory_space<any>>
    tpu.wait_dma2 semaphore(%arg4 : memref<!tpu.dma_semaphore, #tpu.memory_space<semaphore_mem>>) src(%dma_wait3A_1748 : memref<1x512xf32, #tpu.memory_space<any>>) dst(%dma_wait3A_1746 : memref<1x512xf32, #tpu.memory_space<vmem>>)
    %dma_wait3A_1749 = arith.constant 40 : i32
    %dma_wait3A_1750 = arith.constant 0 : i32
    %dma_wait3A_1751 = tpu.memref_slice %arg3[%dma_wait3A_1749, %dma_wait3A_1750] : memref<128x512xf32, #tpu.memory_space<vmem>> -> memref<1x512xf32, #tpu.memory_space<vmem>>
    %dma_wait3A_1752 = arith.constant 0 : i32
    %dma_wait3A_1753 = tpu.memref_slice %arg2[%add3A_500, %dma_wait3A_1752] : memref<8192x512xf32, #tpu.memory_space<any>> -> memref<1x512xf32, #tpu.memory_space<any>>
    tpu.wait_dma2 semaphore(%arg4 : memref<!tpu.dma_semaphore, #tpu.memory_space<semaphore_mem>>) src(%dma_wait3A_1753 : memref<1x512xf32, #tpu.memory_space<any>>) dst(%dma_wait3A_1751 : memref<1x512xf32, #tpu.memory_space<vmem>>)
    %dma_wait3A_1754 = arith.constant 41 : i32
    %dma_wait3A_1755 = arith.constant 0 : i32
    %dma_wait3A_1756 = tpu.memref_slice %arg3[%dma_wait3A_1754, %dma_wait3A_1755] : memref<128x512xf32, #tpu.memory_space<vmem>> -> memref<1x512xf32, #tpu.memory_space<vmem>>
    %dma_wait3A_1757 = arith.constant 0 : i32
    %dma_wait3A_1758 = tpu.memref_slice %arg2[%add3A_512, %dma_wait3A_1757] : memref<8192x512xf32, #tpu.memory_space<any>> -> memref<1x512xf32, #tpu.memory_space<any>>
    tpu.wait_dma2 semaphore(%arg4 : memref<!tpu.dma_semaphore, #tpu.memory_space<semaphore_mem>>) src(%dma_wait3A_1758 : memref<1x512xf32, #tpu.memory_space<any>>) dst(%dma_wait3A_1756 : memref<1x512xf32, #tpu.memory_space<vmem>>)
    %dma_wait3A_1759 = arith.constant 42 : i32
    %dma_wait3A_1760 = arith.constant 0 : i32
    %dma_wait3A_1761 = tpu.memref_slice %arg3[%dma_wait3A_1759, %dma_wait3A_1760] : memref<128x512xf32, #tpu.memory_space<vmem>> -> memref<1x512xf32, #tpu.memory_space<vmem>>
    %dma_wait3A_1762 = arith.constant 0 : i32
    %dma_wait3A_1763 = tpu.memref_slice %arg2[%add3A_524, %dma_wait3A_1762] : memref<8192x512xf32, #tpu.memory_space<any>> -> memref<1x512xf32, #tpu.memory_space<any>>
    tpu.wait_dma2 semaphore(%arg4 : memref<!tpu.dma_semaphore, #tpu.memory_space<semaphore_mem>>) src(%dma_wait3A_1763 : memref<1x512xf32, #tpu.memory_space<any>>) dst(%dma_wait3A_1761 : memref<1x512xf32, #tpu.memory_space<vmem>>)
    %dma_wait3A_1764 = arith.constant 43 : i32
    %dma_wait3A_1765 = arith.constant 0 : i32
    %dma_wait3A_1766 = tpu.memref_slice %arg3[%dma_wait3A_1764, %dma_wait3A_1765] : memref<128x512xf32, #tpu.memory_space<vmem>> -> memref<1x512xf32, #tpu.memory_space<vmem>>
    %dma_wait3A_1767 = arith.constant 0 : i32
    %dma_wait3A_1768 = tpu.memref_slice %arg2[%add3A_536, %dma_wait3A_1767] : memref<8192x512xf32, #tpu.memory_space<any>> -> memref<1x512xf32, #tpu.memory_space<any>>
    tpu.wait_dma2 semaphore(%arg4 : memref<!tpu.dma_semaphore, #tpu.memory_space<semaphore_mem>>) src(%dma_wait3A_1768 : memref<1x512xf32, #tpu.memory_space<any>>) dst(%dma_wait3A_1766 : memref<1x512xf32, #tpu.memory_space<vmem>>)
    %dma_wait3A_1769 = arith.constant 44 : i32
    %dma_wait3A_1770 = arith.constant 0 : i32
    %dma_wait3A_1771 = tpu.memref_slice %arg3[%dma_wait3A_1769, %dma_wait3A_1770] : memref<128x512xf32, #tpu.memory_space<vmem>> -> memref<1x512xf32, #tpu.memory_space<vmem>>
    %dma_wait3A_1772 = arith.constant 0 : i32
    %dma_wait3A_1773 = tpu.memref_slice %arg2[%add3A_548, %dma_wait3A_1772] : memref<8192x512xf32, #tpu.memory_space<any>> -> memref<1x512xf32, #tpu.memory_space<any>>
    tpu.wait_dma2 semaphore(%arg4 : memref<!tpu.dma_semaphore, #tpu.memory_space<semaphore_mem>>) src(%dma_wait3A_1773 : memref<1x512xf32, #tpu.memory_space<any>>) dst(%dma_wait3A_1771 : memref<1x512xf32, #tpu.memory_space<vmem>>)
    %dma_wait3A_1774 = arith.constant 45 : i32
    %dma_wait3A_1775 = arith.constant 0 : i32
    %dma_wait3A_1776 = tpu.memref_slice %arg3[%dma_wait3A_1774, %dma_wait3A_1775] : memref<128x512xf32, #tpu.memory_space<vmem>> -> memref<1x512xf32, #tpu.memory_space<vmem>>
    %dma_wait3A_1777 = arith.constant 0 : i32
    %dma_wait3A_1778 = tpu.memref_slice %arg2[%add3A_560, %dma_wait3A_1777] : memref<8192x512xf32, #tpu.memory_space<any>> -> memref<1x512xf32, #tpu.memory_space<any>>
    tpu.wait_dma2 semaphore(%arg4 : memref<!tpu.dma_semaphore, #tpu.memory_space<semaphore_mem>>) src(%dma_wait3A_1778 : memref<1x512xf32, #tpu.memory_space<any>>) dst(%dma_wait3A_1776 : memref<1x512xf32, #tpu.memory_space<vmem>>)
    %dma_wait3A_1779 = arith.constant 46 : i32
    %dma_wait3A_1780 = arith.constant 0 : i32
    %dma_wait3A_1781 = tpu.memref_slice %arg3[%dma_wait3A_1779, %dma_wait3A_1780] : memref<128x512xf32, #tpu.memory_space<vmem>> -> memref<1x512xf32, #tpu.memory_space<vmem>>
    %dma_wait3A_1782 = arith.constant 0 : i32
    %dma_wait3A_1783 = tpu.memref_slice %arg2[%add3A_572, %dma_wait3A_1782] : memref<8192x512xf32, #tpu.memory_space<any>> -> memref<1x512xf32, #tpu.memory_space<any>>
    tpu.wait_dma2 semaphore(%arg4 : memref<!tpu.dma_semaphore, #tpu.memory_space<semaphore_mem>>) src(%dma_wait3A_1783 : memref<1x512xf32, #tpu.memory_space<any>>) dst(%dma_wait3A_1781 : memref<1x512xf32, #tpu.memory_space<vmem>>)
    %dma_wait3A_1784 = arith.constant 47 : i32
    %dma_wait3A_1785 = arith.constant 0 : i32
    %dma_wait3A_1786 = tpu.memref_slice %arg3[%dma_wait3A_1784, %dma_wait3A_1785] : memref<128x512xf32, #tpu.memory_space<vmem>> -> memref<1x512xf32, #tpu.memory_space<vmem>>
    %dma_wait3A_1787 = arith.constant 0 : i32
    %dma_wait3A_1788 = tpu.memref_slice %arg2[%add3A_584, %dma_wait3A_1787] : memref<8192x512xf32, #tpu.memory_space<any>> -> memref<1x512xf32, #tpu.memory_space<any>>
    tpu.wait_dma2 semaphore(%arg4 : memref<!tpu.dma_semaphore, #tpu.memory_space<semaphore_mem>>) src(%dma_wait3A_1788 : memref<1x512xf32, #tpu.memory_space<any>>) dst(%dma_wait3A_1786 : memref<1x512xf32, #tpu.memory_space<vmem>>)
    %dma_wait3A_1789 = arith.constant 48 : i32
    %dma_wait3A_1790 = arith.constant 0 : i32
    %dma_wait3A_1791 = tpu.memref_slice %arg3[%dma_wait3A_1789, %dma_wait3A_1790] : memref<128x512xf32, #tpu.memory_space<vmem>> -> memref<1x512xf32, #tpu.memory_space<vmem>>
    %dma_wait3A_1792 = arith.constant 0 : i32
    %dma_wait3A_1793 = tpu.memref_slice %arg2[%add3A_596, %dma_wait3A_1792] : memref<8192x512xf32, #tpu.memory_space<any>> -> memref<1x512xf32, #tpu.memory_space<any>>
    tpu.wait_dma2 semaphore(%arg4 : memref<!tpu.dma_semaphore, #tpu.memory_space<semaphore_mem>>) src(%dma_wait3A_1793 : memref<1x512xf32, #tpu.memory_space<any>>) dst(%dma_wait3A_1791 : memref<1x512xf32, #tpu.memory_space<vmem>>)
    %dma_wait3A_1794 = arith.constant 49 : i32
    %dma_wait3A_1795 = arith.constant 0 : i32
    %dma_wait3A_1796 = tpu.memref_slice %arg3[%dma_wait3A_1794, %dma_wait3A_1795] : memref<128x512xf32, #tpu.memory_space<vmem>> -> memref<1x512xf32, #tpu.memory_space<vmem>>
    %dma_wait3A_1797 = arith.constant 0 : i32
    %dma_wait3A_1798 = tpu.memref_slice %arg2[%add3A_608, %dma_wait3A_1797] : memref<8192x512xf32, #tpu.memory_space<any>> -> memref<1x512xf32, #tpu.memory_space<any>>
    tpu.wait_dma2 semaphore(%arg4 : memref<!tpu.dma_semaphore, #tpu.memory_space<semaphore_mem>>) src(%dma_wait3A_1798 : memref<1x512xf32, #tpu.memory_space<any>>) dst(%dma_wait3A_1796 : memref<1x512xf32, #tpu.memory_space<vmem>>)
    %dma_wait3A_1799 = arith.constant 50 : i32
    %dma_wait3A_1800 = arith.constant 0 : i32
    %dma_wait3A_1801 = tpu.memref_slice %arg3[%dma_wait3A_1799, %dma_wait3A_1800] : memref<128x512xf32, #tpu.memory_space<vmem>> -> memref<1x512xf32, #tpu.memory_space<vmem>>
    %dma_wait3A_1802 = arith.constant 0 : i32
    %dma_wait3A_1803 = tpu.memref_slice %arg2[%add3A_620, %dma_wait3A_1802] : memref<8192x512xf32, #tpu.memory_space<any>> -> memref<1x512xf32, #tpu.memory_space<any>>
    tpu.wait_dma2 semaphore(%arg4 : memref<!tpu.dma_semaphore, #tpu.memory_space<semaphore_mem>>) src(%dma_wait3A_1803 : memref<1x512xf32, #tpu.memory_space<any>>) dst(%dma_wait3A_1801 : memref<1x512xf32, #tpu.memory_space<vmem>>)
    %dma_wait3A_1804 = arith.constant 51 : i32
    %dma_wait3A_1805 = arith.constant 0 : i32
    %dma_wait3A_1806 = tpu.memref_slice %arg3[%dma_wait3A_1804, %dma_wait3A_1805] : memref<128x512xf32, #tpu.memory_space<vmem>> -> memref<1x512xf32, #tpu.memory_space<vmem>>
    %dma_wait3A_1807 = arith.constant 0 : i32
    %dma_wait3A_1808 = tpu.memref_slice %arg2[%add3A_632, %dma_wait3A_1807] : memref<8192x512xf32, #tpu.memory_space<any>> -> memref<1x512xf32, #tpu.memory_space<any>>
    tpu.wait_dma2 semaphore(%arg4 : memref<!tpu.dma_semaphore, #tpu.memory_space<semaphore_mem>>) src(%dma_wait3A_1808 : memref<1x512xf32, #tpu.memory_space<any>>) dst(%dma_wait3A_1806 : memref<1x512xf32, #tpu.memory_space<vmem>>)
    %dma_wait3A_1809 = arith.constant 52 : i32
    %dma_wait3A_1810 = arith.constant 0 : i32
    %dma_wait3A_1811 = tpu.memref_slice %arg3[%dma_wait3A_1809, %dma_wait3A_1810] : memref<128x512xf32, #tpu.memory_space<vmem>> -> memref<1x512xf32, #tpu.memory_space<vmem>>
    %dma_wait3A_1812 = arith.constant 0 : i32
    %dma_wait3A_1813 = tpu.memref_slice %arg2[%add3A_644, %dma_wait3A_1812] : memref<8192x512xf32, #tpu.memory_space<any>> -> memref<1x512xf32, #tpu.memory_space<any>>
    tpu.wait_dma2 semaphore(%arg4 : memref<!tpu.dma_semaphore, #tpu.memory_space<semaphore_mem>>) src(%dma_wait3A_1813 : memref<1x512xf32, #tpu.memory_space<any>>) dst(%dma_wait3A_1811 : memref<1x512xf32, #tpu.memory_space<vmem>>)
    %dma_wait3A_1814 = arith.constant 53 : i32
    %dma_wait3A_1815 = arith.constant 0 : i32
    %dma_wait3A_1816 = tpu.memref_slice %arg3[%dma_wait3A_1814, %dma_wait3A_1815] : memref<128x512xf32, #tpu.memory_space<vmem>> -> memref<1x512xf32, #tpu.memory_space<vmem>>
    %dma_wait3A_1817 = arith.constant 0 : i32
    %dma_wait3A_1818 = tpu.memref_slice %arg2[%add3A_656, %dma_wait3A_1817] : memref<8192x512xf32, #tpu.memory_space<any>> -> memref<1x512xf32, #tpu.memory_space<any>>
    tpu.wait_dma2 semaphore(%arg4 : memref<!tpu.dma_semaphore, #tpu.memory_space<semaphore_mem>>) src(%dma_wait3A_1818 : memref<1x512xf32, #tpu.memory_space<any>>) dst(%dma_wait3A_1816 : memref<1x512xf32, #tpu.memory_space<vmem>>)
    %dma_wait3A_1819 = arith.constant 54 : i32
    %dma_wait3A_1820 = arith.constant 0 : i32
    %dma_wait3A_1821 = tpu.memref_slice %arg3[%dma_wait3A_1819, %dma_wait3A_1820] : memref<128x512xf32, #tpu.memory_space<vmem>> -> memref<1x512xf32, #tpu.memory_space<vmem>>
    %dma_wait3A_1822 = arith.constant 0 : i32
    %dma_wait3A_1823 = tpu.memref_slice %arg2[%add3A_668, %dma_wait3A_1822] : memref<8192x512xf32, #tpu.memory_space<any>> -> memref<1x512xf32, #tpu.memory_space<any>>
    tpu.wait_dma2 semaphore(%arg4 : memref<!tpu.dma_semaphore, #tpu.memory_space<semaphore_mem>>) src(%dma_wait3A_1823 : memref<1x512xf32, #tpu.memory_space<any>>) dst(%dma_wait3A_1821 : memref<1x512xf32, #tpu.memory_space<vmem>>)
    %dma_wait3A_1824 = arith.constant 55 : i32
    %dma_wait3A_1825 = arith.constant 0 : i32
    %dma_wait3A_1826 = tpu.memref_slice %arg3[%dma_wait3A_1824, %dma_wait3A_1825] : memref<128x512xf32, #tpu.memory_space<vmem>> -> memref<1x512xf32, #tpu.memory_space<vmem>>
    %dma_wait3A_1827 = arith.constant 0 : i32
    %dma_wait3A_1828 = tpu.memref_slice %arg2[%add3A_680, %dma_wait3A_1827] : memref<8192x512xf32, #tpu.memory_space<any>> -> memref<1x512xf32, #tpu.memory_space<any>>
    tpu.wait_dma2 semaphore(%arg4 : memref<!tpu.dma_semaphore, #tpu.memory_space<semaphore_mem>>) src(%dma_wait3A_1828 : memref<1x512xf32, #tpu.memory_space<any>>) dst(%dma_wait3A_1826 : memref<1x512xf32, #tpu.memory_space<vmem>>)
    %dma_wait3A_1829 = arith.constant 56 : i32
    %dma_wait3A_1830 = arith.constant 0 : i32
    %dma_wait3A_1831 = tpu.memref_slice %arg3[%dma_wait3A_1829, %dma_wait3A_1830] : memref<128x512xf32, #tpu.memory_space<vmem>> -> memref<1x512xf32, #tpu.memory_space<vmem>>
    %dma_wait3A_1832 = arith.constant 0 : i32
    %dma_wait3A_1833 = tpu.memref_slice %arg2[%add3A_692, %dma_wait3A_1832] : memref<8192x512xf32, #tpu.memory_space<any>> -> memref<1x512xf32, #tpu.memory_space<any>>
    tpu.wait_dma2 semaphore(%arg4 : memref<!tpu.dma_semaphore, #tpu.memory_space<semaphore_mem>>) src(%dma_wait3A_1833 : memref<1x512xf32, #tpu.memory_space<any>>) dst(%dma_wait3A_1831 : memref<1x512xf32, #tpu.memory_space<vmem>>)
    %dma_wait3A_1834 = arith.constant 57 : i32
    %dma_wait3A_1835 = arith.constant 0 : i32
    %dma_wait3A_1836 = tpu.memref_slice %arg3[%dma_wait3A_1834, %dma_wait3A_1835] : memref<128x512xf32, #tpu.memory_space<vmem>> -> memref<1x512xf32, #tpu.memory_space<vmem>>
    %dma_wait3A_1837 = arith.constant 0 : i32
    %dma_wait3A_1838 = tpu.memref_slice %arg2[%add3A_704, %dma_wait3A_1837] : memref<8192x512xf32, #tpu.memory_space<any>> -> memref<1x512xf32, #tpu.memory_space<any>>
    tpu.wait_dma2 semaphore(%arg4 : memref<!tpu.dma_semaphore, #tpu.memory_space<semaphore_mem>>) src(%dma_wait3A_1838 : memref<1x512xf32, #tpu.memory_space<any>>) dst(%dma_wait3A_1836 : memref<1x512xf32, #tpu.memory_space<vmem>>)
    %dma_wait3A_1839 = arith.constant 58 : i32
    %dma_wait3A_1840 = arith.constant 0 : i32
    %dma_wait3A_1841 = tpu.memref_slice %arg3[%dma_wait3A_1839, %dma_wait3A_1840] : memref<128x512xf32, #tpu.memory_space<vmem>> -> memref<1x512xf32, #tpu.memory_space<vmem>>
    %dma_wait3A_1842 = arith.constant 0 : i32
    %dma_wait3A_1843 = tpu.memref_slice %arg2[%add3A_716, %dma_wait3A_1842] : memref<8192x512xf32, #tpu.memory_space<any>> -> memref<1x512xf32, #tpu.memory_space<any>>
    tpu.wait_dma2 semaphore(%arg4 : memref<!tpu.dma_semaphore, #tpu.memory_space<semaphore_mem>>) src(%dma_wait3A_1843 : memref<1x512xf32, #tpu.memory_space<any>>) dst(%dma_wait3A_1841 : memref<1x512xf32, #tpu.memory_space<vmem>>)
    %dma_wait3A_1844 = arith.constant 59 : i32
    %dma_wait3A_1845 = arith.constant 0 : i32
    %dma_wait3A_1846 = tpu.memref_slice %arg3[%dma_wait3A_1844, %dma_wait3A_1845] : memref<128x512xf32, #tpu.memory_space<vmem>> -> memref<1x512xf32, #tpu.memory_space<vmem>>
    %dma_wait3A_1847 = arith.constant 0 : i32
    %dma_wait3A_1848 = tpu.memref_slice %arg2[%add3A_728, %dma_wait3A_1847] : memref<8192x512xf32, #tpu.memory_space<any>> -> memref<1x512xf32, #tpu.memory_space<any>>
    tpu.wait_dma2 semaphore(%arg4 : memref<!tpu.dma_semaphore, #tpu.memory_space<semaphore_mem>>) src(%dma_wait3A_1848 : memref<1x512xf32, #tpu.memory_space<any>>) dst(%dma_wait3A_1846 : memref<1x512xf32, #tpu.memory_space<vmem>>)
    %dma_wait3A_1849 = arith.constant 60 : i32
    %dma_wait3A_1850 = arith.constant 0 : i32
    %dma_wait3A_1851 = tpu.memref_slice %arg3[%dma_wait3A_1849, %dma_wait3A_1850] : memref<128x512xf32, #tpu.memory_space<vmem>> -> memref<1x512xf32, #tpu.memory_space<vmem>>
    %dma_wait3A_1852 = arith.constant 0 : i32
    %dma_wait3A_1853 = tpu.memref_slice %arg2[%add3A_740, %dma_wait3A_1852] : memref<8192x512xf32, #tpu.memory_space<any>> -> memref<1x512xf32, #tpu.memory_space<any>>
    tpu.wait_dma2 semaphore(%arg4 : memref<!tpu.dma_semaphore, #tpu.memory_space<semaphore_mem>>) src(%dma_wait3A_1853 : memref<1x512xf32, #tpu.memory_space<any>>) dst(%dma_wait3A_1851 : memref<1x512xf32, #tpu.memory_space<vmem>>)
    %dma_wait3A_1854 = arith.constant 61 : i32
    %dma_wait3A_1855 = arith.constant 0 : i32
    %dma_wait3A_1856 = tpu.memref_slice %arg3[%dma_wait3A_1854, %dma_wait3A_1855] : memref<128x512xf32, #tpu.memory_space<vmem>> -> memref<1x512xf32, #tpu.memory_space<vmem>>
    %dma_wait3A_1857 = arith.constant 0 : i32
    %dma_wait3A_1858 = tpu.memref_slice %arg2[%add3A_752, %dma_wait3A_1857] : memref<8192x512xf32, #tpu.memory_space<any>> -> memref<1x512xf32, #tpu.memory_space<any>>
    tpu.wait_dma2 semaphore(%arg4 : memref<!tpu.dma_semaphore, #tpu.memory_space<semaphore_mem>>) src(%dma_wait3A_1858 : memref<1x512xf32, #tpu.memory_space<any>>) dst(%dma_wait3A_1856 : memref<1x512xf32, #tpu.memory_space<vmem>>)
    %dma_wait3A_1859 = arith.constant 62 : i32
    %dma_wait3A_1860 = arith.constant 0 : i32
    %dma_wait3A_1861 = tpu.memref_slice %arg3[%dma_wait3A_1859, %dma_wait3A_1860] : memref<128x512xf32, #tpu.memory_space<vmem>> -> memref<1x512xf32, #tpu.memory_space<vmem>>
    %dma_wait3A_1862 = arith.constant 0 : i32
    %dma_wait3A_1863 = tpu.memref_slice %arg2[%add3A_764, %dma_wait3A_1862] : memref<8192x512xf32, #tpu.memory_space<any>> -> memref<1x512xf32, #tpu.memory_space<any>>
    tpu.wait_dma2 semaphore(%arg4 : memref<!tpu.dma_semaphore, #tpu.memory_space<semaphore_mem>>) src(%dma_wait3A_1863 : memref<1x512xf32, #tpu.memory_space<any>>) dst(%dma_wait3A_1861 : memref<1x512xf32, #tpu.memory_space<vmem>>)
    %dma_wait3A_1864 = arith.constant 63 : i32
    %dma_wait3A_1865 = arith.constant 0 : i32
    %dma_wait3A_1866 = tpu.memref_slice %arg3[%dma_wait3A_1864, %dma_wait3A_1865] : memref<128x512xf32, #tpu.memory_space<vmem>> -> memref<1x512xf32, #tpu.memory_space<vmem>>
    %dma_wait3A_1867 = arith.constant 0 : i32
    %dma_wait3A_1868 = tpu.memref_slice %arg2[%add3A_776, %dma_wait3A_1867] : memref<8192x512xf32, #tpu.memory_space<any>> -> memref<1x512xf32, #tpu.memory_space<any>>
    tpu.wait_dma2 semaphore(%arg4 : memref<!tpu.dma_semaphore, #tpu.memory_space<semaphore_mem>>) src(%dma_wait3A_1868 : memref<1x512xf32, #tpu.memory_space<any>>) dst(%dma_wait3A_1866 : memref<1x512xf32, #tpu.memory_space<vmem>>)
    %dma_wait3A_1869 = arith.constant 64 : i32
    %dma_wait3A_1870 = arith.constant 0 : i32
    %dma_wait3A_1871 = tpu.memref_slice %arg3[%dma_wait3A_1869, %dma_wait3A_1870] : memref<128x512xf32, #tpu.memory_space<vmem>> -> memref<1x512xf32, #tpu.memory_space<vmem>>
    %dma_wait3A_1872 = arith.constant 0 : i32
    %dma_wait3A_1873 = tpu.memref_slice %arg2[%add3A_788, %dma_wait3A_1872] : memref<8192x512xf32, #tpu.memory_space<any>> -> memref<1x512xf32, #tpu.memory_space<any>>
    tpu.wait_dma2 semaphore(%arg4 : memref<!tpu.dma_semaphore, #tpu.memory_space<semaphore_mem>>) src(%dma_wait3A_1873 : memref<1x512xf32, #tpu.memory_space<any>>) dst(%dma_wait3A_1871 : memref<1x512xf32, #tpu.memory_space<vmem>>)
    %dma_wait3A_1874 = arith.constant 65 : i32
    %dma_wait3A_1875 = arith.constant 0 : i32
    %dma_wait3A_1876 = tpu.memref_slice %arg3[%dma_wait3A_1874, %dma_wait3A_1875] : memref<128x512xf32, #tpu.memory_space<vmem>> -> memref<1x512xf32, #tpu.memory_space<vmem>>
    %dma_wait3A_1877 = arith.constant 0 : i32
    %dma_wait3A_1878 = tpu.memref_slice %arg2[%add3A_800, %dma_wait3A_1877] : memref<8192x512xf32, #tpu.memory_space<any>> -> memref<1x512xf32, #tpu.memory_space<any>>
    tpu.wait_dma2 semaphore(%arg4 : memref<!tpu.dma_semaphore, #tpu.memory_space<semaphore_mem>>) src(%dma_wait3A_1878 : memref<1x512xf32, #tpu.memory_space<any>>) dst(%dma_wait3A_1876 : memref<1x512xf32, #tpu.memory_space<vmem>>)
    %dma_wait3A_1879 = arith.constant 66 : i32
    %dma_wait3A_1880 = arith.constant 0 : i32
    %dma_wait3A_1881 = tpu.memref_slice %arg3[%dma_wait3A_1879, %dma_wait3A_1880] : memref<128x512xf32, #tpu.memory_space<vmem>> -> memref<1x512xf32, #tpu.memory_space<vmem>>
    %dma_wait3A_1882 = arith.constant 0 : i32
    %dma_wait3A_1883 = tpu.memref_slice %arg2[%add3A_812, %dma_wait3A_1882] : memref<8192x512xf32, #tpu.memory_space<any>> -> memref<1x512xf32, #tpu.memory_space<any>>
    tpu.wait_dma2 semaphore(%arg4 : memref<!tpu.dma_semaphore, #tpu.memory_space<semaphore_mem>>) src(%dma_wait3A_1883 : memref<1x512xf32, #tpu.memory_space<any>>) dst(%dma_wait3A_1881 : memref<1x512xf32, #tpu.memory_space<vmem>>)
    %dma_wait3A_1884 = arith.constant 67 : i32
    %dma_wait3A_1885 = arith.constant 0 : i32
    %dma_wait3A_1886 = tpu.memref_slice %arg3[%dma_wait3A_1884, %dma_wait3A_1885] : memref<128x512xf32, #tpu.memory_space<vmem>> -> memref<1x512xf32, #tpu.memory_space<vmem>>
    %dma_wait3A_1887 = arith.constant 0 : i32
    %dma_wait3A_1888 = tpu.memref_slice %arg2[%add3A_824, %dma_wait3A_1887] : memref<8192x512xf32, #tpu.memory_space<any>> -> memref<1x512xf32, #tpu.memory_space<any>>
    tpu.wait_dma2 semaphore(%arg4 : memref<!tpu.dma_semaphore, #tpu.memory_space<semaphore_mem>>) src(%dma_wait3A_1888 : memref<1x512xf32, #tpu.memory_space<any>>) dst(%dma_wait3A_1886 : memref<1x512xf32, #tpu.memory_space<vmem>>)
    %dma_wait3A_1889 = arith.constant 68 : i32
    %dma_wait3A_1890 = arith.constant 0 : i32
    %dma_wait3A_1891 = tpu.memref_slice %arg3[%dma_wait3A_1889, %dma_wait3A_1890] : memref<128x512xf32, #tpu.memory_space<vmem>> -> memref<1x512xf32, #tpu.memory_space<vmem>>
    %dma_wait3A_1892 = arith.constant 0 : i32
    %dma_wait3A_1893 = tpu.memref_slice %arg2[%add3A_836, %dma_wait3A_1892] : memref<8192x512xf32, #tpu.memory_space<any>> -> memref<1x512xf32, #tpu.memory_space<any>>
    tpu.wait_dma2 semaphore(%arg4 : memref<!tpu.dma_semaphore, #tpu.memory_space<semaphore_mem>>) src(%dma_wait3A_1893 : memref<1x512xf32, #tpu.memory_space<any>>) dst(%dma_wait3A_1891 : memref<1x512xf32, #tpu.memory_space<vmem>>)
    %dma_wait3A_1894 = arith.constant 69 : i32
    %dma_wait3A_1895 = arith.constant 0 : i32
    %dma_wait3A_1896 = tpu.memref_slice %arg3[%dma_wait3A_1894, %dma_wait3A_1895] : memref<128x512xf32, #tpu.memory_space<vmem>> -> memref<1x512xf32, #tpu.memory_space<vmem>>
    %dma_wait3A_1897 = arith.constant 0 : i32
    %dma_wait3A_1898 = tpu.memref_slice %arg2[%add3A_848, %dma_wait3A_1897] : memref<8192x512xf32, #tpu.memory_space<any>> -> memref<1x512xf32, #tpu.memory_space<any>>
    tpu.wait_dma2 semaphore(%arg4 : memref<!tpu.dma_semaphore, #tpu.memory_space<semaphore_mem>>) src(%dma_wait3A_1898 : memref<1x512xf32, #tpu.memory_space<any>>) dst(%dma_wait3A_1896 : memref<1x512xf32, #tpu.memory_space<vmem>>)
    %dma_wait3A_1899 = arith.constant 70 : i32
    %dma_wait3A_1900 = arith.constant 0 : i32
    %dma_wait3A_1901 = tpu.memref_slice %arg3[%dma_wait3A_1899, %dma_wait3A_1900] : memref<128x512xf32, #tpu.memory_space<vmem>> -> memref<1x512xf32, #tpu.memory_space<vmem>>
    %dma_wait3A_1902 = arith.constant 0 : i32
    %dma_wait3A_1903 = tpu.memref_slice %arg2[%add3A_860, %dma_wait3A_1902] : memref<8192x512xf32, #tpu.memory_space<any>> -> memref<1x512xf32, #tpu.memory_space<any>>
    tpu.wait_dma2 semaphore(%arg4 : memref<!tpu.dma_semaphore, #tpu.memory_space<semaphore_mem>>) src(%dma_wait3A_1903 : memref<1x512xf32, #tpu.memory_space<any>>) dst(%dma_wait3A_1901 : memref<1x512xf32, #tpu.memory_space<vmem>>)
    %dma_wait3A_1904 = arith.constant 71 : i32
    %dma_wait3A_1905 = arith.constant 0 : i32
    %dma_wait3A_1906 = tpu.memref_slice %arg3[%dma_wait3A_1904, %dma_wait3A_1905] : memref<128x512xf32, #tpu.memory_space<vmem>> -> memref<1x512xf32, #tpu.memory_space<vmem>>
    %dma_wait3A_1907 = arith.constant 0 : i32
    %dma_wait3A_1908 = tpu.memref_slice %arg2[%add3A_872, %dma_wait3A_1907] : memref<8192x512xf32, #tpu.memory_space<any>> -> memref<1x512xf32, #tpu.memory_space<any>>
    tpu.wait_dma2 semaphore(%arg4 : memref<!tpu.dma_semaphore, #tpu.memory_space<semaphore_mem>>) src(%dma_wait3A_1908 : memref<1x512xf32, #tpu.memory_space<any>>) dst(%dma_wait3A_1906 : memref<1x512xf32, #tpu.memory_space<vmem>>)
    %dma_wait3A_1909 = arith.constant 72 : i32
    %dma_wait3A_1910 = arith.constant 0 : i32
    %dma_wait3A_1911 = tpu.memref_slice %arg3[%dma_wait3A_1909, %dma_wait3A_1910] : memref<128x512xf32, #tpu.memory_space<vmem>> -> memref<1x512xf32, #tpu.memory_space<vmem>>
    %dma_wait3A_1912 = arith.constant 0 : i32
    %dma_wait3A_1913 = tpu.memref_slice %arg2[%add3A_884, %dma_wait3A_1912] : memref<8192x512xf32, #tpu.memory_space<any>> -> memref<1x512xf32, #tpu.memory_space<any>>
    tpu.wait_dma2 semaphore(%arg4 : memref<!tpu.dma_semaphore, #tpu.memory_space<semaphore_mem>>) src(%dma_wait3A_1913 : memref<1x512xf32, #tpu.memory_space<any>>) dst(%dma_wait3A_1911 : memref<1x512xf32, #tpu.memory_space<vmem>>)
    %dma_wait3A_1914 = arith.constant 73 : i32
    %dma_wait3A_1915 = arith.constant 0 : i32
    %dma_wait3A_1916 = tpu.memref_slice %arg3[%dma_wait3A_1914, %dma_wait3A_1915] : memref<128x512xf32, #tpu.memory_space<vmem>> -> memref<1x512xf32, #tpu.memory_space<vmem>>
    %dma_wait3A_1917 = arith.constant 0 : i32
    %dma_wait3A_1918 = tpu.memref_slice %arg2[%add3A_896, %dma_wait3A_1917] : memref<8192x512xf32, #tpu.memory_space<any>> -> memref<1x512xf32, #tpu.memory_space<any>>
    tpu.wait_dma2 semaphore(%arg4 : memref<!tpu.dma_semaphore, #tpu.memory_space<semaphore_mem>>) src(%dma_wait3A_1918 : memref<1x512xf32, #tpu.memory_space<any>>) dst(%dma_wait3A_1916 : memref<1x512xf32, #tpu.memory_space<vmem>>)
    %dma_wait3A_1919 = arith.constant 74 : i32
    %dma_wait3A_1920 = arith.constant 0 : i32
    %dma_wait3A_1921 = tpu.memref_slice %arg3[%dma_wait3A_1919, %dma_wait3A_1920] : memref<128x512xf32, #tpu.memory_space<vmem>> -> memref<1x512xf32, #tpu.memory_space<vmem>>
    %dma_wait3A_1922 = arith.constant 0 : i32
    %dma_wait3A_1923 = tpu.memref_slice %arg2[%add3A_908, %dma_wait3A_1922] : memref<8192x512xf32, #tpu.memory_space<any>> -> memref<1x512xf32, #tpu.memory_space<any>>
    tpu.wait_dma2 semaphore(%arg4 : memref<!tpu.dma_semaphore, #tpu.memory_space<semaphore_mem>>) src(%dma_wait3A_1923 : memref<1x512xf32, #tpu.memory_space<any>>) dst(%dma_wait3A_1921 : memref<1x512xf32, #tpu.memory_space<vmem>>)
    %dma_wait3A_1924 = arith.constant 75 : i32
    %dma_wait3A_1925 = arith.constant 0 : i32
    %dma_wait3A_1926 = tpu.memref_slice %arg3[%dma_wait3A_1924, %dma_wait3A_1925] : memref<128x512xf32, #tpu.memory_space<vmem>> -> memref<1x512xf32, #tpu.memory_space<vmem>>
    %dma_wait3A_1927 = arith.constant 0 : i32
    %dma_wait3A_1928 = tpu.memref_slice %arg2[%add3A_920, %dma_wait3A_1927] : memref<8192x512xf32, #tpu.memory_space<any>> -> memref<1x512xf32, #tpu.memory_space<any>>
    tpu.wait_dma2 semaphore(%arg4 : memref<!tpu.dma_semaphore, #tpu.memory_space<semaphore_mem>>) src(%dma_wait3A_1928 : memref<1x512xf32, #tpu.memory_space<any>>) dst(%dma_wait3A_1926 : memref<1x512xf32, #tpu.memory_space<vmem>>)
    %dma_wait3A_1929 = arith.constant 76 : i32
    %dma_wait3A_1930 = arith.constant 0 : i32
    %dma_wait3A_1931 = tpu.memref_slice %arg3[%dma_wait3A_1929, %dma_wait3A_1930] : memref<128x512xf32, #tpu.memory_space<vmem>> -> memref<1x512xf32, #tpu.memory_space<vmem>>
    %dma_wait3A_1932 = arith.constant 0 : i32
    %dma_wait3A_1933 = tpu.memref_slice %arg2[%add3A_932, %dma_wait3A_1932] : memref<8192x512xf32, #tpu.memory_space<any>> -> memref<1x512xf32, #tpu.memory_space<any>>
    tpu.wait_dma2 semaphore(%arg4 : memref<!tpu.dma_semaphore, #tpu.memory_space<semaphore_mem>>) src(%dma_wait3A_1933 : memref<1x512xf32, #tpu.memory_space<any>>) dst(%dma_wait3A_1931 : memref<1x512xf32, #tpu.memory_space<vmem>>)
    %dma_wait3A_1934 = arith.constant 77 : i32
    %dma_wait3A_1935 = arith.constant 0 : i32
    %dma_wait3A_1936 = tpu.memref_slice %arg3[%dma_wait3A_1934, %dma_wait3A_1935] : memref<128x512xf32, #tpu.memory_space<vmem>> -> memref<1x512xf32, #tpu.memory_space<vmem>>
    %dma_wait3A_1937 = arith.constant 0 : i32
    %dma_wait3A_1938 = tpu.memref_slice %arg2[%add3A_944, %dma_wait3A_1937] : memref<8192x512xf32, #tpu.memory_space<any>> -> memref<1x512xf32, #tpu.memory_space<any>>
    tpu.wait_dma2 semaphore(%arg4 : memref<!tpu.dma_semaphore, #tpu.memory_space<semaphore_mem>>) src(%dma_wait3A_1938 : memref<1x512xf32, #tpu.memory_space<any>>) dst(%dma_wait3A_1936 : memref<1x512xf32, #tpu.memory_space<vmem>>)
    %dma_wait3A_1939 = arith.constant 78 : i32
    %dma_wait3A_1940 = arith.constant 0 : i32
    %dma_wait3A_1941 = tpu.memref_slice %arg3[%dma_wait3A_1939, %dma_wait3A_1940] : memref<128x512xf32, #tpu.memory_space<vmem>> -> memref<1x512xf32, #tpu.memory_space<vmem>>
    %dma_wait3A_1942 = arith.constant 0 : i32
    %dma_wait3A_1943 = tpu.memref_slice %arg2[%add3A_956, %dma_wait3A_1942] : memref<8192x512xf32, #tpu.memory_space<any>> -> memref<1x512xf32, #tpu.memory_space<any>>
    tpu.wait_dma2 semaphore(%arg4 : memref<!tpu.dma_semaphore, #tpu.memory_space<semaphore_mem>>) src(%dma_wait3A_1943 : memref<1x512xf32, #tpu.memory_space<any>>) dst(%dma_wait3A_1941 : memref<1x512xf32, #tpu.memory_space<vmem>>)
    %dma_wait3A_1944 = arith.constant 79 : i32
    %dma_wait3A_1945 = arith.constant 0 : i32
    %dma_wait3A_1946 = tpu.memref_slice %arg3[%dma_wait3A_1944, %dma_wait3A_1945] : memref<128x512xf32, #tpu.memory_space<vmem>> -> memref<1x512xf32, #tpu.memory_space<vmem>>
    %dma_wait3A_1947 = arith.constant 0 : i32
    %dma_wait3A_1948 = tpu.memref_slice %arg2[%add3A_968, %dma_wait3A_1947] : memref<8192x512xf32, #tpu.memory_space<any>> -> memref<1x512xf32, #tpu.memory_space<any>>
    tpu.wait_dma2 semaphore(%arg4 : memref<!tpu.dma_semaphore, #tpu.memory_space<semaphore_mem>>) src(%dma_wait3A_1948 : memref<1x512xf32, #tpu.memory_space<any>>) dst(%dma_wait3A_1946 : memref<1x512xf32, #tpu.memory_space<vmem>>)
    %dma_wait3A_1949 = arith.constant 80 : i32
    %dma_wait3A_1950 = arith.constant 0 : i32
    %dma_wait3A_1951 = tpu.memref_slice %arg3[%dma_wait3A_1949, %dma_wait3A_1950] : memref<128x512xf32, #tpu.memory_space<vmem>> -> memref<1x512xf32, #tpu.memory_space<vmem>>
    %dma_wait3A_1952 = arith.constant 0 : i32
    %dma_wait3A_1953 = tpu.memref_slice %arg2[%add3A_980, %dma_wait3A_1952] : memref<8192x512xf32, #tpu.memory_space<any>> -> memref<1x512xf32, #tpu.memory_space<any>>
    tpu.wait_dma2 semaphore(%arg4 : memref<!tpu.dma_semaphore, #tpu.memory_space<semaphore_mem>>) src(%dma_wait3A_1953 : memref<1x512xf32, #tpu.memory_space<any>>) dst(%dma_wait3A_1951 : memref<1x512xf32, #tpu.memory_space<vmem>>)
    %dma_wait3A_1954 = arith.constant 81 : i32
    %dma_wait3A_1955 = arith.constant 0 : i32
    %dma_wait3A_1956 = tpu.memref_slice %arg3[%dma_wait3A_1954, %dma_wait3A_1955] : memref<128x512xf32, #tpu.memory_space<vmem>> -> memref<1x512xf32, #tpu.memory_space<vmem>>
    %dma_wait3A_1957 = arith.constant 0 : i32
    %dma_wait3A_1958 = tpu.memref_slice %arg2[%add3A_992, %dma_wait3A_1957] : memref<8192x512xf32, #tpu.memory_space<any>> -> memref<1x512xf32, #tpu.memory_space<any>>
    tpu.wait_dma2 semaphore(%arg4 : memref<!tpu.dma_semaphore, #tpu.memory_space<semaphore_mem>>) src(%dma_wait3A_1958 : memref<1x512xf32, #tpu.memory_space<any>>) dst(%dma_wait3A_1956 : memref<1x512xf32, #tpu.memory_space<vmem>>)
    %dma_wait3A_1959 = arith.constant 82 : i32
    %dma_wait3A_1960 = arith.constant 0 : i32
    %dma_wait3A_1961 = tpu.memref_slice %arg3[%dma_wait3A_1959, %dma_wait3A_1960] : memref<128x512xf32, #tpu.memory_space<vmem>> -> memref<1x512xf32, #tpu.memory_space<vmem>>
    %dma_wait3A_1962 = arith.constant 0 : i32
    %dma_wait3A_1963 = tpu.memref_slice %arg2[%add3A_1004, %dma_wait3A_1962] : memref<8192x512xf32, #tpu.memory_space<any>> -> memref<1x512xf32, #tpu.memory_space<any>>
    tpu.wait_dma2 semaphore(%arg4 : memref<!tpu.dma_semaphore, #tpu.memory_space<semaphore_mem>>) src(%dma_wait3A_1963 : memref<1x512xf32, #tpu.memory_space<any>>) dst(%dma_wait3A_1961 : memref<1x512xf32, #tpu.memory_space<vmem>>)
    %dma_wait3A_1964 = arith.constant 83 : i32
    %dma_wait3A_1965 = arith.constant 0 : i32
    %dma_wait3A_1966 = tpu.memref_slice %arg3[%dma_wait3A_1964, %dma_wait3A_1965] : memref<128x512xf32, #tpu.memory_space<vmem>> -> memref<1x512xf32, #tpu.memory_space<vmem>>
    %dma_wait3A_1967 = arith.constant 0 : i32
    %dma_wait3A_1968 = tpu.memref_slice %arg2[%add3A_1016, %dma_wait3A_1967] : memref<8192x512xf32, #tpu.memory_space<any>> -> memref<1x512xf32, #tpu.memory_space<any>>
    tpu.wait_dma2 semaphore(%arg4 : memref<!tpu.dma_semaphore, #tpu.memory_space<semaphore_mem>>) src(%dma_wait3A_1968 : memref<1x512xf32, #tpu.memory_space<any>>) dst(%dma_wait3A_1966 : memref<1x512xf32, #tpu.memory_space<vmem>>)
    %dma_wait3A_1969 = arith.constant 84 : i32
    %dma_wait3A_1970 = arith.constant 0 : i32
    %dma_wait3A_1971 = tpu.memref_slice %arg3[%dma_wait3A_1969, %dma_wait3A_1970] : memref<128x512xf32, #tpu.memory_space<vmem>> -> memref<1x512xf32, #tpu.memory_space<vmem>>
    %dma_wait3A_1972 = arith.constant 0 : i32
    %dma_wait3A_1973 = tpu.memref_slice %arg2[%add3A_1028, %dma_wait3A_1972] : memref<8192x512xf32, #tpu.memory_space<any>> -> memref<1x512xf32, #tpu.memory_space<any>>
    tpu.wait_dma2 semaphore(%arg4 : memref<!tpu.dma_semaphore, #tpu.memory_space<semaphore_mem>>) src(%dma_wait3A_1973 : memref<1x512xf32, #tpu.memory_space<any>>) dst(%dma_wait3A_1971 : memref<1x512xf32, #tpu.memory_space<vmem>>)
    %dma_wait3A_1974 = arith.constant 85 : i32
    %dma_wait3A_1975 = arith.constant 0 : i32
    %dma_wait3A_1976 = tpu.memref_slice %arg3[%dma_wait3A_1974, %dma_wait3A_1975] : memref<128x512xf32, #tpu.memory_space<vmem>> -> memref<1x512xf32, #tpu.memory_space<vmem>>
    %dma_wait3A_1977 = arith.constant 0 : i32
    %dma_wait3A_1978 = tpu.memref_slice %arg2[%add3A_1040, %dma_wait3A_1977] : memref<8192x512xf32, #tpu.memory_space<any>> -> memref<1x512xf32, #tpu.memory_space<any>>
    tpu.wait_dma2 semaphore(%arg4 : memref<!tpu.dma_semaphore, #tpu.memory_space<semaphore_mem>>) src(%dma_wait3A_1978 : memref<1x512xf32, #tpu.memory_space<any>>) dst(%dma_wait3A_1976 : memref<1x512xf32, #tpu.memory_space<vmem>>)
    %dma_wait3A_1979 = arith.constant 86 : i32
    %dma_wait3A_1980 = arith.constant 0 : i32
    %dma_wait3A_1981 = tpu.memref_slice %arg3[%dma_wait3A_1979, %dma_wait3A_1980] : memref<128x512xf32, #tpu.memory_space<vmem>> -> memref<1x512xf32, #tpu.memory_space<vmem>>
    %dma_wait3A_1982 = arith.constant 0 : i32
    %dma_wait3A_1983 = tpu.memref_slice %arg2[%add3A_1052, %dma_wait3A_1982] : memref<8192x512xf32, #tpu.memory_space<any>> -> memref<1x512xf32, #tpu.memory_space<any>>
    tpu.wait_dma2 semaphore(%arg4 : memref<!tpu.dma_semaphore, #tpu.memory_space<semaphore_mem>>) src(%dma_wait3A_1983 : memref<1x512xf32, #tpu.memory_space<any>>) dst(%dma_wait3A_1981 : memref<1x512xf32, #tpu.memory_space<vmem>>)
    %dma_wait3A_1984 = arith.constant 87 : i32
    %dma_wait3A_1985 = arith.constant 0 : i32
    %dma_wait3A_1986 = tpu.memref_slice %arg3[%dma_wait3A_1984, %dma_wait3A_1985] : memref<128x512xf32, #tpu.memory_space<vmem>> -> memref<1x512xf32, #tpu.memory_space<vmem>>
    %dma_wait3A_1987 = arith.constant 0 : i32
    %dma_wait3A_1988 = tpu.memref_slice %arg2[%add3A_1064, %dma_wait3A_1987] : memref<8192x512xf32, #tpu.memory_space<any>> -> memref<1x512xf32, #tpu.memory_space<any>>
    tpu.wait_dma2 semaphore(%arg4 : memref<!tpu.dma_semaphore, #tpu.memory_space<semaphore_mem>>) src(%dma_wait3A_1988 : memref<1x512xf32, #tpu.memory_space<any>>) dst(%dma_wait3A_1986 : memref<1x512xf32, #tpu.memory_space<vmem>>)
    %dma_wait3A_1989 = arith.constant 88 : i32
    %dma_wait3A_1990 = arith.constant 0 : i32
    %dma_wait3A_1991 = tpu.memref_slice %arg3[%dma_wait3A_1989, %dma_wait3A_1990] : memref<128x512xf32, #tpu.memory_space<vmem>> -> memref<1x512xf32, #tpu.memory_space<vmem>>
    %dma_wait3A_1992 = arith.constant 0 : i32
    %dma_wait3A_1993 = tpu.memref_slice %arg2[%add3A_1076, %dma_wait3A_1992] : memref<8192x512xf32, #tpu.memory_space<any>> -> memref<1x512xf32, #tpu.memory_space<any>>
    tpu.wait_dma2 semaphore(%arg4 : memref<!tpu.dma_semaphore, #tpu.memory_space<semaphore_mem>>) src(%dma_wait3A_1993 : memref<1x512xf32, #tpu.memory_space<any>>) dst(%dma_wait3A_1991 : memref<1x512xf32, #tpu.memory_space<vmem>>)
    %dma_wait3A_1994 = arith.constant 89 : i32
    %dma_wait3A_1995 = arith.constant 0 : i32
    %dma_wait3A_1996 = tpu.memref_slice %arg3[%dma_wait3A_1994, %dma_wait3A_1995] : memref<128x512xf32, #tpu.memory_space<vmem>> -> memref<1x512xf32, #tpu.memory_space<vmem>>
    %dma_wait3A_1997 = arith.constant 0 : i32
    %dma_wait3A_1998 = tpu.memref_slice %arg2[%add3A_1088, %dma_wait3A_1997] : memref<8192x512xf32, #tpu.memory_space<any>> -> memref<1x512xf32, #tpu.memory_space<any>>
    tpu.wait_dma2 semaphore(%arg4 : memref<!tpu.dma_semaphore, #tpu.memory_space<semaphore_mem>>) src(%dma_wait3A_1998 : memref<1x512xf32, #tpu.memory_space<any>>) dst(%dma_wait3A_1996 : memref<1x512xf32, #tpu.memory_space<vmem>>)
    %dma_wait3A_1999 = arith.constant 90 : i32
    %dma_wait3A_2000 = arith.constant 0 : i32
    %dma_wait3A_2001 = tpu.memref_slice %arg3[%dma_wait3A_1999, %dma_wait3A_2000] : memref<128x512xf32, #tpu.memory_space<vmem>> -> memref<1x512xf32, #tpu.memory_space<vmem>>
    %dma_wait3A_2002 = arith.constant 0 : i32
    %dma_wait3A_2003 = tpu.memref_slice %arg2[%add3A_1100, %dma_wait3A_2002] : memref<8192x512xf32, #tpu.memory_space<any>> -> memref<1x512xf32, #tpu.memory_space<any>>
    tpu.wait_dma2 semaphore(%arg4 : memref<!tpu.dma_semaphore, #tpu.memory_space<semaphore_mem>>) src(%dma_wait3A_2003 : memref<1x512xf32, #tpu.memory_space<any>>) dst(%dma_wait3A_2001 : memref<1x512xf32, #tpu.memory_space<vmem>>)
    %dma_wait3A_2004 = arith.constant 91 : i32
    %dma_wait3A_2005 = arith.constant 0 : i32
    %dma_wait3A_2006 = tpu.memref_slice %arg3[%dma_wait3A_2004, %dma_wait3A_2005] : memref<128x512xf32, #tpu.memory_space<vmem>> -> memref<1x512xf32, #tpu.memory_space<vmem>>
    %dma_wait3A_2007 = arith.constant 0 : i32
    %dma_wait3A_2008 = tpu.memref_slice %arg2[%add3A_1112, %dma_wait3A_2007] : memref<8192x512xf32, #tpu.memory_space<any>> -> memref<1x512xf32, #tpu.memory_space<any>>
    tpu.wait_dma2 semaphore(%arg4 : memref<!tpu.dma_semaphore, #tpu.memory_space<semaphore_mem>>) src(%dma_wait3A_2008 : memref<1x512xf32, #tpu.memory_space<any>>) dst(%dma_wait3A_2006 : memref<1x512xf32, #tpu.memory_space<vmem>>)
    %dma_wait3A_2009 = arith.constant 92 : i32
    %dma_wait3A_2010 = arith.constant 0 : i32
    %dma_wait3A_2011 = tpu.memref_slice %arg3[%dma_wait3A_2009, %dma_wait3A_2010] : memref<128x512xf32, #tpu.memory_space<vmem>> -> memref<1x512xf32, #tpu.memory_space<vmem>>
    %dma_wait3A_2012 = arith.constant 0 : i32
    %dma_wait3A_2013 = tpu.memref_slice %arg2[%add3A_1124, %dma_wait3A_2012] : memref<8192x512xf32, #tpu.memory_space<any>> -> memref<1x512xf32, #tpu.memory_space<any>>
    tpu.wait_dma2 semaphore(%arg4 : memref<!tpu.dma_semaphore, #tpu.memory_space<semaphore_mem>>) src(%dma_wait3A_2013 : memref<1x512xf32, #tpu.memory_space<any>>) dst(%dma_wait3A_2011 : memref<1x512xf32, #tpu.memory_space<vmem>>)
    %dma_wait3A_2014 = arith.constant 93 : i32
    %dma_wait3A_2015 = arith.constant 0 : i32
    %dma_wait3A_2016 = tpu.memref_slice %arg3[%dma_wait3A_2014, %dma_wait3A_2015] : memref<128x512xf32, #tpu.memory_space<vmem>> -> memref<1x512xf32, #tpu.memory_space<vmem>>
    %dma_wait3A_2017 = arith.constant 0 : i32
    %dma_wait3A_2018 = tpu.memref_slice %arg2[%add3A_1136, %dma_wait3A_2017] : memref<8192x512xf32, #tpu.memory_space<any>> -> memref<1x512xf32, #tpu.memory_space<any>>
    tpu.wait_dma2 semaphore(%arg4 : memref<!tpu.dma_semaphore, #tpu.memory_space<semaphore_mem>>) src(%dma_wait3A_2018 : memref<1x512xf32, #tpu.memory_space<any>>) dst(%dma_wait3A_2016 : memref<1x512xf32, #tpu.memory_space<vmem>>)
    %dma_wait3A_2019 = arith.constant 94 : i32
    %dma_wait3A_2020 = arith.constant 0 : i32
    %dma_wait3A_2021 = tpu.memref_slice %arg3[%dma_wait3A_2019, %dma_wait3A_2020] : memref<128x512xf32, #tpu.memory_space<vmem>> -> memref<1x512xf32, #tpu.memory_space<vmem>>
    %dma_wait3A_2022 = arith.constant 0 : i32
    %dma_wait3A_2023 = tpu.memref_slice %arg2[%add3A_1148, %dma_wait3A_2022] : memref<8192x512xf32, #tpu.memory_space<any>> -> memref<1x512xf32, #tpu.memory_space<any>>
    tpu.wait_dma2 semaphore(%arg4 : memref<!tpu.dma_semaphore, #tpu.memory_space<semaphore_mem>>) src(%dma_wait3A_2023 : memref<1x512xf32, #tpu.memory_space<any>>) dst(%dma_wait3A_2021 : memref<1x512xf32, #tpu.memory_space<vmem>>)
    %dma_wait3A_2024 = arith.constant 95 : i32
    %dma_wait3A_2025 = arith.constant 0 : i32
    %dma_wait3A_2026 = tpu.memref_slice %arg3[%dma_wait3A_2024, %dma_wait3A_2025] : memref<128x512xf32, #tpu.memory_space<vmem>> -> memref<1x512xf32, #tpu.memory_space<vmem>>
    %dma_wait3A_2027 = arith.constant 0 : i32
    %dma_wait3A_2028 = tpu.memref_slice %arg2[%add3A_1160, %dma_wait3A_2027] : memref<8192x512xf32, #tpu.memory_space<any>> -> memref<1x512xf32, #tpu.memory_space<any>>
    tpu.wait_dma2 semaphore(%arg4 : memref<!tpu.dma_semaphore, #tpu.memory_space<semaphore_mem>>) src(%dma_wait3A_2028 : memref<1x512xf32, #tpu.memory_space<any>>) dst(%dma_wait3A_2026 : memref<1x512xf32, #tpu.memory_space<vmem>>)
    %dma_wait3A_2029 = arith.constant 96 : i32
    %dma_wait3A_2030 = arith.constant 0 : i32
    %dma_wait3A_2031 = tpu.memref_slice %arg3[%dma_wait3A_2029, %dma_wait3A_2030] : memref<128x512xf32, #tpu.memory_space<vmem>> -> memref<1x512xf32, #tpu.memory_space<vmem>>
    %dma_wait3A_2032 = arith.constant 0 : i32
    %dma_wait3A_2033 = tpu.memref_slice %arg2[%add3A_1172, %dma_wait3A_2032] : memref<8192x512xf32, #tpu.memory_space<any>> -> memref<1x512xf32, #tpu.memory_space<any>>
    tpu.wait_dma2 semaphore(%arg4 : memref<!tpu.dma_semaphore, #tpu.memory_space<semaphore_mem>>) src(%dma_wait3A_2033 : memref<1x512xf32, #tpu.memory_space<any>>) dst(%dma_wait3A_2031 : memref<1x512xf32, #tpu.memory_space<vmem>>)
    %dma_wait3A_2034 = arith.constant 97 : i32
    %dma_wait3A_2035 = arith.constant 0 : i32
    %dma_wait3A_2036 = tpu.memref_slice %arg3[%dma_wait3A_2034, %dma_wait3A_2035] : memref<128x512xf32, #tpu.memory_space<vmem>> -> memref<1x512xf32, #tpu.memory_space<vmem>>
    %dma_wait3A_2037 = arith.constant 0 : i32
    %dma_wait3A_2038 = tpu.memref_slice %arg2[%add3A_1184, %dma_wait3A_2037] : memref<8192x512xf32, #tpu.memory_space<any>> -> memref<1x512xf32, #tpu.memory_space<any>>
    tpu.wait_dma2 semaphore(%arg4 : memref<!tpu.dma_semaphore, #tpu.memory_space<semaphore_mem>>) src(%dma_wait3A_2038 : memref<1x512xf32, #tpu.memory_space<any>>) dst(%dma_wait3A_2036 : memref<1x512xf32, #tpu.memory_space<vmem>>)
    %dma_wait3A_2039 = arith.constant 98 : i32
    %dma_wait3A_2040 = arith.constant 0 : i32
    %dma_wait3A_2041 = tpu.memref_slice %arg3[%dma_wait3A_2039, %dma_wait3A_2040] : memref<128x512xf32, #tpu.memory_space<vmem>> -> memref<1x512xf32, #tpu.memory_space<vmem>>
    %dma_wait3A_2042 = arith.constant 0 : i32
    %dma_wait3A_2043 = tpu.memref_slice %arg2[%add3A_1196, %dma_wait3A_2042] : memref<8192x512xf32, #tpu.memory_space<any>> -> memref<1x512xf32, #tpu.memory_space<any>>
    tpu.wait_dma2 semaphore(%arg4 : memref<!tpu.dma_semaphore, #tpu.memory_space<semaphore_mem>>) src(%dma_wait3A_2043 : memref<1x512xf32, #tpu.memory_space<any>>) dst(%dma_wait3A_2041 : memref<1x512xf32, #tpu.memory_space<vmem>>)
    %dma_wait3A_2044 = arith.constant 99 : i32
    %dma_wait3A_2045 = arith.constant 0 : i32
    %dma_wait3A_2046 = tpu.memref_slice %arg3[%dma_wait3A_2044, %dma_wait3A_2045] : memref<128x512xf32, #tpu.memory_space<vmem>> -> memref<1x512xf32, #tpu.memory_space<vmem>>
    %dma_wait3A_2047 = arith.constant 0 : i32
    %dma_wait3A_2048 = tpu.memref_slice %arg2[%add3A_1208, %dma_wait3A_2047] : memref<8192x512xf32, #tpu.memory_space<any>> -> memref<1x512xf32, #tpu.memory_space<any>>
    tpu.wait_dma2 semaphore(%arg4 : memref<!tpu.dma_semaphore, #tpu.memory_space<semaphore_mem>>) src(%dma_wait3A_2048 : memref<1x512xf32, #tpu.memory_space<any>>) dst(%dma_wait3A_2046 : memref<1x512xf32, #tpu.memory_space<vmem>>)
    %dma_wait3A_2049 = arith.constant 100 : i32
    %dma_wait3A_2050 = arith.constant 0 : i32
    %dma_wait3A_2051 = tpu.memref_slice %arg3[%dma_wait3A_2049, %dma_wait3A_2050] : memref<128x512xf32, #tpu.memory_space<vmem>> -> memref<1x512xf32, #tpu.memory_space<vmem>>
    %dma_wait3A_2052 = arith.constant 0 : i32
    %dma_wait3A_2053 = tpu.memref_slice %arg2[%add3A_1220, %dma_wait3A_2052] : memref<8192x512xf32, #tpu.memory_space<any>> -> memref<1x512xf32, #tpu.memory_space<any>>
    tpu.wait_dma2 semaphore(%arg4 : memref<!tpu.dma_semaphore, #tpu.memory_space<semaphore_mem>>) src(%dma_wait3A_2053 : memref<1x512xf32, #tpu.memory_space<any>>) dst(%dma_wait3A_2051 : memref<1x512xf32, #tpu.memory_space<vmem>>)
    %dma_wait3A_2054 = arith.constant 101 : i32
    %dma_wait3A_2055 = arith.constant 0 : i32
    %dma_wait3A_2056 = tpu.memref_slice %arg3[%dma_wait3A_2054, %dma_wait3A_2055] : memref<128x512xf32, #tpu.memory_space<vmem>> -> memref<1x512xf32, #tpu.memory_space<vmem>>
    %dma_wait3A_2057 = arith.constant 0 : i32
    %dma_wait3A_2058 = tpu.memref_slice %arg2[%add3A_1232, %dma_wait3A_2057] : memref<8192x512xf32, #tpu.memory_space<any>> -> memref<1x512xf32, #tpu.memory_space<any>>
    tpu.wait_dma2 semaphore(%arg4 : memref<!tpu.dma_semaphore, #tpu.memory_space<semaphore_mem>>) src(%dma_wait3A_2058 : memref<1x512xf32, #tpu.memory_space<any>>) dst(%dma_wait3A_2056 : memref<1x512xf32, #tpu.memory_space<vmem>>)
    %dma_wait3A_2059 = arith.constant 102 : i32
    %dma_wait3A_2060 = arith.constant 0 : i32
    %dma_wait3A_2061 = tpu.memref_slice %arg3[%dma_wait3A_2059, %dma_wait3A_2060] : memref<128x512xf32, #tpu.memory_space<vmem>> -> memref<1x512xf32, #tpu.memory_space<vmem>>
    %dma_wait3A_2062 = arith.constant 0 : i32
    %dma_wait3A_2063 = tpu.memref_slice %arg2[%add3A_1244, %dma_wait3A_2062] : memref<8192x512xf32, #tpu.memory_space<any>> -> memref<1x512xf32, #tpu.memory_space<any>>
    tpu.wait_dma2 semaphore(%arg4 : memref<!tpu.dma_semaphore, #tpu.memory_space<semaphore_mem>>) src(%dma_wait3A_2063 : memref<1x512xf32, #tpu.memory_space<any>>) dst(%dma_wait3A_2061 : memref<1x512xf32, #tpu.memory_space<vmem>>)
    %dma_wait3A_2064 = arith.constant 103 : i32
    %dma_wait3A_2065 = arith.constant 0 : i32
    %dma_wait3A_2066 = tpu.memref_slice %arg3[%dma_wait3A_2064, %dma_wait3A_2065] : memref<128x512xf32, #tpu.memory_space<vmem>> -> memref<1x512xf32, #tpu.memory_space<vmem>>
    %dma_wait3A_2067 = arith.constant 0 : i32
    %dma_wait3A_2068 = tpu.memref_slice %arg2[%add3A_1256, %dma_wait3A_2067] : memref<8192x512xf32, #tpu.memory_space<any>> -> memref<1x512xf32, #tpu.memory_space<any>>
    tpu.wait_dma2 semaphore(%arg4 : memref<!tpu.dma_semaphore, #tpu.memory_space<semaphore_mem>>) src(%dma_wait3A_2068 : memref<1x512xf32, #tpu.memory_space<any>>) dst(%dma_wait3A_2066 : memref<1x512xf32, #tpu.memory_space<vmem>>)
    %dma_wait3A_2069 = arith.constant 104 : i32
    %dma_wait3A_2070 = arith.constant 0 : i32
    %dma_wait3A_2071 = tpu.memref_slice %arg3[%dma_wait3A_2069, %dma_wait3A_2070] : memref<128x512xf32, #tpu.memory_space<vmem>> -> memref<1x512xf32, #tpu.memory_space<vmem>>
    %dma_wait3A_2072 = arith.constant 0 : i32
    %dma_wait3A_2073 = tpu.memref_slice %arg2[%add3A_1268, %dma_wait3A_2072] : memref<8192x512xf32, #tpu.memory_space<any>> -> memref<1x512xf32, #tpu.memory_space<any>>
    tpu.wait_dma2 semaphore(%arg4 : memref<!tpu.dma_semaphore, #tpu.memory_space<semaphore_mem>>) src(%dma_wait3A_2073 : memref<1x512xf32, #tpu.memory_space<any>>) dst(%dma_wait3A_2071 : memref<1x512xf32, #tpu.memory_space<vmem>>)
    %dma_wait3A_2074 = arith.constant 105 : i32
    %dma_wait3A_2075 = arith.constant 0 : i32
    %dma_wait3A_2076 = tpu.memref_slice %arg3[%dma_wait3A_2074, %dma_wait3A_2075] : memref<128x512xf32, #tpu.memory_space<vmem>> -> memref<1x512xf32, #tpu.memory_space<vmem>>
    %dma_wait3A_2077 = arith.constant 0 : i32
    %dma_wait3A_2078 = tpu.memref_slice %arg2[%add3A_1280, %dma_wait3A_2077] : memref<8192x512xf32, #tpu.memory_space<any>> -> memref<1x512xf32, #tpu.memory_space<any>>
    tpu.wait_dma2 semaphore(%arg4 : memref<!tpu.dma_semaphore, #tpu.memory_space<semaphore_mem>>) src(%dma_wait3A_2078 : memref<1x512xf32, #tpu.memory_space<any>>) dst(%dma_wait3A_2076 : memref<1x512xf32, #tpu.memory_space<vmem>>)
    %dma_wait3A_2079 = arith.constant 106 : i32
    %dma_wait3A_2080 = arith.constant 0 : i32
    %dma_wait3A_2081 = tpu.memref_slice %arg3[%dma_wait3A_2079, %dma_wait3A_2080] : memref<128x512xf32, #tpu.memory_space<vmem>> -> memref<1x512xf32, #tpu.memory_space<vmem>>
    %dma_wait3A_2082 = arith.constant 0 : i32
    %dma_wait3A_2083 = tpu.memref_slice %arg2[%add3A_1292, %dma_wait3A_2082] : memref<8192x512xf32, #tpu.memory_space<any>> -> memref<1x512xf32, #tpu.memory_space<any>>
    tpu.wait_dma2 semaphore(%arg4 : memref<!tpu.dma_semaphore, #tpu.memory_space<semaphore_mem>>) src(%dma_wait3A_2083 : memref<1x512xf32, #tpu.memory_space<any>>) dst(%dma_wait3A_2081 : memref<1x512xf32, #tpu.memory_space<vmem>>)
    %dma_wait3A_2084 = arith.constant 107 : i32
    %dma_wait3A_2085 = arith.constant 0 : i32
    %dma_wait3A_2086 = tpu.memref_slice %arg3[%dma_wait3A_2084, %dma_wait3A_2085] : memref<128x512xf32, #tpu.memory_space<vmem>> -> memref<1x512xf32, #tpu.memory_space<vmem>>
    %dma_wait3A_2087 = arith.constant 0 : i32
    %dma_wait3A_2088 = tpu.memref_slice %arg2[%add3A_1304, %dma_wait3A_2087] : memref<8192x512xf32, #tpu.memory_space<any>> -> memref<1x512xf32, #tpu.memory_space<any>>
    tpu.wait_dma2 semaphore(%arg4 : memref<!tpu.dma_semaphore, #tpu.memory_space<semaphore_mem>>) src(%dma_wait3A_2088 : memref<1x512xf32, #tpu.memory_space<any>>) dst(%dma_wait3A_2086 : memref<1x512xf32, #tpu.memory_space<vmem>>)
    %dma_wait3A_2089 = arith.constant 108 : i32
    %dma_wait3A_2090 = arith.constant 0 : i32
    %dma_wait3A_2091 = tpu.memref_slice %arg3[%dma_wait3A_2089, %dma_wait3A_2090] : memref<128x512xf32, #tpu.memory_space<vmem>> -> memref<1x512xf32, #tpu.memory_space<vmem>>
    %dma_wait3A_2092 = arith.constant 0 : i32
    %dma_wait3A_2093 = tpu.memref_slice %arg2[%add3A_1316, %dma_wait3A_2092] : memref<8192x512xf32, #tpu.memory_space<any>> -> memref<1x512xf32, #tpu.memory_space<any>>
    tpu.wait_dma2 semaphore(%arg4 : memref<!tpu.dma_semaphore, #tpu.memory_space<semaphore_mem>>) src(%dma_wait3A_2093 : memref<1x512xf32, #tpu.memory_space<any>>) dst(%dma_wait3A_2091 : memref<1x512xf32, #tpu.memory_space<vmem>>)
    %dma_wait3A_2094 = arith.constant 109 : i32
    %dma_wait3A_2095 = arith.constant 0 : i32
    %dma_wait3A_2096 = tpu.memref_slice %arg3[%dma_wait3A_2094, %dma_wait3A_2095] : memref<128x512xf32, #tpu.memory_space<vmem>> -> memref<1x512xf32, #tpu.memory_space<vmem>>
    %dma_wait3A_2097 = arith.constant 0 : i32
    %dma_wait3A_2098 = tpu.memref_slice %arg2[%add3A_1328, %dma_wait3A_2097] : memref<8192x512xf32, #tpu.memory_space<any>> -> memref<1x512xf32, #tpu.memory_space<any>>
    tpu.wait_dma2 semaphore(%arg4 : memref<!tpu.dma_semaphore, #tpu.memory_space<semaphore_mem>>) src(%dma_wait3A_2098 : memref<1x512xf32, #tpu.memory_space<any>>) dst(%dma_wait3A_2096 : memref<1x512xf32, #tpu.memory_space<vmem>>)
    %dma_wait3A_2099 = arith.constant 110 : i32
    %dma_wait3A_2100 = arith.constant 0 : i32
    %dma_wait3A_2101 = tpu.memref_slice %arg3[%dma_wait3A_2099, %dma_wait3A_2100] : memref<128x512xf32, #tpu.memory_space<vmem>> -> memref<1x512xf32, #tpu.memory_space<vmem>>
    %dma_wait3A_2102 = arith.constant 0 : i32
    %dma_wait3A_2103 = tpu.memref_slice %arg2[%add3A_1340, %dma_wait3A_2102] : memref<8192x512xf32, #tpu.memory_space<any>> -> memref<1x512xf32, #tpu.memory_space<any>>
    tpu.wait_dma2 semaphore(%arg4 : memref<!tpu.dma_semaphore, #tpu.memory_space<semaphore_mem>>) src(%dma_wait3A_2103 : memref<1x512xf32, #tpu.memory_space<any>>) dst(%dma_wait3A_2101 : memref<1x512xf32, #tpu.memory_space<vmem>>)
    %dma_wait3A_2104 = arith.constant 111 : i32
    %dma_wait3A_2105 = arith.constant 0 : i32
    %dma_wait3A_2106 = tpu.memref_slice %arg3[%dma_wait3A_2104, %dma_wait3A_2105] : memref<128x512xf32, #tpu.memory_space<vmem>> -> memref<1x512xf32, #tpu.memory_space<vmem>>
    %dma_wait3A_2107 = arith.constant 0 : i32
    %dma_wait3A_2108 = tpu.memref_slice %arg2[%add3A_1352, %dma_wait3A_2107] : memref<8192x512xf32, #tpu.memory_space<any>> -> memref<1x512xf32, #tpu.memory_space<any>>
    tpu.wait_dma2 semaphore(%arg4 : memref<!tpu.dma_semaphore, #tpu.memory_space<semaphore_mem>>) src(%dma_wait3A_2108 : memref<1x512xf32, #tpu.memory_space<any>>) dst(%dma_wait3A_2106 : memref<1x512xf32, #tpu.memory_space<vmem>>)
    %dma_wait3A_2109 = arith.constant 112 : i32
    %dma_wait3A_2110 = arith.constant 0 : i32
    %dma_wait3A_2111 = tpu.memref_slice %arg3[%dma_wait3A_2109, %dma_wait3A_2110] : memref<128x512xf32, #tpu.memory_space<vmem>> -> memref<1x512xf32, #tpu.memory_space<vmem>>
    %dma_wait3A_2112 = arith.constant 0 : i32
    %dma_wait3A_2113 = tpu.memref_slice %arg2[%add3A_1364, %dma_wait3A_2112] : memref<8192x512xf32, #tpu.memory_space<any>> -> memref<1x512xf32, #tpu.memory_space<any>>
    tpu.wait_dma2 semaphore(%arg4 : memref<!tpu.dma_semaphore, #tpu.memory_space<semaphore_mem>>) src(%dma_wait3A_2113 : memref<1x512xf32, #tpu.memory_space<any>>) dst(%dma_wait3A_2111 : memref<1x512xf32, #tpu.memory_space<vmem>>)
    %dma_wait3A_2114 = arith.constant 113 : i32
    %dma_wait3A_2115 = arith.constant 0 : i32
    %dma_wait3A_2116 = tpu.memref_slice %arg3[%dma_wait3A_2114, %dma_wait3A_2115] : memref<128x512xf32, #tpu.memory_space<vmem>> -> memref<1x512xf32, #tpu.memory_space<vmem>>
    %dma_wait3A_2117 = arith.constant 0 : i32
    %dma_wait3A_2118 = tpu.memref_slice %arg2[%add3A_1376, %dma_wait3A_2117] : memref<8192x512xf32, #tpu.memory_space<any>> -> memref<1x512xf32, #tpu.memory_space<any>>
    tpu.wait_dma2 semaphore(%arg4 : memref<!tpu.dma_semaphore, #tpu.memory_space<semaphore_mem>>) src(%dma_wait3A_2118 : memref<1x512xf32, #tpu.memory_space<any>>) dst(%dma_wait3A_2116 : memref<1x512xf32, #tpu.memory_space<vmem>>)
    %dma_wait3A_2119 = arith.constant 114 : i32
    %dma_wait3A_2120 = arith.constant 0 : i32
    %dma_wait3A_2121 = tpu.memref_slice %arg3[%dma_wait3A_2119, %dma_wait3A_2120] : memref<128x512xf32, #tpu.memory_space<vmem>> -> memref<1x512xf32, #tpu.memory_space<vmem>>
    %dma_wait3A_2122 = arith.constant 0 : i32
    %dma_wait3A_2123 = tpu.memref_slice %arg2[%add3A_1388, %dma_wait3A_2122] : memref<8192x512xf32, #tpu.memory_space<any>> -> memref<1x512xf32, #tpu.memory_space<any>>
    tpu.wait_dma2 semaphore(%arg4 : memref<!tpu.dma_semaphore, #tpu.memory_space<semaphore_mem>>) src(%dma_wait3A_2123 : memref<1x512xf32, #tpu.memory_space<any>>) dst(%dma_wait3A_2121 : memref<1x512xf32, #tpu.memory_space<vmem>>)
    %dma_wait3A_2124 = arith.constant 115 : i32
    %dma_wait3A_2125 = arith.constant 0 : i32
    %dma_wait3A_2126 = tpu.memref_slice %arg3[%dma_wait3A_2124, %dma_wait3A_2125] : memref<128x512xf32, #tpu.memory_space<vmem>> -> memref<1x512xf32, #tpu.memory_space<vmem>>
    %dma_wait3A_2127 = arith.constant 0 : i32
    %dma_wait3A_2128 = tpu.memref_slice %arg2[%add3A_1400, %dma_wait3A_2127] : memref<8192x512xf32, #tpu.memory_space<any>> -> memref<1x512xf32, #tpu.memory_space<any>>
    tpu.wait_dma2 semaphore(%arg4 : memref<!tpu.dma_semaphore, #tpu.memory_space<semaphore_mem>>) src(%dma_wait3A_2128 : memref<1x512xf32, #tpu.memory_space<any>>) dst(%dma_wait3A_2126 : memref<1x512xf32, #tpu.memory_space<vmem>>)
    %dma_wait3A_2129 = arith.constant 116 : i32
    %dma_wait3A_2130 = arith.constant 0 : i32
    %dma_wait3A_2131 = tpu.memref_slice %arg3[%dma_wait3A_2129, %dma_wait3A_2130] : memref<128x512xf32, #tpu.memory_space<vmem>> -> memref<1x512xf32, #tpu.memory_space<vmem>>
    %dma_wait3A_2132 = arith.constant 0 : i32
    %dma_wait3A_2133 = tpu.memref_slice %arg2[%add3A_1412, %dma_wait3A_2132] : memref<8192x512xf32, #tpu.memory_space<any>> -> memref<1x512xf32, #tpu.memory_space<any>>
    tpu.wait_dma2 semaphore(%arg4 : memref<!tpu.dma_semaphore, #tpu.memory_space<semaphore_mem>>) src(%dma_wait3A_2133 : memref<1x512xf32, #tpu.memory_space<any>>) dst(%dma_wait3A_2131 : memref<1x512xf32, #tpu.memory_space<vmem>>)
    %dma_wait3A_2134 = arith.constant 117 : i32
    %dma_wait3A_2135 = arith.constant 0 : i32
    %dma_wait3A_2136 = tpu.memref_slice %arg3[%dma_wait3A_2134, %dma_wait3A_2135] : memref<128x512xf32, #tpu.memory_space<vmem>> -> memref<1x512xf32, #tpu.memory_space<vmem>>
    %dma_wait3A_2137 = arith.constant 0 : i32
    %dma_wait3A_2138 = tpu.memref_slice %arg2[%add3A_1424, %dma_wait3A_2137] : memref<8192x512xf32, #tpu.memory_space<any>> -> memref<1x512xf32, #tpu.memory_space<any>>
    tpu.wait_dma2 semaphore(%arg4 : memref<!tpu.dma_semaphore, #tpu.memory_space<semaphore_mem>>) src(%dma_wait3A_2138 : memref<1x512xf32, #tpu.memory_space<any>>) dst(%dma_wait3A_2136 : memref<1x512xf32, #tpu.memory_space<vmem>>)
    %dma_wait3A_2139 = arith.constant 118 : i32
    %dma_wait3A_2140 = arith.constant 0 : i32
    %dma_wait3A_2141 = tpu.memref_slice %arg3[%dma_wait3A_2139, %dma_wait3A_2140] : memref<128x512xf32, #tpu.memory_space<vmem>> -> memref<1x512xf32, #tpu.memory_space<vmem>>
    %dma_wait3A_2142 = arith.constant 0 : i32
    %dma_wait3A_2143 = tpu.memref_slice %arg2[%add3A_1436, %dma_wait3A_2142] : memref<8192x512xf32, #tpu.memory_space<any>> -> memref<1x512xf32, #tpu.memory_space<any>>
    tpu.wait_dma2 semaphore(%arg4 : memref<!tpu.dma_semaphore, #tpu.memory_space<semaphore_mem>>) src(%dma_wait3A_2143 : memref<1x512xf32, #tpu.memory_space<any>>) dst(%dma_wait3A_2141 : memref<1x512xf32, #tpu.memory_space<vmem>>)
    %dma_wait3A_2144 = arith.constant 119 : i32
    %dma_wait3A_2145 = arith.constant 0 : i32
    %dma_wait3A_2146 = tpu.memref_slice %arg3[%dma_wait3A_2144, %dma_wait3A_2145] : memref<128x512xf32, #tpu.memory_space<vmem>> -> memref<1x512xf32, #tpu.memory_space<vmem>>
    %dma_wait3A_2147 = arith.constant 0 : i32
    %dma_wait3A_2148 = tpu.memref_slice %arg2[%add3A_1448, %dma_wait3A_2147] : memref<8192x512xf32, #tpu.memory_space<any>> -> memref<1x512xf32, #tpu.memory_space<any>>
    tpu.wait_dma2 semaphore(%arg4 : memref<!tpu.dma_semaphore, #tpu.memory_space<semaphore_mem>>) src(%dma_wait3A_2148 : memref<1x512xf32, #tpu.memory_space<any>>) dst(%dma_wait3A_2146 : memref<1x512xf32, #tpu.memory_space<vmem>>)
    %dma_wait3A_2149 = arith.constant 120 : i32
    %dma_wait3A_2150 = arith.constant 0 : i32
    %dma_wait3A_2151 = tpu.memref_slice %arg3[%dma_wait3A_2149, %dma_wait3A_2150] : memref<128x512xf32, #tpu.memory_space<vmem>> -> memref<1x512xf32, #tpu.memory_space<vmem>>
    %dma_wait3A_2152 = arith.constant 0 : i32
    %dma_wait3A_2153 = tpu.memref_slice %arg2[%add3A_1460, %dma_wait3A_2152] : memref<8192x512xf32, #tpu.memory_space<any>> -> memref<1x512xf32, #tpu.memory_space<any>>
    tpu.wait_dma2 semaphore(%arg4 : memref<!tpu.dma_semaphore, #tpu.memory_space<semaphore_mem>>) src(%dma_wait3A_2153 : memref<1x512xf32, #tpu.memory_space<any>>) dst(%dma_wait3A_2151 : memref<1x512xf32, #tpu.memory_space<vmem>>)
    %dma_wait3A_2154 = arith.constant 121 : i32
    %dma_wait3A_2155 = arith.constant 0 : i32
    %dma_wait3A_2156 = tpu.memref_slice %arg3[%dma_wait3A_2154, %dma_wait3A_2155] : memref<128x512xf32, #tpu.memory_space<vmem>> -> memref<1x512xf32, #tpu.memory_space<vmem>>
    %dma_wait3A_2157 = arith.constant 0 : i32
    %dma_wait3A_2158 = tpu.memref_slice %arg2[%add3A_1472, %dma_wait3A_2157] : memref<8192x512xf32, #tpu.memory_space<any>> -> memref<1x512xf32, #tpu.memory_space<any>>
    tpu.wait_dma2 semaphore(%arg4 : memref<!tpu.dma_semaphore, #tpu.memory_space<semaphore_mem>>) src(%dma_wait3A_2158 : memref<1x512xf32, #tpu.memory_space<any>>) dst(%dma_wait3A_2156 : memref<1x512xf32, #tpu.memory_space<vmem>>)
    %dma_wait3A_2159 = arith.constant 122 : i32
    %dma_wait3A_2160 = arith.constant 0 : i32
    %dma_wait3A_2161 = tpu.memref_slice %arg3[%dma_wait3A_2159, %dma_wait3A_2160] : memref<128x512xf32, #tpu.memory_space<vmem>> -> memref<1x512xf32, #tpu.memory_space<vmem>>
    %dma_wait3A_2162 = arith.constant 0 : i32
    %dma_wait3A_2163 = tpu.memref_slice %arg2[%add3A_1484, %dma_wait3A_2162] : memref<8192x512xf32, #tpu.memory_space<any>> -> memref<1x512xf32, #tpu.memory_space<any>>
    tpu.wait_dma2 semaphore(%arg4 : memref<!tpu.dma_semaphore, #tpu.memory_space<semaphore_mem>>) src(%dma_wait3A_2163 : memref<1x512xf32, #tpu.memory_space<any>>) dst(%dma_wait3A_2161 : memref<1x512xf32, #tpu.memory_space<vmem>>)
    %dma_wait3A_2164 = arith.constant 123 : i32
    %dma_wait3A_2165 = arith.constant 0 : i32
    %dma_wait3A_2166 = tpu.memref_slice %arg3[%dma_wait3A_2164, %dma_wait3A_2165] : memref<128x512xf32, #tpu.memory_space<vmem>> -> memref<1x512xf32, #tpu.memory_space<vmem>>
    %dma_wait3A_2167 = arith.constant 0 : i32
    %dma_wait3A_2168 = tpu.memref_slice %arg2[%add3A_1496, %dma_wait3A_2167] : memref<8192x512xf32, #tpu.memory_space<any>> -> memref<1x512xf32, #tpu.memory_space<any>>
    tpu.wait_dma2 semaphore(%arg4 : memref<!tpu.dma_semaphore, #tpu.memory_space<semaphore_mem>>) src(%dma_wait3A_2168 : memref<1x512xf32, #tpu.memory_space<any>>) dst(%dma_wait3A_2166 : memref<1x512xf32, #tpu.memory_space<vmem>>)
    %dma_wait3A_2169 = arith.constant 124 : i32
    %dma_wait3A_2170 = arith.constant 0 : i32
    %dma_wait3A_2171 = tpu.memref_slice %arg3[%dma_wait3A_2169, %dma_wait3A_2170] : memref<128x512xf32, #tpu.memory_space<vmem>> -> memref<1x512xf32, #tpu.memory_space<vmem>>
    %dma_wait3A_2172 = arith.constant 0 : i32
    %dma_wait3A_2173 = tpu.memref_slice %arg2[%add3A_1508, %dma_wait3A_2172] : memref<8192x512xf32, #tpu.memory_space<any>> -> memref<1x512xf32, #tpu.memory_space<any>>
    tpu.wait_dma2 semaphore(%arg4 : memref<!tpu.dma_semaphore, #tpu.memory_space<semaphore_mem>>) src(%dma_wait3A_2173 : memref<1x512xf32, #tpu.memory_space<any>>) dst(%dma_wait3A_2171 : memref<1x512xf32, #tpu.memory_space<vmem>>)
    %dma_wait3A_2174 = arith.constant 125 : i32
    %dma_wait3A_2175 = arith.constant 0 : i32
    %dma_wait3A_2176 = tpu.memref_slice %arg3[%dma_wait3A_2174, %dma_wait3A_2175] : memref<128x512xf32, #tpu.memory_space<vmem>> -> memref<1x512xf32, #tpu.memory_space<vmem>>
    %dma_wait3A_2177 = arith.constant 0 : i32
    %dma_wait3A_2178 = tpu.memref_slice %arg2[%add3A_1520, %dma_wait3A_2177] : memref<8192x512xf32, #tpu.memory_space<any>> -> memref<1x512xf32, #tpu.memory_space<any>>
    tpu.wait_dma2 semaphore(%arg4 : memref<!tpu.dma_semaphore, #tpu.memory_space<semaphore_mem>>) src(%dma_wait3A_2178 : memref<1x512xf32, #tpu.memory_space<any>>) dst(%dma_wait3A_2176 : memref<1x512xf32, #tpu.memory_space<vmem>>)
    %dma_wait3A_2179 = arith.constant 126 : i32
    %dma_wait3A_2180 = arith.constant 0 : i32
    %dma_wait3A_2181 = tpu.memref_slice %arg3[%dma_wait3A_2179, %dma_wait3A_2180] : memref<128x512xf32, #tpu.memory_space<vmem>> -> memref<1x512xf32, #tpu.memory_space<vmem>>
    %dma_wait3A_2182 = arith.constant 0 : i32
    %dma_wait3A_2183 = tpu.memref_slice %arg2[%add3A_1532, %dma_wait3A_2182] : memref<8192x512xf32, #tpu.memory_space<any>> -> memref<1x512xf32, #tpu.memory_space<any>>
    tpu.wait_dma2 semaphore(%arg4 : memref<!tpu.dma_semaphore, #tpu.memory_space<semaphore_mem>>) src(%dma_wait3A_2183 : memref<1x512xf32, #tpu.memory_space<any>>) dst(%dma_wait3A_2181 : memref<1x512xf32, #tpu.memory_space<vmem>>)
    %dma_wait3A_2184 = arith.constant 127 : i32
    %dma_wait3A_2185 = arith.constant 0 : i32
    %dma_wait3A_2186 = tpu.memref_slice %arg3[%dma_wait3A_2184, %dma_wait3A_2185] : memref<128x512xf32, #tpu.memory_space<vmem>> -> memref<1x512xf32, #tpu.memory_space<vmem>>
    %dma_wait3A_2187 = arith.constant 0 : i32
    %dma_wait3A_2188 = tpu.memref_slice %arg2[%add3A_1544, %dma_wait3A_2187] : memref<8192x512xf32, #tpu.memory_space<any>> -> memref<1x512xf32, #tpu.memory_space<any>>
    tpu.wait_dma2 semaphore(%arg4 : memref<!tpu.dma_semaphore, #tpu.memory_space<semaphore_mem>>) src(%dma_wait3A_2188 : memref<1x512xf32, #tpu.memory_space<any>>) dst(%dma_wait3A_2186 : memref<1x512xf32, #tpu.memory_space<vmem>>)
    return
  }
  func.func @transform_1(%arg0: i32, %arg1: memref<16384xi32, #tpu.memory_space<smem>>) -> (i32, i32) {
    %c0_i32 = arith.constant 0 : i32
    %c0_i32_0 = arith.constant 0 : i32
    return %arg0, %c0_i32 : i32, i32
  }
}

</mosaic_0001>

<sc_bundles>
// kernel: kernel.4.cloned.1.call-start
scs
__scs_entry_jumppad:
0x0: {  	(pc) =	sbr.rel $0x88, $3  }
0x1: {  	(tag) =	ssettag $0x0;
	lr =	simm.s32 $0x1  }
0x2: {  	[smem:$0x3F9F] =	sst lr;
	_ =	strace $0xD0000000  }
0x3: {  	_ = 	snop  }
0x4: {  	_ = 	snop  }
0x5: {  	_ = 	snop  }
0x6: {  	_ = 	snop  }
0x7: {  	_ = 	snop  }
__scs_overlays_trampoline_lowered:
0x8: {  	[smem:$0x3FAE] =	sst s0  }
0x9: {  	[smem:$0x3FAF] =	sst s1  }
0xa: {  	[smem:$0x3FB0] =	sst s2  }
0xb: {  	[smem:$0x3FB1] =	sst s3  }
0xc: {  	[smem:$0x3FB2] =	sst s4  }
0xd: {  	[smem:$0x3FB3] =	sst s5  }
0xe: {  	[smem:$0x3FB4] =	sst s6  }
0xf: {  	[smem:$0x3FB5] =	sst s7  }
0x10: {  	[smem:$0x3FB6] =	sst s8  }
0x11: {  	[smem:$0x3FB7] =	sst s9;
	s0 =	simm.s32 @!p0 $0x0  }
0x12: {  	s1 =	sld [smem:$0x3F9D];
	s0 =	simm.s32 @p0 $0x1  }
0x13: {  	[smem:$0x3FB8] =	sst s0;
	s0 =	simm.s32 @!p1 $0x0  }
0x14: {  	s2 =	sld [smem:$0x3F9C];
	s0 =	simm.s32 @p1 $0x1  }
0x15: {  	[smem:$0x3FB9] =	sst s0;
	s0 =	simm.s32 @!p2 $0x0  }
0x16: {  	s3 =	sld [smem:$0x3FDB];
	s0 =	simm.s32 @p2 $0x1  }
0x17: {  	s4 =	simm.s32 $0x1BF5;
	[smem:$0x3FBB] =	sst s0  }
0x18: {  	s0 =	sld [smem:$0x3F9E];
	_ =	swait.ge [sflag:s4], $0x0  }
0x19: {  	s7 =	sld [smem:$0x3F9F]  }
0x1a: {  	s8 =	sadd.s32 $0xFFFFE003, lr  }
0x1b: {  	s9 =	sadd.s32 $0xFFFFFEF7, lr;
	s5 =	simm.s32 $0xFFFFFFFF;
	p2 =	slt.u32 s8, $0xFFFFF086  }
0x1c: {  	p1 =	slt.u32 s9, $0xF7A;
	s5 =	simm.s32 @!p2 $0x0  }
0x1d: {  	s5 =	simm.s32 @p1 $0x1;
	p0 =	seq.s32 s7, s2  }
0x1e: {  	s7 =	smul.u32 @!p0 $0xF7A, s2;
	p2 =	seq.s32 @!p0 s5, $0x0  }
0x1f: {  	s9 =	smul.u32 $0xF7A, s1;
	s8 =	simm.s32 @!p0 $0x1BF5;
	p2 =	por !p2, p0  }
0x20: {  	[sflag:s8] =	ssyncset.s32 @!p0 $0xFFFFF086;
	s6 =	sadd.s32 @!p0 s3, s7;
	s7 =	simm.s32 @!p0 $0x108  }
0x21: {  	s3 =	sadd.s32 s3, s9;
	s6 =	sadd.s32 @!p0 $0x88, s6;
	s7 =	simm.s32 @p2 $0x1082  }
0x22: {  	[simem:s7], [sflag:s8] =	dma.local @!p0 [hbm:s6], $0xF7A  }
0x23: {  	s9 =	sor.u32 $0xD0000000, s2;
	s6 =	simm.s32 $0x108;
	_ =	swait.ge @!p0 [sflag:s8], $0x0  }
0x24: {  	s3 =	sadd.s32 $0x88, s3;
	s6 =	simm.s32 @!p1 $0x1082;
	[sflag:s4] =	ssyncset.s32 $0xFFFFF086  }
0x25: {  	[simem:s6], [sflag:s4] =	dma.local [hbm:s3], $0xF7A  }
0x26: {  	[smem:$0x3F9F] =	sst s1;
	(tag) =	ssettag s2;
	_ =	strace s9  }
0x27: {  	s1 =	sld [smem:$0x3FAF]  }
0x28: {  	s2 =	sld [smem:$0x3FB0]  }
0x29: {  	s4 =	sld [smem:$0x3FB2]  }
0x2a: {  	p0 =	seq.s32 s5, $0x0;
	s5 =	sld [smem:$0x3FB3]  }
0x2b: {  	s6 =	sld [smem:$0x3FB4]  }
0x2c: {  	s7 =	sld [smem:$0x3FB5]  }
0x2d: {  	s3 =	simm.s32 $0x108;
	s8 =	sld [smem:$0x3FB6]  }
0x2e: {  	s3 =	simm.s32 @!p0 $0x1082;
	s9 =	sld [smem:$0x3FB7]  }
0x2f: {  	lr =	sadd.s32 s0, s3;
	s0 =	sld [smem:$0x3FAE]  }
0x30: {  	s3 =	sld [smem:$0x3FB1]  }
0x31: {  	[smem:$0x3FBA] =	sst s10  }
0x32: {  	s10 =	sld [smem:$0x3FB8];
	_ =	sdelay $0x3  }
0x33: {  	p0 =	seq.s32 s10, $0x1;
	s10 =	sld [smem:$0x3FBA];
	_ =	sdelay $0x3  }
0x34: {  	[smem:$0x3FBA] =	sst s10  }
0x35: {  	s10 =	sld [smem:$0x3FB9];
	_ =	sdelay $0x3  }
0x36: {  	p1 =	seq.s32 s10, $0x1;
	s10 =	sld [smem:$0x3FBA];
	_ =	sdelay $0x3  }
0x37: {  	[smem:$0x3FBA] =	sst s10  }
0x38: {  	s10 =	sld [smem:$0x3FBB]  }
0x39: {  	_ = 	snop;
	(pc) =	sbr.ind lr, $3  }
0x3a: {  	_ = 	snop  }
0x3b: {  	_ = 	snop  }
0x3c: {  	p2 =	seq.s32 s10, $0x1;
	s10 =	sld [smem:$0x3FBA]  }
0x3d: {  	_ =	shalt  }
0x3e: {  	_ =	shalt  }
0x3f: {  	_ =	shalt  }
0x40: {  	_ =	shalt  }
0x41: {  	_ =	shalt  }
0x42: {  	_ =	shalt  }
0x43: {  	_ =	shalt  }
0x44: {  	_ =	shalt  }
0x45: {  	_ =	shalt  }
0x46: {  	_ =	shalt  }
0x47: {  	_ =	shalt  }
0x48: {  	_ =	shalt  }
0x49: {  	_ =	shalt  }
0x4a: {  	_ =	shalt  }
0x4b: {  	_ =	shalt  }
0x4c: {  	_ =	shalt  }
0x4d: {  	_ =	shalt  }
0x4e: {  	_ =	shalt  }
0x4f: {  	_ =	shalt  }
0x50: {  	_ =	shalt  }
0x51: {  	_ =	shalt  }
0x52: {  	_ =	shalt  }
0x53: {  	_ =	shalt  }
0x54: {  	_ =	shalt  }
0x55: {  	_ =	shalt  }
0x56: {  	_ =	shalt  }
0x57: {  	_ =	shalt  }
0x58: {  	_ =	shalt  }
0x59: {  	_ =	shalt  }
0x5a: {  	_ =	shalt  }
0x5b: {  	_ =	shalt  }
0x5c: {  	_ =	shalt  }
0x5d: {  	_ =	shalt  }
0x5e: {  	_ =	shalt  }
0x5f: {  	_ =	shalt  }
0x60: {  	_ =	shalt  }
0x61: {  	_ =	shalt  }
0x62: {  	_ =	shalt  }
0x63: {  	_ =	shalt  }
0x64: {  	_ =	shalt  }
0x65: {  	_ =	shalt  }
0x66: {  	_ =	shalt  }
0x67: {  	_ =	shalt  }
0x68: {  	_ =	shalt  }
0x69: {  	_ =	shalt  }
0x6a: {  	_ =	shalt  }
0x6b: {  	_ =	shalt  }
0x6c: {  	_ =	shalt  }
0x6d: {  	_ =	shalt  }
0x6e: {  	_ =	shalt  }
0x6f: {  	_ =	shalt  }
0x70: {  	_ =	shalt  }
0x71: {  	_ =	shalt  }
0x72: {  	_ =	shalt  }
0x73: {  	_ =	shalt  }
0x74: {  	_ =	shalt  }
0x75: {  	_ =	shalt  }
0x76: {  	_ =	shalt  }
0x77: {  	_ =	shalt  }
0x78: {  	_ =	shalt  }
0x79: {  	_ =	shalt  }
0x7a: {  	_ =	shalt  }
0x7b: {  	_ =	shalt  }
0x7c: {  	_ =	shalt  }
0x7d: {  	_ =	shalt  }
0x7e: {  	_ =	shalt  }
0x7f: {  	_ =	shalt  }
0x80: {  	_ =	shalt  }
0x81: {  	_ =	shalt  }
0x82: {  	_ =	shalt  }
0x83: {  	_ =	shalt  }
0x84: {  	_ =	shalt  }
0x85: {  	_ =	shalt  }
0x86: {  	_ =	shalt  }
0x87: {  	_ =	shalt  }
.Lfunc_end0:
.L_simem_size_0:
called_computation_lowered:
.L_overlay_start_0:
0x88: {  	s2 =	sld [smem:$0x3FD9]  }
0x89: {  	s3 =	sld [smem:$0x3FFE];
	_ =	sdelay $0x1  }
0x8a: {  	s1 =	srdreg.scid  }
0x8b: {  	s0 =	sand.u32 $0x1, s1  }
0x8c: {  	s14 =	sshll.u32 s0, $0xA;
	s2 =	sadd.s32 s3, s2  }
0x8d: {  	s2 =	sadd.s32 s2, s14  }
0x8e: {  	[smem:$0x3FC6] =	sst s2  }
0x8f: {  	_ = 	snop  }
0x90: {  	s2 =	sld [smem:$0x3FD0];
	_ =	sdelay $0x2  }
0x91: {  	s4 =	simm.s32 $0xA;
	s5 =	simm.s32 $0x10;
	s15 =	sld [smem:$0x3FC9]  }
0x92: {  	[smem:s5], [sflag:s4] =	dma.local [hbm:s2], $0x1  }
0x93: {  	_ =	swait.eq [sflag:s4], $0x1  }
0x94: {  	[sflag:s4] =	ssyncset.done $0x0  }
0x95: {  	[sflag:s4] =	ssyncadd.s32 $0xFFFFFFFF  }
0x96: {  	s16 =	sld [smem:$0x10];
	(tm) =	ssettm $0x1  }
0x97: {  	s17 =	sld [smem:$0x3FFB];
	_ =	sdelay $0x3  }
0x98: {  	_ =	strace s17  }
0x99: {  	s4 =	sld [smem:$0x3FFC];
	_ =	sdelay $0x3  }
0x9a: {  	_ =	strace s4  }
0x9b: {  	s4 =	sld [smem:$0x3FFD];
	_ =	sdelay $0x3  }
0x9c: {  	_ =	strace s4  }
0x9d: {  	_ =	strace $0x8FFFFFFF  }
0x9e: {  	s18 =	sld [smem:$0x3FDB];
	_ =	sdelay $0x1  }
0x9f: {  	s19 =	simm.s32 $_scs_section_size  }
0xa0: {  	s6 =	simm.s32 $_size__tile_overlayer_lowered;
	s7 =	simm.s32 $_tile_overlayer_lowered  }
0xa1: {  	s22 =	simm.s32 $0x1BFF;
	s21 =	sshll.u32 s7, $0x1;
	s4 =	sadd.s32 s19, s18  }
0xa2: {  	s8 =	simm.s32 $0x0;
	s20 =	sshll.u32 s6, $0x1;
	s6 =	sadd.s32 s21, s4  }
0xa3: {  	[timem:s8], [sflag:s22] =	dma.local [hbm:s6], s20  }
0xa4: {  	_ =	swait.ge [sflag:s22], s20  }
0xa5: {  	s5 =	ssub.s32 $0x0, s20;
	[sflag:s22] =	ssyncset.done $0x0  }
0xa6: {  	[sflag:s22] =	ssyncadd.s32 s5;
	_ =	sdelay $0x1  }
0xa7: {  	s23 =	simm.s32 $0x1B8B  }
0xa8: {  	_ =	swait.ge [sflag:s23], $0x1  }
0xa9: {  	[sflag:s23] =	ssyncset.done $0x0  }
0xaa: {  	s25 =	simm.s32 $0x1B8E;
	s24 =	sld [smem:$0x3FFE];
	[sflag:s23] =	ssyncadd.s32 $0xFFFFFFFF  }
0xab: {  	s26 =	simm.s32 $execute0_lowered;
	[smem:$0x3FD2] =	sst s25  }
0xac: {  	s6 =	sshll.u32 s26, $0x1;
	_ =	strace $0x80000046;
	[dreg:$0x1] =	wrdreg $0xFFFFFFFF  }
0xad: {  	s28 =	simm.s32 $_size_execute0_lowered;
	s4 =	sadd.s32 s4, s6;
	[dreg:$0x0] =	wrdreg $0x0  }
0xae: {  	s6 =	sshll.u32 s28, $0x1;
	[dreg:$0x2] =	wrdreg s4  }
0xaf: {  	[dreg:$0x3] =	wrdreg s6  }
0xb0: {  	[dreg:$0x4] =	wrdreg $0xC0  }
0xb1: {  	_ =	task [dreg:s8], $0x5FFFF  }
0xb2: {  	[dreg:$0x1] =	wrdreg $0xFFFFFFFF  }
0xb3: {  	[dreg:$0x0] =	wrdreg $0x60  }
0xb4: {  	[dreg:$0x2] =	wrdreg s15  }
0xb5: {  	[dreg:$0x3] =	wrdreg s16  }
0xb6: {  	[dreg:$0x4] =	wrdreg s24  }
0xb7: {  	[dreg:$0x5] =	wrdreg $0x9  }
0xb8: {  	_ =	task.clear_ibuf [dreg:s8], $0x6FFFF;
	_ =	strace $0x90000046  }
0xb9: {  	s29 =	simm.s32 $0x9;
	_ =	strace $0x80000048  }
0xba: {  	_ =	swait.ge [sflag:s29], $0x1  }
0xbb: {  	[sflag:s29] =	ssyncadd.s32 $0xFFFFFFFF  }
0xbc: {  	_ =	strace $0x90000048  }
0xbd: {  	_ =	sfence  }
0xbe: {  	s30 =	sld [smem:$0x0];
	_ =	sdelay $0x2  }
0xbf: {  	s31 =	sshll.u32 s1, $0xD;
	s1 =	sshrl.u32 s1, $0x2  }
0xc0: {  	s3 =	sand.u32 $0x4000, s31;
	s1 =	sadd.s32 s1, s30  }
0xc1: {  	s0 =	sor.u32 s3, s0;
	s1 =	sshll.u32 s1, $0x11  }
0xc2: {  	s0 =	sor.u32 s1, s0  }
0xc3: {  	s0 =	sadd.s32 $0x8F2B, s0  }
0xc4: {  	[sflag:s0] =	ssyncadd.remote.s32 $0x1  }
0xc5: {  	_ =	sfence.sel $0xFFFF  }
0xc6: {  	[dreg:$0x0] =	wrdreg $0xFFFFFFFF;
	(pc) =	sbr.abs _section_cstart, $3  }
0xc7: {  	[dreg:$0x1] =	wrdreg $0xFFFFFFFF  }
0xc8: {  	_ =	task.clear_ibuf [dreg:s8], $0x2FFFF;
	_ =	strace $0x9FFFFFFF  }
0xc9: {  	(tm) =	ssettm $0x7FFFFFFF  }
tec
execute0_lowered:
.L_overlay_start_1:
0x0: {  	(tag) =	ssettag $0x1  }
0x1: {  	s1 =	rddreg [dreg:$0x0]  }
0x2: {  	s0 =	srdreg.scid;
	s4 =	rddreg [dreg:$0x1]  }
0x3: {  	s2 =	stileid.u32;
	s5 =	rddreg [dreg:$0x2]  }
0x4: {  	s3 =	simm.s32 $0x0;
	s25 =	simm.s32 $0x800;
	s26 =	simm.s32 $0x400  }
0x5: {  	s14 =	simm.s32 $0x1;
	s28 =	simm.s32 $0x5200;
	s29 =	simm.s32 $0x5A00  }
0x6: {  	s30 =	simm.s32 $0x6200;
	s31 =	simm.s32 $0x6A00;
	s10 =	simm.s32 $0x13A00  }
0x7: {  	s11 =	simm.s32 $0x14200;
	s12 =	simm.s32 $0x14A00;
	s13 =	simm.s32 $0x15200  }
0x8: {  	s15 =	simm.s32 $0x15A00;
	s0 =	sand.u32 $0x1, s0;
	[smem:$0x7FF] =	sst s3  }
0x9: {  	s2 =	sshll.u32 s2, $0x1;
	_ =	strace $0x80000047;
	[dreg:$0xf] =	wrdreg s25  }
0xa: {  	s2 =	sor.u32 s0, s2;
	s0 =	ssub.s32 $0x2, s0;
	[dreg:$0x10] =	wrdreg s26  }
0xb: {  	s26 =	simm.s32 $0x4A00;
	s25 =	simm.s32 $0x8A00;
	s6 =	sshll.u32 s2, $0x9  }
0xc: {  	s7 =	sshll.u32 s2, $0xF;
	s2 =	sshll.u32 s2, $0x7;
	s9 =	sshrl.u32 s0, $0x1  }
0xd: {  	s7 =	sadd.s32 s7, s5;
	s5 =	sadd.s32 s2, s5;
	s2 =	sadd.s32 s4, s2  }
0xe: {  	s6 =	sor.u32 $0x4000, s6;
	s16 =	sadd.s32 $0x2A00, s7;
	[dreg:$0xc] =	wrdreg s2  }
0xf: {  	s0 =	ssub.s32 s0, s9;
	s17 =	sadd.s32 $0x3A00, s7;
	[dreg:$0x5] =	wrdreg s16  }
0x10: {  	s9 =	simm.s32 $0x13200;
	s18 =	sadd.s32 $0x4A00, s7;
	[dreg:$0x6] =	wrdreg s17  }
0x11: {  	s8 =	sshrl.u32 s6, $0x3;
	s19 =	sadd.s32 $0x5A00, s7;
	[dreg:$0x7] =	wrdreg s18  }
0x12: {  	s20 =	sadd.s32 $0x6A00, s7;
	s21 =	sadd.s32 $0x7A00, s7;
	[dreg:$0x8] =	wrdreg s19  }
0x13: {  	s22 =	sadd.s32 $0x8A00, s7;
	s6 =	sshrl.u32 s6, $0x2;
	[dreg:$0x9] =	wrdreg s20  }
0x14: {  	s23 =	sadd.s32 $0x1A00, s5;
	s24 =	sadd.s32 $0x9A00, s7;
	[dreg:$0xa] =	wrdreg s21  }
0x15: {  	s5 =	smax.u32 s0, $0x1;
	s7 =	simm.s32 $0x12200;
	[dreg:$0xb] =	wrdreg s22  }
0x16: {  	s8 =	sadd.s32 s4, s8;
	s16 =	sand.u32 $0x1E00, s6;
	[dreg:$0xd] =	wrdreg s23  }
0x17: {  	s4 =	sadd.s32 $0x100, s1;
	[dreg:$0xe] =	wrdreg s24;
	s24 =	simm.s32 $0x3  }
0x18: {  	v3 =	vlaneseq.u32;
	vm0 =	vmmov $0xffff;
	s23 =	simm.s32 $0xA00;
	s6 =	simm.s32 $0x11A00;
	s19 =	simm.s32 $0x16A00  }
0x19: {  	v4 =	vimm.s32 $0x0;
	v2 =	vshrl.u32 v3, $0x3;
	v1 =	vand.u32 $0x7, v3;
	s20 =	simm.s32 $0x17200;
	s21 =	simm.s32 $0x17A00;
	s22 =	simm.s32 $0x18200  }
0x1a: {  	v3 =	vor.u32 $0x8, v3;
	v2 =	vmul.u32 $0x8, v2;
	[dreg:$0x4] =	wrdreg s8;
	v0 =	vmov s16;
	s16 =	simm.s32 $0x2;
	s8 =	simm.s32 $0x12A00  }
.LBB2_1:
0x1b: {  	s17 =	rddreg [dreg:$0x4]  }
0x1c: {  	s18 =	rddreg [dreg:$0xf]  }
0x1d: {  	[tilespmem:s18], [sflag:$0x3] =	stream.linear.gather [hbm4b:s17+s3], $0x200, $0x38;
	[tilespmem:$0x18A00] =	vst v63  }
0x1e: {  	_ =	swait.ge [sflag:s24], $0x200  }
0x1f: {  	[sflag:s24] =	ssyncset.done $0x0  }
0x20: {  	[sflag:s24] =	ssyncadd.s32 $0xFFFFFE00  }
0x21: {  	v5 =	vld [tilespmem:$0x800];
	_ =	sdelay $0x4  }
0x22: {  	v6 =	vadd.s32 v0, v5  }
0x23: {  	v7 =	vshll.u32 v6, $0x2  }
0x24: {  	v8 =	vld [tilespmem:$0x810];
	v5 =	vand.u32 $0x7, v5;
	v7 =	vand.u32 $0xFFFFFFE0, v7  }
0x25: {  	v9 =	vld [tilespmem:$0x820];
	v5 =	vor.u32 v5, v7  }
0x26: {  	v7 =	vld [tilespmem:$0x830];
	v10 =	vperm.xlane v5, v1;
	_ =	sdelay $0x1  }
0x27: {  	v10 =	vadd.s32 v2, v10  }
0x28: {  	[tilespmem:$0x800] =	vst v6;
	v6 =	vadd.s32 v0, v8  }
0x29: {  	[tilespmem:$0x810] =	vst v6;
	v6 =	vadd.s32 v0, v9;
	v5 =	vperm.xlane v5, v3  }
0x2a: {  	[tilespmem:$0x820] =	vst v6;
	v6 =	vadd.s32 v0, v7  }
0x2b: {  	v5 =	vadd.s32 v2, v5;
	[tilespmem:$0x830] =	vst v6  }
0x2c: {  	[tilespmem:s23], [sflag:$0x1] =	stream.indirect_vreg.gather [hbm4b:s1+s3], $0x80, v10, vm0, $0xb8;
	[tilespmem:$0x18A00] =	vst v63  }
0x2d: {  	s0 =	simm.s32 $0x1200  }
0x2e: {  	[tilespmem:s0], [sflag:$0x1] =	stream.indirect_vreg.gather [hbm4b:s4+s3], $0x80, v10, vm0, $0xb8;
	[tilespmem:$0x18A00] =	vst v63  }
0x2f: {  	s2 =	simm.s32 $0x1A00  }
0x30: {  	[tilespmem:s2], [sflag:$0x1] =	stream.indirect_vreg.gather [hbm4b:s1+s3], $0x80, v5, vm0, $0xb8;
	[tilespmem:$0x18A00] =	vst v63  }
0x31: {  	s17 =	simm.s32 $0x2200  }
0x32: {  	[tilespmem:s17], [sflag:$0x1] =	stream.indirect_vreg.gather [hbm4b:s4+s3], $0x80, v5, vm0, $0xb8;
	[tilespmem:$0x18A00] =	vst v63  }
0x33: {  	v5 =	vld [tilespmem:$0x810];
	_ =	sdelay $0x4  }
0x34: {  	v6 =	vshll.u32 v5, $0x2  }
0x35: {  	v5 =	vand.u32 $0x7, v5;
	v6 =	vand.u32 $0xFFFFFFE0, v6  }
0x36: {  	v5 =	vor.u32 v5, v6  }
0x37: {  	v6 =	vperm.xlane v5, v1;
	_ =	sdelay $0x1  }
0x38: {  	v6 =	vadd.s32 v2, v6;
	_ =	sdelay $0x1  }
0x39: {  	v5 =	vperm.xlane v5, v3;
	_ =	sdelay $0x1  }
0x3a: {  	s18 =	simm.s32 $0x2A00;
	v5 =	vadd.s32 v2, v5  }
0x3b: {  	[tilespmem:s18], [sflag:$0x1] =	stream.indirect_vreg.gather [hbm4b:s1+s3], $0x80, v6, vm0, $0xb8;
	[tilespmem:$0x18A00] =	vst v63  }
0x3c: {  	s2 =	simm.s32 $0x3200  }
0x3d: {  	[tilespmem:s2], [sflag:$0x1] =	stream.indirect_vreg.gather [hbm4b:s4+s3], $0x80, v6, vm0, $0xb8;
	[tilespmem:$0x18A00] =	vst v63  }
0x3e: {  	s17 =	simm.s32 $0x3A00  }
0x3f: {  	[tilespmem:s17], [sflag:$0x1] =	stream.indirect_vreg.gather [hbm4b:s1+s3], $0x80, v5, vm0, $0xb8;
	[tilespmem:$0x18A00] =	vst v63  }
0x40: {  	s18 =	simm.s32 $0x4200  }
0x41: {  	[tilespmem:s18], [sflag:$0x1] =	stream.indirect_vreg.gather [hbm4b:s4+s3], $0x80, v5, vm0, $0xb8;
	[tilespmem:$0x18A00] =	vst v63  }
0x42: {  	v5 =	vld [tilespmem:$0x820];
	_ =	sdelay $0x4  }
0x43: {  	v6 =	vshll.u32 v5, $0x2  }
0x44: {  	v5 =	vand.u32 $0x7, v5;
	v6 =	vand.u32 $0xFFFFFFE0, v6  }
0x45: {  	v5 =	vor.u32 v5, v6  }
0x46: {  	v6 =	vperm.xlane v5, v1;
	_ =	sdelay $0x1  }
0x47: {  	v6 =	vadd.s32 v2, v6;
	_ =	sdelay $0x1  }
0x48: {  	v5 =	vperm.xlane v5, v3;
	_ =	sdelay $0x1  }
0x49: {  	v5 =	vadd.s32 v2, v5  }
0x4a: {  	[tilespmem:s26], [sflag:$0x1] =	stream.indirect_vreg.gather [hbm4b:s1+s3], $0x80, v6, vm0, $0xb8;
	[tilespmem:$0x18A00] =	vst v63  }
0x4b: {  	_ = 	snop  }
0x4c: {  	[tilespmem:s28], [sflag:$0x1] =	stream.indirect_vreg.gather [hbm4b:s4+s3], $0x80, v6, vm0, $0xb8;
	[tilespmem:$0x18A00] =	vst v63  }
0x4d: {  	_ = 	snop  }
0x4e: {  	[tilespmem:s29], [sflag:$0x1] =	stream.indirect_vreg.gather [hbm4b:s1+s3], $0x80, v5, vm0, $0xb8;
	[tilespmem:$0x18A00] =	vst v63  }
0x4f: {  	_ = 	snop  }
0x50: {  	[tilespmem:s30], [sflag:$0x1] =	stream.indirect_vreg.gather [hbm4b:s4+s3], $0x80, v5, vm0, $0xb8;
	[tilespmem:$0x18A00] =	vst v63  }
0x51: {  	v5 =	vld [tilespmem:$0x830];
	_ =	sdelay $0x4  }
0x52: {  	v6 =	vshll.u32 v5, $0x2  }
0x53: {  	v5 =	vand.u32 $0x7, v5;
	v6 =	vand.u32 $0xFFFFFFE0, v6  }
0x54: {  	v5 =	vor.u32 v5, v6  }
0x55: {  	v6 =	vperm.xlane v5, v1;
	_ =	sdelay $0x1  }
0x56: {  	v6 =	vadd.s32 v2, v6;
	_ =	sdelay $0x1  }
0x57: {  	v5 =	vperm.xlane v5, v3;
	_ =	sdelay $0x1  }
0x58: {  	v5 =	vadd.s32 v2, v5  }
0x59: {  	[tilespmem:s31], [sflag:$0x1] =	stream.indirect_vreg.gather [hbm4b:s1+s3], $0x80, v6, vm0, $0xb8;
	[tilespmem:$0x18A00] =	vst v63  }
0x5a: {  	s2 =	simm.s32 $0x7200  }
0x5b: {  	[tilespmem:s2], [sflag:$0x1] =	stream.indirect_vreg.gather [hbm4b:s4+s3], $0x80, v6, vm0, $0xb8;
	[tilespmem:$0x18A00] =	vst v63  }
0x5c: {  	s17 =	simm.s32 $0x7A00  }
0x5d: {  	[tilespmem:s17], [sflag:$0x1] =	stream.indirect_vreg.gather [hbm4b:s1+s3], $0x80, v5, vm0, $0xb8;
	[tilespmem:$0x18A00] =	vst v63  }
0x5e: {  	s18 =	simm.s32 $0x8200  }
0x5f: {  	[tilespmem:s18], [sflag:$0x1] =	stream.indirect_vreg.gather [hbm4b:s4+s3], $0x80, v5, vm0, $0xb8;
	[tilespmem:$0x18A00] =	vst v63  }
0x60: {  	v5 =	vld [tilespmem:$0x840];
	_ =	sdelay $0x4  }
0x61: {  	v6 =	vadd.s32 v0, v5  }
0x62: {  	v7 =	vshll.u32 v6, $0x2  }
0x63: {  	v63 =	vld [tilespmem:$0x850];
	v5 =	vand.u32 $0x7, v5;
	v7 =	vand.u32 $0xFFFFFFE0, v7  }
0x64: {  	v12 =	vld [tilespmem:$0x860];
	v5 =	vor.u32 v5, v7  }
0x65: {  	v7 =	vld [tilespmem:$0x870];
	v13 =	vperm.xlane v5, v1;
	_ =	sdelay $0x1  }
0x66: {  	v10 =	vadd.s32 v2, v13  }
0x67: {  	[tilespmem:$0x840] =	vst v6;
	v6 =	vadd.s32 v0, v63  }
0x68: {  	[tilespmem:$0x850] =	vst v6;
	v6 =	vadd.s32 v0, v12;
	v5 =	vperm.xlane v5, v3  }
0x69: {  	[tilespmem:$0x860] =	vst v6;
	v6 =	vadd.s32 v0, v7  }
0x6a: {  	v5 =	vadd.s32 v2, v5;
	[tilespmem:$0x870] =	vst v6  }
0x6b: {  	[tilespmem:s25], [sflag:$0x1] =	stream.indirect_vreg.gather [hbm4b:s1+s3], $0x80, v10, vm0, $0xb8;
	[tilespmem:$0x18A00] =	vst v63  }
0x6c: {  	s2 =	simm.s32 $0x9200  }
0x6d: {  	[tilespmem:s2], [sflag:$0x1] =	stream.indirect_vreg.gather [hbm4b:s4+s3], $0x80, v10, vm0, $0xb8;
	[tilespmem:$0x18A00] =	vst v63  }
0x6e: {  	s17 =	simm.s32 $0x9A00  }
0x6f: {  	[tilespmem:s17], [sflag:$0x1] =	stream.indirect_vreg.gather [hbm4b:s1+s3], $0x80, v5, vm0, $0xb8;
	[tilespmem:$0x18A00] =	vst v63  }
0x70: {  	s18 =	simm.s32 $0xA200  }
0x71: {  	[tilespmem:s18], [sflag:$0x1] =	stream.indirect_vreg.gather [hbm4b:s4+s3], $0x80, v5, vm0, $0xb8;
	[tilespmem:$0x18A00] =	vst v63  }
0x72: {  	v5 =	vld [tilespmem:$0x850];
	_ =	sdelay $0x4  }
0x73: {  	v6 =	vshll.u32 v5, $0x2  }
0x74: {  	v5 =	vand.u32 $0x7, v5;
	v6 =	vand.u32 $0xFFFFFFE0, v6  }
0x75: {  	v5 =	vor.u32 v5, v6  }
0x76: {  	v6 =	vperm.xlane v5, v1;
	_ =	sdelay $0x1  }
0x77: {  	v6 =	vadd.s32 v2, v6;
	_ =	sdelay $0x1  }
0x78: {  	v5 =	vperm.xlane v5, v3;
	_ =	sdelay $0x1  }
0x79: {  	s2 =	simm.s32 $0xAA00;
	v5 =	vadd.s32 v2, v5  }
0x7a: {  	[tilespmem:s2], [sflag:$0x1] =	stream.indirect_vreg.gather [hbm4b:s1+s3], $0x80, v6, vm0, $0xb8;
	[tilespmem:$0x18A00] =	vst v63  }
0x7b: {  	s17 =	simm.s32 $0xB200  }
0x7c: {  	[tilespmem:s17], [sflag:$0x1] =	stream.indirect_vreg.gather [hbm4b:s4+s3], $0x80, v6, vm0, $0xb8;
	[tilespmem:$0x18A00] =	vst v63  }
0x7d: {  	s18 =	simm.s32 $0xBA00  }
0x7e: {  	[tilespmem:s18], [sflag:$0x1] =	stream.indirect_vreg.gather [hbm4b:s1+s3], $0x80, v5, vm0, $0xb8;
	[tilespmem:$0x18A00] =	vst v63  }
0x7f: {  	s2 =	simm.s32 $0xC200  }
0x80: {  	[tilespmem:s2], [sflag:$0x1] =	stream.indirect_vreg.gather [hbm4b:s4+s3], $0x80, v5, vm0, $0xb8;
	[tilespmem:$0x18A00] =	vst v63  }
0x81: {  	v5 =	vld [tilespmem:$0x860];
	_ =	sdelay $0x4  }
0x82: {  	v6 =	vshll.u32 v5, $0x2  }
0x83: {  	v5 =	vand.u32 $0x7, v5;
	v6 =	vand.u32 $0xFFFFFFE0, v6  }
0x84: {  	v5 =	vor.u32 v5, v6  }
0x85: {  	v6 =	vperm.xlane v5, v1;
	_ =	sdelay $0x1  }
0x86: {  	v6 =	vadd.s32 v2, v6;
	_ =	sdelay $0x1  }
0x87: {  	v5 =	vperm.xlane v5, v3;
	_ =	sdelay $0x1  }
0x88: {  	s17 =	simm.s32 $0xCA00;
	v5 =	vadd.s32 v2, v5  }
0x89: {  	[tilespmem:s17], [sflag:$0x1] =	stream.indirect_vreg.gather [hbm4b:s1+s3], $0x80, v6, vm0, $0xb8;
	[tilespmem:$0x18A00] =	vst v63  }
0x8a: {  	s18 =	simm.s32 $0xD200  }
0x8b: {  	[tilespmem:s18], [sflag:$0x1] =	stream.indirect_vreg.gather [hbm4b:s4+s3], $0x80, v6, vm0, $0xb8;
	[tilespmem:$0x18A00] =	vst v63  }
0x8c: {  	s2 =	simm.s32 $0xDA00  }
0x8d: {  	[tilespmem:s2], [sflag:$0x1] =	stream.indirect_vreg.gather [hbm4b:s1+s3], $0x80, v5, vm0, $0xb8;
	[tilespmem:$0x18A00] =	vst v63  }
0x8e: {  	s17 =	simm.s32 $0xE200  }
0x8f: {  	[tilespmem:s17], [sflag:$0x1] =	stream.indirect_vreg.gather [hbm4b:s4+s3], $0x80, v5, vm0, $0xb8;
	[tilespmem:$0x18A00] =	vst v63  }
0x90: {  	v5 =	vld [tilespmem:$0x870];
	_ =	sdelay $0x4  }
0x91: {  	v6 =	vshll.u32 v5, $0x2  }
0x92: {  	v5 =	vand.u32 $0x7, v5;
	v6 =	vand.u32 $0xFFFFFFE0, v6  }
0x93: {  	v5 =	vor.u32 v5, v6  }
0x94: {  	v6 =	vperm.xlane v5, v1;
	_ =	sdelay $0x1  }
0x95: {  	v6 =	vadd.s32 v2, v6;
	_ =	sdelay $0x1  }
0x96: {  	v5 =	vperm.xlane v5, v3;
	_ =	sdelay $0x1  }
0x97: {  	s18 =	simm.s32 $0xEA00;
	v5 =	vadd.s32 v2, v5  }
0x98: {  	[tilespmem:s18], [sflag:$0x1] =	stream.indirect_vreg.gather [hbm4b:s1+s3], $0x80, v6, vm0, $0xb8;
	[tilespmem:$0x18A00] =	vst v63  }
0x99: {  	s2 =	simm.s32 $0xF200  }
0x9a: {  	[tilespmem:s2], [sflag:$0x1] =	stream.indirect_vreg.gather [hbm4b:s4+s3], $0x80, v6, vm0, $0xb8;
	[tilespmem:$0x18A00] =	vst v63  }
0x9b: {  	s17 =	simm.s32 $0xFA00  }
0x9c: {  	[tilespmem:s17], [sflag:$0x1] =	stream.indirect_vreg.gather [hbm4b:s1+s3], $0x80, v5, vm0, $0xb8;
	[tilespmem:$0x18A00] =	vst v63  }
0x9d: {  	s18 =	simm.s32 $0x10200  }
0x9e: {  	[tilespmem:s18], [sflag:$0x1] =	stream.indirect_vreg.gather [hbm4b:s4+s3], $0x80, v5, vm0, $0xb8;
	[tilespmem:$0x18A00] =	vst v63  }
0x9f: {  	_ =	swait.ge [sflag:s14], $0x8000  }
0xa0: {  	[sflag:s14] =	ssyncset.done $0x0  }
0xa1: {  	s0 =	rddreg [dreg:$0x5];
	[sflag:s14] =	ssyncadd.s32 $0xFFFF8000  }
0xa2: {  	[hbm4b:s0+s3] =	stream.linear.scatter [tilespmem:s23], [sflag:$0x2], $0x8000, $0x38;
	[tilespmem:$0x18A00] =	vst v63  }
0xa3: {  	v5 =	vld [tilespmem:$0x880];
	_ =	sdelay $0x4  }
0xa4: {  	v6 =	vadd.s32 v0, v5  }
0xa5: {  	v7 =	vshll.u32 v6, $0x2  }
0xa6: {  	v14 =	vld [tilespmem:$0x890];
	v5 =	vand.u32 $0x7, v5;
	v7 =	vand.u32 $0xFFFFFFE0, v7  }
0xa7: {  	v15 =	vld [tilespmem:$0x8A0];
	v5 =	vor.u32 v5, v7  }
0xa8: {  	v7 =	vld [tilespmem:$0x8B0];
	v16 =	vperm.xlane v5, v1;
	_ =	sdelay $0x1  }
0xa9: {  	v10 =	vadd.s32 v2, v16  }
0xaa: {  	[tilespmem:$0x880] =	vst v6;
	v6 =	vadd.s32 v0, v14  }
0xab: {  	[tilespmem:$0x890] =	vst v6;
	v6 =	vadd.s32 v0, v15;
	v5 =	vperm.xlane v5, v3  }
0xac: {  	[tilespmem:$0x8A0] =	vst v6;
	v6 =	vadd.s32 v0, v7  }
0xad: {  	s0 =	simm.s32 $0x10A00;
	v5 =	vadd.s32 v2, v5;
	[tilespmem:$0x8B0] =	vst v6  }
0xae: {  	[tilespmem:s0], [sflag:$0x1] =	stream.indirect_vreg.gather [hbm4b:s1+s3], $0x80, v10, vm0, $0xb8;
	[tilespmem:$0x18A00] =	vst v63  }
0xaf: {  	s2 =	simm.s32 $0x11200  }
0xb0: {  	[tilespmem:s2], [sflag:$0x1] =	stream.indirect_vreg.gather [hbm4b:s4+s3], $0x80, v10, vm0, $0xb8;
	[tilespmem:$0x18A00] =	vst v63  }
0xb1: {  	_ = 	snop  }
0xb2: {  	[tilespmem:s6], [sflag:$0x1] =	stream.indirect_vreg.gather [hbm4b:s1+s3], $0x80, v5, vm0, $0xb8;
	[tilespmem:$0x18A00] =	vst v63  }
0xb3: {  	_ = 	snop  }
0xb4: {  	[tilespmem:s7], [sflag:$0x1] =	stream.indirect_vreg.gather [hbm4b:s4+s3], $0x80, v5, vm0, $0xb8;
	[tilespmem:$0x18A00] =	vst v63  }
0xb5: {  	v5 =	vld [tilespmem:$0x890];
	_ =	sdelay $0x4  }
0xb6: {  	v6 =	vshll.u32 v5, $0x2  }
0xb7: {  	v5 =	vand.u32 $0x7, v5;
	v6 =	vand.u32 $0xFFFFFFE0, v6  }
0xb8: {  	v5 =	vor.u32 v5, v6  }
0xb9: {  	v6 =	vperm.xlane v5, v1;
	_ =	sdelay $0x1  }
0xba: {  	v6 =	vadd.s32 v2, v6;
	_ =	sdelay $0x1  }
0xbb: {  	v5 =	vperm.xlane v5, v3;
	_ =	sdelay $0x1  }
0xbc: {  	v5 =	vadd.s32 v2, v5  }
0xbd: {  	[tilespmem:s8], [sflag:$0x1] =	stream.indirect_vreg.gather [hbm4b:s1+s3], $0x80, v6, vm0, $0xb8;
	[tilespmem:$0x18A00] =	vst v63  }
0xbe: {  	_ = 	snop  }
0xbf: {  	[tilespmem:s9], [sflag:$0x1] =	stream.indirect_vreg.gather [hbm4b:s4+s3], $0x80, v6, vm0, $0xb8;
	[tilespmem:$0x18A00] =	vst v63  }
0xc0: {  	_ = 	snop  }
0xc1: {  	[tilespmem:s10], [sflag:$0x1] =	stream.indirect_vreg.gather [hbm4b:s1+s3], $0x80, v5, vm0, $0xb8;
	[tilespmem:$0x18A00] =	vst v63  }
0xc2: {  	_ = 	snop  }
0xc3: {  	[tilespmem:s11], [sflag:$0x1] =	stream.indirect_vreg.gather [hbm4b:s4+s3], $0x80, v5, vm0, $0xb8;
	[tilespmem:$0x18A00] =	vst v63  }
0xc4: {  	v5 =	vld [tilespmem:$0x8A0];
	_ =	sdelay $0x4  }
0xc5: {  	v6 =	vshll.u32 v5, $0x2  }
0xc6: {  	v5 =	vand.u32 $0x7, v5;
	v6 =	vand.u32 $0xFFFFFFE0, v6  }
0xc7: {  	v5 =	vor.u32 v5, v6  }
0xc8: {  	v6 =	vperm.xlane v5, v1;
	_ =	sdelay $0x1  }
0xc9: {  	v6 =	vadd.s32 v2, v6;
	_ =	sdelay $0x1  }
0xca: {  	v5 =	vperm.xlane v5, v3;
	_ =	sdelay $0x1  }
0xcb: {  	v5 =	vadd.s32 v2, v5  }
0xcc: {  	[tilespmem:s12], [sflag:$0x1] =	stream.indirect_vreg.gather [hbm4b:s1+s3], $0x80, v6, vm0, $0xb8;
	[tilespmem:$0x18A00] =	vst v63  }
0xcd: {  	_ = 	snop  }
0xce: {  	[tilespmem:s13], [sflag:$0x1] =	stream.indirect_vreg.gather [hbm4b:s4+s3], $0x80, v6, vm0, $0xb8;
	[tilespmem:$0x18A00] =	vst v63  }
0xcf: {  	_ = 	snop  }
0xd0: {  	[tilespmem:s15], [sflag:$0x1] =	stream.indirect_vreg.gather [hbm4b:s1+s3], $0x80, v5, vm0, $0xb8;
	[tilespmem:$0x18A00] =	vst v63  }
0xd1: {  	s18 =	simm.s32 $0x16200  }
0xd2: {  	[tilespmem:s18], [sflag:$0x1] =	stream.indirect_vreg.gather [hbm4b:s4+s3], $0x80, v5, vm0, $0xb8;
	[tilespmem:$0x18A00] =	vst v63  }
0xd3: {  	v5 =	vld [tilespmem:$0x8B0];
	_ =	sdelay $0x4  }
0xd4: {  	v6 =	vshll.u32 v5, $0x2  }
0xd5: {  	v5 =	vand.u32 $0x7, v5;
	v6 =	vand.u32 $0xFFFFFFE0, v6  }
0xd6: {  	v5 =	vor.u32 v5, v6  }
0xd7: {  	v6 =	vperm.xlane v5, v1;
	_ =	sdelay $0x1  }
0xd8: {  	v6 =	vadd.s32 v2, v6;
	_ =	sdelay $0x1  }
0xd9: {  	v5 =	vperm.xlane v5, v3;
	_ =	sdelay $0x1  }
0xda: {  	v5 =	vadd.s32 v2, v5  }
0xdb: {  	[tilespmem:s19], [sflag:$0x1] =	stream.indirect_vreg.gather [hbm4b:s1+s3], $0x80, v6, vm0, $0xb8;
	[tilespmem:$0x18A00] =	vst v63  }
0xdc: {  	_ = 	snop  }
0xdd: {  	[tilespmem:s20], [sflag:$0x1] =	stream.indirect_vreg.gather [hbm4b:s4+s3], $0x80, v6, vm0, $0xb8;
	[tilespmem:$0x18A00] =	vst v63  }
0xde: {  	_ = 	snop  }
0xdf: {  	[tilespmem:s21], [sflag:$0x1] =	stream.indirect_vreg.gather [hbm4b:s1+s3], $0x80, v5, vm0, $0xb8;
	[tilespmem:$0x18A00] =	vst v63  }
0xe0: {  	_ = 	snop  }
0xe1: {  	[tilespmem:s22], [sflag:$0x1] =	stream.indirect_vreg.gather [hbm4b:s4+s3], $0x80, v5, vm0, $0xb8;
	[tilespmem:$0x18A00] =	vst v63  }
0xe2: {  	_ =	swait.ge [sflag:s14], $0x8000  }
0xe3: {  	[sflag:s14] =	ssyncset.done $0x0  }
0xe4: {  	s17 =	rddreg [dreg:$0x6];
	[sflag:s14] =	ssyncadd.s32 $0xFFFF8000  }
0xe5: {  	[hbm4b:s17+s3] =	stream.linear.scatter [tilespmem:s25], [sflag:$0x2], $0x8000, $0x38;
	[tilespmem:$0x18A00] =	vst v63  }
0xe6: {  	v5 =	vld [tilespmem:$0x8C0];
	_ =	sdelay $0x3  }
0xe7: {  	v6 =	vld [tilespmem:$0x8D0]  }
0xe8: {  	v17 =	vld [tilespmem:$0x8E0];
	v7 =	vadd.s32 v0, v5  }
0xe9: {  	v18 =	vld [tilespmem:$0x8F0];
	v19 =	vshll.u32 v7, $0x2  }
0xea: {  	v5 =	vand.u32 $0x7, v5;
	v10 =	vand.u32 $0xFFFFFFE0, v19  }
0xeb: {  	v5 =	vor.u32 v5, v10  }
0xec: {  	v6 =	vadd.s32 v0, v6;
	[tilespmem:$0x8C0] =	vst v7;
	v7 =	vperm.xlane v5, v1  }
0xed: {  	[tilespmem:$0x8D0] =	vst v6;
	v6 =	vadd.s32 v0, v17  }
0xee: {  	[tilespmem:$0x8E0] =	vst v6;
	v6 =	vadd.s32 v0, v18;
	v7 =	vadd.s32 v2, v7  }
0xef: {  	[tilespmem:$0x8F0] =	vst v6  }
0xf0: {  	_ =	swait.ge [sflag:s16], $0x8000;
	v5 =	vperm.xlane v5, v3  }
0xf1: {  	[sflag:s16] =	ssyncset.done $0x0  }
0xf2: {  	[sflag:s16] =	ssyncadd.s32 $0xFFFF8000;
	v5 =	vadd.s32 v2, v5  }
0xf3: {  	[tilespmem:s23], [sflag:$0x1] =	stream.indirect_vreg.gather [hbm4b:s1+s3], $0x80, v7, vm0, $0xb8;
	[tilespmem:$0x18A00] =	vst v63  }
0xf4: {  	s17 =	simm.s32 $0x1200  }
0xf5: {  	[tilespmem:s17], [sflag:$0x1] =	stream.indirect_vreg.gather [hbm4b:s4+s3], $0x80, v7, vm0, $0xb8;
	[tilespmem:$0x18A00] =	vst v63  }
0xf6: {  	s17 =	simm.s32 $0x1A00  }
0xf7: {  	[tilespmem:s17], [sflag:$0x1] =	stream.indirect_vreg.gather [hbm4b:s1+s3], $0x80, v5, vm0, $0xb8;
	[tilespmem:$0x18A00] =	vst v63  }
0xf8: {  	s17 =	simm.s32 $0x2200  }
0xf9: {  	[tilespmem:s17], [sflag:$0x1] =	stream.indirect_vreg.gather [hbm4b:s4+s3], $0x80, v5, vm0, $0xb8;
	[tilespmem:$0x18A00] =	vst v63  }
0xfa: {  	v5 =	vld [tilespmem:$0x8D0];
	_ =	sdelay $0x4  }
0xfb: {  	v6 =	vshll.u32 v5, $0x2  }
0xfc: {  	v5 =	vand.u32 $0x7, v5;
	v6 =	vand.u32 $0xFFFFFFE0, v6  }
0xfd: {  	v5 =	vor.u32 v5, v6  }
0xfe: {  	v6 =	vperm.xlane v5, v1;
	_ =	sdelay $0x1  }
0xff: {  	v6 =	vadd.s32 v2, v6;
	_ =	sdelay $0x1  }
0x100: {  	v5 =	vperm.xlane v5, v3;
	_ =	sdelay $0x1  }
0x101: {  	s17 =	simm.s32 $0x2A00;
	v5 =	vadd.s32 v2, v5  }
0x102: {  	[tilespmem:s17], [sflag:$0x1] =	stream.indirect_vreg.gather [hbm4b:s1+s3], $0x80, v6, vm0, $0xb8;
	[tilespmem:$0x18A00] =	vst v63  }
0x103: {  	s17 =	simm.s32 $0x3200  }
0x104: {  	[tilespmem:s17], [sflag:$0x1] =	stream.indirect_vreg.gather [hbm4b:s4+s3], $0x80, v6, vm0, $0xb8;
	[tilespmem:$0x18A00] =	vst v63  }
0x105: {  	s17 =	simm.s32 $0x3A00  }
0x106: {  	[tilespmem:s17], [sflag:$0x1] =	stream.indirect_vreg.gather [hbm4b:s1+s3], $0x80, v5, vm0, $0xb8;
	[tilespmem:$0x18A00] =	vst v63  }
0x107: {  	s17 =	simm.s32 $0x4200  }
0x108: {  	[tilespmem:s17], [sflag:$0x1] =	stream.indirect_vreg.gather [hbm4b:s4+s3], $0x80, v5, vm0, $0xb8;
	[tilespmem:$0x18A00] =	vst v63  }
0x109: {  	v5 =	vld [tilespmem:$0x8E0];
	_ =	sdelay $0x4  }
0x10a: {  	v6 =	vshll.u32 v5, $0x2  }
0x10b: {  	v5 =	vand.u32 $0x7, v5;
	v6 =	vand.u32 $0xFFFFFFE0, v6  }
0x10c: {  	v5 =	vor.u32 v5, v6  }
0x10d: {  	v6 =	vperm.xlane v5, v1;
	_ =	sdelay $0x1  }
0x10e: {  	v6 =	vadd.s32 v2, v6;
	_ =	sdelay $0x1  }
0x10f: {  	v5 =	vperm.xlane v5, v3;
	_ =	sdelay $0x1  }
0x110: {  	v5 =	vadd.s32 v2, v5  }
0x111: {  	[tilespmem:s26], [sflag:$0x1] =	stream.indirect_vreg.gather [hbm4b:s1+s3], $0x80, v6, vm0, $0xb8;
	[tilespmem:$0x18A00] =	vst v63  }
0x112: {  	_ = 	snop  }
0x113: {  	[tilespmem:s28], [sflag:$0x1] =	stream.indirect_vreg.gather [hbm4b:s4+s3], $0x80, v6, vm0, $0xb8;
	[tilespmem:$0x18A00] =	vst v63  }
0x114: {  	_ = 	snop  }
0x115: {  	[tilespmem:s29], [sflag:$0x1] =	stream.indirect_vreg.gather [hbm4b:s1+s3], $0x80, v5, vm0, $0xb8;
	[tilespmem:$0x18A00] =	vst v63  }
0x116: {  	_ = 	snop  }
0x117: {  	[tilespmem:s30], [sflag:$0x1] =	stream.indirect_vreg.gather [hbm4b:s4+s3], $0x80, v5, vm0, $0xb8;
	[tilespmem:$0x18A00] =	vst v63  }
0x118: {  	v5 =	vld [tilespmem:$0x8F0];
	_ =	sdelay $0x4  }
0x119: {  	v6 =	vshll.u32 v5, $0x2  }
0x11a: {  	v5 =	vand.u32 $0x7, v5;
	v6 =	vand.u32 $0xFFFFFFE0, v6  }
0x11b: {  	v5 =	vor.u32 v5, v6  }
0x11c: {  	v6 =	vperm.xlane v5, v1;
	_ =	sdelay $0x1  }
0x11d: {  	v6 =	vadd.s32 v2, v6;
	_ =	sdelay $0x1  }
0x11e: {  	v5 =	vperm.xlane v5, v3;
	_ =	sdelay $0x1  }
0x11f: {  	v5 =	vadd.s32 v2, v5  }
0x120: {  	[tilespmem:s31], [sflag:$0x1] =	stream.indirect_vreg.gather [hbm4b:s1+s3], $0x80, v6, vm0, $0xb8;
	[tilespmem:$0x18A00] =	vst v63  }
0x121: {  	s17 =	simm.s32 $0x7200  }
0x122: {  	[tilespmem:s17], [sflag:$0x1] =	stream.indirect_vreg.gather [hbm4b:s4+s3], $0x80, v6, vm0, $0xb8;
	[tilespmem:$0x18A00] =	vst v63  }
0x123: {  	s17 =	simm.s32 $0x7A00  }
0x124: {  	[tilespmem:s17], [sflag:$0x1] =	stream.indirect_vreg.gather [hbm4b:s1+s3], $0x80, v5, vm0, $0xb8;
	[tilespmem:$0x18A00] =	vst v63  }
0x125: {  	s17 =	simm.s32 $0x8200  }
0x126: {  	[tilespmem:s17], [sflag:$0x1] =	stream.indirect_vreg.gather [hbm4b:s4+s3], $0x80, v5, vm0, $0xb8;
	[tilespmem:$0x18A00] =	vst v63  }
0x127: {  	_ =	swait.ge [sflag:s14], $0x8000  }
0x128: {  	[sflag:s14] =	ssyncset.done $0x0  }
0x129: {  	s17 =	rddreg [dreg:$0x7];
	[sflag:s14] =	ssyncadd.s32 $0xFFFF8000  }
0x12a: {  	[hbm4b:s17+s3] =	stream.linear.scatter [tilespmem:s0], [sflag:$0x2], $0x8000, $0x38;
	[tilespmem:$0x18A00] =	vst v63  }
0x12b: {  	v5 =	vld [tilespmem:$0x900];
	_ =	sdelay $0x3  }
0x12c: {  	v6 =	vld [tilespmem:$0x910]  }
0x12d: {  	v20 =	vld [tilespmem:$0x920];
	v7 =	vadd.s32 v0, v5  }
0x12e: {  	v21 =	vld [tilespmem:$0x930];
	v22 =	vshll.u32 v7, $0x2  }
0x12f: {  	v5 =	vand.u32 $0x7, v5;
	v10 =	vand.u32 $0xFFFFFFE0, v22  }
0x130: {  	v5 =	vor.u32 v5, v10  }
0x131: {  	v6 =	vadd.s32 v0, v6;
	[tilespmem:$0x900] =	vst v7;
	v7 =	vperm.xlane v5, v1  }
0x132: {  	[tilespmem:$0x910] =	vst v6;
	v6 =	vadd.s32 v0, v20  }
0x133: {  	[tilespmem:$0x920] =	vst v6;
	v6 =	vadd.s32 v0, v21;
	v7 =	vadd.s32 v2, v7  }
0x134: {  	[tilespmem:$0x930] =	vst v6  }
0x135: {  	_ =	swait.ge [sflag:s16], $0x8000;
	v5 =	vperm.xlane v5, v3  }
0x136: {  	[sflag:s16] =	ssyncset.done $0x0  }
0x137: {  	[sflag:s16] =	ssyncadd.s32 $0xFFFF8000;
	v5 =	vadd.s32 v2, v5  }
0x138: {  	[tilespmem:s25], [sflag:$0x1] =	stream.indirect_vreg.gather [hbm4b:s1+s3], $0x80, v7, vm0, $0xb8;
	[tilespmem:$0x18A00] =	vst v63  }
0x139: {  	s17 =	simm.s32 $0x9200  }
0x13a: {  	[tilespmem:s17], [sflag:$0x1] =	stream.indirect_vreg.gather [hbm4b:s4+s3], $0x80, v7, vm0, $0xb8;
	[tilespmem:$0x18A00] =	vst v63  }
0x13b: {  	s17 =	simm.s32 $0x9A00  }
0x13c: {  	[tilespmem:s17], [sflag:$0x1] =	stream.indirect_vreg.gather [hbm4b:s1+s3], $0x80, v5, vm0, $0xb8;
	[tilespmem:$0x18A00] =	vst v63  }
0x13d: {  	s17 =	simm.s32 $0xA200  }
0x13e: {  	[tilespmem:s17], [sflag:$0x1] =	stream.indirect_vreg.gather [hbm4b:s4+s3], $0x80, v5, vm0, $0xb8;
	[tilespmem:$0x18A00] =	vst v63  }
0x13f: {  	v5 =	vld [tilespmem:$0x910];
	_ =	sdelay $0x4  }
0x140: {  	v6 =	vshll.u32 v5, $0x2  }
0x141: {  	v5 =	vand.u32 $0x7, v5;
	v6 =	vand.u32 $0xFFFFFFE0, v6  }
0x142: {  	v5 =	vor.u32 v5, v6  }
0x143: {  	v6 =	vperm.xlane v5, v1;
	_ =	sdelay $0x1  }
0x144: {  	v6 =	vadd.s32 v2, v6;
	_ =	sdelay $0x1  }
0x145: {  	v5 =	vperm.xlane v5, v3;
	_ =	sdelay $0x1  }
0x146: {  	s17 =	simm.s32 $0xAA00;
	v5 =	vadd.s32 v2, v5  }
0x147: {  	[tilespmem:s17], [sflag:$0x1] =	stream.indirect_vreg.gather [hbm4b:s1+s3], $0x80, v6, vm0, $0xb8;
	[tilespmem:$0x18A00] =	vst v63  }
0x148: {  	s17 =	simm.s32 $0xB200  }
0x149: {  	[tilespmem:s17], [sflag:$0x1] =	stream.indirect_vreg.gather [hbm4b:s4+s3], $0x80, v6, vm0, $0xb8;
	[tilespmem:$0x18A00] =	vst v63  }
0x14a: {  	s17 =	simm.s32 $0xBA00  }
0x14b: {  	[tilespmem:s17], [sflag:$0x1] =	stream.indirect_vreg.gather [hbm4b:s1+s3], $0x80, v5, vm0, $0xb8;
	[tilespmem:$0x18A00] =	vst v63  }
0x14c: {  	s17 =	simm.s32 $0xC200  }
0x14d: {  	[tilespmem:s17], [sflag:$0x1] =	stream.indirect_vreg.gather [hbm4b:s4+s3], $0x80, v5, vm0, $0xb8;
	[tilespmem:$0x18A00] =	vst v63  }
0x14e: {  	v5 =	vld [tilespmem:$0x920];
	_ =	sdelay $0x4  }
0x14f: {  	v6 =	vshll.u32 v5, $0x2  }
0x150: {  	v5 =	vand.u32 $0x7, v5;
	v6 =	vand.u32 $0xFFFFFFE0, v6  }
0x151: {  	v5 =	vor.u32 v5, v6  }
0x152: {  	v6 =	vperm.xlane v5, v1;
	_ =	sdelay $0x1  }
0x153: {  	v6 =	vadd.s32 v2, v6;
	_ =	sdelay $0x1  }
0x154: {  	v5 =	vperm.xlane v5, v3;
	_ =	sdelay $0x1  }
0x155: {  	s17 =	simm.s32 $0xCA00;
	v5 =	vadd.s32 v2, v5  }
0x156: {  	[tilespmem:s17], [sflag:$0x1] =	stream.indirect_vreg.gather [hbm4b:s1+s3], $0x80, v6, vm0, $0xb8;
	[tilespmem:$0x18A00] =	vst v63  }
0x157: {  	s17 =	simm.s32 $0xD200  }
0x158: {  	[tilespmem:s17], [sflag:$0x1] =	stream.indirect_vreg.gather [hbm4b:s4+s3], $0x80, v6, vm0, $0xb8;
	[tilespmem:$0x18A00] =	vst v63  }
0x159: {  	s17 =	simm.s32 $0xDA00  }
0x15a: {  	[tilespmem:s17], [sflag:$0x1] =	stream.indirect_vreg.gather [hbm4b:s1+s3], $0x80, v5, vm0, $0xb8;
	[tilespmem:$0x18A00] =	vst v63  }
0x15b: {  	s17 =	simm.s32 $0xE200  }
0x15c: {  	[tilespmem:s17], [sflag:$0x1] =	stream.indirect_vreg.gather [hbm4b:s4+s3], $0x80, v5, vm0, $0xb8;
	[tilespmem:$0x18A00] =	vst v63  }
0x15d: {  	v5 =	vld [tilespmem:$0x930];
	_ =	sdelay $0x4  }
0x15e: {  	v6 =	vshll.u32 v5, $0x2  }
0x15f: {  	v5 =	vand.u32 $0x7, v5;
	v6 =	vand.u32 $0xFFFFFFE0, v6  }
0x160: {  	v5 =	vor.u32 v5, v6  }
0x161: {  	v6 =	vperm.xlane v5, v1;
	_ =	sdelay $0x1  }
0x162: {  	v6 =	vadd.s32 v2, v6;
	_ =	sdelay $0x1  }
0x163: {  	v5 =	vperm.xlane v5, v3;
	_ =	sdelay $0x1  }
0x164: {  	s17 =	simm.s32 $0xEA00;
	v5 =	vadd.s32 v2, v5  }
0x165: {  	[tilespmem:s17], [sflag:$0x1] =	stream.indirect_vreg.gather [hbm4b:s1+s3], $0x80, v6, vm0, $0xb8;
	[tilespmem:$0x18A00] =	vst v63  }
0x166: {  	s17 =	simm.s32 $0xF200  }
0x167: {  	[tilespmem:s17], [sflag:$0x1] =	stream.indirect_vreg.gather [hbm4b:s4+s3], $0x80, v6, vm0, $0xb8;
	[tilespmem:$0x18A00] =	vst v63  }
0x168: {  	s17 =	simm.s32 $0xFA00  }
0x169: {  	[tilespmem:s17], [sflag:$0x1] =	stream.indirect_vreg.gather [hbm4b:s1+s3], $0x80, v5, vm0, $0xb8;
	[tilespmem:$0x18A00] =	vst v63  }
0x16a: {  	s17 =	simm.s32 $0x10200  }
0x16b: {  	[tilespmem:s17], [sflag:$0x1] =	stream.indirect_vreg.gather [hbm4b:s4+s3], $0x80, v5, vm0, $0xb8;
	[tilespmem:$0x18A00] =	vst v63  }
0x16c: {  	_ =	swait.ge [sflag:s14], $0x8000  }
0x16d: {  	[sflag:s14] =	ssyncset.done $0x0  }
0x16e: {  	s17 =	rddreg [dreg:$0x8];
	[sflag:s14] =	ssyncadd.s32 $0xFFFF8000  }
0x16f: {  	[hbm4b:s17+s3] =	stream.linear.scatter [tilespmem:s23], [sflag:$0x2], $0x8000, $0x38;
	[tilespmem:$0x18A00] =	vst v63  }
0x170: {  	v5 =	vld [tilespmem:$0x940];
	_ =	sdelay $0x3  }
0x171: {  	v6 =	vld [tilespmem:$0x950]  }
0x172: {  	v23 =	vld [tilespmem:$0x960];
	v7 =	vadd.s32 v0, v5  }
0x173: {  	v24 =	vld [tilespmem:$0x970];
	v25 =	vshll.u32 v7, $0x2  }
0x174: {  	v5 =	vand.u32 $0x7, v5;
	v10 =	vand.u32 $0xFFFFFFE0, v25  }
0x175: {  	v5 =	vor.u32 v5, v10  }
0x176: {  	v6 =	vadd.s32 v0, v6;
	[tilespmem:$0x940] =	vst v7;
	v7 =	vperm.xlane v5, v1  }
0x177: {  	[tilespmem:$0x950] =	vst v6;
	v6 =	vadd.s32 v0, v23  }
0x178: {  	[tilespmem:$0x960] =	vst v6;
	v6 =	vadd.s32 v0, v24;
	v7 =	vadd.s32 v2, v7  }
0x179: {  	[tilespmem:$0x970] =	vst v6  }
0x17a: {  	_ =	swait.ge [sflag:s16], $0x8000;
	v5 =	vperm.xlane v5, v3  }
0x17b: {  	[sflag:s16] =	ssyncset.done $0x0  }
0x17c: {  	[sflag:s16] =	ssyncadd.s32 $0xFFFF8000;
	v5 =	vadd.s32 v2, v5  }
0x17d: {  	[tilespmem:s0], [sflag:$0x1] =	stream.indirect_vreg.gather [hbm4b:s1+s3], $0x80, v7, vm0, $0xb8;
	[tilespmem:$0x18A00] =	vst v63  }
0x17e: {  	_ = 	snop  }
0x17f: {  	[tilespmem:s2], [sflag:$0x1] =	stream.indirect_vreg.gather [hbm4b:s4+s3], $0x80, v7, vm0, $0xb8;
	[tilespmem:$0x18A00] =	vst v63  }
0x180: {  	_ = 	snop  }
0x181: {  	[tilespmem:s6], [sflag:$0x1] =	stream.indirect_vreg.gather [hbm4b:s1+s3], $0x80, v5, vm0, $0xb8;
	[tilespmem:$0x18A00] =	vst v63  }
0x182: {  	_ = 	snop  }
0x183: {  	[tilespmem:s7], [sflag:$0x1] =	stream.indirect_vreg.gather [hbm4b:s4+s3], $0x80, v5, vm0, $0xb8;
	[tilespmem:$0x18A00] =	vst v63  }
0x184: {  	v5 =	vld [tilespmem:$0x950];
	_ =	sdelay $0x4  }
0x185: {  	v6 =	vshll.u32 v5, $0x2  }
0x186: {  	v5 =	vand.u32 $0x7, v5;
	v6 =	vand.u32 $0xFFFFFFE0, v6  }
0x187: {  	v5 =	vor.u32 v5, v6  }
0x188: {  	v6 =	vperm.xlane v5, v1;
	_ =	sdelay $0x1  }
0x189: {  	v6 =	vadd.s32 v2, v6;
	_ =	sdelay $0x1  }
0x18a: {  	v5 =	vperm.xlane v5, v3;
	_ =	sdelay $0x1  }
0x18b: {  	v5 =	vadd.s32 v2, v5  }
0x18c: {  	[tilespmem:s8], [sflag:$0x1] =	stream.indirect_vreg.gather [hbm4b:s1+s3], $0x80, v6, vm0, $0xb8;
	[tilespmem:$0x18A00] =	vst v63  }
0x18d: {  	_ = 	snop  }
0x18e: {  	[tilespmem:s9], [sflag:$0x1] =	stream.indirect_vreg.gather [hbm4b:s4+s3], $0x80, v6, vm0, $0xb8;
	[tilespmem:$0x18A00] =	vst v63  }
0x18f: {  	_ = 	snop  }
0x190: {  	[tilespmem:s10], [sflag:$0x1] =	stream.indirect_vreg.gather [hbm4b:s1+s3], $0x80, v5, vm0, $0xb8;
	[tilespmem:$0x18A00] =	vst v63  }
0x191: {  	_ = 	snop  }
0x192: {  	[tilespmem:s11], [sflag:$0x1] =	stream.indirect_vreg.gather [hbm4b:s4+s3], $0x80, v5, vm0, $0xb8;
	[tilespmem:$0x18A00] =	vst v63  }
0x193: {  	v5 =	vld [tilespmem:$0x960];
	_ =	sdelay $0x4  }
0x194: {  	v6 =	vshll.u32 v5, $0x2  }
0x195: {  	v5 =	vand.u32 $0x7, v5;
	v6 =	vand.u32 $0xFFFFFFE0, v6  }
0x196: {  	v5 =	vor.u32 v5, v6  }
0x197: {  	v6 =	vperm.xlane v5, v1;
	_ =	sdelay $0x1  }
0x198: {  	v6 =	vadd.s32 v2, v6;
	_ =	sdelay $0x1  }
0x199: {  	v5 =	vperm.xlane v5, v3;
	_ =	sdelay $0x1  }
0x19a: {  	v5 =	vadd.s32 v2, v5  }
0x19b: {  	[tilespmem:s12], [sflag:$0x1] =	stream.indirect_vreg.gather [hbm4b:s1+s3], $0x80, v6, vm0, $0xb8;
	[tilespmem:$0x18A00] =	vst v63  }
0x19c: {  	_ = 	snop  }
0x19d: {  	[tilespmem:s13], [sflag:$0x1] =	stream.indirect_vreg.gather [hbm4b:s4+s3], $0x80, v6, vm0, $0xb8;
	[tilespmem:$0x18A00] =	vst v63  }
0x19e: {  	_ = 	snop  }
0x19f: {  	[tilespmem:s15], [sflag:$0x1] =	stream.indirect_vreg.gather [hbm4b:s1+s3], $0x80, v5, vm0, $0xb8;
	[tilespmem:$0x18A00] =	vst v63  }
0x1a0: {  	_ = 	snop  }
0x1a1: {  	[tilespmem:s18], [sflag:$0x1] =	stream.indirect_vreg.gather [hbm4b:s4+s3], $0x80, v5, vm0, $0xb8;
	[tilespmem:$0x18A00] =	vst v63  }
0x1a2: {  	v5 =	vld [tilespmem:$0x970];
	_ =	sdelay $0x4  }
0x1a3: {  	v6 =	vshll.u32 v5, $0x2  }
0x1a4: {  	v5 =	vand.u32 $0x7, v5;
	v6 =	vand.u32 $0xFFFFFFE0, v6  }
0x1a5: {  	v5 =	vor.u32 v5, v6  }
0x1a6: {  	v6 =	vperm.xlane v5, v1;
	_ =	sdelay $0x1  }
0x1a7: {  	v6 =	vadd.s32 v2, v6;
	_ =	sdelay $0x1  }
0x1a8: {  	v5 =	vperm.xlane v5, v3;
	_ =	sdelay $0x1  }
0x1a9: {  	v5 =	vadd.s32 v2, v5  }
0x1aa: {  	[tilespmem:s19], [sflag:$0x1] =	stream.indirect_vreg.gather [hbm4b:s1+s3], $0x80, v6, vm0, $0xb8;
	[tilespmem:$0x18A00] =	vst v63  }
0x1ab: {  	_ = 	snop  }
0x1ac: {  	[tilespmem:s20], [sflag:$0x1] =	stream.indirect_vreg.gather [hbm4b:s4+s3], $0x80, v6, vm0, $0xb8;
	[tilespmem:$0x18A00] =	vst v63  }
0x1ad: {  	_ = 	snop  }
0x1ae: {  	[tilespmem:s21], [sflag:$0x1] =	stream.indirect_vreg.gather [hbm4b:s1+s3], $0x80, v5, vm0, $0xb8;
	[tilespmem:$0x18A00] =	vst v63  }
0x1af: {  	_ = 	snop  }
0x1b0: {  	[tilespmem:s22], [sflag:$0x1] =	stream.indirect_vreg.gather [hbm4b:s4+s3], $0x80, v5, vm0, $0xb8;
	[tilespmem:$0x18A00] =	vst v63  }
0x1b1: {  	_ =	swait.ge [sflag:s14], $0x8000  }
0x1b2: {  	[sflag:s14] =	ssyncset.done $0x0  }
0x1b3: {  	s2 =	rddreg [dreg:$0x9];
	[sflag:s14] =	ssyncadd.s32 $0xFFFF8000  }
0x1b4: {  	[hbm4b:s2+s3] =	stream.linear.scatter [tilespmem:s25], [sflag:$0x2], $0x8000, $0x38;
	[tilespmem:$0x18A00] =	vst v63  }
0x1b5: {  	v5 =	vld [tilespmem:$0x980];
	_ =	sdelay $0x3  }
0x1b6: {  	v6 =	vld [tilespmem:$0x990]  }
0x1b7: {  	v26 =	vld [tilespmem:$0x9A0];
	v7 =	vadd.s32 v0, v5  }
0x1b8: {  	v27 =	vld [tilespmem:$0x9B0];
	v28 =	vshll.u32 v7, $0x2  }
0x1b9: {  	v5 =	vand.u32 $0x7, v5;
	v10 =	vand.u32 $0xFFFFFFE0, v28  }
0x1ba: {  	v5 =	vor.u32 v5, v10  }
0x1bb: {  	v6 =	vadd.s32 v0, v6;
	[tilespmem:$0x980] =	vst v7;
	v7 =	vperm.xlane v5, v1  }
0x1bc: {  	[tilespmem:$0x990] =	vst v6;
	v6 =	vadd.s32 v0, v26  }
0x1bd: {  	[tilespmem:$0x9A0] =	vst v6;
	v6 =	vadd.s32 v0, v27;
	v7 =	vadd.s32 v2, v7  }
0x1be: {  	[tilespmem:$0x9B0] =	vst v6  }
0x1bf: {  	_ =	swait.ge [sflag:s16], $0x8000;
	v5 =	vperm.xlane v5, v3  }
0x1c0: {  	[sflag:s16] =	ssyncset.done $0x0  }
0x1c1: {  	[sflag:s16] =	ssyncadd.s32 $0xFFFF8000;
	v5 =	vadd.s32 v2, v5  }
0x1c2: {  	[tilespmem:s23], [sflag:$0x1] =	stream.indirect_vreg.gather [hbm4b:s1+s3], $0x80, v7, vm0, $0xb8;
	[tilespmem:$0x18A00] =	vst v63  }
0x1c3: {  	s18 =	simm.s32 $0x1200  }
0x1c4: {  	[tilespmem:s18], [sflag:$0x1] =	stream.indirect_vreg.gather [hbm4b:s4+s3], $0x80, v7, vm0, $0xb8;
	[tilespmem:$0x18A00] =	vst v63  }
0x1c5: {  	s17 =	simm.s32 $0x1A00  }
0x1c6: {  	[tilespmem:s17], [sflag:$0x1] =	stream.indirect_vreg.gather [hbm4b:s1+s3], $0x80, v5, vm0, $0xb8;
	[tilespmem:$0x18A00] =	vst v63  }
0x1c7: {  	s18 =	simm.s32 $0x2200  }
0x1c8: {  	[tilespmem:s18], [sflag:$0x1] =	stream.indirect_vreg.gather [hbm4b:s4+s3], $0x80, v5, vm0, $0xb8;
	[tilespmem:$0x18A00] =	vst v63  }
0x1c9: {  	v5 =	vld [tilespmem:$0x990];
	_ =	sdelay $0x4  }
0x1ca: {  	v6 =	vshll.u32 v5, $0x2  }
0x1cb: {  	v5 =	vand.u32 $0x7, v5;
	v6 =	vand.u32 $0xFFFFFFE0, v6  }
0x1cc: {  	v5 =	vor.u32 v5, v6  }
0x1cd: {  	v6 =	vperm.xlane v5, v1;
	_ =	sdelay $0x1  }
0x1ce: {  	v6 =	vadd.s32 v2, v6;
	_ =	sdelay $0x1  }
0x1cf: {  	v5 =	vperm.xlane v5, v3;
	_ =	sdelay $0x1  }
0x1d0: {  	s17 =	simm.s32 $0x2A00;
	v5 =	vadd.s32 v2, v5  }
0x1d1: {  	[tilespmem:s17], [sflag:$0x1] =	stream.indirect_vreg.gather [hbm4b:s1+s3], $0x80, v6, vm0, $0xb8;
	[tilespmem:$0x18A00] =	vst v63  }
0x1d2: {  	s18 =	simm.s32 $0x3200  }
0x1d3: {  	[tilespmem:s18], [sflag:$0x1] =	stream.indirect_vreg.gather [hbm4b:s4+s3], $0x80, v6, vm0, $0xb8;
	[tilespmem:$0x18A00] =	vst v63  }
0x1d4: {  	s17 =	simm.s32 $0x3A00  }
0x1d5: {  	[tilespmem:s17], [sflag:$0x1] =	stream.indirect_vreg.gather [hbm4b:s1+s3], $0x80, v5, vm0, $0xb8;
	[tilespmem:$0x18A00] =	vst v63  }
0x1d6: {  	s18 =	simm.s32 $0x4200  }
0x1d7: {  	[tilespmem:s18], [sflag:$0x1] =	stream.indirect_vreg.gather [hbm4b:s4+s3], $0x80, v5, vm0, $0xb8;
	[tilespmem:$0x18A00] =	vst v63  }
0x1d8: {  	v5 =	vld [tilespmem:$0x9A0];
	_ =	sdelay $0x4  }
0x1d9: {  	v6 =	vshll.u32 v5, $0x2  }
0x1da: {  	v5 =	vand.u32 $0x7, v5;
	v6 =	vand.u32 $0xFFFFFFE0, v6  }
0x1db: {  	v5 =	vor.u32 v5, v6  }
0x1dc: {  	v6 =	vperm.xlane v5, v1;
	_ =	sdelay $0x1  }
0x1dd: {  	v6 =	vadd.s32 v2, v6;
	_ =	sdelay $0x1  }
0x1de: {  	v5 =	vperm.xlane v5, v3;
	_ =	sdelay $0x1  }
0x1df: {  	v5 =	vadd.s32 v2, v5  }
0x1e0: {  	[tilespmem:s26], [sflag:$0x1] =	stream.indirect_vreg.gather [hbm4b:s1+s3], $0x80, v6, vm0, $0xb8;
	[tilespmem:$0x18A00] =	vst v63  }
0x1e1: {  	_ = 	snop  }
0x1e2: {  	[tilespmem:s28], [sflag:$0x1] =	stream.indirect_vreg.gather [hbm4b:s4+s3], $0x80, v6, vm0, $0xb8;
	[tilespmem:$0x18A00] =	vst v63  }
0x1e3: {  	_ = 	snop  }
0x1e4: {  	[tilespmem:s29], [sflag:$0x1] =	stream.indirect_vreg.gather [hbm4b:s1+s3], $0x80, v5, vm0, $0xb8;
	[tilespmem:$0x18A00] =	vst v63  }
0x1e5: {  	_ = 	snop  }
0x1e6: {  	[tilespmem:s30], [sflag:$0x1] =	stream.indirect_vreg.gather [hbm4b:s4+s3], $0x80, v5, vm0, $0xb8;
	[tilespmem:$0x18A00] =	vst v63  }
0x1e7: {  	v5 =	vld [tilespmem:$0x9B0];
	_ =	sdelay $0x4  }
0x1e8: {  	v6 =	vshll.u32 v5, $0x2  }
0x1e9: {  	v5 =	vand.u32 $0x7, v5;
	v6 =	vand.u32 $0xFFFFFFE0, v6  }
0x1ea: {  	v5 =	vor.u32 v5, v6  }
0x1eb: {  	v6 =	vperm.xlane v5, v1;
	_ =	sdelay $0x1  }
0x1ec: {  	v6 =	vadd.s32 v2, v6;
	_ =	sdelay $0x1  }
0x1ed: {  	v5 =	vperm.xlane v5, v3;
	_ =	sdelay $0x1  }
0x1ee: {  	v5 =	vadd.s32 v2, v5  }
0x1ef: {  	[tilespmem:s31], [sflag:$0x1] =	stream.indirect_vreg.gather [hbm4b:s1+s3], $0x80, v6, vm0, $0xb8;
	[tilespmem:$0x18A00] =	vst v63  }
0x1f0: {  	s17 =	simm.s32 $0x7200  }
0x1f1: {  	[tilespmem:s17], [sflag:$0x1] =	stream.indirect_vreg.gather [hbm4b:s4+s3], $0x80, v6, vm0, $0xb8;
	[tilespmem:$0x18A00] =	vst v63  }
0x1f2: {  	s18 =	simm.s32 $0x7A00  }
0x1f3: {  	[tilespmem:s18], [sflag:$0x1] =	stream.indirect_vreg.gather [hbm4b:s1+s3], $0x80, v5, vm0, $0xb8;
	[tilespmem:$0x18A00] =	vst v63  }
0x1f4: {  	s17 =	simm.s32 $0x8200  }
0x1f5: {  	[tilespmem:s17], [sflag:$0x1] =	stream.indirect_vreg.gather [hbm4b:s4+s3], $0x80, v5, vm0, $0xb8;
	[tilespmem:$0x18A00] =	vst v63  }
0x1f6: {  	_ =	swait.ge [sflag:s14], $0x8000  }
0x1f7: {  	[sflag:s14] =	ssyncset.done $0x0  }
0x1f8: {  	s18 =	rddreg [dreg:$0xa];
	[sflag:s14] =	ssyncadd.s32 $0xFFFF8000  }
0x1f9: {  	[hbm4b:s18+s3] =	stream.linear.scatter [tilespmem:s0], [sflag:$0x2], $0x8000, $0x38;
	[tilespmem:$0x18A00] =	vst v63  }
0x1fa: {  	v5 =	vld [tilespmem:$0x9C0];
	_ =	sdelay $0x3  }
0x1fb: {  	v6 =	vld [tilespmem:$0x9D0]  }
0x1fc: {  	v29 =	vld [tilespmem:$0x9E0];
	v7 =	vadd.s32 v0, v5  }
0x1fd: {  	v30 =	vld [tilespmem:$0x9F0];
	v31 =	vshll.u32 v7, $0x2  }
0x1fe: {  	v5 =	vand.u32 $0x7, v5;
	v10 =	vand.u32 $0xFFFFFFE0, v31  }
0x1ff: {  	v5 =	vor.u32 v5, v10  }
0x200: {  	v6 =	vadd.s32 v0, v6;
	[tilespmem:$0x9C0] =	vst v7;
	v7 =	vperm.xlane v5, v1  }
0x201: {  	[tilespmem:$0x9D0] =	vst v6;
	v6 =	vadd.s32 v0, v29  }
0x202: {  	[tilespmem:$0x9E0] =	vst v6;
	v6 =	vadd.s32 v0, v30;
	v7 =	vadd.s32 v2, v7  }
0x203: {  	[tilespmem:$0x9F0] =	vst v6  }
0x204: {  	_ =	swait.ge [sflag:s16], $0x8000;
	v5 =	vperm.xlane v5, v3  }
0x205: {  	[sflag:s16] =	ssyncset.done $0x0  }
0x206: {  	[sflag:s16] =	ssyncadd.s32 $0xFFFF8000;
	v5 =	vadd.s32 v2, v5  }
0x207: {  	[tilespmem:s25], [sflag:$0x1] =	stream.indirect_vreg.gather [hbm4b:s1+s3], $0x80, v7, vm0, $0xb8;
	[tilespmem:$0x18A00] =	vst v63  }
0x208: {  	s2 =	simm.s32 $0x9200  }
0x209: {  	[tilespmem:s2], [sflag:$0x1] =	stream.indirect_vreg.gather [hbm4b:s4+s3], $0x80, v7, vm0, $0xb8;
	[tilespmem:$0x18A00] =	vst v63  }
0x20a: {  	s17 =	simm.s32 $0x9A00  }
0x20b: {  	[tilespmem:s17], [sflag:$0x1] =	stream.indirect_vreg.gather [hbm4b:s1+s3], $0x80, v5, vm0, $0xb8;
	[tilespmem:$0x18A00] =	vst v63  }
0x20c: {  	s18 =	simm.s32 $0xA200  }
0x20d: {  	[tilespmem:s18], [sflag:$0x1] =	stream.indirect_vreg.gather [hbm4b:s4+s3], $0x80, v5, vm0, $0xb8;
	[tilespmem:$0x18A00] =	vst v63  }
0x20e: {  	v5 =	vld [tilespmem:$0x9D0];
	_ =	sdelay $0x4  }
0x20f: {  	v6 =	vshll.u32 v5, $0x2  }
0x210: {  	v5 =	vand.u32 $0x7, v5;
	v6 =	vand.u32 $0xFFFFFFE0, v6  }
0x211: {  	v5 =	vor.u32 v5, v6  }
0x212: {  	v6 =	vperm.xlane v5, v1;
	_ =	sdelay $0x1  }
0x213: {  	v6 =	vadd.s32 v2, v6;
	_ =	sdelay $0x1  }
0x214: {  	v5 =	vperm.xlane v5, v3;
	_ =	sdelay $0x1  }
0x215: {  	s2 =	simm.s32 $0xAA00;
	v5 =	vadd.s32 v2, v5  }
0x216: {  	[tilespmem:s2], [sflag:$0x1] =	stream.indirect_vreg.gather [hbm4b:s1+s3], $0x80, v6, vm0, $0xb8;
	[tilespmem:$0x18A00] =	vst v63  }
0x217: {  	s17 =	simm.s32 $0xB200  }
0x218: {  	[tilespmem:s17], [sflag:$0x1] =	stream.indirect_vreg.gather [hbm4b:s4+s3], $0x80, v6, vm0, $0xb8;
	[tilespmem:$0x18A00] =	vst v63  }
0x219: {  	s18 =	simm.s32 $0xBA00  }
0x21a: {  	[tilespmem:s18], [sflag:$0x1] =	stream.indirect_vreg.gather [hbm4b:s1+s3], $0x80, v5, vm0, $0xb8;
	[tilespmem:$0x18A00] =	vst v63  }
0x21b: {  	s2 =	simm.s32 $0xC200  }
0x21c: {  	[tilespmem:s2], [sflag:$0x1] =	stream.indirect_vreg.gather [hbm4b:s4+s3], $0x80, v5, vm0, $0xb8;
	[tilespmem:$0x18A00] =	vst v63  }
0x21d: {  	v5 =	vld [tilespmem:$0x9E0];
	_ =	sdelay $0x4  }
0x21e: {  	v6 =	vshll.u32 v5, $0x2  }
0x21f: {  	v5 =	vand.u32 $0x7, v5;
	v6 =	vand.u32 $0xFFFFFFE0, v6  }
0x220: {  	v5 =	vor.u32 v5, v6  }
0x221: {  	v6 =	vperm.xlane v5, v1;
	_ =	sdelay $0x1  }
0x222: {  	v6 =	vadd.s32 v2, v6;
	_ =	sdelay $0x1  }
0x223: {  	v5 =	vperm.xlane v5, v3;
	_ =	sdelay $0x1  }
0x224: {  	s17 =	simm.s32 $0xCA00;
	v5 =	vadd.s32 v2, v5  }
0x225: {  	[tilespmem:s17], [sflag:$0x1] =	stream.indirect_vreg.gather [hbm4b:s1+s3], $0x80, v6, vm0, $0xb8;
	[tilespmem:$0x18A00] =	vst v63  }
0x226: {  	s18 =	simm.s32 $0xD200  }
0x227: {  	[tilespmem:s18], [sflag:$0x1] =	stream.indirect_vreg.gather [hbm4b:s4+s3], $0x80, v6, vm0, $0xb8;
	[tilespmem:$0x18A00] =	vst v63  }
0x228: {  	s2 =	simm.s32 $0xDA00  }
0x229: {  	[tilespmem:s2], [sflag:$0x1] =	stream.indirect_vreg.gather [hbm4b:s1+s3], $0x80, v5, vm0, $0xb8;
	[tilespmem:$0x18A00] =	vst v63  }
0x22a: {  	s17 =	simm.s32 $0xE200  }
0x22b: {  	[tilespmem:s17], [sflag:$0x1] =	stream.indirect_vreg.gather [hbm4b:s4+s3], $0x80, v5, vm0, $0xb8;
	[tilespmem:$0x18A00] =	vst v63  }
0x22c: {  	v5 =	vld [tilespmem:$0x9F0];
	_ =	sdelay $0x4  }
0x22d: {  	v6 =	vshll.u32 v5, $0x2  }
0x22e: {  	v5 =	vand.u32 $0x7, v5;
	v6 =	vand.u32 $0xFFFFFFE0, v6  }
0x22f: {  	v5 =	vor.u32 v5, v6  }
0x230: {  	v6 =	vperm.xlane v5, v1;
	_ =	sdelay $0x1  }
0x231: {  	v6 =	vadd.s32 v2, v6;
	_ =	sdelay $0x1  }
0x232: {  	v5 =	vperm.xlane v5, v3;
	_ =	sdelay $0x1  }
0x233: {  	s18 =	simm.s32 $0xEA00;
	v5 =	vadd.s32 v2, v5  }
0x234: {  	[tilespmem:s18], [sflag:$0x1] =	stream.indirect_vreg.gather [hbm4b:s1+s3], $0x80, v6, vm0, $0xb8;
	[tilespmem:$0x18A00] =	vst v63  }
0x235: {  	s2 =	simm.s32 $0xF200  }
0x236: {  	[tilespmem:s2], [sflag:$0x1] =	stream.indirect_vreg.gather [hbm4b:s4+s3], $0x80, v6, vm0, $0xb8;
	[tilespmem:$0x18A00] =	vst v63  }
0x237: {  	s17 =	simm.s32 $0xFA00  }
0x238: {  	[tilespmem:s17], [sflag:$0x1] =	stream.indirect_vreg.gather [hbm4b:s1+s3], $0x80, v5, vm0, $0xb8;
	[tilespmem:$0x18A00] =	vst v63  }
0x239: {  	s18 =	simm.s32 $0x10200  }
0x23a: {  	[tilespmem:s18], [sflag:$0x1] =	stream.indirect_vreg.gather [hbm4b:s4+s3], $0x80, v5, vm0, $0xb8;
	[tilespmem:$0x18A00] =	vst v63  }
0x23b: {  	_ =	swait.ge [sflag:s14], $0x8000  }
0x23c: {  	[sflag:s14] =	ssyncset.done $0x0  }
0x23d: {  	s0 =	rddreg [dreg:$0xb];
	[sflag:s14] =	ssyncadd.s32 $0xFFFF8000  }
0x23e: {  	[hbm4b:s0+s3] =	stream.linear.scatter [tilespmem:s23], [sflag:$0x2], $0x8000, $0x38;
	[tilespmem:$0x18A00] =	vst v63  }
0x23f: {  	s2 =	rddreg [dreg:$0xc]  }
0x240: {  	[tilespmem:s3], [sflag:$0x3] =	stream.linear.gather [hbm4b:s2+s3], $0x400, $0x38;
	[tilespmem:$0x18A00] =	vst v63  }
0x241: {  	_ =	swait.ge [sflag:s24], $0x400  }
0x242: {  	[sflag:s24] =	ssyncset.done $0x0  }
0x243: {  	[sflag:s24] =	ssyncadd.s32 $0xFFFFFC00  }
0x244: {  	v5 =	vld [tilespmem:$0x0]  }
0x245: {  	v6 =	vld [tilespmem:$0x10]  }
0x246: {  	v7 =	vld [tilespmem:$0x20]  }
0x247: {  	v32 =	vld [tilespmem:$0x30]  }
0x248: {  	v33 =	vld [tilespmem:$0x40]  }
0x249: {  	vm1 =	vne.s32 v5, $0x1FF;
	v5 =	vld [tilespmem:$0x50]  }
0x24a: {  	v34 =	vsel vm1, $0x1, v4;
	vm1 =	vne.s32 v6, $0x1FF;
	v6 =	vld [tilespmem:$0x60]  }
0x24b: {  	[tilespmem:$0x400] =	vst v34;
	v35 =	vsel vm1, $0x1, v4;
	vm1 =	vne.s32 v7, $0x1FF;
	v7 =	vld [tilespmem:$0x70]  }
0x24c: {  	v37 =	vld [tilespmem:$0x80];
	[tilespmem:$0x410] =	vst v35;
	v36 =	vsel vm1, $0x1, v4;
	vm1 =	vne.s32 v32, $0x1FF  }
0x24d: {  	v39 =	vld [tilespmem:$0x90];
	[tilespmem:$0x420] =	vst v36;
	v38 =	vsel vm1, $0x1, v4;
	vm1 =	vne.s32 v33, $0x1FF  }
0x24e: {  	[tilespmem:$0x430] =	vst v38;
	v40 =	vsel vm1, $0x1, v4;
	vm1 =	vne.s32 v5, $0x1FF;
	v5 =	vld [tilespmem:$0xA0]  }
0x24f: {  	[tilespmem:$0x440] =	vst v40;
	v41 =	vsel vm1, $0x1, v4;
	vm1 =	vne.s32 v6, $0x1FF;
	v6 =	vld [tilespmem:$0xB0]  }
0x250: {  	[tilespmem:$0x450] =	vst v41;
	v42 =	vsel vm1, $0x1, v4;
	vm1 =	vne.s32 v7, $0x1FF;
	v7 =	vld [tilespmem:$0xC0]  }
0x251: {  	v44 =	vld [tilespmem:$0xD0];
	[tilespmem:$0x460] =	vst v42;
	v43 =	vsel vm1, $0x1, v4;
	vm1 =	vne.s32 v37, $0x1FF  }
0x252: {  	v46 =	vld [tilespmem:$0xE0];
	[tilespmem:$0x470] =	vst v43;
	v45 =	vsel vm1, $0x1, v4;
	vm1 =	vne.s32 v39, $0x1FF  }
0x253: {  	[tilespmem:$0x480] =	vst v45;
	v47 =	vsel vm1, $0x1, v4;
	vm1 =	vne.s32 v5, $0x1FF;
	v5 =	vld [tilespmem:$0xF0]  }
0x254: {  	[tilespmem:$0x490] =	vst v47;
	v48 =	vsel vm1, $0x1, v4;
	vm1 =	vne.s32 v6, $0x1FF;
	v6 =	vld [tilespmem:$0x100]  }
0x255: {  	[tilespmem:$0x4A0] =	vst v48;
	v49 =	vsel vm1, $0x1, v4;
	vm1 =	vne.s32 v7, $0x1FF;
	v7 =	vld [tilespmem:$0x110]  }
0x256: {  	v51 =	vld [tilespmem:$0x120];
	[tilespmem:$0x4B0] =	vst v49;
	v50 =	vsel vm1, $0x1, v4;
	vm1 =	vne.s32 v44, $0x1FF  }
0x257: {  	v53 =	vld [tilespmem:$0x130];
	[tilespmem:$0x4C0] =	vst v50;
	v52 =	vsel vm1, $0x1, v4;
	vm1 =	vne.s32 v46, $0x1FF  }
0x258: {  	[tilespmem:$0x4D0] =	vst v52;
	v54 =	vsel vm1, $0x1, v4;
	vm1 =	vne.s32 v5, $0x1FF;
	v5 =	vld [tilespmem:$0x140]  }
0x259: {  	[tilespmem:$0x4E0] =	vst v54;
	v55 =	vsel vm1, $0x1, v4;
	vm1 =	vne.s32 v6, $0x1FF;
	v6 =	vld [tilespmem:$0x150]  }
0x25a: {  	[tilespmem:$0x4F0] =	vst v55;
	v56 =	vsel vm1, $0x1, v4;
	vm1 =	vne.s32 v7, $0x1FF;
	v7 =	vld [tilespmem:$0x160]  }
0x25b: {  	v58 =	vld [tilespmem:$0x170];
	[tilespmem:$0x500] =	vst v56;
	v57 =	vsel vm1, $0x1, v4;
	vm1 =	vne.s32 v51, $0x1FF  }
0x25c: {  	v60 =	vld [tilespmem:$0x180];
	[tilespmem:$0x510] =	vst v57;
	v59 =	vsel vm1, $0x1, v4;
	vm1 =	vne.s32 v53, $0x1FF  }
0x25d: {  	[tilespmem:$0x520] =	vst v59;
	v61 =	vsel vm1, $0x1, v4;
	vm1 =	vne.s32 v5, $0x1FF;
	v5 =	vld [tilespmem:$0x190]  }
0x25e: {  	[tilespmem:$0x530] =	vst v61;
	v62 =	vsel vm1, $0x1, v4;
	vm1 =	vne.s32 v6, $0x1FF;
	v6 =	vld [tilespmem:$0x1A0]  }
0x25f: {  	[tilespmem:$0x540] =	vst v62;
	v63 =	vsel vm1, $0x1, v4;
	vm1 =	vne.s32 v7, $0x1FF;
	v7 =	vld [tilespmem:$0x1B0]  }
0x260: {  	v13 =	vld [tilespmem:$0x1C0];
	[tilespmem:$0x550] =	vst v63;
	v12 =	vsel vm1, $0x1, v4;
	vm1 =	vne.s32 v58, $0x1FF  }
0x261: {  	v15 =	vld [tilespmem:$0x1D0];
	[tilespmem:$0x560] =	vst v12;
	v14 =	vsel vm1, $0x1, v4;
	vm1 =	vne.s32 v60, $0x1FF  }
0x262: {  	[tilespmem:$0x570] =	vst v14;
	v16 =	vsel vm1, $0x1, v4;
	vm1 =	vne.s32 v5, $0x1FF;
	v5 =	vld [tilespmem:$0x1E0]  }
0x263: {  	[tilespmem:$0x580] =	vst v16;
	v17 =	vsel vm1, $0x1, v4;
	vm1 =	vne.s32 v6, $0x1FF;
	v6 =	vld [tilespmem:$0x1F0]  }
0x264: {  	[tilespmem:$0x590] =	vst v17;
	v18 =	vsel vm1, $0x1, v4;
	vm1 =	vne.s32 v7, $0x1FF;
	v7 =	vld [tilespmem:$0x200]  }
0x265: {  	v20 =	vld [tilespmem:$0x210];
	[tilespmem:$0x5A0] =	vst v18;
	v19 =	vsel vm1, $0x1, v4;
	vm1 =	vne.s32 v13, $0x1FF  }
0x266: {  	v22 =	vld [tilespmem:$0x220];
	[tilespmem:$0x5B0] =	vst v19;
	v21 =	vsel vm1, $0x1, v4;
	vm1 =	vne.s32 v15, $0x1FF  }
0x267: {  	[tilespmem:$0x5C0] =	vst v21;
	v23 =	vsel vm1, $0x1, v4;
	vm1 =	vne.s32 v5, $0x1FF;
	v5 =	vld [tilespmem:$0x230]  }
0x268: {  	[tilespmem:$0x5D0] =	vst v23;
	v24 =	vsel vm1, $0x1, v4;
	vm1 =	vne.s32 v6, $0x1FF;
	v6 =	vld [tilespmem:$0x240]  }
0x269: {  	[tilespmem:$0x5E0] =	vst v24;
	v25 =	vsel vm1, $0x1, v4;
	vm1 =	vne.s32 v7, $0x1FF;
	v7 =	vld [tilespmem:$0x250]  }
0x26a: {  	v27 =	vld [tilespmem:$0x260];
	[tilespmem:$0x5F0] =	vst v25;
	v26 =	vsel vm1, $0x1, v4;
	vm1 =	vne.s32 v20, $0x1FF  }
0x26b: {  	v29 =	vld [tilespmem:$0x270];
	[tilespmem:$0x600] =	vst v26;
	v28 =	vsel vm1, $0x1, v4;
	vm1 =	vne.s32 v22, $0x1FF  }
0x26c: {  	[tilespmem:$0x610] =	vst v28;
	v30 =	vsel vm1, $0x1, v4;
	vm1 =	vne.s32 v5, $0x1FF;
	v5 =	vld [tilespmem:$0x280]  }
0x26d: {  	[tilespmem:$0x620] =	vst v30;
	v31 =	vsel vm1, $0x1, v4;
	vm1 =	vne.s32 v6, $0x1FF;
	v6 =	vld [tilespmem:$0x290]  }
0x26e: {  	[tilespmem:$0x630] =	vst v31;
	v32 =	vsel vm1, $0x1, v4;
	vm1 =	vne.s32 v7, $0x1FF;
	v7 =	vld [tilespmem:$0x2A0]  }
0x26f: {  	v34 =	vld [tilespmem:$0x2B0];
	[tilespmem:$0x640] =	vst v32;
	v33 =	vsel vm1, $0x1, v4;
	vm1 =	vne.s32 v27, $0x1FF  }
0x270: {  	v36 =	vld [tilespmem:$0x2C0];
	[tilespmem:$0x650] =	vst v33;
	v35 =	vsel vm1, $0x1, v4;
	vm1 =	vne.s32 v29, $0x1FF  }
0x271: {  	[tilespmem:$0x660] =	vst v35;
	v37 =	vsel vm1, $0x1, v4;
	vm1 =	vne.s32 v5, $0x1FF;
	v5 =	vld [tilespmem:$0x2D0]  }
0x272: {  	[tilespmem:$0x670] =	vst v37;
	v38 =	vsel vm1, $0x1, v4;
	vm1 =	vne.s32 v6, $0x1FF;
	v6 =	vld [tilespmem:$0x2E0]  }
0x273: {  	[tilespmem:$0x680] =	vst v38;
	v39 =	vsel vm1, $0x1, v4;
	vm1 =	vne.s32 v7, $0x1FF;
	v7 =	vld [tilespmem:$0x2F0]  }
0x274: {  	v41 =	vld [tilespmem:$0x300];
	[tilespmem:$0x690] =	vst v39;
	v40 =	vsel vm1, $0x1, v4;
	vm1 =	vne.s32 v34, $0x1FF  }
0x275: {  	v43 =	vld [tilespmem:$0x310];
	[tilespmem:$0x6A0] =	vst v40;
	v42 =	vsel vm1, $0x1, v4;
	vm1 =	vne.s32 v36, $0x1FF  }
0x276: {  	[tilespmem:$0x6B0] =	vst v42;
	v44 =	vsel vm1, $0x1, v4;
	vm1 =	vne.s32 v5, $0x1FF;
	v5 =	vld [tilespmem:$0x320]  }
0x277: {  	[tilespmem:$0x6C0] =	vst v44;
	v45 =	vsel vm1, $0x1, v4;
	vm1 =	vne.s32 v6, $0x1FF;
	v6 =	vld [tilespmem:$0x330]  }
0x278: {  	[tilespmem:$0x6D0] =	vst v45;
	v46 =	vsel vm1, $0x1, v4;
	vm1 =	vne.s32 v7, $0x1FF;
	v7 =	vld [tilespmem:$0x340]  }
0x279: {  	v48 =	vld [tilespmem:$0x350];
	[tilespmem:$0x6E0] =	vst v46;
	v47 =	vsel vm1, $0x1, v4;
	vm1 =	vne.s32 v41, $0x1FF  }
0x27a: {  	v50 =	vld [tilespmem:$0x360];
	[tilespmem:$0x6F0] =	vst v47;
	v49 =	vsel vm1, $0x1, v4;
	vm1 =	vne.s32 v43, $0x1FF  }
0x27b: {  	[tilespmem:$0x700] =	vst v49;
	v51 =	vsel vm1, $0x1, v4;
	vm1 =	vne.s32 v5, $0x1FF;
	v5 =	vld [tilespmem:$0x370]  }
0x27c: {  	[tilespmem:$0x710] =	vst v51;
	v52 =	vsel vm1, $0x1, v4;
	vm1 =	vne.s32 v6, $0x1FF;
	v6 =	vld [tilespmem:$0x380]  }
0x27d: {  	[tilespmem:$0x720] =	vst v52;
	v53 =	vsel vm1, $0x1, v4;
	vm1 =	vne.s32 v7, $0x1FF;
	v7 =	vld [tilespmem:$0x390]  }
0x27e: {  	v55 =	vld [tilespmem:$0x3A0];
	[tilespmem:$0x730] =	vst v53;
	v54 =	vsel vm1, $0x1, v4;
	vm1 =	vne.s32 v48, $0x1FF  }
0x27f: {  	v57 =	vld [tilespmem:$0x3B0];
	[tilespmem:$0x740] =	vst v54;
	v56 =	vsel vm1, $0x1, v4;
	vm1 =	vne.s32 v50, $0x1FF  }
0x280: {  	[tilespmem:$0x750] =	vst v56;
	v58 =	vsel vm1, $0x1, v4;
	vm1 =	vne.s32 v5, $0x1FF;
	v5 =	vld [tilespmem:$0x3C0]  }
0x281: {  	[tilespmem:$0x760] =	vst v58;
	v59 =	vsel vm1, $0x1, v4;
	vm1 =	vne.s32 v6, $0x1FF;
	v6 =	vld [tilespmem:$0x3D0]  }
0x282: {  	[tilespmem:$0x770] =	vst v59;
	v60 =	vsel vm1, $0x1, v4;
	vm1 =	vne.s32 v7, $0x1FF;
	v7 =	vld [tilespmem:$0x3E0]  }
0x283: {  	v62 =	vld [tilespmem:$0x3F0];
	[tilespmem:$0x780] =	vst v60;
	v61 =	vsel vm1, $0x1, v4;
	vm1 =	vne.s32 v55, $0x1FF  }
0x284: {  	[tilespmem:$0x790] =	vst v61;
	v63 =	vsel vm1, $0x1, v4;
	vm1 =	vne.s32 v57, $0x1FF  }
0x285: {  	[tilespmem:$0x7A0] =	vst v63;
	v9 =	vsel vm1, $0x1, v4;
	vm1 =	vne.s32 v5, $0x1FF  }
0x286: {  	[tilespmem:$0x7B0] =	vst v9;
	v5 =	vsel vm1, $0x1, v4;
	vm1 =	vne.s32 v6, $0x1FF  }
0x287: {  	[tilespmem:$0x7C0] =	vst v5;
	v5 =	vsel vm1, $0x1, v4;
	vm1 =	vne.s32 v7, $0x1FF  }
0x288: {  	[tilespmem:$0x7D0] =	vst v5;
	v5 =	vsel vm1, $0x1, v4;
	vm1 =	vne.s32 v62, $0x1FF  }
0x289: {  	s0 =	rddreg [dreg:$0xd];
	[tilespmem:$0x7E0] =	vst v5;
	v5 =	vsel vm1, $0x1, v4  }
0x28a: {  	s2 =	rddreg [dreg:$0x10];
	[tilespmem:$0x7F0] =	vst v5  }
0x28b: {  	[hbm4b:s0+s3] =	stream.linear.scatter [tilespmem:s2], [sflag:$0x1], $0x400, $0x38;
	[tilespmem:$0x18A00] =	vst v63  }
0x28c: {  	_ =	swait.ge [sflag:s14], $0x8000  }
0x28d: {  	[sflag:s14] =	ssyncset.done $0x0  }
0x28e: {  	s18 =	rddreg [dreg:$0xe];
	[sflag:s14] =	ssyncadd.s32 $0xFFFF8000  }
0x28f: {  	[hbm4b:s18+s3] =	stream.linear.scatter [tilespmem:s25], [sflag:$0x2], $0x8000, $0x38;
	[tilespmem:$0x18A00] =	vst v63  }
0x290: {  	_ =	swait.ge [sflag:s16], $0x8000  }
0x291: {  	[sflag:s16] =	ssyncset.done $0x0  }
0x292: {  	[sflag:s16] =	ssyncadd.s32 $0xFFFF8000  }
0x293: {  	_ =	swait.ge [sflag:s16], $0x8000  }
0x294: {  	[sflag:s16] =	ssyncset.done $0x0  }
0x295: {  	[sflag:s16] =	ssyncadd.s32 $0xFFFF8000  }
0x296: {  	p0 =	sne.s32 s5, $0x1;
	_ =	swait.ge [sflag:s16], $0x8000  }
.Ltmp0:
0x297: {  	[sflag:s16] =	ssyncset.done $0x0;
	(pc) =	sbr.rel @p0 .LBB2_1-.Ltmp0, $4  }
0x298: {  	[sflag:s16] =	ssyncadd.s32 $0xFFFF8000  }
0x299: {  	_ =	swait.ge [sflag:s14], $0x400  }
0x29a: {  	[sflag:s14] =	ssyncset.done $0x0  }
0x29b: {  	s5 =	sadd.s32 $0xFFFFFFFF, s5;
	[sflag:s14] =	ssyncadd.s32 $0xFFFFFC00  }
0x29c: {  	_ =	sfence.sel $0x180000  }
0x29d: {  	[bflag:$0x0] =	sbarrier.arrive $0xFFFF  }
0x29e: {  	_ =	strace $0x90000047  }
0x29f: {  	s0 =	stileid.u32;
	[bflag:$0x2] =	sbarrier.arrive $0xFFFF  }
0x2a0: {  	p0 =	sne.s32 s0, $0x0;
	s0 =	rddreg [dreg:$0x3]  }
0x2a1: {  	s0 =	sadd.s32 @!p0 $0x100000, s0  }
0x2a2: {  	[sflag:s0] =	ssyncadd.tile.s32 @!p0 $0x1;
	_ =	shalt  }
.Lfunc_end2:
_tile_overlayer_lowered:
.L_overlay_start_2:
0x2a3: {  	(tag) =	ssettag $0x2  }
0x2a4: {  	s0 =	rddreg [dreg:$0x0];
	s2 =	stileid.u32  }
0x2a5: {  	s1 =	rddreg [dreg:$0x1];
	p0 =	sne.s32 s2, $0x0  }
0x2a6: {  	s3 =	rddreg [dreg:$0x2];
	[bflag:$0x3] =	sbarrier.arrive $0xFFFF;
	s2 =	simm.s32 @!p0 $0x1C03  }
0x2a7: {  	[timem:s3], [sflag:s2] =	dma.local @!p0 [hbm:s0], s1  }
0x2a8: {  	s0 =	simm.s32 @!p0 $0x3  }
0x2a9: {  	_ =	swait.ge @!p0 [sflag:s0], s1  }
0x2aa: {  	s1 =	ssub.s32 @!p0 $0x0, s1;
	[sflag:s0] =	ssyncset.done @!p0 $0x0  }
0x2ab: {  	[sflag:s0] =	ssyncadd.s32 @!p0 s1  }
0x2ac: {  	[bflag:$0x3] =	sbarrier.arrive $0xFFFF  }
0x2ad: {  	_ =	shalt  }

</sc_bundles>
